<compile_context>
chip_gen: v7x
topology: tpu7x:2x2x1
jax: 0.10.2.dev20260603
libtpu: 0.0.44.dev20260713+nightly
codegen_flags: <defaults>
</compile_context>

<pallas_src>
import functools

import jax
import jax.numpy as jnp
from jax import lax
from jax.experimental import pallas as pl
from jax.experimental.pallas import tpu as pltpu
from jax.experimental.pallas import tpu_sc as plsc

_ROWS, _COLS = 16384, 200
_N = _ROWS * _COLS
_NC, _NS = 2, 16
_NW = _NC * _NS
_CB = _COLS // 8
_RB = _ROWS // 128
_RB_W = _RB // _NW

_mesh = plsc.VectorSubcoreMesh(core_axis_name="c", subcore_axis_name="s")


@functools.partial(
    pl.kernel,
    out_type=jax.ShapeDtypeStruct((_COLS, _RB * 4, 128), jnp.float32),
    mesh=_mesh,
    scratch_types=[
        pltpu.VMEM((2, _RB_W, 8, 128), jnp.int32),
        pltpu.VMEM((2, 8, _RB_W * 4, 128), jnp.float32),
        pltpu.VMEM((32,), jnp.float32),
        pltpu.SemaphoreType.DMA,
        pltpu.SemaphoreType.DMA,
        pltpu.SemaphoreType.DMA,
        pltpu.SemaphoreType.DMA,
    ],
    compiler_params=pltpu.CompilerParams(needs_layout_passes=False),
)
def _lookup(idx_hbm, tab_hbm, out_hbm, in_v, out_v, tab_v,
            isem0, isem1, osem0, osem1):
    wid = lax.axis_index("s") * _NC + lax.axis_index("c")
    rb0 = wid * _RB_W
    pltpu.sync_copy(tab_hbm, tab_v)
    isems = (isem0, isem1)
    osems = (osem0, osem1)

    def in_copy(cb, b):
        return pltpu.make_async_copy(
            idx_hbm.at[cb, pl.ds(rb0, _RB_W)], in_v.at[b], isems[b])

    def out_copy(cb, b):
        return pltpu.make_async_copy(
            out_v.at[b],
            out_hbm.at[pl.ds(cb * 8, 8), pl.ds(rb0 * 4, _RB_W * 4)],
            osems[b])

    def compute(b):
        @plsc.parallel_loop(0, 8 * _RB_W, unroll=4)
        def row_body(i):
            cs = i // _RB_W
            rbl = i - cs * _RB_W
            for g in range(8):
                iv = in_v[b, rbl, cs, pl.ds(g * 16, 16)]
                for j in range(4):
                    col = plsc.load_gather(tab_v, [iv + (6 * j)])
                    out_v[b, cs, rbl * 4 + j, pl.ds(g * 16, 16)] = col

    def unit(cb, b, skip_out_wait):
        in_copy(cb, b).wait()

        @pl.when(jnp.logical_not(skip_out_wait))
        def _():
            out_copy(cb, b).wait()

        compute(b)
        out_copy(cb, b).start()

    in_copy(0, 0).start()

    def pair_body(p, carry):
        cb0 = 2 * p
        in_copy(cb0 + 1, 1).start()
        unit(cb0, 0, p == 0)
        in_copy(cb0 + 2, 0).start()
        unit(cb0 + 1, 1, p == 0)
        return carry

    lax.fori_loop(0, (_CB - 1) // 2, pair_body, 0)
    unit(_CB - 1, 0, False)
    out_copy(_CB - 1, 0).wait()
    out_copy(_CB - 2, 1).wait()


def kernel(inputs, embed_weight):
    idx4 = (
        inputs.astype(jnp.int32)
        .reshape(_RB, 128, _CB, 8)
        .transpose(2, 0, 3, 1)
    )
    tab = jnp.zeros((32,), jnp.float32)
    tab = tab.at[:24].set(embed_weight.astype(jnp.float32).T.reshape(-1))
    out3 = _lookup(idx4, tab)
    return (
        out3.reshape(_COLS, _RB, 4, 128)
        .transpose(1, 3, 0, 2)
        .reshape(_ROWS, _COLS, 4)
    )

# --- scband reference (transcript-rebuilt; emitter-appended) ---
"""Pipeline reference for scband-tiny-token-train-model-18519898980367 (READ-ONLY COPY).

The authoritative reference and input builder live on the scoring server;
editing this copy changes nothing except your own understanding.
"""

import jax, jax.numpy as jnp
import numpy as np


def setup_inputs(seed: int = 0) -> dict:
    key = jax.random.key(seed)
    k_idx, k_emb = jax.random.split(key)
    inputs = jax.random.randint(k_idx, (16384, 200), 0, 6, dtype=jnp.int64 if jax.config.jax_enable_x64 else jnp.int32)
    embed_weight = jax.random.normal(k_emb, (6, 4), dtype=jnp.float32)
    return {"inputs": inputs, "embed_weight": embed_weight}


def reference(inputs, embed_weight):
    # _TinyTokenTrainModel.encode: nn.Embedding lookup
    return jnp.take(embed_weight, inputs, axis=0)

if __name__ == "__main__":
    import jax
    _d = setup_inputs()
    print(jax.jit(kernel)(*tuple(_d.values())))

</pallas_src>

<mosaic_0001>
#map = affine_map<(d0, d1) -> (0, 0, 0, 0)>
#map1 = affine_map<(d0, d1) -> (0)>
#map2 = affine_map<(d0, d1) -> (0, 0, 0)>
module attributes {stable_mosaic.version = 14 : i64} {
  func.func @_lookup(%arg0: i32, %arg1: i32, %arg2: memref<25x128x8x128xi32, #tpu.memory_space<hbm>>, %arg3: memref<32xf32, #tpu.memory_space<hbm>>, %arg4: memref<200x512x128xf32, #tpu.memory_space<hbm>>, %arg5: memref<2x4x8x128xi32, #tpu.memory_space<vmem>>, %arg6: memref<2x8x16x128xf32, #tpu.memory_space<vmem>>, %arg7: memref<32xf32, #tpu.memory_space<vmem>>, %arg8: memref<!tpu.dma_semaphore, #tpu.memory_space<semaphore_mem>>, %arg9: memref<!tpu.dma_semaphore, #tpu.memory_space<semaphore_mem>>, %arg10: memref<!tpu.dma_semaphore, #tpu.memory_space<semaphore_mem>>, %arg11: memref<!tpu.dma_semaphore, #tpu.memory_space<semaphore_mem>>) attributes {dimension_semantics = [#tpu.dimension_semantics<core_parallel>, #tpu.dimension_semantics<subcore_parallel>], iteration_bounds = array<i64: 2, 16>, scalar_prefetch = 0 : i64, scratch_operands = 7 : i64, tpu.core_type = #tpu.core_type<sc_vector_subcore>, window_params = [{transform_indices = #map}, {transform_indices = #map1}, {transform_indices = #map2}]} {
    %mul3A = arith.constant 2 : i32
    %mul3A_0 = arith.muli %arg1, %mul3A : i32
    %add3A = arith.addi %mul3A_0, %arg0 : i32
    %mul3A_1 = arith.constant 4 : i32
    %mul3A_2 = arith.muli %add3A, %mul3A_1 : i32
    "tpu.region"() ({
      %run_scoped3A = tpu.sem_alloc : memref<!tpu.dma_semaphore, #tpu.memory_space<semaphore_mem>>
      tpu.enqueue_dma source(%arg3 : memref<32xf32, #tpu.memory_space<hbm>>) target(%arg7 : memref<32xf32, #tpu.memory_space<vmem>>) target_semaphore(%run_scoped3A : memref<!tpu.dma_semaphore, #tpu.memory_space<semaphore_mem>>)
      tpu.wait_dma2 semaphore(%run_scoped3A : memref<!tpu.dma_semaphore, #tpu.memory_space<semaphore_mem>>) src(%arg3 : memref<32xf32, #tpu.memory_space<hbm>>) dst(%arg7 : memref<32xf32, #tpu.memory_space<vmem>>)
      tpu.yield
    }) : () -> ()
    %dma_start3A = arith.constant 0 : i32
    %dma_start3A_3 = arith.constant 0 : i32
    %dma_start3A_4 = arith.constant 0 : i32
    %dma_start3A_5 = arith.constant 0 : i32
    %dma_start3A_6 = arith.constant 0 : i32
    %dma_start3A_7 = tpu.memref_slice %arg5[%dma_start3A_3, %dma_start3A_4, %dma_start3A_5, %dma_start3A_6] : memref<2x4x8x128xi32, #tpu.memory_space<vmem>> -> memref<1x4x8x128xi32, #tpu.memory_space<vmem>>
    %dma_start3A_8 = tpu.memref_squeeze %dma_start3A_7 : memref<1x4x8x128xi32, #tpu.memory_space<vmem>> -> memref<4x8x128xi32, #tpu.memory_space<vmem>>
    %dma_start3A_9 = arith.constant 0 : i32
    %dma_start3A_10 = arith.constant 0 : i32
    %dma_start3A_11 = tpu.memref_slice %arg2[%dma_start3A, %mul3A_2, %dma_start3A_9, %dma_start3A_10] : memref<25x128x8x128xi32, #tpu.memory_space<hbm>> -> memref<1x4x8x128xi32, #tpu.memory_space<hbm>>
    %dma_start3A_12 = tpu.memref_squeeze %dma_start3A_11 : memref<1x4x8x128xi32, #tpu.memory_space<hbm>> -> memref<4x8x128xi32, #tpu.memory_space<hbm>>
    %dma_start3A_13 = arith.constant 0 : i32
    %dma_start3A_14 = arith.constant 0 : i32
    %dma_start3A_15 = arith.constant 0 : i32
    %dma_start3A_16 = tpu.memref_slice %arg5[%dma_start3A_3, %dma_start3A_13, %dma_start3A_14, %dma_start3A_15] : memref<2x4x8x128xi32, #tpu.memory_space<vmem>> -> memref<1x4x8x128xi32, #tpu.memory_space<vmem>>
    %dma_start3A_17 = tpu.memref_squeeze %dma_start3A_16 : memref<1x4x8x128xi32, #tpu.memory_space<vmem>> -> memref<4x8x128xi32, #tpu.memory_space<vmem>>
    %dma_start3A_18 = arith.constant 0 : i32
    %dma_start3A_19 = arith.constant 0 : i32
    %dma_start3A_20 = tpu.memref_slice %arg2[%dma_start3A, %mul3A_2, %dma_start3A_18, %dma_start3A_19] : memref<25x128x8x128xi32, #tpu.memory_space<hbm>> -> memref<1x4x8x128xi32, #tpu.memory_space<hbm>>
    %dma_start3A_21 = tpu.memref_squeeze %dma_start3A_20 : memref<1x4x8x128xi32, #tpu.memory_space<hbm>> -> memref<4x8x128xi32, #tpu.memory_space<hbm>>
    tpu.enqueue_dma source(%dma_start3A_21 : memref<4x8x128xi32, #tpu.memory_space<hbm>>) target(%dma_start3A_17 : memref<4x8x128xi32, #tpu.memory_space<vmem>>) target_semaphore(%arg8 : memref<!tpu.dma_semaphore, #tpu.memory_space<semaphore_mem>>)
    %scan3A = arith.constant 0 : i32
    %scan3A_22 = arith.constant 0 : i32
    %scan3A_23 = arith.constant 12 : i32
    %scan3A_24 = arith.addi %scan3A_22, %scan3A_23 : i32
    %scan3A_25 = arith.constant 1 : i32
    scf.for %scan3A_108 = %scan3A_22 to %scan3A_24 step %scan3A_25  : i32 {
      %mul3A_109 = arith.constant 2 : i32
      %mul3A_110 = arith.muli %mul3A_109, %scan3A_108 : i32
      %add3A_111 = arith.constant 1 : i32
      %add3A_112 = arith.addi %mul3A_110, %add3A_111 : i32
      %dma_start3A_113 = arith.constant 1 : i32
      %dma_start3A_114 = arith.constant 0 : i32
      %dma_start3A_115 = arith.constant 0 : i32
      %dma_start3A_116 = arith.constant 0 : i32
      %dma_start3A_117 = tpu.memref_slice %arg5[%dma_start3A_113, %dma_start3A_114, %dma_start3A_115, %dma_start3A_116] : memref<2x4x8x128xi32, #tpu.memory_space<vmem>> -> memref<1x4x8x128xi32, #tpu.memory_space<vmem>>
      %dma_start3A_118 = tpu.memref_squeeze %dma_start3A_117 : memref<1x4x8x128xi32, #tpu.memory_space<vmem>> -> memref<4x8x128xi32, #tpu.memory_space<vmem>>
      %dma_start3A_119 = arith.constant 0 : i32
      %dma_start3A_120 = arith.constant 0 : i32
      %dma_start3A_121 = tpu.memref_slice %arg2[%add3A_112, %mul3A_2, %dma_start3A_119, %dma_start3A_120] : memref<25x128x8x128xi32, #tpu.memory_space<hbm>> -> memref<1x4x8x128xi32, #tpu.memory_space<hbm>>
      %dma_start3A_122 = tpu.memref_squeeze %dma_start3A_121 : memref<1x4x8x128xi32, #tpu.memory_space<hbm>> -> memref<4x8x128xi32, #tpu.memory_space<hbm>>
      %dma_start3A_123 = arith.constant 0 : i32
      %dma_start3A_124 = arith.constant 0 : i32
      %dma_start3A_125 = arith.constant 0 : i32
      %dma_start3A_126 = tpu.memref_slice %arg5[%dma_start3A_113, %dma_start3A_123, %dma_start3A_124, %dma_start3A_125] : memref<2x4x8x128xi32, #tpu.memory_space<vmem>> -> memref<1x4x8x128xi32, #tpu.memory_space<vmem>>
      %dma_start3A_127 = tpu.memref_squeeze %dma_start3A_126 : memref<1x4x8x128xi32, #tpu.memory_space<vmem>> -> memref<4x8x128xi32, #tpu.memory_space<vmem>>
      %dma_start3A_128 = arith.constant 0 : i32
      %dma_start3A_129 = arith.constant 0 : i32
      %dma_start3A_130 = tpu.memref_slice %arg2[%add3A_112, %mul3A_2, %dma_start3A_128, %dma_start3A_129] : memref<25x128x8x128xi32, #tpu.memory_space<hbm>> -> memref<1x4x8x128xi32, #tpu.memory_space<hbm>>
      %dma_start3A_131 = tpu.memref_squeeze %dma_start3A_130 : memref<1x4x8x128xi32, #tpu.memory_space<hbm>> -> memref<4x8x128xi32, #tpu.memory_space<hbm>>
      tpu.enqueue_dma source(%dma_start3A_131 : memref<4x8x128xi32, #tpu.memory_space<hbm>>) target(%dma_start3A_127 : memref<4x8x128xi32, #tpu.memory_space<vmem>>) target_semaphore(%arg9 : memref<!tpu.dma_semaphore, #tpu.memory_space<semaphore_mem>>)
      %eq3A = arith.constant 0 : i32
      %eq3A_132 = arith.cmpi eq, %scan3A_108, %eq3A : i32
      %dma_wait3A_133 = arith.constant 0 : i32
      %dma_wait3A_134 = arith.constant 0 : i32
      %dma_wait3A_135 = arith.constant 0 : i32
      %dma_wait3A_136 = arith.constant 0 : i32
      %dma_wait3A_137 = tpu.memref_slice %arg5[%dma_wait3A_133, %dma_wait3A_134, %dma_wait3A_135, %dma_wait3A_136] : memref<2x4x8x128xi32, #tpu.memory_space<vmem>> -> memref<1x4x8x128xi32, #tpu.memory_space<vmem>>
      %dma_wait3A_138 = tpu.memref_squeeze %dma_wait3A_137 : memref<1x4x8x128xi32, #tpu.memory_space<vmem>> -> memref<4x8x128xi32, #tpu.memory_space<vmem>>
      %dma_wait3A_139 = arith.constant 0 : i32
      %dma_wait3A_140 = arith.constant 0 : i32
      %dma_wait3A_141 = tpu.memref_slice %arg2[%mul3A_110, %mul3A_2, %dma_wait3A_139, %dma_wait3A_140] : memref<25x128x8x128xi32, #tpu.memory_space<hbm>> -> memref<1x4x8x128xi32, #tpu.memory_space<hbm>>
      %dma_wait3A_142 = tpu.memref_squeeze %dma_wait3A_141 : memref<1x4x8x128xi32, #tpu.memory_space<hbm>> -> memref<4x8x128xi32, #tpu.memory_space<hbm>>
      %dma_wait3A_143 = arith.constant 0 : i32
      %dma_wait3A_144 = arith.constant 0 : i32
      %dma_wait3A_145 = arith.constant 0 : i32
      %dma_wait3A_146 = tpu.memref_slice %arg5[%dma_wait3A_133, %dma_wait3A_143, %dma_wait3A_144, %dma_wait3A_145] : memref<2x4x8x128xi32, #tpu.memory_space<vmem>> -> memref<1x4x8x128xi32, #tpu.memory_space<vmem>>
      %dma_wait3A_147 = tpu.memref_squeeze %dma_wait3A_146 : memref<1x4x8x128xi32, #tpu.memory_space<vmem>> -> memref<4x8x128xi32, #tpu.memory_space<vmem>>
      %dma_wait3A_148 = arith.constant 0 : i32
      %dma_wait3A_149 = arith.constant 0 : i32
      %dma_wait3A_150 = tpu.memref_slice %arg2[%mul3A_110, %mul3A_2, %dma_wait3A_148, %dma_wait3A_149] : memref<25x128x8x128xi32, #tpu.memory_space<hbm>> -> memref<1x4x8x128xi32, #tpu.memory_space<hbm>>
      %dma_wait3A_151 = tpu.memref_squeeze %dma_wait3A_150 : memref<1x4x8x128xi32, #tpu.memory_space<hbm>> -> memref<4x8x128xi32, #tpu.memory_space<hbm>>
      tpu.wait_dma2 semaphore(%arg8 : memref<!tpu.dma_semaphore, #tpu.memory_space<semaphore_mem>>) src(%dma_wait3A_151 : memref<4x8x128xi32, #tpu.memory_space<hbm>>) dst(%dma_wait3A_147 : memref<4x8x128xi32, #tpu.memory_space<vmem>>)
      %not3A_152 = arith.constant true
      %not3A_153 = arith.xori %eq3A_132, %not3A_152 : i1
      %convert_element_type3A_154 = arith.extui %not3A_153 : i1 to i32
      %cond3A_155 = arith.constant 0 : i32
      %cond3A_156 = arith.cmpi ne, %convert_element_type3A_154, %cond3A_155 : i32
      scf.if %cond3A_156 {
        %mul3A_250 = arith.constant 8 : i32
        %mul3A_251 = arith.muli %mul3A_110, %mul3A_250 : i32
        %mul3A_252 = arith.constant 4 : i32
        %mul3A_253 = arith.muli %mul3A_2, %mul3A_252 : i32
        %dma_wait3A_254 = arith.constant 0 : i32
        %dma_wait3A_255 = arith.constant 0 : i32
        %dma_wait3A_256 = arith.constant 0 : i32
        %dma_wait3A_257 = arith.constant 0 : i32
        %dma_wait3A_258 = tpu.memref_slice %arg6[%dma_wait3A_254, %dma_wait3A_255, %dma_wait3A_256, %dma_wait3A_257] : memref<2x8x16x128xf32, #tpu.memory_space<vmem>> -> memref<1x8x16x128xf32, #tpu.memory_space<vmem>>
        %dma_wait3A_259 = tpu.memref_squeeze %dma_wait3A_258 : memref<1x8x16x128xf32, #tpu.memory_space<vmem>> -> memref<8x16x128xf32, #tpu.memory_space<vmem>>
        %dma_wait3A_260 = arith.constant 0 : i32
        %dma_wait3A_261 = tpu.memref_slice %arg4[%mul3A_251, %mul3A_253, %dma_wait3A_260] : memref<200x512x128xf32, #tpu.memory_space<hbm>> -> memref<8x16x128xf32, #tpu.memory_space<hbm>>
        %dma_wait3A_262 = arith.constant 0 : i32
        %dma_wait3A_263 = tpu.memref_slice %arg4[%mul3A_251, %mul3A_253, %dma_wait3A_262] : memref<200x512x128xf32, #tpu.memory_space<hbm>> -> memref<8x16x128xf32, #tpu.memory_space<hbm>>
        %dma_wait3A_264 = arith.constant 0 : i32
        %dma_wait3A_265 = arith.constant 0 : i32
        %dma_wait3A_266 = arith.constant 0 : i32
        %dma_wait3A_267 = tpu.memref_slice %arg6[%dma_wait3A_254, %dma_wait3A_264, %dma_wait3A_265, %dma_wait3A_266] : memref<2x8x16x128xf32, #tpu.memory_space<vmem>> -> memref<1x8x16x128xf32, #tpu.memory_space<vmem>>
        %dma_wait3A_268 = tpu.memref_squeeze %dma_wait3A_267 : memref<1x8x16x128xf32, #tpu.memory_space<vmem>> -> memref<8x16x128xf32, #tpu.memory_space<vmem>>
        tpu.wait_dma2 semaphore(%arg10 : memref<!tpu.dma_semaphore, #tpu.memory_space<semaphore_mem>>) src(%dma_wait3A_268 : memref<8x16x128xf32, #tpu.memory_space<vmem>>) dst(%dma_wait3A_263 : memref<8x16x128xf32, #tpu.memory_space<hbm>>)
      } else {
      }
      %parallel_loop3A_157 = arith.constant 0 : i32
      %parallel_loop3A_158 = arith.constant 32 : i32
      %parallel_loop3A_159 = arith.constant 1 : i32
      scf.for %parallel_loop3A_250 = %parallel_loop3A_157 to %parallel_loop3A_158 step %parallel_loop3A_159  : i32 {
        %parallel_loop3A_251 = arith.constant 4 : i32
        %parallel_loop3A_252 = arith.divsi %parallel_loop3A_250, %parallel_loop3A_251 : i32
        %parallel_loop3A_253 = arith.constant 0 : i32
        %parallel_loop3A_254 = arith.cmpi sgt, %parallel_loop3A_250, %parallel_loop3A_253 : i32
        %parallel_loop3A_255 = arith.extui %parallel_loop3A_254 : i1 to i32
        %parallel_loop3A_256 = arith.constant 0 : i32
        %parallel_loop3A_257 = arith.cmpi slt, %parallel_loop3A_250, %parallel_loop3A_256 : i32
        %parallel_loop3A_258 = arith.extui %parallel_loop3A_257 : i1 to i32
        %parallel_loop3A_259 = arith.subi %parallel_loop3A_255, %parallel_loop3A_258 : i32
        %parallel_loop3A_260 = arith.constant 0 : i32
        %parallel_loop3A_261 = arith.cmpi sgt, %parallel_loop3A_251, %parallel_loop3A_260 : i32
        %parallel_loop3A_262 = arith.extui %parallel_loop3A_261 : i1 to i32
        %parallel_loop3A_263 = arith.constant 0 : i32
        %parallel_loop3A_264 = arith.cmpi slt, %parallel_loop3A_251, %parallel_loop3A_263 : i32
        %parallel_loop3A_265 = arith.extui %parallel_loop3A_264 : i1 to i32
        %parallel_loop3A_266 = arith.subi %parallel_loop3A_262, %parallel_loop3A_265 : i32
        %parallel_loop3A_267 = arith.cmpi ne, %parallel_loop3A_259, %parallel_loop3A_266 : i32
        %parallel_loop3A_268 = arith.remsi %parallel_loop3A_250, %parallel_loop3A_251 : i32
        %parallel_loop3A_269 = arith.constant 0 : i32
        %parallel_loop3A_270 = arith.cmpi ne, %parallel_loop3A_268, %parallel_loop3A_269 : i32
        %parallel_loop3A_271 = arith.andi %parallel_loop3A_267, %parallel_loop3A_270 : i1
        %parallel_loop3A_272 = arith.constant 1 : i32
        %parallel_loop3A_273 = arith.subi %parallel_loop3A_252, %parallel_loop3A_272 : i32
        %parallel_loop3A_274 = arith.select %parallel_loop3A_271, %parallel_loop3A_273, %parallel_loop3A_252 : i32
        %parallel_loop3A_275 = arith.constant 4 : i32
        %parallel_loop3A_276 = arith.muli %parallel_loop3A_274, %parallel_loop3A_275 : i32
        %parallel_loop3A_277 = arith.subi %parallel_loop3A_250, %parallel_loop3A_276 : i32
        %parallel_loop3A_278 = arith.constant 0 : i32
        %parallel_loop3A_279 = arith.index_cast %parallel_loop3A_278 : i32 to index
        %parallel_loop3A_280 = arith.index_cast %parallel_loop3A_277 : i32 to index
        %parallel_loop3A_281 = arith.index_cast %parallel_loop3A_274 : i32 to index
        %parallel_loop3A_282 = arith.constant 0 : index
        %parallel_loop3A_283 = tpu.vector_load %arg5[%parallel_loop3A_279, %parallel_loop3A_280, %parallel_loop3A_281, %parallel_loop3A_282] {strides = array<i32>} : memref<2x4x8x128xi32, #tpu.memory_space<vmem>>, vector<16xi32>,
        %parallel_loop3A_284 = arith.constant 0 : i32
        %parallel_loop3A_285 = vector.broadcast %parallel_loop3A_284 : i32 to vector<16xi32>
        %parallel_loop3A_286 = arith.addi %parallel_loop3A_283, %parallel_loop3A_285 : vector<16xi32>
        %parallel_loop3A_287 = tpu.vector_load_idx %arg7[%parallel_loop3A_286] : memref<32xf32, #tpu.memory_space<vmem>>[vector<16xi32>], vector<16xf32>,
        %parallel_loop3A_288 = arith.constant 4 : i32
        %parallel_loop3A_289 = arith.muli %parallel_loop3A_277, %parallel_loop3A_288 : i32
        %parallel_loop3A_290 = arith.constant 0 : i32
        %parallel_loop3A_291 = arith.addi %parallel_loop3A_289, %parallel_loop3A_290 : i32
        %parallel_loop3A_292 = arith.constant 0 : i32
        %parallel_loop3A_293 = arith.index_cast %parallel_loop3A_292 : i32 to index
        %parallel_loop3A_294 = arith.index_cast %parallel_loop3A_274 : i32 to index
        %parallel_loop3A_295 = arith.index_cast %parallel_loop3A_291 : i32 to index
        %parallel_loop3A_296 = arith.constant 0 : index
        %parallel_loop3A_297 = tpu.vector_load %arg6[%parallel_loop3A_293, %parallel_loop3A_294, %parallel_loop3A_295, %parallel_loop3A_296] {strides = array<i32>} : memref<2x8x16x128xf32, #tpu.memory_space<vmem>>, vector<16xf32>,
        tpu.vector_store %arg6[%parallel_loop3A_293, %parallel_loop3A_294, %parallel_loop3A_295, %parallel_loop3A_296], %parallel_loop3A_287 {strides = array<i32>} : memref<2x8x16x128xf32, #tpu.memory_space<vmem>>, vector<16xf32>,
        %parallel_loop3A_298 = arith.constant 6 : i32
        %parallel_loop3A_299 = vector.broadcast %parallel_loop3A_298 : i32 to vector<16xi32>
        %parallel_loop3A_300 = arith.addi %parallel_loop3A_283, %parallel_loop3A_299 : vector<16xi32>
        %parallel_loop3A_301 = tpu.vector_load_idx %arg7[%parallel_loop3A_300] : memref<32xf32, #tpu.memory_space<vmem>>[vector<16xi32>], vector<16xf32>,
        %parallel_loop3A_302 = arith.constant 4 : i32
        %parallel_loop3A_303 = arith.muli %parallel_loop3A_277, %parallel_loop3A_302 : i32
        %parallel_loop3A_304 = arith.constant 1 : i32
        %parallel_loop3A_305 = arith.addi %parallel_loop3A_303, %parallel_loop3A_304 : i32
        %parallel_loop3A_306 = arith.constant 0 : i32
        %parallel_loop3A_307 = arith.index_cast %parallel_loop3A_306 : i32 to index
        %parallel_loop3A_308 = arith.index_cast %parallel_loop3A_274 : i32 to index
        %parallel_loop3A_309 = arith.index_cast %parallel_loop3A_305 : i32 to index
        %parallel_loop3A_310 = arith.constant 0 : index
        %parallel_loop3A_311 = tpu.vector_load %arg6[%parallel_loop3A_307, %parallel_loop3A_308, %parallel_loop3A_309, %parallel_loop3A_310] {strides = array<i32>} : memref<2x8x16x128xf32, #tpu.memory_space<vmem>>, vector<16xf32>,
        tpu.vector_store %arg6[%parallel_loop3A_307, %parallel_loop3A_308, %parallel_loop3A_309, %parallel_loop3A_310], %parallel_loop3A_301 {strides = array<i32>} : memref<2x8x16x128xf32, #tpu.memory_space<vmem>>, vector<16xf32>,
        %parallel_loop3A_312 = arith.constant 12 : i32
        %parallel_loop3A_313 = vector.broadcast %parallel_loop3A_312 : i32 to vector<16xi32>
        %parallel_loop3A_314 = arith.addi %parallel_loop3A_283, %parallel_loop3A_313 : vector<16xi32>
        %parallel_loop3A_315 = tpu.vector_load_idx %arg7[%parallel_loop3A_314] : memref<32xf32, #tpu.memory_space<vmem>>[vector<16xi32>], vector<16xf32>,
        %parallel_loop3A_316 = arith.constant 4 : i32
        %parallel_loop3A_317 = arith.muli %parallel_loop3A_277, %parallel_loop3A_316 : i32
        %parallel_loop3A_318 = arith.constant 2 : i32
        %parallel_loop3A_319 = arith.addi %parallel_loop3A_317, %parallel_loop3A_318 : i32
        %parallel_loop3A_320 = arith.constant 0 : i32
        %parallel_loop3A_321 = arith.index_cast %parallel_loop3A_320 : i32 to index
        %parallel_loop3A_322 = arith.index_cast %parallel_loop3A_274 : i32 to index
        %parallel_loop3A_323 = arith.index_cast %parallel_loop3A_319 : i32 to index
        %parallel_loop3A_324 = arith.constant 0 : index
        %parallel_loop3A_325 = tpu.vector_load %arg6[%parallel_loop3A_321, %parallel_loop3A_322, %parallel_loop3A_323, %parallel_loop3A_324] {strides = array<i32>} : memref<2x8x16x128xf32, #tpu.memory_space<vmem>>, vector<16xf32>,
        tpu.vector_store %arg6[%parallel_loop3A_321, %parallel_loop3A_322, %parallel_loop3A_323, %parallel_loop3A_324], %parallel_loop3A_315 {strides = array<i32>} : memref<2x8x16x128xf32, #tpu.memory_space<vmem>>, vector<16xf32>,
        %parallel_loop3A_326 = arith.constant 18 : i32
        %parallel_loop3A_327 = vector.broadcast %parallel_loop3A_326 : i32 to vector<16xi32>
        %parallel_loop3A_328 = arith.addi %parallel_loop3A_283, %parallel_loop3A_327 : vector<16xi32>
        %parallel_loop3A_329 = tpu.vector_load_idx %arg7[%parallel_loop3A_328] : memref<32xf32, #tpu.memory_space<vmem>>[vector<16xi32>], vector<16xf32>,
        %parallel_loop3A_330 = arith.constant 4 : i32
        %parallel_loop3A_331 = arith.muli %parallel_loop3A_277, %parallel_loop3A_330 : i32
        %parallel_loop3A_332 = arith.constant 3 : i32
        %parallel_loop3A_333 = arith.addi %parallel_loop3A_331, %parallel_loop3A_332 : i32
        %parallel_loop3A_334 = arith.constant 0 : i32
        %parallel_loop3A_335 = arith.index_cast %parallel_loop3A_334 : i32 to index
        %parallel_loop3A_336 = arith.index_cast %parallel_loop3A_274 : i32 to index
        %parallel_loop3A_337 = arith.index_cast %parallel_loop3A_333 : i32 to index
        %parallel_loop3A_338 = arith.constant 0 : index
        %parallel_loop3A_339 = tpu.vector_load %arg6[%parallel_loop3A_335, %parallel_loop3A_336, %parallel_loop3A_337, %parallel_loop3A_338] {strides = array<i32>} : memref<2x8x16x128xf32, #tpu.memory_space<vmem>>, vector<16xf32>,
        tpu.vector_store %arg6[%parallel_loop3A_335, %parallel_loop3A_336, %parallel_loop3A_337, %parallel_loop3A_338], %parallel_loop3A_329 {strides = array<i32>} : memref<2x8x16x128xf32, #tpu.memory_space<vmem>>, vector<16xf32>,
        %parallel_loop3A_340 = arith.constant 0 : i32
        %parallel_loop3A_341 = arith.index_cast %parallel_loop3A_340 : i32 to index
        %parallel_loop3A_342 = arith.index_cast %parallel_loop3A_277 : i32 to index
        %parallel_loop3A_343 = arith.index_cast %parallel_loop3A_274 : i32 to index
        %parallel_loop3A_344 = arith.constant 16 : index
        %parallel_loop3A_345 = tpu.vector_load %arg5[%parallel_loop3A_341, %parallel_loop3A_342, %parallel_loop3A_343, %parallel_loop3A_344] {strides = array<i32>} : memref<2x4x8x128xi32, #tpu.memory_space<vmem>>, vector<16xi32>,
        %parallel_loop3A_346 = arith.constant 0 : i32
        %parallel_loop3A_347 = vector.broadcast %parallel_loop3A_346 : i32 to vector<16xi32>
        %parallel_loop3A_348 = arith.addi %parallel_loop3A_345, %parallel_loop3A_347 : vector<16xi32>
        %parallel_loop3A_349 = tpu.vector_load_idx %arg7[%parallel_loop3A_348] : memref<32xf32, #tpu.memory_space<vmem>>[vector<16xi32>], vector<16xf32>,
        %parallel_loop3A_350 = arith.constant 4 : i32
        %parallel_loop3A_351 = arith.muli %parallel_loop3A_277, %parallel_loop3A_350 : i32
        %parallel_loop3A_352 = arith.constant 0 : i32
        %parallel_loop3A_353 = arith.addi %parallel_loop3A_351, %parallel_loop3A_352 : i32
        %parallel_loop3A_354 = arith.constant 0 : i32
        %parallel_loop3A_355 = arith.index_cast %parallel_loop3A_354 : i32 to index
        %parallel_loop3A_356 = arith.index_cast %parallel_loop3A_274 : i32 to index
        %parallel_loop3A_357 = arith.index_cast %parallel_loop3A_353 : i32 to index
        %parallel_loop3A_358 = arith.constant 16 : index
        %parallel_loop3A_359 = tpu.vector_load %arg6[%parallel_loop3A_355, %parallel_loop3A_356, %parallel_loop3A_357, %parallel_loop3A_358] {strides = array<i32>} : memref<2x8x16x128xf32, #tpu.memory_space<vmem>>, vector<16xf32>,
        tpu.vector_store %arg6[%parallel_loop3A_355, %parallel_loop3A_356, %parallel_loop3A_357, %parallel_loop3A_358], %parallel_loop3A_349 {strides = array<i32>} : memref<2x8x16x128xf32, #tpu.memory_space<vmem>>, vector<16xf32>,
        %parallel_loop3A_360 = arith.constant 6 : i32
        %parallel_loop3A_361 = vector.broadcast %parallel_loop3A_360 : i32 to vector<16xi32>
        %parallel_loop3A_362 = arith.addi %parallel_loop3A_345, %parallel_loop3A_361 : vector<16xi32>
        %parallel_loop3A_363 = tpu.vector_load_idx %arg7[%parallel_loop3A_362] : memref<32xf32, #tpu.memory_space<vmem>>[vector<16xi32>], vector<16xf32>,
        %parallel_loop3A_364 = arith.constant 4 : i32
        %parallel_loop3A_365 = arith.muli %parallel_loop3A_277, %parallel_loop3A_364 : i32
        %parallel_loop3A_366 = arith.constant 1 : i32
        %parallel_loop3A_367 = arith.addi %parallel_loop3A_365, %parallel_loop3A_366 : i32
        %parallel_loop3A_368 = arith.constant 0 : i32
        %parallel_loop3A_369 = arith.index_cast %parallel_loop3A_368 : i32 to index
        %parallel_loop3A_370 = arith.index_cast %parallel_loop3A_274 : i32 to index
        %parallel_loop3A_371 = arith.index_cast %parallel_loop3A_367 : i32 to index
        %parallel_loop3A_372 = arith.constant 16 : index
        %parallel_loop3A_373 = tpu.vector_load %arg6[%parallel_loop3A_369, %parallel_loop3A_370, %parallel_loop3A_371, %parallel_loop3A_372] {strides = array<i32>} : memref<2x8x16x128xf32, #tpu.memory_space<vmem>>, vector<16xf32>,
        tpu.vector_store %arg6[%parallel_loop3A_369, %parallel_loop3A_370, %parallel_loop3A_371, %parallel_loop3A_372], %parallel_loop3A_363 {strides = array<i32>} : memref<2x8x16x128xf32, #tpu.memory_space<vmem>>, vector<16xf32>,
        %parallel_loop3A_374 = arith.constant 12 : i32
        %parallel_loop3A_375 = vector.broadcast %parallel_loop3A_374 : i32 to vector<16xi32>
        %parallel_loop3A_376 = arith.addi %parallel_loop3A_345, %parallel_loop3A_375 : vector<16xi32>
        %parallel_loop3A_377 = tpu.vector_load_idx %arg7[%parallel_loop3A_376] : memref<32xf32, #tpu.memory_space<vmem>>[vector<16xi32>], vector<16xf32>,
        %parallel_loop3A_378 = arith.constant 4 : i32
        %parallel_loop3A_379 = arith.muli %parallel_loop3A_277, %parallel_loop3A_378 : i32
        %parallel_loop3A_380 = arith.constant 2 : i32
        %parallel_loop3A_381 = arith.addi %parallel_loop3A_379, %parallel_loop3A_380 : i32
        %parallel_loop3A_382 = arith.constant 0 : i32
        %parallel_loop3A_383 = arith.index_cast %parallel_loop3A_382 : i32 to index
        %parallel_loop3A_384 = arith.index_cast %parallel_loop3A_274 : i32 to index
        %parallel_loop3A_385 = arith.index_cast %parallel_loop3A_381 : i32 to index
        %parallel_loop3A_386 = arith.constant 16 : index
        %parallel_loop3A_387 = tpu.vector_load %arg6[%parallel_loop3A_383, %parallel_loop3A_384, %parallel_loop3A_385, %parallel_loop3A_386] {strides = array<i32>} : memref<2x8x16x128xf32, #tpu.memory_space<vmem>>, vector<16xf32>,
        tpu.vector_store %arg6[%parallel_loop3A_383, %parallel_loop3A_384, %parallel_loop3A_385, %parallel_loop3A_386], %parallel_loop3A_377 {strides = array<i32>} : memref<2x8x16x128xf32, #tpu.memory_space<vmem>>, vector<16xf32>,
        %parallel_loop3A_388 = arith.constant 18 : i32
        %parallel_loop3A_389 = vector.broadcast %parallel_loop3A_388 : i32 to vector<16xi32>
        %parallel_loop3A_390 = arith.addi %parallel_loop3A_345, %parallel_loop3A_389 : vector<16xi32>
        %parallel_loop3A_391 = tpu.vector_load_idx %arg7[%parallel_loop3A_390] : memref<32xf32, #tpu.memory_space<vmem>>[vector<16xi32>], vector<16xf32>,
        %parallel_loop3A_392 = arith.constant 4 : i32
        %parallel_loop3A_393 = arith.muli %parallel_loop3A_277, %parallel_loop3A_392 : i32
        %parallel_loop3A_394 = arith.constant 3 : i32
        %parallel_loop3A_395 = arith.addi %parallel_loop3A_393, %parallel_loop3A_394 : i32
        %parallel_loop3A_396 = arith.constant 0 : i32
        %parallel_loop3A_397 = arith.index_cast %parallel_loop3A_396 : i32 to index
        %parallel_loop3A_398 = arith.index_cast %parallel_loop3A_274 : i32 to index
        %parallel_loop3A_399 = arith.index_cast %parallel_loop3A_395 : i32 to index
        %parallel_loop3A_400 = arith.constant 16 : index
        %parallel_loop3A_401 = tpu.vector_load %arg6[%parallel_loop3A_397, %parallel_loop3A_398, %parallel_loop3A_399, %parallel_loop3A_400] {strides = array<i32>} : memref<2x8x16x128xf32, #tpu.memory_space<vmem>>, vector<16xf32>,
        tpu.vector_store %arg6[%parallel_loop3A_397, %parallel_loop3A_398, %parallel_loop3A_399, %parallel_loop3A_400], %parallel_loop3A_391 {strides = array<i32>} : memref<2x8x16x128xf32, #tpu.memory_space<vmem>>, vector<16xf32>,
        %parallel_loop3A_402 = arith.constant 0 : i32
        %parallel_loop3A_403 = arith.index_cast %parallel_loop3A_402 : i32 to index
        %parallel_loop3A_404 = arith.index_cast %parallel_loop3A_277 : i32 to index
        %parallel_loop3A_405 = arith.index_cast %parallel_loop3A_274 : i32 to index
        %parallel_loop3A_406 = arith.constant 32 : index
        %parallel_loop3A_407 = tpu.vector_load %arg5[%parallel_loop3A_403, %parallel_loop3A_404, %parallel_loop3A_405, %parallel_loop3A_406] {strides = array<i32>} : memref<2x4x8x128xi32, #tpu.memory_space<vmem>>, vector<16xi32>,
        %parallel_loop3A_408 = arith.constant 0 : i32
        %parallel_loop3A_409 = vector.broadcast %parallel_loop3A_408 : i32 to vector<16xi32>
        %parallel_loop3A_410 = arith.addi %parallel_loop3A_407, %parallel_loop3A_409 : vector<16xi32>
        %parallel_loop3A_411 = tpu.vector_load_idx %arg7[%parallel_loop3A_410] : memref<32xf32, #tpu.memory_space<vmem>>[vector<16xi32>], vector<16xf32>,
        %parallel_loop3A_412 = arith.constant 4 : i32
        %parallel_loop3A_413 = arith.muli %parallel_loop3A_277, %parallel_loop3A_412 : i32
        %parallel_loop3A_414 = arith.constant 0 : i32
        %parallel_loop3A_415 = arith.addi %parallel_loop3A_413, %parallel_loop3A_414 : i32
        %parallel_loop3A_416 = arith.constant 0 : i32
        %parallel_loop3A_417 = arith.index_cast %parallel_loop3A_416 : i32 to index
        %parallel_loop3A_418 = arith.index_cast %parallel_loop3A_274 : i32 to index
        %parallel_loop3A_419 = arith.index_cast %parallel_loop3A_415 : i32 to index
        %parallel_loop3A_420 = arith.constant 32 : index
        %parallel_loop3A_421 = tpu.vector_load %arg6[%parallel_loop3A_417, %parallel_loop3A_418, %parallel_loop3A_419, %parallel_loop3A_420] {strides = array<i32>} : memref<2x8x16x128xf32, #tpu.memory_space<vmem>>, vector<16xf32>,
        tpu.vector_store %arg6[%parallel_loop3A_417, %parallel_loop3A_418, %parallel_loop3A_419, %parallel_loop3A_420], %parallel_loop3A_411 {strides = array<i32>} : memref<2x8x16x128xf32, #tpu.memory_space<vmem>>, vector<16xf32>,
        %parallel_loop3A_422 = arith.constant 6 : i32
        %parallel_loop3A_423 = vector.broadcast %parallel_loop3A_422 : i32 to vector<16xi32>
        %parallel_loop3A_424 = arith.addi %parallel_loop3A_407, %parallel_loop3A_423 : vector<16xi32>
        %parallel_loop3A_425 = tpu.vector_load_idx %arg7[%parallel_loop3A_424] : memref<32xf32, #tpu.memory_space<vmem>>[vector<16xi32>], vector<16xf32>,
        %parallel_loop3A_426 = arith.constant 4 : i32
        %parallel_loop3A_427 = arith.muli %parallel_loop3A_277, %parallel_loop3A_426 : i32
        %parallel_loop3A_428 = arith.constant 1 : i32
        %parallel_loop3A_429 = arith.addi %parallel_loop3A_427, %parallel_loop3A_428 : i32
        %parallel_loop3A_430 = arith.constant 0 : i32
        %parallel_loop3A_431 = arith.index_cast %parallel_loop3A_430 : i32 to index
        %parallel_loop3A_432 = arith.index_cast %parallel_loop3A_274 : i32 to index
        %parallel_loop3A_433 = arith.index_cast %parallel_loop3A_429 : i32 to index
        %parallel_loop3A_434 = arith.constant 32 : index
        %parallel_loop3A_435 = tpu.vector_load %arg6[%parallel_loop3A_431, %parallel_loop3A_432, %parallel_loop3A_433, %parallel_loop3A_434] {strides = array<i32>} : memref<2x8x16x128xf32, #tpu.memory_space<vmem>>, vector<16xf32>,
        tpu.vector_store %arg6[%parallel_loop3A_431, %parallel_loop3A_432, %parallel_loop3A_433, %parallel_loop3A_434], %parallel_loop3A_425 {strides = array<i32>} : memref<2x8x16x128xf32, #tpu.memory_space<vmem>>, vector<16xf32>,
        %parallel_loop3A_436 = arith.constant 12 : i32
        %parallel_loop3A_437 = vector.broadcast %parallel_loop3A_436 : i32 to vector<16xi32>
        %parallel_loop3A_438 = arith.addi %parallel_loop3A_407, %parallel_loop3A_437 : vector<16xi32>
        %parallel_loop3A_439 = tpu.vector_load_idx %arg7[%parallel_loop3A_438] : memref<32xf32, #tpu.memory_space<vmem>>[vector<16xi32>], vector<16xf32>,
        %parallel_loop3A_440 = arith.constant 4 : i32
        %parallel_loop3A_441 = arith.muli %parallel_loop3A_277, %parallel_loop3A_440 : i32
        %parallel_loop3A_442 = arith.constant 2 : i32
        %parallel_loop3A_443 = arith.addi %parallel_loop3A_441, %parallel_loop3A_442 : i32
        %parallel_loop3A_444 = arith.constant 0 : i32
        %parallel_loop3A_445 = arith.index_cast %parallel_loop3A_444 : i32 to index
        %parallel_loop3A_446 = arith.index_cast %parallel_loop3A_274 : i32 to index
        %parallel_loop3A_447 = arith.index_cast %parallel_loop3A_443 : i32 to index
        %parallel_loop3A_448 = arith.constant 32 : index
        %parallel_loop3A_449 = tpu.vector_load %arg6[%parallel_loop3A_445, %parallel_loop3A_446, %parallel_loop3A_447, %parallel_loop3A_448] {strides = array<i32>} : memref<2x8x16x128xf32, #tpu.memory_space<vmem>>, vector<16xf32>,
        tpu.vector_store %arg6[%parallel_loop3A_445, %parallel_loop3A_446, %parallel_loop3A_447, %parallel_loop3A_448], %parallel_loop3A_439 {strides = array<i32>} : memref<2x8x16x128xf32, #tpu.memory_space<vmem>>, vector<16xf32>,
        %parallel_loop3A_450 = arith.constant 18 : i32
        %parallel_loop3A_451 = vector.broadcast %parallel_loop3A_450 : i32 to vector<16xi32>
        %parallel_loop3A_452 = arith.addi %parallel_loop3A_407, %parallel_loop3A_451 : vector<16xi32>
        %parallel_loop3A_453 = tpu.vector_load_idx %arg7[%parallel_loop3A_452] : memref<32xf32, #tpu.memory_space<vmem>>[vector<16xi32>], vector<16xf32>,
        %parallel_loop3A_454 = arith.constant 4 : i32
        %parallel_loop3A_455 = arith.muli %parallel_loop3A_277, %parallel_loop3A_454 : i32
        %parallel_loop3A_456 = arith.constant 3 : i32
        %parallel_loop3A_457 = arith.addi %parallel_loop3A_455, %parallel_loop3A_456 : i32
        %parallel_loop3A_458 = arith.constant 0 : i32
        %parallel_loop3A_459 = arith.index_cast %parallel_loop3A_458 : i32 to index
        %parallel_loop3A_460 = arith.index_cast %parallel_loop3A_274 : i32 to index
        %parallel_loop3A_461 = arith.index_cast %parallel_loop3A_457 : i32 to index
        %parallel_loop3A_462 = arith.constant 32 : index
        %parallel_loop3A_463 = tpu.vector_load %arg6[%parallel_loop3A_459, %parallel_loop3A_460, %parallel_loop3A_461, %parallel_loop3A_462] {strides = array<i32>} : memref<2x8x16x128xf32, #tpu.memory_space<vmem>>, vector<16xf32>,
        tpu.vector_store %arg6[%parallel_loop3A_459, %parallel_loop3A_460, %parallel_loop3A_461, %parallel_loop3A_462], %parallel_loop3A_453 {strides = array<i32>} : memref<2x8x16x128xf32, #tpu.memory_space<vmem>>, vector<16xf32>,
        %parallel_loop3A_464 = arith.constant 0 : i32
        %parallel_loop3A_465 = arith.index_cast %parallel_loop3A_464 : i32 to index
        %parallel_loop3A_466 = arith.index_cast %parallel_loop3A_277 : i32 to index
        %parallel_loop3A_467 = arith.index_cast %parallel_loop3A_274 : i32 to index
        %parallel_loop3A_468 = arith.constant 48 : index
        %parallel_loop3A_469 = tpu.vector_load %arg5[%parallel_loop3A_465, %parallel_loop3A_466, %parallel_loop3A_467, %parallel_loop3A_468] {strides = array<i32>} : memref<2x4x8x128xi32, #tpu.memory_space<vmem>>, vector<16xi32>,
        %parallel_loop3A_470 = arith.constant 0 : i32
        %parallel_loop3A_471 = vector.broadcast %parallel_loop3A_470 : i32 to vector<16xi32>
        %parallel_loop3A_472 = arith.addi %parallel_loop3A_469, %parallel_loop3A_471 : vector<16xi32>
        %parallel_loop3A_473 = tpu.vector_load_idx %arg7[%parallel_loop3A_472] : memref<32xf32, #tpu.memory_space<vmem>>[vector<16xi32>], vector<16xf32>,
        %parallel_loop3A_474 = arith.constant 4 : i32
        %parallel_loop3A_475 = arith.muli %parallel_loop3A_277, %parallel_loop3A_474 : i32
        %parallel_loop3A_476 = arith.constant 0 : i32
        %parallel_loop3A_477 = arith.addi %parallel_loop3A_475, %parallel_loop3A_476 : i32
        %parallel_loop3A_478 = arith.constant 0 : i32
        %parallel_loop3A_479 = arith.index_cast %parallel_loop3A_478 : i32 to index
        %parallel_loop3A_480 = arith.index_cast %parallel_loop3A_274 : i32 to index
        %parallel_loop3A_481 = arith.index_cast %parallel_loop3A_477 : i32 to index
        %parallel_loop3A_482 = arith.constant 48 : index
        %parallel_loop3A_483 = tpu.vector_load %arg6[%parallel_loop3A_479, %parallel_loop3A_480, %parallel_loop3A_481, %parallel_loop3A_482] {strides = array<i32>} : memref<2x8x16x128xf32, #tpu.memory_space<vmem>>, vector<16xf32>,
        tpu.vector_store %arg6[%parallel_loop3A_479, %parallel_loop3A_480, %parallel_loop3A_481, %parallel_loop3A_482], %parallel_loop3A_473 {strides = array<i32>} : memref<2x8x16x128xf32, #tpu.memory_space<vmem>>, vector<16xf32>,
        %parallel_loop3A_484 = arith.constant 6 : i32
        %parallel_loop3A_485 = vector.broadcast %parallel_loop3A_484 : i32 to vector<16xi32>
        %parallel_loop3A_486 = arith.addi %parallel_loop3A_469, %parallel_loop3A_485 : vector<16xi32>
        %parallel_loop3A_487 = tpu.vector_load_idx %arg7[%parallel_loop3A_486] : memref<32xf32, #tpu.memory_space<vmem>>[vector<16xi32>], vector<16xf32>,
        %parallel_loop3A_488 = arith.constant 4 : i32
        %parallel_loop3A_489 = arith.muli %parallel_loop3A_277, %parallel_loop3A_488 : i32
        %parallel_loop3A_490 = arith.constant 1 : i32
        %parallel_loop3A_491 = arith.addi %parallel_loop3A_489, %parallel_loop3A_490 : i32
        %parallel_loop3A_492 = arith.constant 0 : i32
        %parallel_loop3A_493 = arith.index_cast %parallel_loop3A_492 : i32 to index
        %parallel_loop3A_494 = arith.index_cast %parallel_loop3A_274 : i32 to index
        %parallel_loop3A_495 = arith.index_cast %parallel_loop3A_491 : i32 to index
        %parallel_loop3A_496 = arith.constant 48 : index
        %parallel_loop3A_497 = tpu.vector_load %arg6[%parallel_loop3A_493, %parallel_loop3A_494, %parallel_loop3A_495, %parallel_loop3A_496] {strides = array<i32>} : memref<2x8x16x128xf32, #tpu.memory_space<vmem>>, vector<16xf32>,
        tpu.vector_store %arg6[%parallel_loop3A_493, %parallel_loop3A_494, %parallel_loop3A_495, %parallel_loop3A_496], %parallel_loop3A_487 {strides = array<i32>} : memref<2x8x16x128xf32, #tpu.memory_space<vmem>>, vector<16xf32>,
        %parallel_loop3A_498 = arith.constant 12 : i32
        %parallel_loop3A_499 = vector.broadcast %parallel_loop3A_498 : i32 to vector<16xi32>
        %parallel_loop3A_500 = arith.addi %parallel_loop3A_469, %parallel_loop3A_499 : vector<16xi32>
        %parallel_loop3A_501 = tpu.vector_load_idx %arg7[%parallel_loop3A_500] : memref<32xf32, #tpu.memory_space<vmem>>[vector<16xi32>], vector<16xf32>,
        %parallel_loop3A_502 = arith.constant 4 : i32
        %parallel_loop3A_503 = arith.muli %parallel_loop3A_277, %parallel_loop3A_502 : i32
        %parallel_loop3A_504 = arith.constant 2 : i32
        %parallel_loop3A_505 = arith.addi %parallel_loop3A_503, %parallel_loop3A_504 : i32
        %parallel_loop3A_506 = arith.constant 0 : i32
        %parallel_loop3A_507 = arith.index_cast %parallel_loop3A_506 : i32 to index
        %parallel_loop3A_508 = arith.index_cast %parallel_loop3A_274 : i32 to index
        %parallel_loop3A_509 = arith.index_cast %parallel_loop3A_505 : i32 to index
        %parallel_loop3A_510 = arith.constant 48 : index
        %parallel_loop3A_511 = tpu.vector_load %arg6[%parallel_loop3A_507, %parallel_loop3A_508, %parallel_loop3A_509, %parallel_loop3A_510] {strides = array<i32>} : memref<2x8x16x128xf32, #tpu.memory_space<vmem>>, vector<16xf32>,
        tpu.vector_store %arg6[%parallel_loop3A_507, %parallel_loop3A_508, %parallel_loop3A_509, %parallel_loop3A_510], %parallel_loop3A_501 {strides = array<i32>} : memref<2x8x16x128xf32, #tpu.memory_space<vmem>>, vector<16xf32>,
        %parallel_loop3A_512 = arith.constant 18 : i32
        %parallel_loop3A_513 = vector.broadcast %parallel_loop3A_512 : i32 to vector<16xi32>
        %parallel_loop3A_514 = arith.addi %parallel_loop3A_469, %parallel_loop3A_513 : vector<16xi32>
        %parallel_loop3A_515 = tpu.vector_load_idx %arg7[%parallel_loop3A_514] : memref<32xf32, #tpu.memory_space<vmem>>[vector<16xi32>], vector<16xf32>,
        %parallel_loop3A_516 = arith.constant 4 : i32
        %parallel_loop3A_517 = arith.muli %parallel_loop3A_277, %parallel_loop3A_516 : i32
        %parallel_loop3A_518 = arith.constant 3 : i32
        %parallel_loop3A_519 = arith.addi %parallel_loop3A_517, %parallel_loop3A_518 : i32
        %parallel_loop3A_520 = arith.constant 0 : i32
        %parallel_loop3A_521 = arith.index_cast %parallel_loop3A_520 : i32 to index
        %parallel_loop3A_522 = arith.index_cast %parallel_loop3A_274 : i32 to index
        %parallel_loop3A_523 = arith.index_cast %parallel_loop3A_519 : i32 to index
        %parallel_loop3A_524 = arith.constant 48 : index
        %parallel_loop3A_525 = tpu.vector_load %arg6[%parallel_loop3A_521, %parallel_loop3A_522, %parallel_loop3A_523, %parallel_loop3A_524] {strides = array<i32>} : memref<2x8x16x128xf32, #tpu.memory_space<vmem>>, vector<16xf32>,
        tpu.vector_store %arg6[%parallel_loop3A_521, %parallel_loop3A_522, %parallel_loop3A_523, %parallel_loop3A_524], %parallel_loop3A_515 {strides = array<i32>} : memref<2x8x16x128xf32, #tpu.memory_space<vmem>>, vector<16xf32>,
        %parallel_loop3A_526 = arith.constant 0 : i32
        %parallel_loop3A_527 = arith.index_cast %parallel_loop3A_526 : i32 to index
        %parallel_loop3A_528 = arith.index_cast %parallel_loop3A_277 : i32 to index
        %parallel_loop3A_529 = arith.index_cast %parallel_loop3A_274 : i32 to index
        %parallel_loop3A_530 = arith.constant 64 : index
        %parallel_loop3A_531 = tpu.vector_load %arg5[%parallel_loop3A_527, %parallel_loop3A_528, %parallel_loop3A_529, %parallel_loop3A_530] {strides = array<i32>} : memref<2x4x8x128xi32, #tpu.memory_space<vmem>>, vector<16xi32>,
        %parallel_loop3A_532 = arith.constant 0 : i32
        %parallel_loop3A_533 = vector.broadcast %parallel_loop3A_532 : i32 to vector<16xi32>
        %parallel_loop3A_534 = arith.addi %parallel_loop3A_531, %parallel_loop3A_533 : vector<16xi32>
        %parallel_loop3A_535 = tpu.vector_load_idx %arg7[%parallel_loop3A_534] : memref<32xf32, #tpu.memory_space<vmem>>[vector<16xi32>], vector<16xf32>,
        %parallel_loop3A_536 = arith.constant 4 : i32
        %parallel_loop3A_537 = arith.muli %parallel_loop3A_277, %parallel_loop3A_536 : i32
        %parallel_loop3A_538 = arith.constant 0 : i32
        %parallel_loop3A_539 = arith.addi %parallel_loop3A_537, %parallel_loop3A_538 : i32
        %parallel_loop3A_540 = arith.constant 0 : i32
        %parallel_loop3A_541 = arith.index_cast %parallel_loop3A_540 : i32 to index
        %parallel_loop3A_542 = arith.index_cast %parallel_loop3A_274 : i32 to index
        %parallel_loop3A_543 = arith.index_cast %parallel_loop3A_539 : i32 to index
        %parallel_loop3A_544 = arith.constant 64 : index
        %parallel_loop3A_545 = tpu.vector_load %arg6[%parallel_loop3A_541, %parallel_loop3A_542, %parallel_loop3A_543, %parallel_loop3A_544] {strides = array<i32>} : memref<2x8x16x128xf32, #tpu.memory_space<vmem>>, vector<16xf32>,
        tpu.vector_store %arg6[%parallel_loop3A_541, %parallel_loop3A_542, %parallel_loop3A_543, %parallel_loop3A_544], %parallel_loop3A_535 {strides = array<i32>} : memref<2x8x16x128xf32, #tpu.memory_space<vmem>>, vector<16xf32>,
        %parallel_loop3A_546 = arith.constant 6 : i32
        %parallel_loop3A_547 = vector.broadcast %parallel_loop3A_546 : i32 to vector<16xi32>
        %parallel_loop3A_548 = arith.addi %parallel_loop3A_531, %parallel_loop3A_547 : vector<16xi32>
        %parallel_loop3A_549 = tpu.vector_load_idx %arg7[%parallel_loop3A_548] : memref<32xf32, #tpu.memory_space<vmem>>[vector<16xi32>], vector<16xf32>,
        %parallel_loop3A_550 = arith.constant 4 : i32
        %parallel_loop3A_551 = arith.muli %parallel_loop3A_277, %parallel_loop3A_550 : i32
        %parallel_loop3A_552 = arith.constant 1 : i32
        %parallel_loop3A_553 = arith.addi %parallel_loop3A_551, %parallel_loop3A_552 : i32
        %parallel_loop3A_554 = arith.constant 0 : i32
        %parallel_loop3A_555 = arith.index_cast %parallel_loop3A_554 : i32 to index
        %parallel_loop3A_556 = arith.index_cast %parallel_loop3A_274 : i32 to index
        %parallel_loop3A_557 = arith.index_cast %parallel_loop3A_553 : i32 to index
        %parallel_loop3A_558 = arith.constant 64 : index
        %parallel_loop3A_559 = tpu.vector_load %arg6[%parallel_loop3A_555, %parallel_loop3A_556, %parallel_loop3A_557, %parallel_loop3A_558] {strides = array<i32>} : memref<2x8x16x128xf32, #tpu.memory_space<vmem>>, vector<16xf32>,
        tpu.vector_store %arg6[%parallel_loop3A_555, %parallel_loop3A_556, %parallel_loop3A_557, %parallel_loop3A_558], %parallel_loop3A_549 {strides = array<i32>} : memref<2x8x16x128xf32, #tpu.memory_space<vmem>>, vector<16xf32>,
        %parallel_loop3A_560 = arith.constant 12 : i32
        %parallel_loop3A_561 = vector.broadcast %parallel_loop3A_560 : i32 to vector<16xi32>
        %parallel_loop3A_562 = arith.addi %parallel_loop3A_531, %parallel_loop3A_561 : vector<16xi32>
        %parallel_loop3A_563 = tpu.vector_load_idx %arg7[%parallel_loop3A_562] : memref<32xf32, #tpu.memory_space<vmem>>[vector<16xi32>], vector<16xf32>,
        %parallel_loop3A_564 = arith.constant 4 : i32
        %parallel_loop3A_565 = arith.muli %parallel_loop3A_277, %parallel_loop3A_564 : i32
        %parallel_loop3A_566 = arith.constant 2 : i32
        %parallel_loop3A_567 = arith.addi %parallel_loop3A_565, %parallel_loop3A_566 : i32
        %parallel_loop3A_568 = arith.constant 0 : i32
        %parallel_loop3A_569 = arith.index_cast %parallel_loop3A_568 : i32 to index
        %parallel_loop3A_570 = arith.index_cast %parallel_loop3A_274 : i32 to index
        %parallel_loop3A_571 = arith.index_cast %parallel_loop3A_567 : i32 to index
        %parallel_loop3A_572 = arith.constant 64 : index
        %parallel_loop3A_573 = tpu.vector_load %arg6[%parallel_loop3A_569, %parallel_loop3A_570, %parallel_loop3A_571, %parallel_loop3A_572] {strides = array<i32>} : memref<2x8x16x128xf32, #tpu.memory_space<vmem>>, vector<16xf32>,
        tpu.vector_store %arg6[%parallel_loop3A_569, %parallel_loop3A_570, %parallel_loop3A_571, %parallel_loop3A_572], %parallel_loop3A_563 {strides = array<i32>} : memref<2x8x16x128xf32, #tpu.memory_space<vmem>>, vector<16xf32>,
        %parallel_loop3A_574 = arith.constant 18 : i32
        %parallel_loop3A_575 = vector.broadcast %parallel_loop3A_574 : i32 to vector<16xi32>
        %parallel_loop3A_576 = arith.addi %parallel_loop3A_531, %parallel_loop3A_575 : vector<16xi32>
        %parallel_loop3A_577 = tpu.vector_load_idx %arg7[%parallel_loop3A_576] : memref<32xf32, #tpu.memory_space<vmem>>[vector<16xi32>], vector<16xf32>,
        %parallel_loop3A_578 = arith.constant 4 : i32
        %parallel_loop3A_579 = arith.muli %parallel_loop3A_277, %parallel_loop3A_578 : i32
        %parallel_loop3A_580 = arith.constant 3 : i32
        %parallel_loop3A_581 = arith.addi %parallel_loop3A_579, %parallel_loop3A_580 : i32
        %parallel_loop3A_582 = arith.constant 0 : i32
        %parallel_loop3A_583 = arith.index_cast %parallel_loop3A_582 : i32 to index
        %parallel_loop3A_584 = arith.index_cast %parallel_loop3A_274 : i32 to index
        %parallel_loop3A_585 = arith.index_cast %parallel_loop3A_581 : i32 to index
        %parallel_loop3A_586 = arith.constant 64 : index
        %parallel_loop3A_587 = tpu.vector_load %arg6[%parallel_loop3A_583, %parallel_loop3A_584, %parallel_loop3A_585, %parallel_loop3A_586] {strides = array<i32>} : memref<2x8x16x128xf32, #tpu.memory_space<vmem>>, vector<16xf32>,
        tpu.vector_store %arg6[%parallel_loop3A_583, %parallel_loop3A_584, %parallel_loop3A_585, %parallel_loop3A_586], %parallel_loop3A_577 {strides = array<i32>} : memref<2x8x16x128xf32, #tpu.memory_space<vmem>>, vector<16xf32>,
        %parallel_loop3A_588 = arith.constant 0 : i32
        %parallel_loop3A_589 = arith.index_cast %parallel_loop3A_588 : i32 to index
        %parallel_loop3A_590 = arith.index_cast %parallel_loop3A_277 : i32 to index
        %parallel_loop3A_591 = arith.index_cast %parallel_loop3A_274 : i32 to index
        %parallel_loop3A_592 = arith.constant 80 : index
        %parallel_loop3A_593 = tpu.vector_load %arg5[%parallel_loop3A_589, %parallel_loop3A_590, %parallel_loop3A_591, %parallel_loop3A_592] {strides = array<i32>} : memref<2x4x8x128xi32, #tpu.memory_space<vmem>>, vector<16xi32>,
        %parallel_loop3A_594 = arith.constant 0 : i32
        %parallel_loop3A_595 = vector.broadcast %parallel_loop3A_594 : i32 to vector<16xi32>
        %parallel_loop3A_596 = arith.addi %parallel_loop3A_593, %parallel_loop3A_595 : vector<16xi32>
        %parallel_loop3A_597 = tpu.vector_load_idx %arg7[%parallel_loop3A_596] : memref<32xf32, #tpu.memory_space<vmem>>[vector<16xi32>], vector<16xf32>,
        %parallel_loop3A_598 = arith.constant 4 : i32
        %parallel_loop3A_599 = arith.muli %parallel_loop3A_277, %parallel_loop3A_598 : i32
        %parallel_loop3A_600 = arith.constant 0 : i32
        %parallel_loop3A_601 = arith.addi %parallel_loop3A_599, %parallel_loop3A_600 : i32
        %parallel_loop3A_602 = arith.constant 0 : i32
        %parallel_loop3A_603 = arith.index_cast %parallel_loop3A_602 : i32 to index
        %parallel_loop3A_604 = arith.index_cast %parallel_loop3A_274 : i32 to index
        %parallel_loop3A_605 = arith.index_cast %parallel_loop3A_601 : i32 to index
        %parallel_loop3A_606 = arith.constant 80 : index
        %parallel_loop3A_607 = tpu.vector_load %arg6[%parallel_loop3A_603, %parallel_loop3A_604, %parallel_loop3A_605, %parallel_loop3A_606] {strides = array<i32>} : memref<2x8x16x128xf32, #tpu.memory_space<vmem>>, vector<16xf32>,
        tpu.vector_store %arg6[%parallel_loop3A_603, %parallel_loop3A_604, %parallel_loop3A_605, %parallel_loop3A_606], %parallel_loop3A_597 {strides = array<i32>} : memref<2x8x16x128xf32, #tpu.memory_space<vmem>>, vector<16xf32>,
        %parallel_loop3A_608 = arith.constant 6 : i32
        %parallel_loop3A_609 = vector.broadcast %parallel_loop3A_608 : i32 to vector<16xi32>
        %parallel_loop3A_610 = arith.addi %parallel_loop3A_593, %parallel_loop3A_609 : vector<16xi32>
        %parallel_loop3A_611 = tpu.vector_load_idx %arg7[%parallel_loop3A_610] : memref<32xf32, #tpu.memory_space<vmem>>[vector<16xi32>], vector<16xf32>,
        %parallel_loop3A_612 = arith.constant 4 : i32
        %parallel_loop3A_613 = arith.muli %parallel_loop3A_277, %parallel_loop3A_612 : i32
        %parallel_loop3A_614 = arith.constant 1 : i32
        %parallel_loop3A_615 = arith.addi %parallel_loop3A_613, %parallel_loop3A_614 : i32
        %parallel_loop3A_616 = arith.constant 0 : i32
        %parallel_loop3A_617 = arith.index_cast %parallel_loop3A_616 : i32 to index
        %parallel_loop3A_618 = arith.index_cast %parallel_loop3A_274 : i32 to index
        %parallel_loop3A_619 = arith.index_cast %parallel_loop3A_615 : i32 to index
        %parallel_loop3A_620 = arith.constant 80 : index
        %parallel_loop3A_621 = tpu.vector_load %arg6[%parallel_loop3A_617, %parallel_loop3A_618, %parallel_loop3A_619, %parallel_loop3A_620] {strides = array<i32>} : memref<2x8x16x128xf32, #tpu.memory_space<vmem>>, vector<16xf32>,
        tpu.vector_store %arg6[%parallel_loop3A_617, %parallel_loop3A_618, %parallel_loop3A_619, %parallel_loop3A_620], %parallel_loop3A_611 {strides = array<i32>} : memref<2x8x16x128xf32, #tpu.memory_space<vmem>>, vector<16xf32>,
        %parallel_loop3A_622 = arith.constant 12 : i32
        %parallel_loop3A_623 = vector.broadcast %parallel_loop3A_622 : i32 to vector<16xi32>
        %parallel_loop3A_624 = arith.addi %parallel_loop3A_593, %parallel_loop3A_623 : vector<16xi32>
        %parallel_loop3A_625 = tpu.vector_load_idx %arg7[%parallel_loop3A_624] : memref<32xf32, #tpu.memory_space<vmem>>[vector<16xi32>], vector<16xf32>,
        %parallel_loop3A_626 = arith.constant 4 : i32
        %parallel_loop3A_627 = arith.muli %parallel_loop3A_277, %parallel_loop3A_626 : i32
        %parallel_loop3A_628 = arith.constant 2 : i32
        %parallel_loop3A_629 = arith.addi %parallel_loop3A_627, %parallel_loop3A_628 : i32
        %parallel_loop3A_630 = arith.constant 0 : i32
        %parallel_loop3A_631 = arith.index_cast %parallel_loop3A_630 : i32 to index
        %parallel_loop3A_632 = arith.index_cast %parallel_loop3A_274 : i32 to index
        %parallel_loop3A_633 = arith.index_cast %parallel_loop3A_629 : i32 to index
        %parallel_loop3A_634 = arith.constant 80 : index
        %parallel_loop3A_635 = tpu.vector_load %arg6[%parallel_loop3A_631, %parallel_loop3A_632, %parallel_loop3A_633, %parallel_loop3A_634] {strides = array<i32>} : memref<2x8x16x128xf32, #tpu.memory_space<vmem>>, vector<16xf32>,
        tpu.vector_store %arg6[%parallel_loop3A_631, %parallel_loop3A_632, %parallel_loop3A_633, %parallel_loop3A_634], %parallel_loop3A_625 {strides = array<i32>} : memref<2x8x16x128xf32, #tpu.memory_space<vmem>>, vector<16xf32>,
        %parallel_loop3A_636 = arith.constant 18 : i32
        %parallel_loop3A_637 = vector.broadcast %parallel_loop3A_636 : i32 to vector<16xi32>
        %parallel_loop3A_638 = arith.addi %parallel_loop3A_593, %parallel_loop3A_637 : vector<16xi32>
        %parallel_loop3A_639 = tpu.vector_load_idx %arg7[%parallel_loop3A_638] : memref<32xf32, #tpu.memory_space<vmem>>[vector<16xi32>], vector<16xf32>,
        %parallel_loop3A_640 = arith.constant 4 : i32
        %parallel_loop3A_641 = arith.muli %parallel_loop3A_277, %parallel_loop3A_640 : i32
        %parallel_loop3A_642 = arith.constant 3 : i32
        %parallel_loop3A_643 = arith.addi %parallel_loop3A_641, %parallel_loop3A_642 : i32
        %parallel_loop3A_644 = arith.constant 0 : i32
        %parallel_loop3A_645 = arith.index_cast %parallel_loop3A_644 : i32 to index
        %parallel_loop3A_646 = arith.index_cast %parallel_loop3A_274 : i32 to index
        %parallel_loop3A_647 = arith.index_cast %parallel_loop3A_643 : i32 to index
        %parallel_loop3A_648 = arith.constant 80 : index
        %parallel_loop3A_649 = tpu.vector_load %arg6[%parallel_loop3A_645, %parallel_loop3A_646, %parallel_loop3A_647, %parallel_loop3A_648] {strides = array<i32>} : memref<2x8x16x128xf32, #tpu.memory_space<vmem>>, vector<16xf32>,
        tpu.vector_store %arg6[%parallel_loop3A_645, %parallel_loop3A_646, %parallel_loop3A_647, %parallel_loop3A_648], %parallel_loop3A_639 {strides = array<i32>} : memref<2x8x16x128xf32, #tpu.memory_space<vmem>>, vector<16xf32>,
        %parallel_loop3A_650 = arith.constant 0 : i32
        %parallel_loop3A_651 = arith.index_cast %parallel_loop3A_650 : i32 to index
        %parallel_loop3A_652 = arith.index_cast %parallel_loop3A_277 : i32 to index
        %parallel_loop3A_653 = arith.index_cast %parallel_loop3A_274 : i32 to index
        %parallel_loop3A_654 = arith.constant 96 : index
        %parallel_loop3A_655 = tpu.vector_load %arg5[%parallel_loop3A_651, %parallel_loop3A_652, %parallel_loop3A_653, %parallel_loop3A_654] {strides = array<i32>} : memref<2x4x8x128xi32, #tpu.memory_space<vmem>>, vector<16xi32>,
        %parallel_loop3A_656 = arith.constant 0 : i32
        %parallel_loop3A_657 = vector.broadcast %parallel_loop3A_656 : i32 to vector<16xi32>
        %parallel_loop3A_658 = arith.addi %parallel_loop3A_655, %parallel_loop3A_657 : vector<16xi32>
        %parallel_loop3A_659 = tpu.vector_load_idx %arg7[%parallel_loop3A_658] : memref<32xf32, #tpu.memory_space<vmem>>[vector<16xi32>], vector<16xf32>,
        %parallel_loop3A_660 = arith.constant 4 : i32
        %parallel_loop3A_661 = arith.muli %parallel_loop3A_277, %parallel_loop3A_660 : i32
        %parallel_loop3A_662 = arith.constant 0 : i32
        %parallel_loop3A_663 = arith.addi %parallel_loop3A_661, %parallel_loop3A_662 : i32
        %parallel_loop3A_664 = arith.constant 0 : i32
        %parallel_loop3A_665 = arith.index_cast %parallel_loop3A_664 : i32 to index
        %parallel_loop3A_666 = arith.index_cast %parallel_loop3A_274 : i32 to index
        %parallel_loop3A_667 = arith.index_cast %parallel_loop3A_663 : i32 to index
        %parallel_loop3A_668 = arith.constant 96 : index
        %parallel_loop3A_669 = tpu.vector_load %arg6[%parallel_loop3A_665, %parallel_loop3A_666, %parallel_loop3A_667, %parallel_loop3A_668] {strides = array<i32>} : memref<2x8x16x128xf32, #tpu.memory_space<vmem>>, vector<16xf32>,
        tpu.vector_store %arg6[%parallel_loop3A_665, %parallel_loop3A_666, %parallel_loop3A_667, %parallel_loop3A_668], %parallel_loop3A_659 {strides = array<i32>} : memref<2x8x16x128xf32, #tpu.memory_space<vmem>>, vector<16xf32>,
        %parallel_loop3A_670 = arith.constant 6 : i32
        %parallel_loop3A_671 = vector.broadcast %parallel_loop3A_670 : i32 to vector<16xi32>
        %parallel_loop3A_672 = arith.addi %parallel_loop3A_655, %parallel_loop3A_671 : vector<16xi32>
        %parallel_loop3A_673 = tpu.vector_load_idx %arg7[%parallel_loop3A_672] : memref<32xf32, #tpu.memory_space<vmem>>[vector<16xi32>], vector<16xf32>,
        %parallel_loop3A_674 = arith.constant 4 : i32
        %parallel_loop3A_675 = arith.muli %parallel_loop3A_277, %parallel_loop3A_674 : i32
        %parallel_loop3A_676 = arith.constant 1 : i32
        %parallel_loop3A_677 = arith.addi %parallel_loop3A_675, %parallel_loop3A_676 : i32
        %parallel_loop3A_678 = arith.constant 0 : i32
        %parallel_loop3A_679 = arith.index_cast %parallel_loop3A_678 : i32 to index
        %parallel_loop3A_680 = arith.index_cast %parallel_loop3A_274 : i32 to index
        %parallel_loop3A_681 = arith.index_cast %parallel_loop3A_677 : i32 to index
        %parallel_loop3A_682 = arith.constant 96 : index
        %parallel_loop3A_683 = tpu.vector_load %arg6[%parallel_loop3A_679, %parallel_loop3A_680, %parallel_loop3A_681, %parallel_loop3A_682] {strides = array<i32>} : memref<2x8x16x128xf32, #tpu.memory_space<vmem>>, vector<16xf32>,
        tpu.vector_store %arg6[%parallel_loop3A_679, %parallel_loop3A_680, %parallel_loop3A_681, %parallel_loop3A_682], %parallel_loop3A_673 {strides = array<i32>} : memref<2x8x16x128xf32, #tpu.memory_space<vmem>>, vector<16xf32>,
        %parallel_loop3A_684 = arith.constant 12 : i32
        %parallel_loop3A_685 = vector.broadcast %parallel_loop3A_684 : i32 to vector<16xi32>
        %parallel_loop3A_686 = arith.addi %parallel_loop3A_655, %parallel_loop3A_685 : vector<16xi32>
        %parallel_loop3A_687 = tpu.vector_load_idx %arg7[%parallel_loop3A_686] : memref<32xf32, #tpu.memory_space<vmem>>[vector<16xi32>], vector<16xf32>,
        %parallel_loop3A_688 = arith.constant 4 : i32
        %parallel_loop3A_689 = arith.muli %parallel_loop3A_277, %parallel_loop3A_688 : i32
        %parallel_loop3A_690 = arith.constant 2 : i32
        %parallel_loop3A_691 = arith.addi %parallel_loop3A_689, %parallel_loop3A_690 : i32
        %parallel_loop3A_692 = arith.constant 0 : i32
        %parallel_loop3A_693 = arith.index_cast %parallel_loop3A_692 : i32 to index
        %parallel_loop3A_694 = arith.index_cast %parallel_loop3A_274 : i32 to index
        %parallel_loop3A_695 = arith.index_cast %parallel_loop3A_691 : i32 to index
        %parallel_loop3A_696 = arith.constant 96 : index
        %parallel_loop3A_697 = tpu.vector_load %arg6[%parallel_loop3A_693, %parallel_loop3A_694, %parallel_loop3A_695, %parallel_loop3A_696] {strides = array<i32>} : memref<2x8x16x128xf32, #tpu.memory_space<vmem>>, vector<16xf32>,
        tpu.vector_store %arg6[%parallel_loop3A_693, %parallel_loop3A_694, %parallel_loop3A_695, %parallel_loop3A_696], %parallel_loop3A_687 {strides = array<i32>} : memref<2x8x16x128xf32, #tpu.memory_space<vmem>>, vector<16xf32>,
        %parallel_loop3A_698 = arith.constant 18 : i32
        %parallel_loop3A_699 = vector.broadcast %parallel_loop3A_698 : i32 to vector<16xi32>
        %parallel_loop3A_700 = arith.addi %parallel_loop3A_655, %parallel_loop3A_699 : vector<16xi32>
        %parallel_loop3A_701 = tpu.vector_load_idx %arg7[%parallel_loop3A_700] : memref<32xf32, #tpu.memory_space<vmem>>[vector<16xi32>], vector<16xf32>,
        %parallel_loop3A_702 = arith.constant 4 : i32
        %parallel_loop3A_703 = arith.muli %parallel_loop3A_277, %parallel_loop3A_702 : i32
        %parallel_loop3A_704 = arith.constant 3 : i32
        %parallel_loop3A_705 = arith.addi %parallel_loop3A_703, %parallel_loop3A_704 : i32
        %parallel_loop3A_706 = arith.constant 0 : i32
        %parallel_loop3A_707 = arith.index_cast %parallel_loop3A_706 : i32 to index
        %parallel_loop3A_708 = arith.index_cast %parallel_loop3A_274 : i32 to index
        %parallel_loop3A_709 = arith.index_cast %parallel_loop3A_705 : i32 to index
        %parallel_loop3A_710 = arith.constant 96 : index
        %parallel_loop3A_711 = tpu.vector_load %arg6[%parallel_loop3A_707, %parallel_loop3A_708, %parallel_loop3A_709, %parallel_loop3A_710] {strides = array<i32>} : memref<2x8x16x128xf32, #tpu.memory_space<vmem>>, vector<16xf32>,
        tpu.vector_store %arg6[%parallel_loop3A_707, %parallel_loop3A_708, %parallel_loop3A_709, %parallel_loop3A_710], %parallel_loop3A_701 {strides = array<i32>} : memref<2x8x16x128xf32, #tpu.memory_space<vmem>>, vector<16xf32>,
        %parallel_loop3A_712 = arith.constant 0 : i32
        %parallel_loop3A_713 = arith.index_cast %parallel_loop3A_712 : i32 to index
        %parallel_loop3A_714 = arith.index_cast %parallel_loop3A_277 : i32 to index
        %parallel_loop3A_715 = arith.index_cast %parallel_loop3A_274 : i32 to index
        %parallel_loop3A_716 = arith.constant 112 : index
        %parallel_loop3A_717 = tpu.vector_load %arg5[%parallel_loop3A_713, %parallel_loop3A_714, %parallel_loop3A_715, %parallel_loop3A_716] {strides = array<i32>} : memref<2x4x8x128xi32, #tpu.memory_space<vmem>>, vector<16xi32>,
        %parallel_loop3A_718 = arith.constant 0 : i32
        %parallel_loop3A_719 = vector.broadcast %parallel_loop3A_718 : i32 to vector<16xi32>
        %parallel_loop3A_720 = arith.addi %parallel_loop3A_717, %parallel_loop3A_719 : vector<16xi32>
        %parallel_loop3A_721 = tpu.vector_load_idx %arg7[%parallel_loop3A_720] : memref<32xf32, #tpu.memory_space<vmem>>[vector<16xi32>], vector<16xf32>,
        %parallel_loop3A_722 = arith.constant 4 : i32
        %parallel_loop3A_723 = arith.muli %parallel_loop3A_277, %parallel_loop3A_722 : i32
        %parallel_loop3A_724 = arith.constant 0 : i32
        %parallel_loop3A_725 = arith.addi %parallel_loop3A_723, %parallel_loop3A_724 : i32
        %parallel_loop3A_726 = arith.constant 0 : i32
        %parallel_loop3A_727 = arith.index_cast %parallel_loop3A_726 : i32 to index
        %parallel_loop3A_728 = arith.index_cast %parallel_loop3A_274 : i32 to index
        %parallel_loop3A_729 = arith.index_cast %parallel_loop3A_725 : i32 to index
        %parallel_loop3A_730 = arith.constant 112 : index
        %parallel_loop3A_731 = tpu.vector_load %arg6[%parallel_loop3A_727, %parallel_loop3A_728, %parallel_loop3A_729, %parallel_loop3A_730] {strides = array<i32>} : memref<2x8x16x128xf32, #tpu.memory_space<vmem>>, vector<16xf32>,
        tpu.vector_store %arg6[%parallel_loop3A_727, %parallel_loop3A_728, %parallel_loop3A_729, %parallel_loop3A_730], %parallel_loop3A_721 {strides = array<i32>} : memref<2x8x16x128xf32, #tpu.memory_space<vmem>>, vector<16xf32>,
        %parallel_loop3A_732 = arith.constant 6 : i32
        %parallel_loop3A_733 = vector.broadcast %parallel_loop3A_732 : i32 to vector<16xi32>
        %parallel_loop3A_734 = arith.addi %parallel_loop3A_717, %parallel_loop3A_733 : vector<16xi32>
        %parallel_loop3A_735 = tpu.vector_load_idx %arg7[%parallel_loop3A_734] : memref<32xf32, #tpu.memory_space<vmem>>[vector<16xi32>], vector<16xf32>,
        %parallel_loop3A_736 = arith.constant 4 : i32
        %parallel_loop3A_737 = arith.muli %parallel_loop3A_277, %parallel_loop3A_736 : i32
        %parallel_loop3A_738 = arith.constant 1 : i32
        %parallel_loop3A_739 = arith.addi %parallel_loop3A_737, %parallel_loop3A_738 : i32
        %parallel_loop3A_740 = arith.constant 0 : i32
        %parallel_loop3A_741 = arith.index_cast %parallel_loop3A_740 : i32 to index
        %parallel_loop3A_742 = arith.index_cast %parallel_loop3A_274 : i32 to index
        %parallel_loop3A_743 = arith.index_cast %parallel_loop3A_739 : i32 to index
        %parallel_loop3A_744 = arith.constant 112 : index
        %parallel_loop3A_745 = tpu.vector_load %arg6[%parallel_loop3A_741, %parallel_loop3A_742, %parallel_loop3A_743, %parallel_loop3A_744] {strides = array<i32>} : memref<2x8x16x128xf32, #tpu.memory_space<vmem>>, vector<16xf32>,
        tpu.vector_store %arg6[%parallel_loop3A_741, %parallel_loop3A_742, %parallel_loop3A_743, %parallel_loop3A_744], %parallel_loop3A_735 {strides = array<i32>} : memref<2x8x16x128xf32, #tpu.memory_space<vmem>>, vector<16xf32>,
        %parallel_loop3A_746 = arith.constant 12 : i32
        %parallel_loop3A_747 = vector.broadcast %parallel_loop3A_746 : i32 to vector<16xi32>
        %parallel_loop3A_748 = arith.addi %parallel_loop3A_717, %parallel_loop3A_747 : vector<16xi32>
        %parallel_loop3A_749 = tpu.vector_load_idx %arg7[%parallel_loop3A_748] : memref<32xf32, #tpu.memory_space<vmem>>[vector<16xi32>], vector<16xf32>,
        %parallel_loop3A_750 = arith.constant 4 : i32
        %parallel_loop3A_751 = arith.muli %parallel_loop3A_277, %parallel_loop3A_750 : i32
        %parallel_loop3A_752 = arith.constant 2 : i32
        %parallel_loop3A_753 = arith.addi %parallel_loop3A_751, %parallel_loop3A_752 : i32
        %parallel_loop3A_754 = arith.constant 0 : i32
        %parallel_loop3A_755 = arith.index_cast %parallel_loop3A_754 : i32 to index
        %parallel_loop3A_756 = arith.index_cast %parallel_loop3A_274 : i32 to index
        %parallel_loop3A_757 = arith.index_cast %parallel_loop3A_753 : i32 to index
        %parallel_loop3A_758 = arith.constant 112 : index
        %parallel_loop3A_759 = tpu.vector_load %arg6[%parallel_loop3A_755, %parallel_loop3A_756, %parallel_loop3A_757, %parallel_loop3A_758] {strides = array<i32>} : memref<2x8x16x128xf32, #tpu.memory_space<vmem>>, vector<16xf32>,
        tpu.vector_store %arg6[%parallel_loop3A_755, %parallel_loop3A_756, %parallel_loop3A_757, %parallel_loop3A_758], %parallel_loop3A_749 {strides = array<i32>} : memref<2x8x16x128xf32, #tpu.memory_space<vmem>>, vector<16xf32>,
        %parallel_loop3A_760 = arith.constant 18 : i32
        %parallel_loop3A_761 = vector.broadcast %parallel_loop3A_760 : i32 to vector<16xi32>
        %parallel_loop3A_762 = arith.addi %parallel_loop3A_717, %parallel_loop3A_761 : vector<16xi32>
        %parallel_loop3A_763 = tpu.vector_load_idx %arg7[%parallel_loop3A_762] : memref<32xf32, #tpu.memory_space<vmem>>[vector<16xi32>], vector<16xf32>,
        %parallel_loop3A_764 = arith.constant 4 : i32
        %parallel_loop3A_765 = arith.muli %parallel_loop3A_277, %parallel_loop3A_764 : i32
        %parallel_loop3A_766 = arith.constant 3 : i32
        %parallel_loop3A_767 = arith.addi %parallel_loop3A_765, %parallel_loop3A_766 : i32
        %parallel_loop3A_768 = arith.constant 0 : i32
        %parallel_loop3A_769 = arith.index_cast %parallel_loop3A_768 : i32 to index
        %parallel_loop3A_770 = arith.index_cast %parallel_loop3A_274 : i32 to index
        %parallel_loop3A_771 = arith.index_cast %parallel_loop3A_767 : i32 to index
        %parallel_loop3A_772 = arith.constant 112 : index
        %parallel_loop3A_773 = tpu.vector_load %arg6[%parallel_loop3A_769, %parallel_loop3A_770, %parallel_loop3A_771, %parallel_loop3A_772] {strides = array<i32>} : memref<2x8x16x128xf32, #tpu.memory_space<vmem>>, vector<16xf32>,
        tpu.vector_store %arg6[%parallel_loop3A_769, %parallel_loop3A_770, %parallel_loop3A_771, %parallel_loop3A_772], %parallel_loop3A_763 {strides = array<i32>} : memref<2x8x16x128xf32, #tpu.memory_space<vmem>>, vector<16xf32>,
      } {sc.loop_unroll_factor = 4 : i64, sc.parallel_access}
      %mul3A_160 = arith.constant 8 : i32
      %mul3A_161 = arith.muli %mul3A_110, %mul3A_160 : i32
      %mul3A_162 = arith.constant 4 : i32
      %mul3A_163 = arith.muli %mul3A_2, %mul3A_162 : i32
      %dma_start3A_164 = arith.constant 0 : i32
      %dma_start3A_165 = arith.constant 0 : i32
      %dma_start3A_166 = arith.constant 0 : i32
      %dma_start3A_167 = arith.constant 0 : i32
      %dma_start3A_168 = tpu.memref_slice %arg6[%dma_start3A_164, %dma_start3A_165, %dma_start3A_166, %dma_start3A_167] : memref<2x8x16x128xf32, #tpu.memory_space<vmem>> -> memref<1x8x16x128xf32, #tpu.memory_space<vmem>>
      %dma_start3A_169 = tpu.memref_squeeze %dma_start3A_168 : memref<1x8x16x128xf32, #tpu.memory_space<vmem>> -> memref<8x16x128xf32, #tpu.memory_space<vmem>>
      %dma_start3A_170 = arith.constant 0 : i32
      %dma_start3A_171 = tpu.memref_slice %arg4[%mul3A_161, %mul3A_163, %dma_start3A_170] : memref<200x512x128xf32, #tpu.memory_space<hbm>> -> memref<8x16x128xf32, #tpu.memory_space<hbm>>
      %dma_start3A_172 = arith.constant 0 : i32
      %dma_start3A_173 = tpu.memref_slice %arg4[%mul3A_161, %mul3A_163, %dma_start3A_172] : memref<200x512x128xf32, #tpu.memory_space<hbm>> -> memref<8x16x128xf32, #tpu.memory_space<hbm>>
      %dma_start3A_174 = arith.constant 0 : i32
      %dma_start3A_175 = arith.constant 0 : i32
      %dma_start3A_176 = arith.constant 0 : i32
      %dma_start3A_177 = tpu.memref_slice %arg6[%dma_start3A_164, %dma_start3A_174, %dma_start3A_175, %dma_start3A_176] : memref<2x8x16x128xf32, #tpu.memory_space<vmem>> -> memref<1x8x16x128xf32, #tpu.memory_space<vmem>>
      %dma_start3A_178 = tpu.memref_squeeze %dma_start3A_177 : memref<1x8x16x128xf32, #tpu.memory_space<vmem>> -> memref<8x16x128xf32, #tpu.memory_space<vmem>>
      tpu.enqueue_dma source(%dma_start3A_178 : memref<8x16x128xf32, #tpu.memory_space<vmem>>) target(%dma_start3A_173 : memref<8x16x128xf32, #tpu.memory_space<hbm>>) target_semaphore(%arg10 : memref<!tpu.dma_semaphore, #tpu.memory_space<semaphore_mem>>)
      %add3A_179 = arith.constant 2 : i32
      %add3A_180 = arith.addi %mul3A_110, %add3A_179 : i32
      %dma_start3A_181 = arith.constant 0 : i32
      %dma_start3A_182 = arith.constant 0 : i32
      %dma_start3A_183 = arith.constant 0 : i32
      %dma_start3A_184 = arith.constant 0 : i32
      %dma_start3A_185 = tpu.memref_slice %arg5[%dma_start3A_181, %dma_start3A_182, %dma_start3A_183, %dma_start3A_184] : memref<2x4x8x128xi32, #tpu.memory_space<vmem>> -> memref<1x4x8x128xi32, #tpu.memory_space<vmem>>
      %dma_start3A_186 = tpu.memref_squeeze %dma_start3A_185 : memref<1x4x8x128xi32, #tpu.memory_space<vmem>> -> memref<4x8x128xi32, #tpu.memory_space<vmem>>
      %dma_start3A_187 = arith.constant 0 : i32
      %dma_start3A_188 = arith.constant 0 : i32
      %dma_start3A_189 = tpu.memref_slice %arg2[%add3A_180, %mul3A_2, %dma_start3A_187, %dma_start3A_188] : memref<25x128x8x128xi32, #tpu.memory_space<hbm>> -> memref<1x4x8x128xi32, #tpu.memory_space<hbm>>
      %dma_start3A_190 = tpu.memref_squeeze %dma_start3A_189 : memref<1x4x8x128xi32, #tpu.memory_space<hbm>> -> memref<4x8x128xi32, #tpu.memory_space<hbm>>
      %dma_start3A_191 = arith.constant 0 : i32
      %dma_start3A_192 = arith.constant 0 : i32
      %dma_start3A_193 = arith.constant 0 : i32
      %dma_start3A_194 = tpu.memref_slice %arg5[%dma_start3A_181, %dma_start3A_191, %dma_start3A_192, %dma_start3A_193] : memref<2x4x8x128xi32, #tpu.memory_space<vmem>> -> memref<1x4x8x128xi32, #tpu.memory_space<vmem>>
      %dma_start3A_195 = tpu.memref_squeeze %dma_start3A_194 : memref<1x4x8x128xi32, #tpu.memory_space<vmem>> -> memref<4x8x128xi32, #tpu.memory_space<vmem>>
      %dma_start3A_196 = arith.constant 0 : i32
      %dma_start3A_197 = arith.constant 0 : i32
      %dma_start3A_198 = tpu.memref_slice %arg2[%add3A_180, %mul3A_2, %dma_start3A_196, %dma_start3A_197] : memref<25x128x8x128xi32, #tpu.memory_space<hbm>> -> memref<1x4x8x128xi32, #tpu.memory_space<hbm>>
      %dma_start3A_199 = tpu.memref_squeeze %dma_start3A_198 : memref<1x4x8x128xi32, #tpu.memory_space<hbm>> -> memref<4x8x128xi32, #tpu.memory_space<hbm>>
      tpu.enqueue_dma source(%dma_start3A_199 : memref<4x8x128xi32, #tpu.memory_space<hbm>>) target(%dma_start3A_195 : memref<4x8x128xi32, #tpu.memory_space<vmem>>) target_semaphore(%arg8 : memref<!tpu.dma_semaphore, #tpu.memory_space<semaphore_mem>>)
      %add3A_200 = arith.constant 1 : i32
      %add3A_201 = arith.addi %mul3A_110, %add3A_200 : i32
      %eq3A_202 = arith.constant 0 : i32
      %eq3A_203 = arith.cmpi eq, %scan3A_108, %eq3A_202 : i32
      %dma_wait3A_204 = arith.constant 1 : i32
      %dma_wait3A_205 = arith.constant 0 : i32
      %dma_wait3A_206 = arith.constant 0 : i32
      %dma_wait3A_207 = arith.constant 0 : i32
      %dma_wait3A_208 = tpu.memref_slice %arg5[%dma_wait3A_204, %dma_wait3A_205, %dma_wait3A_206, %dma_wait3A_207] : memref<2x4x8x128xi32, #tpu.memory_space<vmem>> -> memref<1x4x8x128xi32, #tpu.memory_space<vmem>>
      %dma_wait3A_209 = tpu.memref_squeeze %dma_wait3A_208 : memref<1x4x8x128xi32, #tpu.memory_space<vmem>> -> memref<4x8x128xi32, #tpu.memory_space<vmem>>
      %dma_wait3A_210 = arith.constant 0 : i32
      %dma_wait3A_211 = arith.constant 0 : i32
      %dma_wait3A_212 = tpu.memref_slice %arg2[%add3A_201, %mul3A_2, %dma_wait3A_210, %dma_wait3A_211] : memref<25x128x8x128xi32, #tpu.memory_space<hbm>> -> memref<1x4x8x128xi32, #tpu.memory_space<hbm>>
      %dma_wait3A_213 = tpu.memref_squeeze %dma_wait3A_212 : memref<1x4x8x128xi32, #tpu.memory_space<hbm>> -> memref<4x8x128xi32, #tpu.memory_space<hbm>>
      %dma_wait3A_214 = arith.constant 0 : i32
      %dma_wait3A_215 = arith.constant 0 : i32
      %dma_wait3A_216 = arith.constant 0 : i32
      %dma_wait3A_217 = tpu.memref_slice %arg5[%dma_wait3A_204, %dma_wait3A_214, %dma_wait3A_215, %dma_wait3A_216] : memref<2x4x8x128xi32, #tpu.memory_space<vmem>> -> memref<1x4x8x128xi32, #tpu.memory_space<vmem>>
      %dma_wait3A_218 = tpu.memref_squeeze %dma_wait3A_217 : memref<1x4x8x128xi32, #tpu.memory_space<vmem>> -> memref<4x8x128xi32, #tpu.memory_space<vmem>>
      %dma_wait3A_219 = arith.constant 0 : i32
      %dma_wait3A_220 = arith.constant 0 : i32
      %dma_wait3A_221 = tpu.memref_slice %arg2[%add3A_201, %mul3A_2, %dma_wait3A_219, %dma_wait3A_220] : memref<25x128x8x128xi32, #tpu.memory_space<hbm>> -> memref<1x4x8x128xi32, #tpu.memory_space<hbm>>
      %dma_wait3A_222 = tpu.memref_squeeze %dma_wait3A_221 : memref<1x4x8x128xi32, #tpu.memory_space<hbm>> -> memref<4x8x128xi32, #tpu.memory_space<hbm>>
      tpu.wait_dma2 semaphore(%arg9 : memref<!tpu.dma_semaphore, #tpu.memory_space<semaphore_mem>>) src(%dma_wait3A_222 : memref<4x8x128xi32, #tpu.memory_space<hbm>>) dst(%dma_wait3A_218 : memref<4x8x128xi32, #tpu.memory_space<vmem>>)
      %not3A_223 = arith.constant true
      %not3A_224 = arith.xori %eq3A_203, %not3A_223 : i1
      %convert_element_type3A_225 = arith.extui %not3A_224 : i1 to i32
      %cond3A_226 = arith.constant 0 : i32
      %cond3A_227 = arith.cmpi ne, %convert_element_type3A_225, %cond3A_226 : i32
      scf.if %cond3A_227 {
        %mul3A_250 = arith.constant 8 : i32
        %mul3A_251 = arith.muli %add3A_201, %mul3A_250 : i32
        %mul3A_252 = arith.constant 4 : i32
        %mul3A_253 = arith.muli %mul3A_2, %mul3A_252 : i32
        %dma_wait3A_254 = arith.constant 1 : i32
        %dma_wait3A_255 = arith.constant 0 : i32
        %dma_wait3A_256 = arith.constant 0 : i32
        %dma_wait3A_257 = arith.constant 0 : i32
        %dma_wait3A_258 = tpu.memref_slice %arg6[%dma_wait3A_254, %dma_wait3A_255, %dma_wait3A_256, %dma_wait3A_257] : memref<2x8x16x128xf32, #tpu.memory_space<vmem>> -> memref<1x8x16x128xf32, #tpu.memory_space<vmem>>
        %dma_wait3A_259 = tpu.memref_squeeze %dma_wait3A_258 : memref<1x8x16x128xf32, #tpu.memory_space<vmem>> -> memref<8x16x128xf32, #tpu.memory_space<vmem>>
        %dma_wait3A_260 = arith.constant 0 : i32
        %dma_wait3A_261 = tpu.memref_slice %arg4[%mul3A_251, %mul3A_253, %dma_wait3A_260] : memref<200x512x128xf32, #tpu.memory_space<hbm>> -> memref<8x16x128xf32, #tpu.memory_space<hbm>>
        %dma_wait3A_262 = arith.constant 0 : i32
        %dma_wait3A_263 = tpu.memref_slice %arg4[%mul3A_251, %mul3A_253, %dma_wait3A_262] : memref<200x512x128xf32, #tpu.memory_space<hbm>> -> memref<8x16x128xf32, #tpu.memory_space<hbm>>
        %dma_wait3A_264 = arith.constant 0 : i32
        %dma_wait3A_265 = arith.constant 0 : i32
        %dma_wait3A_266 = arith.constant 0 : i32
        %dma_wait3A_267 = tpu.memref_slice %arg6[%dma_wait3A_254, %dma_wait3A_264, %dma_wait3A_265, %dma_wait3A_266] : memref<2x8x16x128xf32, #tpu.memory_space<vmem>> -> memref<1x8x16x128xf32, #tpu.memory_space<vmem>>
        %dma_wait3A_268 = tpu.memref_squeeze %dma_wait3A_267 : memref<1x8x16x128xf32, #tpu.memory_space<vmem>> -> memref<8x16x128xf32, #tpu.memory_space<vmem>>
        tpu.wait_dma2 semaphore(%arg11 : memref<!tpu.dma_semaphore, #tpu.memory_space<semaphore_mem>>) src(%dma_wait3A_268 : memref<8x16x128xf32, #tpu.memory_space<vmem>>) dst(%dma_wait3A_263 : memref<8x16x128xf32, #tpu.memory_space<hbm>>)
      } else {
      }
      %parallel_loop3A_228 = arith.constant 0 : i32
      %parallel_loop3A_229 = arith.constant 32 : i32
      %parallel_loop3A_230 = arith.constant 1 : i32
      scf.for %parallel_loop3A_250 = %parallel_loop3A_228 to %parallel_loop3A_229 step %parallel_loop3A_230  : i32 {
        %parallel_loop3A_251 = arith.constant 4 : i32
        %parallel_loop3A_252 = arith.divsi %parallel_loop3A_250, %parallel_loop3A_251 : i32
        %parallel_loop3A_253 = arith.constant 0 : i32
        %parallel_loop3A_254 = arith.cmpi sgt, %parallel_loop3A_250, %parallel_loop3A_253 : i32
        %parallel_loop3A_255 = arith.extui %parallel_loop3A_254 : i1 to i32
        %parallel_loop3A_256 = arith.constant 0 : i32
        %parallel_loop3A_257 = arith.cmpi slt, %parallel_loop3A_250, %parallel_loop3A_256 : i32
        %parallel_loop3A_258 = arith.extui %parallel_loop3A_257 : i1 to i32
        %parallel_loop3A_259 = arith.subi %parallel_loop3A_255, %parallel_loop3A_258 : i32
        %parallel_loop3A_260 = arith.constant 0 : i32
        %parallel_loop3A_261 = arith.cmpi sgt, %parallel_loop3A_251, %parallel_loop3A_260 : i32
        %parallel_loop3A_262 = arith.extui %parallel_loop3A_261 : i1 to i32
        %parallel_loop3A_263 = arith.constant 0 : i32
        %parallel_loop3A_264 = arith.cmpi slt, %parallel_loop3A_251, %parallel_loop3A_263 : i32
        %parallel_loop3A_265 = arith.extui %parallel_loop3A_264 : i1 to i32
        %parallel_loop3A_266 = arith.subi %parallel_loop3A_262, %parallel_loop3A_265 : i32
        %parallel_loop3A_267 = arith.cmpi ne, %parallel_loop3A_259, %parallel_loop3A_266 : i32
        %parallel_loop3A_268 = arith.remsi %parallel_loop3A_250, %parallel_loop3A_251 : i32
        %parallel_loop3A_269 = arith.constant 0 : i32
        %parallel_loop3A_270 = arith.cmpi ne, %parallel_loop3A_268, %parallel_loop3A_269 : i32
        %parallel_loop3A_271 = arith.andi %parallel_loop3A_267, %parallel_loop3A_270 : i1
        %parallel_loop3A_272 = arith.constant 1 : i32
        %parallel_loop3A_273 = arith.subi %parallel_loop3A_252, %parallel_loop3A_272 : i32
        %parallel_loop3A_274 = arith.select %parallel_loop3A_271, %parallel_loop3A_273, %parallel_loop3A_252 : i32
        %parallel_loop3A_275 = arith.constant 4 : i32
        %parallel_loop3A_276 = arith.muli %parallel_loop3A_274, %parallel_loop3A_275 : i32
        %parallel_loop3A_277 = arith.subi %parallel_loop3A_250, %parallel_loop3A_276 : i32
        %parallel_loop3A_278 = arith.constant 1 : i32
        %parallel_loop3A_279 = arith.index_cast %parallel_loop3A_278 : i32 to index
        %parallel_loop3A_280 = arith.index_cast %parallel_loop3A_277 : i32 to index
        %parallel_loop3A_281 = arith.index_cast %parallel_loop3A_274 : i32 to index
        %parallel_loop3A_282 = arith.constant 0 : index
        %parallel_loop3A_283 = tpu.vector_load %arg5[%parallel_loop3A_279, %parallel_loop3A_280, %parallel_loop3A_281, %parallel_loop3A_282] {strides = array<i32>} : memref<2x4x8x128xi32, #tpu.memory_space<vmem>>, vector<16xi32>,
        %parallel_loop3A_284 = arith.constant 0 : i32
        %parallel_loop3A_285 = vector.broadcast %parallel_loop3A_284 : i32 to vector<16xi32>
        %parallel_loop3A_286 = arith.addi %parallel_loop3A_283, %parallel_loop3A_285 : vector<16xi32>
        %parallel_loop3A_287 = tpu.vector_load_idx %arg7[%parallel_loop3A_286] : memref<32xf32, #tpu.memory_space<vmem>>[vector<16xi32>], vector<16xf32>,
        %parallel_loop3A_288 = arith.constant 4 : i32
        %parallel_loop3A_289 = arith.muli %parallel_loop3A_277, %parallel_loop3A_288 : i32
        %parallel_loop3A_290 = arith.constant 0 : i32
        %parallel_loop3A_291 = arith.addi %parallel_loop3A_289, %parallel_loop3A_290 : i32
        %parallel_loop3A_292 = arith.constant 1 : i32
        %parallel_loop3A_293 = arith.index_cast %parallel_loop3A_292 : i32 to index
        %parallel_loop3A_294 = arith.index_cast %parallel_loop3A_274 : i32 to index
        %parallel_loop3A_295 = arith.index_cast %parallel_loop3A_291 : i32 to index
        %parallel_loop3A_296 = arith.constant 0 : index
        %parallel_loop3A_297 = tpu.vector_load %arg6[%parallel_loop3A_293, %parallel_loop3A_294, %parallel_loop3A_295, %parallel_loop3A_296] {strides = array<i32>} : memref<2x8x16x128xf32, #tpu.memory_space<vmem>>, vector<16xf32>,
        tpu.vector_store %arg6[%parallel_loop3A_293, %parallel_loop3A_294, %parallel_loop3A_295, %parallel_loop3A_296], %parallel_loop3A_287 {strides = array<i32>} : memref<2x8x16x128xf32, #tpu.memory_space<vmem>>, vector<16xf32>,
        %parallel_loop3A_298 = arith.constant 6 : i32
        %parallel_loop3A_299 = vector.broadcast %parallel_loop3A_298 : i32 to vector<16xi32>
        %parallel_loop3A_300 = arith.addi %parallel_loop3A_283, %parallel_loop3A_299 : vector<16xi32>
        %parallel_loop3A_301 = tpu.vector_load_idx %arg7[%parallel_loop3A_300] : memref<32xf32, #tpu.memory_space<vmem>>[vector<16xi32>], vector<16xf32>,
        %parallel_loop3A_302 = arith.constant 4 : i32
        %parallel_loop3A_303 = arith.muli %parallel_loop3A_277, %parallel_loop3A_302 : i32
        %parallel_loop3A_304 = arith.constant 1 : i32
        %parallel_loop3A_305 = arith.addi %parallel_loop3A_303, %parallel_loop3A_304 : i32
        %parallel_loop3A_306 = arith.constant 1 : i32
        %parallel_loop3A_307 = arith.index_cast %parallel_loop3A_306 : i32 to index
        %parallel_loop3A_308 = arith.index_cast %parallel_loop3A_274 : i32 to index
        %parallel_loop3A_309 = arith.index_cast %parallel_loop3A_305 : i32 to index
        %parallel_loop3A_310 = arith.constant 0 : index
        %parallel_loop3A_311 = tpu.vector_load %arg6[%parallel_loop3A_307, %parallel_loop3A_308, %parallel_loop3A_309, %parallel_loop3A_310] {strides = array<i32>} : memref<2x8x16x128xf32, #tpu.memory_space<vmem>>, vector<16xf32>,
        tpu.vector_store %arg6[%parallel_loop3A_307, %parallel_loop3A_308, %parallel_loop3A_309, %parallel_loop3A_310], %parallel_loop3A_301 {strides = array<i32>} : memref<2x8x16x128xf32, #tpu.memory_space<vmem>>, vector<16xf32>,
        %parallel_loop3A_312 = arith.constant 12 : i32
        %parallel_loop3A_313 = vector.broadcast %parallel_loop3A_312 : i32 to vector<16xi32>
        %parallel_loop3A_314 = arith.addi %parallel_loop3A_283, %parallel_loop3A_313 : vector<16xi32>
        %parallel_loop3A_315 = tpu.vector_load_idx %arg7[%parallel_loop3A_314] : memref<32xf32, #tpu.memory_space<vmem>>[vector<16xi32>], vector<16xf32>,
        %parallel_loop3A_316 = arith.constant 4 : i32
        %parallel_loop3A_317 = arith.muli %parallel_loop3A_277, %parallel_loop3A_316 : i32
        %parallel_loop3A_318 = arith.constant 2 : i32
        %parallel_loop3A_319 = arith.addi %parallel_loop3A_317, %parallel_loop3A_318 : i32
        %parallel_loop3A_320 = arith.constant 1 : i32
        %parallel_loop3A_321 = arith.index_cast %parallel_loop3A_320 : i32 to index
        %parallel_loop3A_322 = arith.index_cast %parallel_loop3A_274 : i32 to index
        %parallel_loop3A_323 = arith.index_cast %parallel_loop3A_319 : i32 to index
        %parallel_loop3A_324 = arith.constant 0 : index
        %parallel_loop3A_325 = tpu.vector_load %arg6[%parallel_loop3A_321, %parallel_loop3A_322, %parallel_loop3A_323, %parallel_loop3A_324] {strides = array<i32>} : memref<2x8x16x128xf32, #tpu.memory_space<vmem>>, vector<16xf32>,
        tpu.vector_store %arg6[%parallel_loop3A_321, %parallel_loop3A_322, %parallel_loop3A_323, %parallel_loop3A_324], %parallel_loop3A_315 {strides = array<i32>} : memref<2x8x16x128xf32, #tpu.memory_space<vmem>>, vector<16xf32>,
        %parallel_loop3A_326 = arith.constant 18 : i32
        %parallel_loop3A_327 = vector.broadcast %parallel_loop3A_326 : i32 to vector<16xi32>
        %parallel_loop3A_328 = arith.addi %parallel_loop3A_283, %parallel_loop3A_327 : vector<16xi32>
        %parallel_loop3A_329 = tpu.vector_load_idx %arg7[%parallel_loop3A_328] : memref<32xf32, #tpu.memory_space<vmem>>[vector<16xi32>], vector<16xf32>,
        %parallel_loop3A_330 = arith.constant 4 : i32
        %parallel_loop3A_331 = arith.muli %parallel_loop3A_277, %parallel_loop3A_330 : i32
        %parallel_loop3A_332 = arith.constant 3 : i32
        %parallel_loop3A_333 = arith.addi %parallel_loop3A_331, %parallel_loop3A_332 : i32
        %parallel_loop3A_334 = arith.constant 1 : i32
        %parallel_loop3A_335 = arith.index_cast %parallel_loop3A_334 : i32 to index
        %parallel_loop3A_336 = arith.index_cast %parallel_loop3A_274 : i32 to index
        %parallel_loop3A_337 = arith.index_cast %parallel_loop3A_333 : i32 to index
        %parallel_loop3A_338 = arith.constant 0 : index
        %parallel_loop3A_339 = tpu.vector_load %arg6[%parallel_loop3A_335, %parallel_loop3A_336, %parallel_loop3A_337, %parallel_loop3A_338] {strides = array<i32>} : memref<2x8x16x128xf32, #tpu.memory_space<vmem>>, vector<16xf32>,
        tpu.vector_store %arg6[%parallel_loop3A_335, %parallel_loop3A_336, %parallel_loop3A_337, %parallel_loop3A_338], %parallel_loop3A_329 {strides = array<i32>} : memref<2x8x16x128xf32, #tpu.memory_space<vmem>>, vector<16xf32>,
        %parallel_loop3A_340 = arith.constant 1 : i32
        %parallel_loop3A_341 = arith.index_cast %parallel_loop3A_340 : i32 to index
        %parallel_loop3A_342 = arith.index_cast %parallel_loop3A_277 : i32 to index
        %parallel_loop3A_343 = arith.index_cast %parallel_loop3A_274 : i32 to index
        %parallel_loop3A_344 = arith.constant 16 : index
        %parallel_loop3A_345 = tpu.vector_load %arg5[%parallel_loop3A_341, %parallel_loop3A_342, %parallel_loop3A_343, %parallel_loop3A_344] {strides = array<i32>} : memref<2x4x8x128xi32, #tpu.memory_space<vmem>>, vector<16xi32>,
        %parallel_loop3A_346 = arith.constant 0 : i32
        %parallel_loop3A_347 = vector.broadcast %parallel_loop3A_346 : i32 to vector<16xi32>
        %parallel_loop3A_348 = arith.addi %parallel_loop3A_345, %parallel_loop3A_347 : vector<16xi32>
        %parallel_loop3A_349 = tpu.vector_load_idx %arg7[%parallel_loop3A_348] : memref<32xf32, #tpu.memory_space<vmem>>[vector<16xi32>], vector<16xf32>,
        %parallel_loop3A_350 = arith.constant 4 : i32
        %parallel_loop3A_351 = arith.muli %parallel_loop3A_277, %parallel_loop3A_350 : i32
        %parallel_loop3A_352 = arith.constant 0 : i32
        %parallel_loop3A_353 = arith.addi %parallel_loop3A_351, %parallel_loop3A_352 : i32
        %parallel_loop3A_354 = arith.constant 1 : i32
        %parallel_loop3A_355 = arith.index_cast %parallel_loop3A_354 : i32 to index
        %parallel_loop3A_356 = arith.index_cast %parallel_loop3A_274 : i32 to index
        %parallel_loop3A_357 = arith.index_cast %parallel_loop3A_353 : i32 to index
        %parallel_loop3A_358 = arith.constant 16 : index
        %parallel_loop3A_359 = tpu.vector_load %arg6[%parallel_loop3A_355, %parallel_loop3A_356, %parallel_loop3A_357, %parallel_loop3A_358] {strides = array<i32>} : memref<2x8x16x128xf32, #tpu.memory_space<vmem>>, vector<16xf32>,
        tpu.vector_store %arg6[%parallel_loop3A_355, %parallel_loop3A_356, %parallel_loop3A_357, %parallel_loop3A_358], %parallel_loop3A_349 {strides = array<i32>} : memref<2x8x16x128xf32, #tpu.memory_space<vmem>>, vector<16xf32>,
        %parallel_loop3A_360 = arith.constant 6 : i32
        %parallel_loop3A_361 = vector.broadcast %parallel_loop3A_360 : i32 to vector<16xi32>
        %parallel_loop3A_362 = arith.addi %parallel_loop3A_345, %parallel_loop3A_361 : vector<16xi32>
        %parallel_loop3A_363 = tpu.vector_load_idx %arg7[%parallel_loop3A_362] : memref<32xf32, #tpu.memory_space<vmem>>[vector<16xi32>], vector<16xf32>,
        %parallel_loop3A_364 = arith.constant 4 : i32
        %parallel_loop3A_365 = arith.muli %parallel_loop3A_277, %parallel_loop3A_364 : i32
        %parallel_loop3A_366 = arith.constant 1 : i32
        %parallel_loop3A_367 = arith.addi %parallel_loop3A_365, %parallel_loop3A_366 : i32
        %parallel_loop3A_368 = arith.constant 1 : i32
        %parallel_loop3A_369 = arith.index_cast %parallel_loop3A_368 : i32 to index
        %parallel_loop3A_370 = arith.index_cast %parallel_loop3A_274 : i32 to index
        %parallel_loop3A_371 = arith.index_cast %parallel_loop3A_367 : i32 to index
        %parallel_loop3A_372 = arith.constant 16 : index
        %parallel_loop3A_373 = tpu.vector_load %arg6[%parallel_loop3A_369, %parallel_loop3A_370, %parallel_loop3A_371, %parallel_loop3A_372] {strides = array<i32>} : memref<2x8x16x128xf32, #tpu.memory_space<vmem>>, vector<16xf32>,
        tpu.vector_store %arg6[%parallel_loop3A_369, %parallel_loop3A_370, %parallel_loop3A_371, %parallel_loop3A_372], %parallel_loop3A_363 {strides = array<i32>} : memref<2x8x16x128xf32, #tpu.memory_space<vmem>>, vector<16xf32>,
        %parallel_loop3A_374 = arith.constant 12 : i32
        %parallel_loop3A_375 = vector.broadcast %parallel_loop3A_374 : i32 to vector<16xi32>
        %parallel_loop3A_376 = arith.addi %parallel_loop3A_345, %parallel_loop3A_375 : vector<16xi32>
        %parallel_loop3A_377 = tpu.vector_load_idx %arg7[%parallel_loop3A_376] : memref<32xf32, #tpu.memory_space<vmem>>[vector<16xi32>], vector<16xf32>,
        %parallel_loop3A_378 = arith.constant 4 : i32
        %parallel_loop3A_379 = arith.muli %parallel_loop3A_277, %parallel_loop3A_378 : i32
        %parallel_loop3A_380 = arith.constant 2 : i32
        %parallel_loop3A_381 = arith.addi %parallel_loop3A_379, %parallel_loop3A_380 : i32
        %parallel_loop3A_382 = arith.constant 1 : i32
        %parallel_loop3A_383 = arith.index_cast %parallel_loop3A_382 : i32 to index
        %parallel_loop3A_384 = arith.index_cast %parallel_loop3A_274 : i32 to index
        %parallel_loop3A_385 = arith.index_cast %parallel_loop3A_381 : i32 to index
        %parallel_loop3A_386 = arith.constant 16 : index
        %parallel_loop3A_387 = tpu.vector_load %arg6[%parallel_loop3A_383, %parallel_loop3A_384, %parallel_loop3A_385, %parallel_loop3A_386] {strides = array<i32>} : memref<2x8x16x128xf32, #tpu.memory_space<vmem>>, vector<16xf32>,
        tpu.vector_store %arg6[%parallel_loop3A_383, %parallel_loop3A_384, %parallel_loop3A_385, %parallel_loop3A_386], %parallel_loop3A_377 {strides = array<i32>} : memref<2x8x16x128xf32, #tpu.memory_space<vmem>>, vector<16xf32>,
        %parallel_loop3A_388 = arith.constant 18 : i32
        %parallel_loop3A_389 = vector.broadcast %parallel_loop3A_388 : i32 to vector<16xi32>
        %parallel_loop3A_390 = arith.addi %parallel_loop3A_345, %parallel_loop3A_389 : vector<16xi32>
        %parallel_loop3A_391 = tpu.vector_load_idx %arg7[%parallel_loop3A_390] : memref<32xf32, #tpu.memory_space<vmem>>[vector<16xi32>], vector<16xf32>,
        %parallel_loop3A_392 = arith.constant 4 : i32
        %parallel_loop3A_393 = arith.muli %parallel_loop3A_277, %parallel_loop3A_392 : i32
        %parallel_loop3A_394 = arith.constant 3 : i32
        %parallel_loop3A_395 = arith.addi %parallel_loop3A_393, %parallel_loop3A_394 : i32
        %parallel_loop3A_396 = arith.constant 1 : i32
        %parallel_loop3A_397 = arith.index_cast %parallel_loop3A_396 : i32 to index
        %parallel_loop3A_398 = arith.index_cast %parallel_loop3A_274 : i32 to index
        %parallel_loop3A_399 = arith.index_cast %parallel_loop3A_395 : i32 to index
        %parallel_loop3A_400 = arith.constant 16 : index
        %parallel_loop3A_401 = tpu.vector_load %arg6[%parallel_loop3A_397, %parallel_loop3A_398, %parallel_loop3A_399, %parallel_loop3A_400] {strides = array<i32>} : memref<2x8x16x128xf32, #tpu.memory_space<vmem>>, vector<16xf32>,
        tpu.vector_store %arg6[%parallel_loop3A_397, %parallel_loop3A_398, %parallel_loop3A_399, %parallel_loop3A_400], %parallel_loop3A_391 {strides = array<i32>} : memref<2x8x16x128xf32, #tpu.memory_space<vmem>>, vector<16xf32>,
        %parallel_loop3A_402 = arith.constant 1 : i32
        %parallel_loop3A_403 = arith.index_cast %parallel_loop3A_402 : i32 to index
        %parallel_loop3A_404 = arith.index_cast %parallel_loop3A_277 : i32 to index
        %parallel_loop3A_405 = arith.index_cast %parallel_loop3A_274 : i32 to index
        %parallel_loop3A_406 = arith.constant 32 : index
        %parallel_loop3A_407 = tpu.vector_load %arg5[%parallel_loop3A_403, %parallel_loop3A_404, %parallel_loop3A_405, %parallel_loop3A_406] {strides = array<i32>} : memref<2x4x8x128xi32, #tpu.memory_space<vmem>>, vector<16xi32>,
        %parallel_loop3A_408 = arith.constant 0 : i32
        %parallel_loop3A_409 = vector.broadcast %parallel_loop3A_408 : i32 to vector<16xi32>
        %parallel_loop3A_410 = arith.addi %parallel_loop3A_407, %parallel_loop3A_409 : vector<16xi32>
        %parallel_loop3A_411 = tpu.vector_load_idx %arg7[%parallel_loop3A_410] : memref<32xf32, #tpu.memory_space<vmem>>[vector<16xi32>], vector<16xf32>,
        %parallel_loop3A_412 = arith.constant 4 : i32
        %parallel_loop3A_413 = arith.muli %parallel_loop3A_277, %parallel_loop3A_412 : i32
        %parallel_loop3A_414 = arith.constant 0 : i32
        %parallel_loop3A_415 = arith.addi %parallel_loop3A_413, %parallel_loop3A_414 : i32
        %parallel_loop3A_416 = arith.constant 1 : i32
        %parallel_loop3A_417 = arith.index_cast %parallel_loop3A_416 : i32 to index
        %parallel_loop3A_418 = arith.index_cast %parallel_loop3A_274 : i32 to index
        %parallel_loop3A_419 = arith.index_cast %parallel_loop3A_415 : i32 to index
        %parallel_loop3A_420 = arith.constant 32 : index
        %parallel_loop3A_421 = tpu.vector_load %arg6[%parallel_loop3A_417, %parallel_loop3A_418, %parallel_loop3A_419, %parallel_loop3A_420] {strides = array<i32>} : memref<2x8x16x128xf32, #tpu.memory_space<vmem>>, vector<16xf32>,
        tpu.vector_store %arg6[%parallel_loop3A_417, %parallel_loop3A_418, %parallel_loop3A_419, %parallel_loop3A_420], %parallel_loop3A_411 {strides = array<i32>} : memref<2x8x16x128xf32, #tpu.memory_space<vmem>>, vector<16xf32>,
        %parallel_loop3A_422 = arith.constant 6 : i32
        %parallel_loop3A_423 = vector.broadcast %parallel_loop3A_422 : i32 to vector<16xi32>
        %parallel_loop3A_424 = arith.addi %parallel_loop3A_407, %parallel_loop3A_423 : vector<16xi32>
        %parallel_loop3A_425 = tpu.vector_load_idx %arg7[%parallel_loop3A_424] : memref<32xf32, #tpu.memory_space<vmem>>[vector<16xi32>], vector<16xf32>,
        %parallel_loop3A_426 = arith.constant 4 : i32
        %parallel_loop3A_427 = arith.muli %parallel_loop3A_277, %parallel_loop3A_426 : i32
        %parallel_loop3A_428 = arith.constant 1 : i32
        %parallel_loop3A_429 = arith.addi %parallel_loop3A_427, %parallel_loop3A_428 : i32
        %parallel_loop3A_430 = arith.constant 1 : i32
        %parallel_loop3A_431 = arith.index_cast %parallel_loop3A_430 : i32 to index
        %parallel_loop3A_432 = arith.index_cast %parallel_loop3A_274 : i32 to index
        %parallel_loop3A_433 = arith.index_cast %parallel_loop3A_429 : i32 to index
        %parallel_loop3A_434 = arith.constant 32 : index
        %parallel_loop3A_435 = tpu.vector_load %arg6[%parallel_loop3A_431, %parallel_loop3A_432, %parallel_loop3A_433, %parallel_loop3A_434] {strides = array<i32>} : memref<2x8x16x128xf32, #tpu.memory_space<vmem>>, vector<16xf32>,
        tpu.vector_store %arg6[%parallel_loop3A_431, %parallel_loop3A_432, %parallel_loop3A_433, %parallel_loop3A_434], %parallel_loop3A_425 {strides = array<i32>} : memref<2x8x16x128xf32, #tpu.memory_space<vmem>>, vector<16xf32>,
        %parallel_loop3A_436 = arith.constant 12 : i32
        %parallel_loop3A_437 = vector.broadcast %parallel_loop3A_436 : i32 to vector<16xi32>
        %parallel_loop3A_438 = arith.addi %parallel_loop3A_407, %parallel_loop3A_437 : vector<16xi32>
        %parallel_loop3A_439 = tpu.vector_load_idx %arg7[%parallel_loop3A_438] : memref<32xf32, #tpu.memory_space<vmem>>[vector<16xi32>], vector<16xf32>,
        %parallel_loop3A_440 = arith.constant 4 : i32
        %parallel_loop3A_441 = arith.muli %parallel_loop3A_277, %parallel_loop3A_440 : i32
        %parallel_loop3A_442 = arith.constant 2 : i32
        %parallel_loop3A_443 = arith.addi %parallel_loop3A_441, %parallel_loop3A_442 : i32
        %parallel_loop3A_444 = arith.constant 1 : i32
        %parallel_loop3A_445 = arith.index_cast %parallel_loop3A_444 : i32 to index
        %parallel_loop3A_446 = arith.index_cast %parallel_loop3A_274 : i32 to index
        %parallel_loop3A_447 = arith.index_cast %parallel_loop3A_443 : i32 to index
        %parallel_loop3A_448 = arith.constant 32 : index
        %parallel_loop3A_449 = tpu.vector_load %arg6[%parallel_loop3A_445, %parallel_loop3A_446, %parallel_loop3A_447, %parallel_loop3A_448] {strides = array<i32>} : memref<2x8x16x128xf32, #tpu.memory_space<vmem>>, vector<16xf32>,
        tpu.vector_store %arg6[%parallel_loop3A_445, %parallel_loop3A_446, %parallel_loop3A_447, %parallel_loop3A_448], %parallel_loop3A_439 {strides = array<i32>} : memref<2x8x16x128xf32, #tpu.memory_space<vmem>>, vector<16xf32>,
        %parallel_loop3A_450 = arith.constant 18 : i32
        %parallel_loop3A_451 = vector.broadcast %parallel_loop3A_450 : i32 to vector<16xi32>
        %parallel_loop3A_452 = arith.addi %parallel_loop3A_407, %parallel_loop3A_451 : vector<16xi32>
        %parallel_loop3A_453 = tpu.vector_load_idx %arg7[%parallel_loop3A_452] : memref<32xf32, #tpu.memory_space<vmem>>[vector<16xi32>], vector<16xf32>,
        %parallel_loop3A_454 = arith.constant 4 : i32
        %parallel_loop3A_455 = arith.muli %parallel_loop3A_277, %parallel_loop3A_454 : i32
        %parallel_loop3A_456 = arith.constant 3 : i32
        %parallel_loop3A_457 = arith.addi %parallel_loop3A_455, %parallel_loop3A_456 : i32
        %parallel_loop3A_458 = arith.constant 1 : i32
        %parallel_loop3A_459 = arith.index_cast %parallel_loop3A_458 : i32 to index
        %parallel_loop3A_460 = arith.index_cast %parallel_loop3A_274 : i32 to index
        %parallel_loop3A_461 = arith.index_cast %parallel_loop3A_457 : i32 to index
        %parallel_loop3A_462 = arith.constant 32 : index
        %parallel_loop3A_463 = tpu.vector_load %arg6[%parallel_loop3A_459, %parallel_loop3A_460, %parallel_loop3A_461, %parallel_loop3A_462] {strides = array<i32>} : memref<2x8x16x128xf32, #tpu.memory_space<vmem>>, vector<16xf32>,
        tpu.vector_store %arg6[%parallel_loop3A_459, %parallel_loop3A_460, %parallel_loop3A_461, %parallel_loop3A_462], %parallel_loop3A_453 {strides = array<i32>} : memref<2x8x16x128xf32, #tpu.memory_space<vmem>>, vector<16xf32>,
        %parallel_loop3A_464 = arith.constant 1 : i32
        %parallel_loop3A_465 = arith.index_cast %parallel_loop3A_464 : i32 to index
        %parallel_loop3A_466 = arith.index_cast %parallel_loop3A_277 : i32 to index
        %parallel_loop3A_467 = arith.index_cast %parallel_loop3A_274 : i32 to index
        %parallel_loop3A_468 = arith.constant 48 : index
        %parallel_loop3A_469 = tpu.vector_load %arg5[%parallel_loop3A_465, %parallel_loop3A_466, %parallel_loop3A_467, %parallel_loop3A_468] {strides = array<i32>} : memref<2x4x8x128xi32, #tpu.memory_space<vmem>>, vector<16xi32>,
        %parallel_loop3A_470 = arith.constant 0 : i32
        %parallel_loop3A_471 = vector.broadcast %parallel_loop3A_470 : i32 to vector<16xi32>
        %parallel_loop3A_472 = arith.addi %parallel_loop3A_469, %parallel_loop3A_471 : vector<16xi32>
        %parallel_loop3A_473 = tpu.vector_load_idx %arg7[%parallel_loop3A_472] : memref<32xf32, #tpu.memory_space<vmem>>[vector<16xi32>], vector<16xf32>,
        %parallel_loop3A_474 = arith.constant 4 : i32
        %parallel_loop3A_475 = arith.muli %parallel_loop3A_277, %parallel_loop3A_474 : i32
        %parallel_loop3A_476 = arith.constant 0 : i32
        %parallel_loop3A_477 = arith.addi %parallel_loop3A_475, %parallel_loop3A_476 : i32
        %parallel_loop3A_478 = arith.constant 1 : i32
        %parallel_loop3A_479 = arith.index_cast %parallel_loop3A_478 : i32 to index
        %parallel_loop3A_480 = arith.index_cast %parallel_loop3A_274 : i32 to index
        %parallel_loop3A_481 = arith.index_cast %parallel_loop3A_477 : i32 to index
        %parallel_loop3A_482 = arith.constant 48 : index
        %parallel_loop3A_483 = tpu.vector_load %arg6[%parallel_loop3A_479, %parallel_loop3A_480, %parallel_loop3A_481, %parallel_loop3A_482] {strides = array<i32>} : memref<2x8x16x128xf32, #tpu.memory_space<vmem>>, vector<16xf32>,
        tpu.vector_store %arg6[%parallel_loop3A_479, %parallel_loop3A_480, %parallel_loop3A_481, %parallel_loop3A_482], %parallel_loop3A_473 {strides = array<i32>} : memref<2x8x16x128xf32, #tpu.memory_space<vmem>>, vector<16xf32>,
        %parallel_loop3A_484 = arith.constant 6 : i32
        %parallel_loop3A_485 = vector.broadcast %parallel_loop3A_484 : i32 to vector<16xi32>
        %parallel_loop3A_486 = arith.addi %parallel_loop3A_469, %parallel_loop3A_485 : vector<16xi32>
        %parallel_loop3A_487 = tpu.vector_load_idx %arg7[%parallel_loop3A_486] : memref<32xf32, #tpu.memory_space<vmem>>[vector<16xi32>], vector<16xf32>,
        %parallel_loop3A_488 = arith.constant 4 : i32
        %parallel_loop3A_489 = arith.muli %parallel_loop3A_277, %parallel_loop3A_488 : i32
        %parallel_loop3A_490 = arith.constant 1 : i32
        %parallel_loop3A_491 = arith.addi %parallel_loop3A_489, %parallel_loop3A_490 : i32
        %parallel_loop3A_492 = arith.constant 1 : i32
        %parallel_loop3A_493 = arith.index_cast %parallel_loop3A_492 : i32 to index
        %parallel_loop3A_494 = arith.index_cast %parallel_loop3A_274 : i32 to index
        %parallel_loop3A_495 = arith.index_cast %parallel_loop3A_491 : i32 to index
        %parallel_loop3A_496 = arith.constant 48 : index
        %parallel_loop3A_497 = tpu.vector_load %arg6[%parallel_loop3A_493, %parallel_loop3A_494, %parallel_loop3A_495, %parallel_loop3A_496] {strides = array<i32>} : memref<2x8x16x128xf32, #tpu.memory_space<vmem>>, vector<16xf32>,
        tpu.vector_store %arg6[%parallel_loop3A_493, %parallel_loop3A_494, %parallel_loop3A_495, %parallel_loop3A_496], %parallel_loop3A_487 {strides = array<i32>} : memref<2x8x16x128xf32, #tpu.memory_space<vmem>>, vector<16xf32>,
        %parallel_loop3A_498 = arith.constant 12 : i32
        %parallel_loop3A_499 = vector.broadcast %parallel_loop3A_498 : i32 to vector<16xi32>
        %parallel_loop3A_500 = arith.addi %parallel_loop3A_469, %parallel_loop3A_499 : vector<16xi32>
        %parallel_loop3A_501 = tpu.vector_load_idx %arg7[%parallel_loop3A_500] : memref<32xf32, #tpu.memory_space<vmem>>[vector<16xi32>], vector<16xf32>,
        %parallel_loop3A_502 = arith.constant 4 : i32
        %parallel_loop3A_503 = arith.muli %parallel_loop3A_277, %parallel_loop3A_502 : i32
        %parallel_loop3A_504 = arith.constant 2 : i32
        %parallel_loop3A_505 = arith.addi %parallel_loop3A_503, %parallel_loop3A_504 : i32
        %parallel_loop3A_506 = arith.constant 1 : i32
        %parallel_loop3A_507 = arith.index_cast %parallel_loop3A_506 : i32 to index
        %parallel_loop3A_508 = arith.index_cast %parallel_loop3A_274 : i32 to index
        %parallel_loop3A_509 = arith.index_cast %parallel_loop3A_505 : i32 to index
        %parallel_loop3A_510 = arith.constant 48 : index
        %parallel_loop3A_511 = tpu.vector_load %arg6[%parallel_loop3A_507, %parallel_loop3A_508, %parallel_loop3A_509, %parallel_loop3A_510] {strides = array<i32>} : memref<2x8x16x128xf32, #tpu.memory_space<vmem>>, vector<16xf32>,
        tpu.vector_store %arg6[%parallel_loop3A_507, %parallel_loop3A_508, %parallel_loop3A_509, %parallel_loop3A_510], %parallel_loop3A_501 {strides = array<i32>} : memref<2x8x16x128xf32, #tpu.memory_space<vmem>>, vector<16xf32>,
        %parallel_loop3A_512 = arith.constant 18 : i32
        %parallel_loop3A_513 = vector.broadcast %parallel_loop3A_512 : i32 to vector<16xi32>
        %parallel_loop3A_514 = arith.addi %parallel_loop3A_469, %parallel_loop3A_513 : vector<16xi32>
        %parallel_loop3A_515 = tpu.vector_load_idx %arg7[%parallel_loop3A_514] : memref<32xf32, #tpu.memory_space<vmem>>[vector<16xi32>], vector<16xf32>,
        %parallel_loop3A_516 = arith.constant 4 : i32
        %parallel_loop3A_517 = arith.muli %parallel_loop3A_277, %parallel_loop3A_516 : i32
        %parallel_loop3A_518 = arith.constant 3 : i32
        %parallel_loop3A_519 = arith.addi %parallel_loop3A_517, %parallel_loop3A_518 : i32
        %parallel_loop3A_520 = arith.constant 1 : i32
        %parallel_loop3A_521 = arith.index_cast %parallel_loop3A_520 : i32 to index
        %parallel_loop3A_522 = arith.index_cast %parallel_loop3A_274 : i32 to index
        %parallel_loop3A_523 = arith.index_cast %parallel_loop3A_519 : i32 to index
        %parallel_loop3A_524 = arith.constant 48 : index
        %parallel_loop3A_525 = tpu.vector_load %arg6[%parallel_loop3A_521, %parallel_loop3A_522, %parallel_loop3A_523, %parallel_loop3A_524] {strides = array<i32>} : memref<2x8x16x128xf32, #tpu.memory_space<vmem>>, vector<16xf32>,
        tpu.vector_store %arg6[%parallel_loop3A_521, %parallel_loop3A_522, %parallel_loop3A_523, %parallel_loop3A_524], %parallel_loop3A_515 {strides = array<i32>} : memref<2x8x16x128xf32, #tpu.memory_space<vmem>>, vector<16xf32>,
        %parallel_loop3A_526 = arith.constant 1 : i32
        %parallel_loop3A_527 = arith.index_cast %parallel_loop3A_526 : i32 to index
        %parallel_loop3A_528 = arith.index_cast %parallel_loop3A_277 : i32 to index
        %parallel_loop3A_529 = arith.index_cast %parallel_loop3A_274 : i32 to index
        %parallel_loop3A_530 = arith.constant 64 : index
        %parallel_loop3A_531 = tpu.vector_load %arg5[%parallel_loop3A_527, %parallel_loop3A_528, %parallel_loop3A_529, %parallel_loop3A_530] {strides = array<i32>} : memref<2x4x8x128xi32, #tpu.memory_space<vmem>>, vector<16xi32>,
        %parallel_loop3A_532 = arith.constant 0 : i32
        %parallel_loop3A_533 = vector.broadcast %parallel_loop3A_532 : i32 to vector<16xi32>
        %parallel_loop3A_534 = arith.addi %parallel_loop3A_531, %parallel_loop3A_533 : vector<16xi32>
        %parallel_loop3A_535 = tpu.vector_load_idx %arg7[%parallel_loop3A_534] : memref<32xf32, #tpu.memory_space<vmem>>[vector<16xi32>], vector<16xf32>,
        %parallel_loop3A_536 = arith.constant 4 : i32
        %parallel_loop3A_537 = arith.muli %parallel_loop3A_277, %parallel_loop3A_536 : i32
        %parallel_loop3A_538 = arith.constant 0 : i32
        %parallel_loop3A_539 = arith.addi %parallel_loop3A_537, %parallel_loop3A_538 : i32
        %parallel_loop3A_540 = arith.constant 1 : i32
        %parallel_loop3A_541 = arith.index_cast %parallel_loop3A_540 : i32 to index
        %parallel_loop3A_542 = arith.index_cast %parallel_loop3A_274 : i32 to index
        %parallel_loop3A_543 = arith.index_cast %parallel_loop3A_539 : i32 to index
        %parallel_loop3A_544 = arith.constant 64 : index
        %parallel_loop3A_545 = tpu.vector_load %arg6[%parallel_loop3A_541, %parallel_loop3A_542, %parallel_loop3A_543, %parallel_loop3A_544] {strides = array<i32>} : memref<2x8x16x128xf32, #tpu.memory_space<vmem>>, vector<16xf32>,
        tpu.vector_store %arg6[%parallel_loop3A_541, %parallel_loop3A_542, %parallel_loop3A_543, %parallel_loop3A_544], %parallel_loop3A_535 {strides = array<i32>} : memref<2x8x16x128xf32, #tpu.memory_space<vmem>>, vector<16xf32>,
        %parallel_loop3A_546 = arith.constant 6 : i32
        %parallel_loop3A_547 = vector.broadcast %parallel_loop3A_546 : i32 to vector<16xi32>
        %parallel_loop3A_548 = arith.addi %parallel_loop3A_531, %parallel_loop3A_547 : vector<16xi32>
        %parallel_loop3A_549 = tpu.vector_load_idx %arg7[%parallel_loop3A_548] : memref<32xf32, #tpu.memory_space<vmem>>[vector<16xi32>], vector<16xf32>,
        %parallel_loop3A_550 = arith.constant 4 : i32
        %parallel_loop3A_551 = arith.muli %parallel_loop3A_277, %parallel_loop3A_550 : i32
        %parallel_loop3A_552 = arith.constant 1 : i32
        %parallel_loop3A_553 = arith.addi %parallel_loop3A_551, %parallel_loop3A_552 : i32
        %parallel_loop3A_554 = arith.constant 1 : i32
        %parallel_loop3A_555 = arith.index_cast %parallel_loop3A_554 : i32 to index
        %parallel_loop3A_556 = arith.index_cast %parallel_loop3A_274 : i32 to index
        %parallel_loop3A_557 = arith.index_cast %parallel_loop3A_553 : i32 to index
        %parallel_loop3A_558 = arith.constant 64 : index
        %parallel_loop3A_559 = tpu.vector_load %arg6[%parallel_loop3A_555, %parallel_loop3A_556, %parallel_loop3A_557, %parallel_loop3A_558] {strides = array<i32>} : memref<2x8x16x128xf32, #tpu.memory_space<vmem>>, vector<16xf32>,
        tpu.vector_store %arg6[%parallel_loop3A_555, %parallel_loop3A_556, %parallel_loop3A_557, %parallel_loop3A_558], %parallel_loop3A_549 {strides = array<i32>} : memref<2x8x16x128xf32, #tpu.memory_space<vmem>>, vector<16xf32>,
        %parallel_loop3A_560 = arith.constant 12 : i32
        %parallel_loop3A_561 = vector.broadcast %parallel_loop3A_560 : i32 to vector<16xi32>
        %parallel_loop3A_562 = arith.addi %parallel_loop3A_531, %parallel_loop3A_561 : vector<16xi32>
        %parallel_loop3A_563 = tpu.vector_load_idx %arg7[%parallel_loop3A_562] : memref<32xf32, #tpu.memory_space<vmem>>[vector<16xi32>], vector<16xf32>,
        %parallel_loop3A_564 = arith.constant 4 : i32
        %parallel_loop3A_565 = arith.muli %parallel_loop3A_277, %parallel_loop3A_564 : i32
        %parallel_loop3A_566 = arith.constant 2 : i32
        %parallel_loop3A_567 = arith.addi %parallel_loop3A_565, %parallel_loop3A_566 : i32
        %parallel_loop3A_568 = arith.constant 1 : i32
        %parallel_loop3A_569 = arith.index_cast %parallel_loop3A_568 : i32 to index
        %parallel_loop3A_570 = arith.index_cast %parallel_loop3A_274 : i32 to index
        %parallel_loop3A_571 = arith.index_cast %parallel_loop3A_567 : i32 to index
        %parallel_loop3A_572 = arith.constant 64 : index
        %parallel_loop3A_573 = tpu.vector_load %arg6[%parallel_loop3A_569, %parallel_loop3A_570, %parallel_loop3A_571, %parallel_loop3A_572] {strides = array<i32>} : memref<2x8x16x128xf32, #tpu.memory_space<vmem>>, vector<16xf32>,
        tpu.vector_store %arg6[%parallel_loop3A_569, %parallel_loop3A_570, %parallel_loop3A_571, %parallel_loop3A_572], %parallel_loop3A_563 {strides = array<i32>} : memref<2x8x16x128xf32, #tpu.memory_space<vmem>>, vector<16xf32>,
        %parallel_loop3A_574 = arith.constant 18 : i32
        %parallel_loop3A_575 = vector.broadcast %parallel_loop3A_574 : i32 to vector<16xi32>
        %parallel_loop3A_576 = arith.addi %parallel_loop3A_531, %parallel_loop3A_575 : vector<16xi32>
        %parallel_loop3A_577 = tpu.vector_load_idx %arg7[%parallel_loop3A_576] : memref<32xf32, #tpu.memory_space<vmem>>[vector<16xi32>], vector<16xf32>,
        %parallel_loop3A_578 = arith.constant 4 : i32
        %parallel_loop3A_579 = arith.muli %parallel_loop3A_277, %parallel_loop3A_578 : i32
        %parallel_loop3A_580 = arith.constant 3 : i32
        %parallel_loop3A_581 = arith.addi %parallel_loop3A_579, %parallel_loop3A_580 : i32
        %parallel_loop3A_582 = arith.constant 1 : i32
        %parallel_loop3A_583 = arith.index_cast %parallel_loop3A_582 : i32 to index
        %parallel_loop3A_584 = arith.index_cast %parallel_loop3A_274 : i32 to index
        %parallel_loop3A_585 = arith.index_cast %parallel_loop3A_581 : i32 to index
        %parallel_loop3A_586 = arith.constant 64 : index
        %parallel_loop3A_587 = tpu.vector_load %arg6[%parallel_loop3A_583, %parallel_loop3A_584, %parallel_loop3A_585, %parallel_loop3A_586] {strides = array<i32>} : memref<2x8x16x128xf32, #tpu.memory_space<vmem>>, vector<16xf32>,
        tpu.vector_store %arg6[%parallel_loop3A_583, %parallel_loop3A_584, %parallel_loop3A_585, %parallel_loop3A_586], %parallel_loop3A_577 {strides = array<i32>} : memref<2x8x16x128xf32, #tpu.memory_space<vmem>>, vector<16xf32>,
        %parallel_loop3A_588 = arith.constant 1 : i32
        %parallel_loop3A_589 = arith.index_cast %parallel_loop3A_588 : i32 to index
        %parallel_loop3A_590 = arith.index_cast %parallel_loop3A_277 : i32 to index
        %parallel_loop3A_591 = arith.index_cast %parallel_loop3A_274 : i32 to index
        %parallel_loop3A_592 = arith.constant 80 : index
        %parallel_loop3A_593 = tpu.vector_load %arg5[%parallel_loop3A_589, %parallel_loop3A_590, %parallel_loop3A_591, %parallel_loop3A_592] {strides = array<i32>} : memref<2x4x8x128xi32, #tpu.memory_space<vmem>>, vector<16xi32>,
        %parallel_loop3A_594 = arith.constant 0 : i32
        %parallel_loop3A_595 = vector.broadcast %parallel_loop3A_594 : i32 to vector<16xi32>
        %parallel_loop3A_596 = arith.addi %parallel_loop3A_593, %parallel_loop3A_595 : vector<16xi32>
        %parallel_loop3A_597 = tpu.vector_load_idx %arg7[%parallel_loop3A_596] : memref<32xf32, #tpu.memory_space<vmem>>[vector<16xi32>], vector<16xf32>,
        %parallel_loop3A_598 = arith.constant 4 : i32
        %parallel_loop3A_599 = arith.muli %parallel_loop3A_277, %parallel_loop3A_598 : i32
        %parallel_loop3A_600 = arith.constant 0 : i32
        %parallel_loop3A_601 = arith.addi %parallel_loop3A_599, %parallel_loop3A_600 : i32
        %parallel_loop3A_602 = arith.constant 1 : i32
        %parallel_loop3A_603 = arith.index_cast %parallel_loop3A_602 : i32 to index
        %parallel_loop3A_604 = arith.index_cast %parallel_loop3A_274 : i32 to index
        %parallel_loop3A_605 = arith.index_cast %parallel_loop3A_601 : i32 to index
        %parallel_loop3A_606 = arith.constant 80 : index
        %parallel_loop3A_607 = tpu.vector_load %arg6[%parallel_loop3A_603, %parallel_loop3A_604, %parallel_loop3A_605, %parallel_loop3A_606] {strides = array<i32>} : memref<2x8x16x128xf32, #tpu.memory_space<vmem>>, vector<16xf32>,
        tpu.vector_store %arg6[%parallel_loop3A_603, %parallel_loop3A_604, %parallel_loop3A_605, %parallel_loop3A_606], %parallel_loop3A_597 {strides = array<i32>} : memref<2x8x16x128xf32, #tpu.memory_space<vmem>>, vector<16xf32>,
        %parallel_loop3A_608 = arith.constant 6 : i32
        %parallel_loop3A_609 = vector.broadcast %parallel_loop3A_608 : i32 to vector<16xi32>
        %parallel_loop3A_610 = arith.addi %parallel_loop3A_593, %parallel_loop3A_609 : vector<16xi32>
        %parallel_loop3A_611 = tpu.vector_load_idx %arg7[%parallel_loop3A_610] : memref<32xf32, #tpu.memory_space<vmem>>[vector<16xi32>], vector<16xf32>,
        %parallel_loop3A_612 = arith.constant 4 : i32
        %parallel_loop3A_613 = arith.muli %parallel_loop3A_277, %parallel_loop3A_612 : i32
        %parallel_loop3A_614 = arith.constant 1 : i32
        %parallel_loop3A_615 = arith.addi %parallel_loop3A_613, %parallel_loop3A_614 : i32
        %parallel_loop3A_616 = arith.constant 1 : i32
        %parallel_loop3A_617 = arith.index_cast %parallel_loop3A_616 : i32 to index
        %parallel_loop3A_618 = arith.index_cast %parallel_loop3A_274 : i32 to index
        %parallel_loop3A_619 = arith.index_cast %parallel_loop3A_615 : i32 to index
        %parallel_loop3A_620 = arith.constant 80 : index
        %parallel_loop3A_621 = tpu.vector_load %arg6[%parallel_loop3A_617, %parallel_loop3A_618, %parallel_loop3A_619, %parallel_loop3A_620] {strides = array<i32>} : memref<2x8x16x128xf32, #tpu.memory_space<vmem>>, vector<16xf32>,
        tpu.vector_store %arg6[%parallel_loop3A_617, %parallel_loop3A_618, %parallel_loop3A_619, %parallel_loop3A_620], %parallel_loop3A_611 {strides = array<i32>} : memref<2x8x16x128xf32, #tpu.memory_space<vmem>>, vector<16xf32>,
        %parallel_loop3A_622 = arith.constant 12 : i32
        %parallel_loop3A_623 = vector.broadcast %parallel_loop3A_622 : i32 to vector<16xi32>
        %parallel_loop3A_624 = arith.addi %parallel_loop3A_593, %parallel_loop3A_623 : vector<16xi32>
        %parallel_loop3A_625 = tpu.vector_load_idx %arg7[%parallel_loop3A_624] : memref<32xf32, #tpu.memory_space<vmem>>[vector<16xi32>], vector<16xf32>,
        %parallel_loop3A_626 = arith.constant 4 : i32
        %parallel_loop3A_627 = arith.muli %parallel_loop3A_277, %parallel_loop3A_626 : i32
        %parallel_loop3A_628 = arith.constant 2 : i32
        %parallel_loop3A_629 = arith.addi %parallel_loop3A_627, %parallel_loop3A_628 : i32
        %parallel_loop3A_630 = arith.constant 1 : i32
        %parallel_loop3A_631 = arith.index_cast %parallel_loop3A_630 : i32 to index
        %parallel_loop3A_632 = arith.index_cast %parallel_loop3A_274 : i32 to index
        %parallel_loop3A_633 = arith.index_cast %parallel_loop3A_629 : i32 to index
        %parallel_loop3A_634 = arith.constant 80 : index
        %parallel_loop3A_635 = tpu.vector_load %arg6[%parallel_loop3A_631, %parallel_loop3A_632, %parallel_loop3A_633, %parallel_loop3A_634] {strides = array<i32>} : memref<2x8x16x128xf32, #tpu.memory_space<vmem>>, vector<16xf32>,
        tpu.vector_store %arg6[%parallel_loop3A_631, %parallel_loop3A_632, %parallel_loop3A_633, %parallel_loop3A_634], %parallel_loop3A_625 {strides = array<i32>} : memref<2x8x16x128xf32, #tpu.memory_space<vmem>>, vector<16xf32>,
        %parallel_loop3A_636 = arith.constant 18 : i32
        %parallel_loop3A_637 = vector.broadcast %parallel_loop3A_636 : i32 to vector<16xi32>
        %parallel_loop3A_638 = arith.addi %parallel_loop3A_593, %parallel_loop3A_637 : vector<16xi32>
        %parallel_loop3A_639 = tpu.vector_load_idx %arg7[%parallel_loop3A_638] : memref<32xf32, #tpu.memory_space<vmem>>[vector<16xi32>], vector<16xf32>,
        %parallel_loop3A_640 = arith.constant 4 : i32
        %parallel_loop3A_641 = arith.muli %parallel_loop3A_277, %parallel_loop3A_640 : i32
        %parallel_loop3A_642 = arith.constant 3 : i32
        %parallel_loop3A_643 = arith.addi %parallel_loop3A_641, %parallel_loop3A_642 : i32
        %parallel_loop3A_644 = arith.constant 1 : i32
        %parallel_loop3A_645 = arith.index_cast %parallel_loop3A_644 : i32 to index
        %parallel_loop3A_646 = arith.index_cast %parallel_loop3A_274 : i32 to index
        %parallel_loop3A_647 = arith.index_cast %parallel_loop3A_643 : i32 to index
        %parallel_loop3A_648 = arith.constant 80 : index
        %parallel_loop3A_649 = tpu.vector_load %arg6[%parallel_loop3A_645, %parallel_loop3A_646, %parallel_loop3A_647, %parallel_loop3A_648] {strides = array<i32>} : memref<2x8x16x128xf32, #tpu.memory_space<vmem>>, vector<16xf32>,
        tpu.vector_store %arg6[%parallel_loop3A_645, %parallel_loop3A_646, %parallel_loop3A_647, %parallel_loop3A_648], %parallel_loop3A_639 {strides = array<i32>} : memref<2x8x16x128xf32, #tpu.memory_space<vmem>>, vector<16xf32>,
        %parallel_loop3A_650 = arith.constant 1 : i32
        %parallel_loop3A_651 = arith.index_cast %parallel_loop3A_650 : i32 to index
        %parallel_loop3A_652 = arith.index_cast %parallel_loop3A_277 : i32 to index
        %parallel_loop3A_653 = arith.index_cast %parallel_loop3A_274 : i32 to index
        %parallel_loop3A_654 = arith.constant 96 : index
        %parallel_loop3A_655 = tpu.vector_load %arg5[%parallel_loop3A_651, %parallel_loop3A_652, %parallel_loop3A_653, %parallel_loop3A_654] {strides = array<i32>} : memref<2x4x8x128xi32, #tpu.memory_space<vmem>>, vector<16xi32>,
        %parallel_loop3A_656 = arith.constant 0 : i32
        %parallel_loop3A_657 = vector.broadcast %parallel_loop3A_656 : i32 to vector<16xi32>
        %parallel_loop3A_658 = arith.addi %parallel_loop3A_655, %parallel_loop3A_657 : vector<16xi32>
        %parallel_loop3A_659 = tpu.vector_load_idx %arg7[%parallel_loop3A_658] : memref<32xf32, #tpu.memory_space<vmem>>[vector<16xi32>], vector<16xf32>,
        %parallel_loop3A_660 = arith.constant 4 : i32
        %parallel_loop3A_661 = arith.muli %parallel_loop3A_277, %parallel_loop3A_660 : i32
        %parallel_loop3A_662 = arith.constant 0 : i32
        %parallel_loop3A_663 = arith.addi %parallel_loop3A_661, %parallel_loop3A_662 : i32
        %parallel_loop3A_664 = arith.constant 1 : i32
        %parallel_loop3A_665 = arith.index_cast %parallel_loop3A_664 : i32 to index
        %parallel_loop3A_666 = arith.index_cast %parallel_loop3A_274 : i32 to index
        %parallel_loop3A_667 = arith.index_cast %parallel_loop3A_663 : i32 to index
        %parallel_loop3A_668 = arith.constant 96 : index
        %parallel_loop3A_669 = tpu.vector_load %arg6[%parallel_loop3A_665, %parallel_loop3A_666, %parallel_loop3A_667, %parallel_loop3A_668] {strides = array<i32>} : memref<2x8x16x128xf32, #tpu.memory_space<vmem>>, vector<16xf32>,
        tpu.vector_store %arg6[%parallel_loop3A_665, %parallel_loop3A_666, %parallel_loop3A_667, %parallel_loop3A_668], %parallel_loop3A_659 {strides = array<i32>} : memref<2x8x16x128xf32, #tpu.memory_space<vmem>>, vector<16xf32>,
        %parallel_loop3A_670 = arith.constant 6 : i32
        %parallel_loop3A_671 = vector.broadcast %parallel_loop3A_670 : i32 to vector<16xi32>
        %parallel_loop3A_672 = arith.addi %parallel_loop3A_655, %parallel_loop3A_671 : vector<16xi32>
        %parallel_loop3A_673 = tpu.vector_load_idx %arg7[%parallel_loop3A_672] : memref<32xf32, #tpu.memory_space<vmem>>[vector<16xi32>], vector<16xf32>,
        %parallel_loop3A_674 = arith.constant 4 : i32
        %parallel_loop3A_675 = arith.muli %parallel_loop3A_277, %parallel_loop3A_674 : i32
        %parallel_loop3A_676 = arith.constant 1 : i32
        %parallel_loop3A_677 = arith.addi %parallel_loop3A_675, %parallel_loop3A_676 : i32
        %parallel_loop3A_678 = arith.constant 1 : i32
        %parallel_loop3A_679 = arith.index_cast %parallel_loop3A_678 : i32 to index
        %parallel_loop3A_680 = arith.index_cast %parallel_loop3A_274 : i32 to index
        %parallel_loop3A_681 = arith.index_cast %parallel_loop3A_677 : i32 to index
        %parallel_loop3A_682 = arith.constant 96 : index
        %parallel_loop3A_683 = tpu.vector_load %arg6[%parallel_loop3A_679, %parallel_loop3A_680, %parallel_loop3A_681, %parallel_loop3A_682] {strides = array<i32>} : memref<2x8x16x128xf32, #tpu.memory_space<vmem>>, vector<16xf32>,
        tpu.vector_store %arg6[%parallel_loop3A_679, %parallel_loop3A_680, %parallel_loop3A_681, %parallel_loop3A_682], %parallel_loop3A_673 {strides = array<i32>} : memref<2x8x16x128xf32, #tpu.memory_space<vmem>>, vector<16xf32>,
        %parallel_loop3A_684 = arith.constant 12 : i32
        %parallel_loop3A_685 = vector.broadcast %parallel_loop3A_684 : i32 to vector<16xi32>
        %parallel_loop3A_686 = arith.addi %parallel_loop3A_655, %parallel_loop3A_685 : vector<16xi32>
        %parallel_loop3A_687 = tpu.vector_load_idx %arg7[%parallel_loop3A_686] : memref<32xf32, #tpu.memory_space<vmem>>[vector<16xi32>], vector<16xf32>,
        %parallel_loop3A_688 = arith.constant 4 : i32
        %parallel_loop3A_689 = arith.muli %parallel_loop3A_277, %parallel_loop3A_688 : i32
        %parallel_loop3A_690 = arith.constant 2 : i32
        %parallel_loop3A_691 = arith.addi %parallel_loop3A_689, %parallel_loop3A_690 : i32
        %parallel_loop3A_692 = arith.constant 1 : i32
        %parallel_loop3A_693 = arith.index_cast %parallel_loop3A_692 : i32 to index
        %parallel_loop3A_694 = arith.index_cast %parallel_loop3A_274 : i32 to index
        %parallel_loop3A_695 = arith.index_cast %parallel_loop3A_691 : i32 to index
        %parallel_loop3A_696 = arith.constant 96 : index
        %parallel_loop3A_697 = tpu.vector_load %arg6[%parallel_loop3A_693, %parallel_loop3A_694, %parallel_loop3A_695, %parallel_loop3A_696] {strides = array<i32>} : memref<2x8x16x128xf32, #tpu.memory_space<vmem>>, vector<16xf32>,
        tpu.vector_store %arg6[%parallel_loop3A_693, %parallel_loop3A_694, %parallel_loop3A_695, %parallel_loop3A_696], %parallel_loop3A_687 {strides = array<i32>} : memref<2x8x16x128xf32, #tpu.memory_space<vmem>>, vector<16xf32>,
        %parallel_loop3A_698 = arith.constant 18 : i32
        %parallel_loop3A_699 = vector.broadcast %parallel_loop3A_698 : i32 to vector<16xi32>
        %parallel_loop3A_700 = arith.addi %parallel_loop3A_655, %parallel_loop3A_699 : vector<16xi32>
        %parallel_loop3A_701 = tpu.vector_load_idx %arg7[%parallel_loop3A_700] : memref<32xf32, #tpu.memory_space<vmem>>[vector<16xi32>], vector<16xf32>,
        %parallel_loop3A_702 = arith.constant 4 : i32
        %parallel_loop3A_703 = arith.muli %parallel_loop3A_277, %parallel_loop3A_702 : i32
        %parallel_loop3A_704 = arith.constant 3 : i32
        %parallel_loop3A_705 = arith.addi %parallel_loop3A_703, %parallel_loop3A_704 : i32
        %parallel_loop3A_706 = arith.constant 1 : i32
        %parallel_loop3A_707 = arith.index_cast %parallel_loop3A_706 : i32 to index
        %parallel_loop3A_708 = arith.index_cast %parallel_loop3A_274 : i32 to index
        %parallel_loop3A_709 = arith.index_cast %parallel_loop3A_705 : i32 to index
        %parallel_loop3A_710 = arith.constant 96 : index
        %parallel_loop3A_711 = tpu.vector_load %arg6[%parallel_loop3A_707, %parallel_loop3A_708, %parallel_loop3A_709, %parallel_loop3A_710] {strides = array<i32>} : memref<2x8x16x128xf32, #tpu.memory_space<vmem>>, vector<16xf32>,
        tpu.vector_store %arg6[%parallel_loop3A_707, %parallel_loop3A_708, %parallel_loop3A_709, %parallel_loop3A_710], %parallel_loop3A_701 {strides = array<i32>} : memref<2x8x16x128xf32, #tpu.memory_space<vmem>>, vector<16xf32>,
        %parallel_loop3A_712 = arith.constant 1 : i32
        %parallel_loop3A_713 = arith.index_cast %parallel_loop3A_712 : i32 to index
        %parallel_loop3A_714 = arith.index_cast %parallel_loop3A_277 : i32 to index
        %parallel_loop3A_715 = arith.index_cast %parallel_loop3A_274 : i32 to index
        %parallel_loop3A_716 = arith.constant 112 : index
        %parallel_loop3A_717 = tpu.vector_load %arg5[%parallel_loop3A_713, %parallel_loop3A_714, %parallel_loop3A_715, %parallel_loop3A_716] {strides = array<i32>} : memref<2x4x8x128xi32, #tpu.memory_space<vmem>>, vector<16xi32>,
        %parallel_loop3A_718 = arith.constant 0 : i32
        %parallel_loop3A_719 = vector.broadcast %parallel_loop3A_718 : i32 to vector<16xi32>
        %parallel_loop3A_720 = arith.addi %parallel_loop3A_717, %parallel_loop3A_719 : vector<16xi32>
        %parallel_loop3A_721 = tpu.vector_load_idx %arg7[%parallel_loop3A_720] : memref<32xf32, #tpu.memory_space<vmem>>[vector<16xi32>], vector<16xf32>,
        %parallel_loop3A_722 = arith.constant 4 : i32
        %parallel_loop3A_723 = arith.muli %parallel_loop3A_277, %parallel_loop3A_722 : i32
        %parallel_loop3A_724 = arith.constant 0 : i32
        %parallel_loop3A_725 = arith.addi %parallel_loop3A_723, %parallel_loop3A_724 : i32
        %parallel_loop3A_726 = arith.constant 1 : i32
        %parallel_loop3A_727 = arith.index_cast %parallel_loop3A_726 : i32 to index
        %parallel_loop3A_728 = arith.index_cast %parallel_loop3A_274 : i32 to index
        %parallel_loop3A_729 = arith.index_cast %parallel_loop3A_725 : i32 to index
        %parallel_loop3A_730 = arith.constant 112 : index
        %parallel_loop3A_731 = tpu.vector_load %arg6[%parallel_loop3A_727, %parallel_loop3A_728, %parallel_loop3A_729, %parallel_loop3A_730] {strides = array<i32>} : memref<2x8x16x128xf32, #tpu.memory_space<vmem>>, vector<16xf32>,
        tpu.vector_store %arg6[%parallel_loop3A_727, %parallel_loop3A_728, %parallel_loop3A_729, %parallel_loop3A_730], %parallel_loop3A_721 {strides = array<i32>} : memref<2x8x16x128xf32, #tpu.memory_space<vmem>>, vector<16xf32>,
        %parallel_loop3A_732 = arith.constant 6 : i32
        %parallel_loop3A_733 = vector.broadcast %parallel_loop3A_732 : i32 to vector<16xi32>
        %parallel_loop3A_734 = arith.addi %parallel_loop3A_717, %parallel_loop3A_733 : vector<16xi32>
        %parallel_loop3A_735 = tpu.vector_load_idx %arg7[%parallel_loop3A_734] : memref<32xf32, #tpu.memory_space<vmem>>[vector<16xi32>], vector<16xf32>,
        %parallel_loop3A_736 = arith.constant 4 : i32
        %parallel_loop3A_737 = arith.muli %parallel_loop3A_277, %parallel_loop3A_736 : i32
        %parallel_loop3A_738 = arith.constant 1 : i32
        %parallel_loop3A_739 = arith.addi %parallel_loop3A_737, %parallel_loop3A_738 : i32
        %parallel_loop3A_740 = arith.constant 1 : i32
        %parallel_loop3A_741 = arith.index_cast %parallel_loop3A_740 : i32 to index
        %parallel_loop3A_742 = arith.index_cast %parallel_loop3A_274 : i32 to index
        %parallel_loop3A_743 = arith.index_cast %parallel_loop3A_739 : i32 to index
        %parallel_loop3A_744 = arith.constant 112 : index
        %parallel_loop3A_745 = tpu.vector_load %arg6[%parallel_loop3A_741, %parallel_loop3A_742, %parallel_loop3A_743, %parallel_loop3A_744] {strides = array<i32>} : memref<2x8x16x128xf32, #tpu.memory_space<vmem>>, vector<16xf32>,
        tpu.vector_store %arg6[%parallel_loop3A_741, %parallel_loop3A_742, %parallel_loop3A_743, %parallel_loop3A_744], %parallel_loop3A_735 {strides = array<i32>} : memref<2x8x16x128xf32, #tpu.memory_space<vmem>>, vector<16xf32>,
        %parallel_loop3A_746 = arith.constant 12 : i32
        %parallel_loop3A_747 = vector.broadcast %parallel_loop3A_746 : i32 to vector<16xi32>
        %parallel_loop3A_748 = arith.addi %parallel_loop3A_717, %parallel_loop3A_747 : vector<16xi32>
        %parallel_loop3A_749 = tpu.vector_load_idx %arg7[%parallel_loop3A_748] : memref<32xf32, #tpu.memory_space<vmem>>[vector<16xi32>], vector<16xf32>,
        %parallel_loop3A_750 = arith.constant 4 : i32
        %parallel_loop3A_751 = arith.muli %parallel_loop3A_277, %parallel_loop3A_750 : i32
        %parallel_loop3A_752 = arith.constant 2 : i32
        %parallel_loop3A_753 = arith.addi %parallel_loop3A_751, %parallel_loop3A_752 : i32
        %parallel_loop3A_754 = arith.constant 1 : i32
        %parallel_loop3A_755 = arith.index_cast %parallel_loop3A_754 : i32 to index
        %parallel_loop3A_756 = arith.index_cast %parallel_loop3A_274 : i32 to index
        %parallel_loop3A_757 = arith.index_cast %parallel_loop3A_753 : i32 to index
        %parallel_loop3A_758 = arith.constant 112 : index
        %parallel_loop3A_759 = tpu.vector_load %arg6[%parallel_loop3A_755, %parallel_loop3A_756, %parallel_loop3A_757, %parallel_loop3A_758] {strides = array<i32>} : memref<2x8x16x128xf32, #tpu.memory_space<vmem>>, vector<16xf32>,
        tpu.vector_store %arg6[%parallel_loop3A_755, %parallel_loop3A_756, %parallel_loop3A_757, %parallel_loop3A_758], %parallel_loop3A_749 {strides = array<i32>} : memref<2x8x16x128xf32, #tpu.memory_space<vmem>>, vector<16xf32>,
        %parallel_loop3A_760 = arith.constant 18 : i32
        %parallel_loop3A_761 = vector.broadcast %parallel_loop3A_760 : i32 to vector<16xi32>
        %parallel_loop3A_762 = arith.addi %parallel_loop3A_717, %parallel_loop3A_761 : vector<16xi32>
        %parallel_loop3A_763 = tpu.vector_load_idx %arg7[%parallel_loop3A_762] : memref<32xf32, #tpu.memory_space<vmem>>[vector<16xi32>], vector<16xf32>,
        %parallel_loop3A_764 = arith.constant 4 : i32
        %parallel_loop3A_765 = arith.muli %parallel_loop3A_277, %parallel_loop3A_764 : i32
        %parallel_loop3A_766 = arith.constant 3 : i32
        %parallel_loop3A_767 = arith.addi %parallel_loop3A_765, %parallel_loop3A_766 : i32
        %parallel_loop3A_768 = arith.constant 1 : i32
        %parallel_loop3A_769 = arith.index_cast %parallel_loop3A_768 : i32 to index
        %parallel_loop3A_770 = arith.index_cast %parallel_loop3A_274 : i32 to index
        %parallel_loop3A_771 = arith.index_cast %parallel_loop3A_767 : i32 to index
        %parallel_loop3A_772 = arith.constant 112 : index
        %parallel_loop3A_773 = tpu.vector_load %arg6[%parallel_loop3A_769, %parallel_loop3A_770, %parallel_loop3A_771, %parallel_loop3A_772] {strides = array<i32>} : memref<2x8x16x128xf32, #tpu.memory_space<vmem>>, vector<16xf32>,
        tpu.vector_store %arg6[%parallel_loop3A_769, %parallel_loop3A_770, %parallel_loop3A_771, %parallel_loop3A_772], %parallel_loop3A_763 {strides = array<i32>} : memref<2x8x16x128xf32, #tpu.memory_space<vmem>>, vector<16xf32>,
      } {sc.loop_unroll_factor = 4 : i64, sc.parallel_access}
      %mul3A_231 = arith.constant 8 : i32
      %mul3A_232 = arith.muli %add3A_201, %mul3A_231 : i32
      %mul3A_233 = arith.constant 4 : i32
      %mul3A_234 = arith.muli %mul3A_2, %mul3A_233 : i32
      %dma_start3A_235 = arith.constant 1 : i32
      %dma_start3A_236 = arith.constant 0 : i32
      %dma_start3A_237 = arith.constant 0 : i32
      %dma_start3A_238 = arith.constant 0 : i32
      %dma_start3A_239 = tpu.memref_slice %arg6[%dma_start3A_235, %dma_start3A_236, %dma_start3A_237, %dma_start3A_238] : memref<2x8x16x128xf32, #tpu.memory_space<vmem>> -> memref<1x8x16x128xf32, #tpu.memory_space<vmem>>
      %dma_start3A_240 = tpu.memref_squeeze %dma_start3A_239 : memref<1x8x16x128xf32, #tpu.memory_space<vmem>> -> memref<8x16x128xf32, #tpu.memory_space<vmem>>
      %dma_start3A_241 = arith.constant 0 : i32
      %dma_start3A_242 = tpu.memref_slice %arg4[%mul3A_232, %mul3A_234, %dma_start3A_241] : memref<200x512x128xf32, #tpu.memory_space<hbm>> -> memref<8x16x128xf32, #tpu.memory_space<hbm>>
      %dma_start3A_243 = arith.constant 0 : i32
      %dma_start3A_244 = tpu.memref_slice %arg4[%mul3A_232, %mul3A_234, %dma_start3A_243] : memref<200x512x128xf32, #tpu.memory_space<hbm>> -> memref<8x16x128xf32, #tpu.memory_space<hbm>>
      %dma_start3A_245 = arith.constant 0 : i32
      %dma_start3A_246 = arith.constant 0 : i32
      %dma_start3A_247 = arith.constant 0 : i32
      %dma_start3A_248 = tpu.memref_slice %arg6[%dma_start3A_235, %dma_start3A_245, %dma_start3A_246, %dma_start3A_247] : memref<2x8x16x128xf32, #tpu.memory_space<vmem>> -> memref<1x8x16x128xf32, #tpu.memory_space<vmem>>
      %dma_start3A_249 = tpu.memref_squeeze %dma_start3A_248 : memref<1x8x16x128xf32, #tpu.memory_space<vmem>> -> memref<8x16x128xf32, #tpu.memory_space<vmem>>
      tpu.enqueue_dma source(%dma_start3A_249 : memref<8x16x128xf32, #tpu.memory_space<vmem>>) target(%dma_start3A_244 : memref<8x16x128xf32, #tpu.memory_space<hbm>>) target_semaphore(%arg11 : memref<!tpu.dma_semaphore, #tpu.memory_space<semaphore_mem>>)
    }
    %scan3A_26 = arith.constant 12 : i32
    %dma_wait3A = arith.constant 24 : i32
    %dma_wait3A_27 = arith.constant 0 : i32
    %dma_wait3A_28 = arith.constant 0 : i32
    %dma_wait3A_29 = arith.constant 0 : i32
    %dma_wait3A_30 = arith.constant 0 : i32
    %dma_wait3A_31 = tpu.memref_slice %arg5[%dma_wait3A_27, %dma_wait3A_28, %dma_wait3A_29, %dma_wait3A_30] : memref<2x4x8x128xi32, #tpu.memory_space<vmem>> -> memref<1x4x8x128xi32, #tpu.memory_space<vmem>>
    %dma_wait3A_32 = tpu.memref_squeeze %dma_wait3A_31 : memref<1x4x8x128xi32, #tpu.memory_space<vmem>> -> memref<4x8x128xi32, #tpu.memory_space<vmem>>
    %dma_wait3A_33 = arith.constant 0 : i32
    %dma_wait3A_34 = arith.constant 0 : i32
    %dma_wait3A_35 = tpu.memref_slice %arg2[%dma_wait3A, %mul3A_2, %dma_wait3A_33, %dma_wait3A_34] : memref<25x128x8x128xi32, #tpu.memory_space<hbm>> -> memref<1x4x8x128xi32, #tpu.memory_space<hbm>>
    %dma_wait3A_36 = tpu.memref_squeeze %dma_wait3A_35 : memref<1x4x8x128xi32, #tpu.memory_space<hbm>> -> memref<4x8x128xi32, #tpu.memory_space<hbm>>
    %dma_wait3A_37 = arith.constant 0 : i32
    %dma_wait3A_38 = arith.constant 0 : i32
    %dma_wait3A_39 = arith.constant 0 : i32
    %dma_wait3A_40 = tpu.memref_slice %arg5[%dma_wait3A_27, %dma_wait3A_37, %dma_wait3A_38, %dma_wait3A_39] : memref<2x4x8x128xi32, #tpu.memory_space<vmem>> -> memref<1x4x8x128xi32, #tpu.memory_space<vmem>>
    %dma_wait3A_41 = tpu.memref_squeeze %dma_wait3A_40 : memref<1x4x8x128xi32, #tpu.memory_space<vmem>> -> memref<4x8x128xi32, #tpu.memory_space<vmem>>
    %dma_wait3A_42 = arith.constant 0 : i32
    %dma_wait3A_43 = arith.constant 0 : i32
    %dma_wait3A_44 = tpu.memref_slice %arg2[%dma_wait3A, %mul3A_2, %dma_wait3A_42, %dma_wait3A_43] : memref<25x128x8x128xi32, #tpu.memory_space<hbm>> -> memref<1x4x8x128xi32, #tpu.memory_space<hbm>>
    %dma_wait3A_45 = tpu.memref_squeeze %dma_wait3A_44 : memref<1x4x8x128xi32, #tpu.memory_space<hbm>> -> memref<4x8x128xi32, #tpu.memory_space<hbm>>
    tpu.wait_dma2 semaphore(%arg8 : memref<!tpu.dma_semaphore, #tpu.memory_space<semaphore_mem>>) src(%dma_wait3A_45 : memref<4x8x128xi32, #tpu.memory_space<hbm>>) dst(%dma_wait3A_41 : memref<4x8x128xi32, #tpu.memory_space<vmem>>)
    %not3A = arith.constant false
    %not3A_46 = arith.constant true
    %not3A_47 = arith.xori %not3A, %not3A_46 : i1
    %convert_element_type3A = arith.extui %not3A_47 : i1 to i32
    %cond3A = arith.constant 0 : i32
    %cond3A_48 = arith.cmpi ne, %convert_element_type3A, %cond3A : i32
    scf.if %cond3A_48 {
      %mul3A_108 = arith.constant 4 : i32
      %mul3A_109 = arith.muli %mul3A_2, %mul3A_108 : i32
      %dma_wait3A_110 = arith.constant 0 : i32
      %dma_wait3A_111 = arith.constant 0 : i32
      %dma_wait3A_112 = arith.constant 0 : i32
      %dma_wait3A_113 = arith.constant 0 : i32
      %dma_wait3A_114 = tpu.memref_slice %arg6[%dma_wait3A_110, %dma_wait3A_111, %dma_wait3A_112, %dma_wait3A_113] : memref<2x8x16x128xf32, #tpu.memory_space<vmem>> -> memref<1x8x16x128xf32, #tpu.memory_space<vmem>>
      %dma_wait3A_115 = tpu.memref_squeeze %dma_wait3A_114 : memref<1x8x16x128xf32, #tpu.memory_space<vmem>> -> memref<8x16x128xf32, #tpu.memory_space<vmem>>
      %dma_wait3A_116 = arith.constant 192 : i32
      %dma_wait3A_117 = arith.constant 0 : i32
      %dma_wait3A_118 = tpu.memref_slice %arg4[%dma_wait3A_116, %mul3A_109, %dma_wait3A_117] : memref<200x512x128xf32, #tpu.memory_space<hbm>> -> memref<8x16x128xf32, #tpu.memory_space<hbm>>
      %dma_wait3A_119 = arith.constant 192 : i32
      %dma_wait3A_120 = arith.constant 0 : i32
      %dma_wait3A_121 = tpu.memref_slice %arg4[%dma_wait3A_119, %mul3A_109, %dma_wait3A_120] : memref<200x512x128xf32, #tpu.memory_space<hbm>> -> memref<8x16x128xf32, #tpu.memory_space<hbm>>
      %dma_wait3A_122 = arith.constant 0 : i32
      %dma_wait3A_123 = arith.constant 0 : i32
      %dma_wait3A_124 = arith.constant 0 : i32
      %dma_wait3A_125 = tpu.memref_slice %arg6[%dma_wait3A_110, %dma_wait3A_122, %dma_wait3A_123, %dma_wait3A_124] : memref<2x8x16x128xf32, #tpu.memory_space<vmem>> -> memref<1x8x16x128xf32, #tpu.memory_space<vmem>>
      %dma_wait3A_126 = tpu.memref_squeeze %dma_wait3A_125 : memref<1x8x16x128xf32, #tpu.memory_space<vmem>> -> memref<8x16x128xf32, #tpu.memory_space<vmem>>
      tpu.wait_dma2 semaphore(%arg10 : memref<!tpu.dma_semaphore, #tpu.memory_space<semaphore_mem>>) src(%dma_wait3A_126 : memref<8x16x128xf32, #tpu.memory_space<vmem>>) dst(%dma_wait3A_121 : memref<8x16x128xf32, #tpu.memory_space<hbm>>)
    } else {
    }
    %parallel_loop3A = arith.constant 0 : i32
    %parallel_loop3A_49 = arith.constant 32 : i32
    %parallel_loop3A_50 = arith.constant 1 : i32
    scf.for %parallel_loop3A_108 = %parallel_loop3A to %parallel_loop3A_49 step %parallel_loop3A_50  : i32 {
      %parallel_loop3A_109 = arith.constant 4 : i32
      %parallel_loop3A_110 = arith.divsi %parallel_loop3A_108, %parallel_loop3A_109 : i32
      %parallel_loop3A_111 = arith.constant 0 : i32
      %parallel_loop3A_112 = arith.cmpi sgt, %parallel_loop3A_108, %parallel_loop3A_111 : i32
      %parallel_loop3A_113 = arith.extui %parallel_loop3A_112 : i1 to i32
      %parallel_loop3A_114 = arith.constant 0 : i32
      %parallel_loop3A_115 = arith.cmpi slt, %parallel_loop3A_108, %parallel_loop3A_114 : i32
      %parallel_loop3A_116 = arith.extui %parallel_loop3A_115 : i1 to i32
      %parallel_loop3A_117 = arith.subi %parallel_loop3A_113, %parallel_loop3A_116 : i32
      %parallel_loop3A_118 = arith.constant 0 : i32
      %parallel_loop3A_119 = arith.cmpi sgt, %parallel_loop3A_109, %parallel_loop3A_118 : i32
      %parallel_loop3A_120 = arith.extui %parallel_loop3A_119 : i1 to i32
      %parallel_loop3A_121 = arith.constant 0 : i32
      %parallel_loop3A_122 = arith.cmpi slt, %parallel_loop3A_109, %parallel_loop3A_121 : i32
      %parallel_loop3A_123 = arith.extui %parallel_loop3A_122 : i1 to i32
      %parallel_loop3A_124 = arith.subi %parallel_loop3A_120, %parallel_loop3A_123 : i32
      %parallel_loop3A_125 = arith.cmpi ne, %parallel_loop3A_117, %parallel_loop3A_124 : i32
      %parallel_loop3A_126 = arith.remsi %parallel_loop3A_108, %parallel_loop3A_109 : i32
      %parallel_loop3A_127 = arith.constant 0 : i32
      %parallel_loop3A_128 = arith.cmpi ne, %parallel_loop3A_126, %parallel_loop3A_127 : i32
      %parallel_loop3A_129 = arith.andi %parallel_loop3A_125, %parallel_loop3A_128 : i1
      %parallel_loop3A_130 = arith.constant 1 : i32
      %parallel_loop3A_131 = arith.subi %parallel_loop3A_110, %parallel_loop3A_130 : i32
      %parallel_loop3A_132 = arith.select %parallel_loop3A_129, %parallel_loop3A_131, %parallel_loop3A_110 : i32
      %parallel_loop3A_133 = arith.constant 4 : i32
      %parallel_loop3A_134 = arith.muli %parallel_loop3A_132, %parallel_loop3A_133 : i32
      %parallel_loop3A_135 = arith.subi %parallel_loop3A_108, %parallel_loop3A_134 : i32
      %parallel_loop3A_136 = arith.constant 0 : i32
      %parallel_loop3A_137 = arith.index_cast %parallel_loop3A_136 : i32 to index
      %parallel_loop3A_138 = arith.index_cast %parallel_loop3A_135 : i32 to index
      %parallel_loop3A_139 = arith.index_cast %parallel_loop3A_132 : i32 to index
      %parallel_loop3A_140 = arith.constant 0 : index
      %parallel_loop3A_141 = tpu.vector_load %arg5[%parallel_loop3A_137, %parallel_loop3A_138, %parallel_loop3A_139, %parallel_loop3A_140] {strides = array<i32>} : memref<2x4x8x128xi32, #tpu.memory_space<vmem>>, vector<16xi32>,
      %parallel_loop3A_142 = arith.constant 0 : i32
      %parallel_loop3A_143 = vector.broadcast %parallel_loop3A_142 : i32 to vector<16xi32>
      %parallel_loop3A_144 = arith.addi %parallel_loop3A_141, %parallel_loop3A_143 : vector<16xi32>
      %parallel_loop3A_145 = tpu.vector_load_idx %arg7[%parallel_loop3A_144] : memref<32xf32, #tpu.memory_space<vmem>>[vector<16xi32>], vector<16xf32>,
      %parallel_loop3A_146 = arith.constant 4 : i32
      %parallel_loop3A_147 = arith.muli %parallel_loop3A_135, %parallel_loop3A_146 : i32
      %parallel_loop3A_148 = arith.constant 0 : i32
      %parallel_loop3A_149 = arith.addi %parallel_loop3A_147, %parallel_loop3A_148 : i32
      %parallel_loop3A_150 = arith.constant 0 : i32
      %parallel_loop3A_151 = arith.index_cast %parallel_loop3A_150 : i32 to index
      %parallel_loop3A_152 = arith.index_cast %parallel_loop3A_132 : i32 to index
      %parallel_loop3A_153 = arith.index_cast %parallel_loop3A_149 : i32 to index
      %parallel_loop3A_154 = arith.constant 0 : index
      %parallel_loop3A_155 = tpu.vector_load %arg6[%parallel_loop3A_151, %parallel_loop3A_152, %parallel_loop3A_153, %parallel_loop3A_154] {strides = array<i32>} : memref<2x8x16x128xf32, #tpu.memory_space<vmem>>, vector<16xf32>,
      tpu.vector_store %arg6[%parallel_loop3A_151, %parallel_loop3A_152, %parallel_loop3A_153, %parallel_loop3A_154], %parallel_loop3A_145 {strides = array<i32>} : memref<2x8x16x128xf32, #tpu.memory_space<vmem>>, vector<16xf32>,
      %parallel_loop3A_156 = arith.constant 6 : i32
      %parallel_loop3A_157 = vector.broadcast %parallel_loop3A_156 : i32 to vector<16xi32>
      %parallel_loop3A_158 = arith.addi %parallel_loop3A_141, %parallel_loop3A_157 : vector<16xi32>
      %parallel_loop3A_159 = tpu.vector_load_idx %arg7[%parallel_loop3A_158] : memref<32xf32, #tpu.memory_space<vmem>>[vector<16xi32>], vector<16xf32>,
      %parallel_loop3A_160 = arith.constant 4 : i32
      %parallel_loop3A_161 = arith.muli %parallel_loop3A_135, %parallel_loop3A_160 : i32
      %parallel_loop3A_162 = arith.constant 1 : i32
      %parallel_loop3A_163 = arith.addi %parallel_loop3A_161, %parallel_loop3A_162 : i32
      %parallel_loop3A_164 = arith.constant 0 : i32
      %parallel_loop3A_165 = arith.index_cast %parallel_loop3A_164 : i32 to index
      %parallel_loop3A_166 = arith.index_cast %parallel_loop3A_132 : i32 to index
      %parallel_loop3A_167 = arith.index_cast %parallel_loop3A_163 : i32 to index
      %parallel_loop3A_168 = arith.constant 0 : index
      %parallel_loop3A_169 = tpu.vector_load %arg6[%parallel_loop3A_165, %parallel_loop3A_166, %parallel_loop3A_167, %parallel_loop3A_168] {strides = array<i32>} : memref<2x8x16x128xf32, #tpu.memory_space<vmem>>, vector<16xf32>,
      tpu.vector_store %arg6[%parallel_loop3A_165, %parallel_loop3A_166, %parallel_loop3A_167, %parallel_loop3A_168], %parallel_loop3A_159 {strides = array<i32>} : memref<2x8x16x128xf32, #tpu.memory_space<vmem>>, vector<16xf32>,
      %parallel_loop3A_170 = arith.constant 12 : i32
      %parallel_loop3A_171 = vector.broadcast %parallel_loop3A_170 : i32 to vector<16xi32>
      %parallel_loop3A_172 = arith.addi %parallel_loop3A_141, %parallel_loop3A_171 : vector<16xi32>
      %parallel_loop3A_173 = tpu.vector_load_idx %arg7[%parallel_loop3A_172] : memref<32xf32, #tpu.memory_space<vmem>>[vector<16xi32>], vector<16xf32>,
      %parallel_loop3A_174 = arith.constant 4 : i32
      %parallel_loop3A_175 = arith.muli %parallel_loop3A_135, %parallel_loop3A_174 : i32
      %parallel_loop3A_176 = arith.constant 2 : i32
      %parallel_loop3A_177 = arith.addi %parallel_loop3A_175, %parallel_loop3A_176 : i32
      %parallel_loop3A_178 = arith.constant 0 : i32
      %parallel_loop3A_179 = arith.index_cast %parallel_loop3A_178 : i32 to index
      %parallel_loop3A_180 = arith.index_cast %parallel_loop3A_132 : i32 to index
      %parallel_loop3A_181 = arith.index_cast %parallel_loop3A_177 : i32 to index
      %parallel_loop3A_182 = arith.constant 0 : index
      %parallel_loop3A_183 = tpu.vector_load %arg6[%parallel_loop3A_179, %parallel_loop3A_180, %parallel_loop3A_181, %parallel_loop3A_182] {strides = array<i32>} : memref<2x8x16x128xf32, #tpu.memory_space<vmem>>, vector<16xf32>,
      tpu.vector_store %arg6[%parallel_loop3A_179, %parallel_loop3A_180, %parallel_loop3A_181, %parallel_loop3A_182], %parallel_loop3A_173 {strides = array<i32>} : memref<2x8x16x128xf32, #tpu.memory_space<vmem>>, vector<16xf32>,
      %parallel_loop3A_184 = arith.constant 18 : i32
      %parallel_loop3A_185 = vector.broadcast %parallel_loop3A_184 : i32 to vector<16xi32>
      %parallel_loop3A_186 = arith.addi %parallel_loop3A_141, %parallel_loop3A_185 : vector<16xi32>
      %parallel_loop3A_187 = tpu.vector_load_idx %arg7[%parallel_loop3A_186] : memref<32xf32, #tpu.memory_space<vmem>>[vector<16xi32>], vector<16xf32>,
      %parallel_loop3A_188 = arith.constant 4 : i32
      %parallel_loop3A_189 = arith.muli %parallel_loop3A_135, %parallel_loop3A_188 : i32
      %parallel_loop3A_190 = arith.constant 3 : i32
      %parallel_loop3A_191 = arith.addi %parallel_loop3A_189, %parallel_loop3A_190 : i32
      %parallel_loop3A_192 = arith.constant 0 : i32
      %parallel_loop3A_193 = arith.index_cast %parallel_loop3A_192 : i32 to index
      %parallel_loop3A_194 = arith.index_cast %parallel_loop3A_132 : i32 to index
      %parallel_loop3A_195 = arith.index_cast %parallel_loop3A_191 : i32 to index
      %parallel_loop3A_196 = arith.constant 0 : index
      %parallel_loop3A_197 = tpu.vector_load %arg6[%parallel_loop3A_193, %parallel_loop3A_194, %parallel_loop3A_195, %parallel_loop3A_196] {strides = array<i32>} : memref<2x8x16x128xf32, #tpu.memory_space<vmem>>, vector<16xf32>,
      tpu.vector_store %arg6[%parallel_loop3A_193, %parallel_loop3A_194, %parallel_loop3A_195, %parallel_loop3A_196], %parallel_loop3A_187 {strides = array<i32>} : memref<2x8x16x128xf32, #tpu.memory_space<vmem>>, vector<16xf32>,
      %parallel_loop3A_198 = arith.constant 0 : i32
      %parallel_loop3A_199 = arith.index_cast %parallel_loop3A_198 : i32 to index
      %parallel_loop3A_200 = arith.index_cast %parallel_loop3A_135 : i32 to index
      %parallel_loop3A_201 = arith.index_cast %parallel_loop3A_132 : i32 to index
      %parallel_loop3A_202 = arith.constant 16 : index
      %parallel_loop3A_203 = tpu.vector_load %arg5[%parallel_loop3A_199, %parallel_loop3A_200, %parallel_loop3A_201, %parallel_loop3A_202] {strides = array<i32>} : memref<2x4x8x128xi32, #tpu.memory_space<vmem>>, vector<16xi32>,
      %parallel_loop3A_204 = arith.constant 0 : i32
      %parallel_loop3A_205 = vector.broadcast %parallel_loop3A_204 : i32 to vector<16xi32>
      %parallel_loop3A_206 = arith.addi %parallel_loop3A_203, %parallel_loop3A_205 : vector<16xi32>
      %parallel_loop3A_207 = tpu.vector_load_idx %arg7[%parallel_loop3A_206] : memref<32xf32, #tpu.memory_space<vmem>>[vector<16xi32>], vector<16xf32>,
      %parallel_loop3A_208 = arith.constant 4 : i32
      %parallel_loop3A_209 = arith.muli %parallel_loop3A_135, %parallel_loop3A_208 : i32
      %parallel_loop3A_210 = arith.constant 0 : i32
      %parallel_loop3A_211 = arith.addi %parallel_loop3A_209, %parallel_loop3A_210 : i32
      %parallel_loop3A_212 = arith.constant 0 : i32
      %parallel_loop3A_213 = arith.index_cast %parallel_loop3A_212 : i32 to index
      %parallel_loop3A_214 = arith.index_cast %parallel_loop3A_132 : i32 to index
      %parallel_loop3A_215 = arith.index_cast %parallel_loop3A_211 : i32 to index
      %parallel_loop3A_216 = arith.constant 16 : index
      %parallel_loop3A_217 = tpu.vector_load %arg6[%parallel_loop3A_213, %parallel_loop3A_214, %parallel_loop3A_215, %parallel_loop3A_216] {strides = array<i32>} : memref<2x8x16x128xf32, #tpu.memory_space<vmem>>, vector<16xf32>,
      tpu.vector_store %arg6[%parallel_loop3A_213, %parallel_loop3A_214, %parallel_loop3A_215, %parallel_loop3A_216], %parallel_loop3A_207 {strides = array<i32>} : memref<2x8x16x128xf32, #tpu.memory_space<vmem>>, vector<16xf32>,
      %parallel_loop3A_218 = arith.constant 6 : i32
      %parallel_loop3A_219 = vector.broadcast %parallel_loop3A_218 : i32 to vector<16xi32>
      %parallel_loop3A_220 = arith.addi %parallel_loop3A_203, %parallel_loop3A_219 : vector<16xi32>
      %parallel_loop3A_221 = tpu.vector_load_idx %arg7[%parallel_loop3A_220] : memref<32xf32, #tpu.memory_space<vmem>>[vector<16xi32>], vector<16xf32>,
      %parallel_loop3A_222 = arith.constant 4 : i32
      %parallel_loop3A_223 = arith.muli %parallel_loop3A_135, %parallel_loop3A_222 : i32
      %parallel_loop3A_224 = arith.constant 1 : i32
      %parallel_loop3A_225 = arith.addi %parallel_loop3A_223, %parallel_loop3A_224 : i32
      %parallel_loop3A_226 = arith.constant 0 : i32
      %parallel_loop3A_227 = arith.index_cast %parallel_loop3A_226 : i32 to index
      %parallel_loop3A_228 = arith.index_cast %parallel_loop3A_132 : i32 to index
      %parallel_loop3A_229 = arith.index_cast %parallel_loop3A_225 : i32 to index
      %parallel_loop3A_230 = arith.constant 16 : index
      %parallel_loop3A_231 = tpu.vector_load %arg6[%parallel_loop3A_227, %parallel_loop3A_228, %parallel_loop3A_229, %parallel_loop3A_230] {strides = array<i32>} : memref<2x8x16x128xf32, #tpu.memory_space<vmem>>, vector<16xf32>,
      tpu.vector_store %arg6[%parallel_loop3A_227, %parallel_loop3A_228, %parallel_loop3A_229, %parallel_loop3A_230], %parallel_loop3A_221 {strides = array<i32>} : memref<2x8x16x128xf32, #tpu.memory_space<vmem>>, vector<16xf32>,
      %parallel_loop3A_232 = arith.constant 12 : i32
      %parallel_loop3A_233 = vector.broadcast %parallel_loop3A_232 : i32 to vector<16xi32>
      %parallel_loop3A_234 = arith.addi %parallel_loop3A_203, %parallel_loop3A_233 : vector<16xi32>
      %parallel_loop3A_235 = tpu.vector_load_idx %arg7[%parallel_loop3A_234] : memref<32xf32, #tpu.memory_space<vmem>>[vector<16xi32>], vector<16xf32>,
      %parallel_loop3A_236 = arith.constant 4 : i32
      %parallel_loop3A_237 = arith.muli %parallel_loop3A_135, %parallel_loop3A_236 : i32
      %parallel_loop3A_238 = arith.constant 2 : i32
      %parallel_loop3A_239 = arith.addi %parallel_loop3A_237, %parallel_loop3A_238 : i32
      %parallel_loop3A_240 = arith.constant 0 : i32
      %parallel_loop3A_241 = arith.index_cast %parallel_loop3A_240 : i32 to index
      %parallel_loop3A_242 = arith.index_cast %parallel_loop3A_132 : i32 to index
      %parallel_loop3A_243 = arith.index_cast %parallel_loop3A_239 : i32 to index
      %parallel_loop3A_244 = arith.constant 16 : index
      %parallel_loop3A_245 = tpu.vector_load %arg6[%parallel_loop3A_241, %parallel_loop3A_242, %parallel_loop3A_243, %parallel_loop3A_244] {strides = array<i32>} : memref<2x8x16x128xf32, #tpu.memory_space<vmem>>, vector<16xf32>,
      tpu.vector_store %arg6[%parallel_loop3A_241, %parallel_loop3A_242, %parallel_loop3A_243, %parallel_loop3A_244], %parallel_loop3A_235 {strides = array<i32>} : memref<2x8x16x128xf32, #tpu.memory_space<vmem>>, vector<16xf32>,
      %parallel_loop3A_246 = arith.constant 18 : i32
      %parallel_loop3A_247 = vector.broadcast %parallel_loop3A_246 : i32 to vector<16xi32>
      %parallel_loop3A_248 = arith.addi %parallel_loop3A_203, %parallel_loop3A_247 : vector<16xi32>
      %parallel_loop3A_249 = tpu.vector_load_idx %arg7[%parallel_loop3A_248] : memref<32xf32, #tpu.memory_space<vmem>>[vector<16xi32>], vector<16xf32>,
      %parallel_loop3A_250 = arith.constant 4 : i32
      %parallel_loop3A_251 = arith.muli %parallel_loop3A_135, %parallel_loop3A_250 : i32
      %parallel_loop3A_252 = arith.constant 3 : i32
      %parallel_loop3A_253 = arith.addi %parallel_loop3A_251, %parallel_loop3A_252 : i32
      %parallel_loop3A_254 = arith.constant 0 : i32
      %parallel_loop3A_255 = arith.index_cast %parallel_loop3A_254 : i32 to index
      %parallel_loop3A_256 = arith.index_cast %parallel_loop3A_132 : i32 to index
      %parallel_loop3A_257 = arith.index_cast %parallel_loop3A_253 : i32 to index
      %parallel_loop3A_258 = arith.constant 16 : index
      %parallel_loop3A_259 = tpu.vector_load %arg6[%parallel_loop3A_255, %parallel_loop3A_256, %parallel_loop3A_257, %parallel_loop3A_258] {strides = array<i32>} : memref<2x8x16x128xf32, #tpu.memory_space<vmem>>, vector<16xf32>,
      tpu.vector_store %arg6[%parallel_loop3A_255, %parallel_loop3A_256, %parallel_loop3A_257, %parallel_loop3A_258], %parallel_loop3A_249 {strides = array<i32>} : memref<2x8x16x128xf32, #tpu.memory_space<vmem>>, vector<16xf32>,
      %parallel_loop3A_260 = arith.constant 0 : i32
      %parallel_loop3A_261 = arith.index_cast %parallel_loop3A_260 : i32 to index
      %parallel_loop3A_262 = arith.index_cast %parallel_loop3A_135 : i32 to index
      %parallel_loop3A_263 = arith.index_cast %parallel_loop3A_132 : i32 to index
      %parallel_loop3A_264 = arith.constant 32 : index
      %parallel_loop3A_265 = tpu.vector_load %arg5[%parallel_loop3A_261, %parallel_loop3A_262, %parallel_loop3A_263, %parallel_loop3A_264] {strides = array<i32>} : memref<2x4x8x128xi32, #tpu.memory_space<vmem>>, vector<16xi32>,
      %parallel_loop3A_266 = arith.constant 0 : i32
      %parallel_loop3A_267 = vector.broadcast %parallel_loop3A_266 : i32 to vector<16xi32>
      %parallel_loop3A_268 = arith.addi %parallel_loop3A_265, %parallel_loop3A_267 : vector<16xi32>
      %parallel_loop3A_269 = tpu.vector_load_idx %arg7[%parallel_loop3A_268] : memref<32xf32, #tpu.memory_space<vmem>>[vector<16xi32>], vector<16xf32>,
      %parallel_loop3A_270 = arith.constant 4 : i32
      %parallel_loop3A_271 = arith.muli %parallel_loop3A_135, %parallel_loop3A_270 : i32
      %parallel_loop3A_272 = arith.constant 0 : i32
      %parallel_loop3A_273 = arith.addi %parallel_loop3A_271, %parallel_loop3A_272 : i32
      %parallel_loop3A_274 = arith.constant 0 : i32
      %parallel_loop3A_275 = arith.index_cast %parallel_loop3A_274 : i32 to index
      %parallel_loop3A_276 = arith.index_cast %parallel_loop3A_132 : i32 to index
      %parallel_loop3A_277 = arith.index_cast %parallel_loop3A_273 : i32 to index
      %parallel_loop3A_278 = arith.constant 32 : index
      %parallel_loop3A_279 = tpu.vector_load %arg6[%parallel_loop3A_275, %parallel_loop3A_276, %parallel_loop3A_277, %parallel_loop3A_278] {strides = array<i32>} : memref<2x8x16x128xf32, #tpu.memory_space<vmem>>, vector<16xf32>,
      tpu.vector_store %arg6[%parallel_loop3A_275, %parallel_loop3A_276, %parallel_loop3A_277, %parallel_loop3A_278], %parallel_loop3A_269 {strides = array<i32>} : memref<2x8x16x128xf32, #tpu.memory_space<vmem>>, vector<16xf32>,
      %parallel_loop3A_280 = arith.constant 6 : i32
      %parallel_loop3A_281 = vector.broadcast %parallel_loop3A_280 : i32 to vector<16xi32>
      %parallel_loop3A_282 = arith.addi %parallel_loop3A_265, %parallel_loop3A_281 : vector<16xi32>
      %parallel_loop3A_283 = tpu.vector_load_idx %arg7[%parallel_loop3A_282] : memref<32xf32, #tpu.memory_space<vmem>>[vector<16xi32>], vector<16xf32>,
      %parallel_loop3A_284 = arith.constant 4 : i32
      %parallel_loop3A_285 = arith.muli %parallel_loop3A_135, %parallel_loop3A_284 : i32
      %parallel_loop3A_286 = arith.constant 1 : i32
      %parallel_loop3A_287 = arith.addi %parallel_loop3A_285, %parallel_loop3A_286 : i32
      %parallel_loop3A_288 = arith.constant 0 : i32
      %parallel_loop3A_289 = arith.index_cast %parallel_loop3A_288 : i32 to index
      %parallel_loop3A_290 = arith.index_cast %parallel_loop3A_132 : i32 to index
      %parallel_loop3A_291 = arith.index_cast %parallel_loop3A_287 : i32 to index
      %parallel_loop3A_292 = arith.constant 32 : index
      %parallel_loop3A_293 = tpu.vector_load %arg6[%parallel_loop3A_289, %parallel_loop3A_290, %parallel_loop3A_291, %parallel_loop3A_292] {strides = array<i32>} : memref<2x8x16x128xf32, #tpu.memory_space<vmem>>, vector<16xf32>,
      tpu.vector_store %arg6[%parallel_loop3A_289, %parallel_loop3A_290, %parallel_loop3A_291, %parallel_loop3A_292], %parallel_loop3A_283 {strides = array<i32>} : memref<2x8x16x128xf32, #tpu.memory_space<vmem>>, vector<16xf32>,
      %parallel_loop3A_294 = arith.constant 12 : i32
      %parallel_loop3A_295 = vector.broadcast %parallel_loop3A_294 : i32 to vector<16xi32>
      %parallel_loop3A_296 = arith.addi %parallel_loop3A_265, %parallel_loop3A_295 : vector<16xi32>
      %parallel_loop3A_297 = tpu.vector_load_idx %arg7[%parallel_loop3A_296] : memref<32xf32, #tpu.memory_space<vmem>>[vector<16xi32>], vector<16xf32>,
      %parallel_loop3A_298 = arith.constant 4 : i32
      %parallel_loop3A_299 = arith.muli %parallel_loop3A_135, %parallel_loop3A_298 : i32
      %parallel_loop3A_300 = arith.constant 2 : i32
      %parallel_loop3A_301 = arith.addi %parallel_loop3A_299, %parallel_loop3A_300 : i32
      %parallel_loop3A_302 = arith.constant 0 : i32
      %parallel_loop3A_303 = arith.index_cast %parallel_loop3A_302 : i32 to index
      %parallel_loop3A_304 = arith.index_cast %parallel_loop3A_132 : i32 to index
      %parallel_loop3A_305 = arith.index_cast %parallel_loop3A_301 : i32 to index
      %parallel_loop3A_306 = arith.constant 32 : index
      %parallel_loop3A_307 = tpu.vector_load %arg6[%parallel_loop3A_303, %parallel_loop3A_304, %parallel_loop3A_305, %parallel_loop3A_306] {strides = array<i32>} : memref<2x8x16x128xf32, #tpu.memory_space<vmem>>, vector<16xf32>,
      tpu.vector_store %arg6[%parallel_loop3A_303, %parallel_loop3A_304, %parallel_loop3A_305, %parallel_loop3A_306], %parallel_loop3A_297 {strides = array<i32>} : memref<2x8x16x128xf32, #tpu.memory_space<vmem>>, vector<16xf32>,
      %parallel_loop3A_308 = arith.constant 18 : i32
      %parallel_loop3A_309 = vector.broadcast %parallel_loop3A_308 : i32 to vector<16xi32>
      %parallel_loop3A_310 = arith.addi %parallel_loop3A_265, %parallel_loop3A_309 : vector<16xi32>
      %parallel_loop3A_311 = tpu.vector_load_idx %arg7[%parallel_loop3A_310] : memref<32xf32, #tpu.memory_space<vmem>>[vector<16xi32>], vector<16xf32>,
      %parallel_loop3A_312 = arith.constant 4 : i32
      %parallel_loop3A_313 = arith.muli %parallel_loop3A_135, %parallel_loop3A_312 : i32
      %parallel_loop3A_314 = arith.constant 3 : i32
      %parallel_loop3A_315 = arith.addi %parallel_loop3A_313, %parallel_loop3A_314 : i32
      %parallel_loop3A_316 = arith.constant 0 : i32
      %parallel_loop3A_317 = arith.index_cast %parallel_loop3A_316 : i32 to index
      %parallel_loop3A_318 = arith.index_cast %parallel_loop3A_132 : i32 to index
      %parallel_loop3A_319 = arith.index_cast %parallel_loop3A_315 : i32 to index
      %parallel_loop3A_320 = arith.constant 32 : index
      %parallel_loop3A_321 = tpu.vector_load %arg6[%parallel_loop3A_317, %parallel_loop3A_318, %parallel_loop3A_319, %parallel_loop3A_320] {strides = array<i32>} : memref<2x8x16x128xf32, #tpu.memory_space<vmem>>, vector<16xf32>,
      tpu.vector_store %arg6[%parallel_loop3A_317, %parallel_loop3A_318, %parallel_loop3A_319, %parallel_loop3A_320], %parallel_loop3A_311 {strides = array<i32>} : memref<2x8x16x128xf32, #tpu.memory_space<vmem>>, vector<16xf32>,
      %parallel_loop3A_322 = arith.constant 0 : i32
      %parallel_loop3A_323 = arith.index_cast %parallel_loop3A_322 : i32 to index
      %parallel_loop3A_324 = arith.index_cast %parallel_loop3A_135 : i32 to index
      %parallel_loop3A_325 = arith.index_cast %parallel_loop3A_132 : i32 to index
      %parallel_loop3A_326 = arith.constant 48 : index
      %parallel_loop3A_327 = tpu.vector_load %arg5[%parallel_loop3A_323, %parallel_loop3A_324, %parallel_loop3A_325, %parallel_loop3A_326] {strides = array<i32>} : memref<2x4x8x128xi32, #tpu.memory_space<vmem>>, vector<16xi32>,
      %parallel_loop3A_328 = arith.constant 0 : i32
      %parallel_loop3A_329 = vector.broadcast %parallel_loop3A_328 : i32 to vector<16xi32>
      %parallel_loop3A_330 = arith.addi %parallel_loop3A_327, %parallel_loop3A_329 : vector<16xi32>
      %parallel_loop3A_331 = tpu.vector_load_idx %arg7[%parallel_loop3A_330] : memref<32xf32, #tpu.memory_space<vmem>>[vector<16xi32>], vector<16xf32>,
      %parallel_loop3A_332 = arith.constant 4 : i32
      %parallel_loop3A_333 = arith.muli %parallel_loop3A_135, %parallel_loop3A_332 : i32
      %parallel_loop3A_334 = arith.constant 0 : i32
      %parallel_loop3A_335 = arith.addi %parallel_loop3A_333, %parallel_loop3A_334 : i32
      %parallel_loop3A_336 = arith.constant 0 : i32
      %parallel_loop3A_337 = arith.index_cast %parallel_loop3A_336 : i32 to index
      %parallel_loop3A_338 = arith.index_cast %parallel_loop3A_132 : i32 to index
      %parallel_loop3A_339 = arith.index_cast %parallel_loop3A_335 : i32 to index
      %parallel_loop3A_340 = arith.constant 48 : index
      %parallel_loop3A_341 = tpu.vector_load %arg6[%parallel_loop3A_337, %parallel_loop3A_338, %parallel_loop3A_339, %parallel_loop3A_340] {strides = array<i32>} : memref<2x8x16x128xf32, #tpu.memory_space<vmem>>, vector<16xf32>,
      tpu.vector_store %arg6[%parallel_loop3A_337, %parallel_loop3A_338, %parallel_loop3A_339, %parallel_loop3A_340], %parallel_loop3A_331 {strides = array<i32>} : memref<2x8x16x128xf32, #tpu.memory_space<vmem>>, vector<16xf32>,
      %parallel_loop3A_342 = arith.constant 6 : i32
      %parallel_loop3A_343 = vector.broadcast %parallel_loop3A_342 : i32 to vector<16xi32>
      %parallel_loop3A_344 = arith.addi %parallel_loop3A_327, %parallel_loop3A_343 : vector<16xi32>
      %parallel_loop3A_345 = tpu.vector_load_idx %arg7[%parallel_loop3A_344] : memref<32xf32, #tpu.memory_space<vmem>>[vector<16xi32>], vector<16xf32>,
      %parallel_loop3A_346 = arith.constant 4 : i32
      %parallel_loop3A_347 = arith.muli %parallel_loop3A_135, %parallel_loop3A_346 : i32
      %parallel_loop3A_348 = arith.constant 1 : i32
      %parallel_loop3A_349 = arith.addi %parallel_loop3A_347, %parallel_loop3A_348 : i32
      %parallel_loop3A_350 = arith.constant 0 : i32
      %parallel_loop3A_351 = arith.index_cast %parallel_loop3A_350 : i32 to index
      %parallel_loop3A_352 = arith.index_cast %parallel_loop3A_132 : i32 to index
      %parallel_loop3A_353 = arith.index_cast %parallel_loop3A_349 : i32 to index
      %parallel_loop3A_354 = arith.constant 48 : index
      %parallel_loop3A_355 = tpu.vector_load %arg6[%parallel_loop3A_351, %parallel_loop3A_352, %parallel_loop3A_353, %parallel_loop3A_354] {strides = array<i32>} : memref<2x8x16x128xf32, #tpu.memory_space<vmem>>, vector<16xf32>,
      tpu.vector_store %arg6[%parallel_loop3A_351, %parallel_loop3A_352, %parallel_loop3A_353, %parallel_loop3A_354], %parallel_loop3A_345 {strides = array<i32>} : memref<2x8x16x128xf32, #tpu.memory_space<vmem>>, vector<16xf32>,
      %parallel_loop3A_356 = arith.constant 12 : i32
      %parallel_loop3A_357 = vector.broadcast %parallel_loop3A_356 : i32 to vector<16xi32>
      %parallel_loop3A_358 = arith.addi %parallel_loop3A_327, %parallel_loop3A_357 : vector<16xi32>
      %parallel_loop3A_359 = tpu.vector_load_idx %arg7[%parallel_loop3A_358] : memref<32xf32, #tpu.memory_space<vmem>>[vector<16xi32>], vector<16xf32>,
      %parallel_loop3A_360 = arith.constant 4 : i32
      %parallel_loop3A_361 = arith.muli %parallel_loop3A_135, %parallel_loop3A_360 : i32
      %parallel_loop3A_362 = arith.constant 2 : i32
      %parallel_loop3A_363 = arith.addi %parallel_loop3A_361, %parallel_loop3A_362 : i32
      %parallel_loop3A_364 = arith.constant 0 : i32
      %parallel_loop3A_365 = arith.index_cast %parallel_loop3A_364 : i32 to index
      %parallel_loop3A_366 = arith.index_cast %parallel_loop3A_132 : i32 to index
      %parallel_loop3A_367 = arith.index_cast %parallel_loop3A_363 : i32 to index
      %parallel_loop3A_368 = arith.constant 48 : index
      %parallel_loop3A_369 = tpu.vector_load %arg6[%parallel_loop3A_365, %parallel_loop3A_366, %parallel_loop3A_367, %parallel_loop3A_368] {strides = array<i32>} : memref<2x8x16x128xf32, #tpu.memory_space<vmem>>, vector<16xf32>,
      tpu.vector_store %arg6[%parallel_loop3A_365, %parallel_loop3A_366, %parallel_loop3A_367, %parallel_loop3A_368], %parallel_loop3A_359 {strides = array<i32>} : memref<2x8x16x128xf32, #tpu.memory_space<vmem>>, vector<16xf32>,
      %parallel_loop3A_370 = arith.constant 18 : i32
      %parallel_loop3A_371 = vector.broadcast %parallel_loop3A_370 : i32 to vector<16xi32>
      %parallel_loop3A_372 = arith.addi %parallel_loop3A_327, %parallel_loop3A_371 : vector<16xi32>
      %parallel_loop3A_373 = tpu.vector_load_idx %arg7[%parallel_loop3A_372] : memref<32xf32, #tpu.memory_space<vmem>>[vector<16xi32>], vector<16xf32>,
      %parallel_loop3A_374 = arith.constant 4 : i32
      %parallel_loop3A_375 = arith.muli %parallel_loop3A_135, %parallel_loop3A_374 : i32
      %parallel_loop3A_376 = arith.constant 3 : i32
      %parallel_loop3A_377 = arith.addi %parallel_loop3A_375, %parallel_loop3A_376 : i32
      %parallel_loop3A_378 = arith.constant 0 : i32
      %parallel_loop3A_379 = arith.index_cast %parallel_loop3A_378 : i32 to index
      %parallel_loop3A_380 = arith.index_cast %parallel_loop3A_132 : i32 to index
      %parallel_loop3A_381 = arith.index_cast %parallel_loop3A_377 : i32 to index
      %parallel_loop3A_382 = arith.constant 48 : index
      %parallel_loop3A_383 = tpu.vector_load %arg6[%parallel_loop3A_379, %parallel_loop3A_380, %parallel_loop3A_381, %parallel_loop3A_382] {strides = array<i32>} : memref<2x8x16x128xf32, #tpu.memory_space<vmem>>, vector<16xf32>,
      tpu.vector_store %arg6[%parallel_loop3A_379, %parallel_loop3A_380, %parallel_loop3A_381, %parallel_loop3A_382], %parallel_loop3A_373 {strides = array<i32>} : memref<2x8x16x128xf32, #tpu.memory_space<vmem>>, vector<16xf32>,
      %parallel_loop3A_384 = arith.constant 0 : i32
      %parallel_loop3A_385 = arith.index_cast %parallel_loop3A_384 : i32 to index
      %parallel_loop3A_386 = arith.index_cast %parallel_loop3A_135 : i32 to index
      %parallel_loop3A_387 = arith.index_cast %parallel_loop3A_132 : i32 to index
      %parallel_loop3A_388 = arith.constant 64 : index
      %parallel_loop3A_389 = tpu.vector_load %arg5[%parallel_loop3A_385, %parallel_loop3A_386, %parallel_loop3A_387, %parallel_loop3A_388] {strides = array<i32>} : memref<2x4x8x128xi32, #tpu.memory_space<vmem>>, vector<16xi32>,
      %parallel_loop3A_390 = arith.constant 0 : i32
      %parallel_loop3A_391 = vector.broadcast %parallel_loop3A_390 : i32 to vector<16xi32>
      %parallel_loop3A_392 = arith.addi %parallel_loop3A_389, %parallel_loop3A_391 : vector<16xi32>
      %parallel_loop3A_393 = tpu.vector_load_idx %arg7[%parallel_loop3A_392] : memref<32xf32, #tpu.memory_space<vmem>>[vector<16xi32>], vector<16xf32>,
      %parallel_loop3A_394 = arith.constant 4 : i32
      %parallel_loop3A_395 = arith.muli %parallel_loop3A_135, %parallel_loop3A_394 : i32
      %parallel_loop3A_396 = arith.constant 0 : i32
      %parallel_loop3A_397 = arith.addi %parallel_loop3A_395, %parallel_loop3A_396 : i32
      %parallel_loop3A_398 = arith.constant 0 : i32
      %parallel_loop3A_399 = arith.index_cast %parallel_loop3A_398 : i32 to index
      %parallel_loop3A_400 = arith.index_cast %parallel_loop3A_132 : i32 to index
      %parallel_loop3A_401 = arith.index_cast %parallel_loop3A_397 : i32 to index
      %parallel_loop3A_402 = arith.constant 64 : index
      %parallel_loop3A_403 = tpu.vector_load %arg6[%parallel_loop3A_399, %parallel_loop3A_400, %parallel_loop3A_401, %parallel_loop3A_402] {strides = array<i32>} : memref<2x8x16x128xf32, #tpu.memory_space<vmem>>, vector<16xf32>,
      tpu.vector_store %arg6[%parallel_loop3A_399, %parallel_loop3A_400, %parallel_loop3A_401, %parallel_loop3A_402], %parallel_loop3A_393 {strides = array<i32>} : memref<2x8x16x128xf32, #tpu.memory_space<vmem>>, vector<16xf32>,
      %parallel_loop3A_404 = arith.constant 6 : i32
      %parallel_loop3A_405 = vector.broadcast %parallel_loop3A_404 : i32 to vector<16xi32>
      %parallel_loop3A_406 = arith.addi %parallel_loop3A_389, %parallel_loop3A_405 : vector<16xi32>
      %parallel_loop3A_407 = tpu.vector_load_idx %arg7[%parallel_loop3A_406] : memref<32xf32, #tpu.memory_space<vmem>>[vector<16xi32>], vector<16xf32>,
      %parallel_loop3A_408 = arith.constant 4 : i32
      %parallel_loop3A_409 = arith.muli %parallel_loop3A_135, %parallel_loop3A_408 : i32
      %parallel_loop3A_410 = arith.constant 1 : i32
      %parallel_loop3A_411 = arith.addi %parallel_loop3A_409, %parallel_loop3A_410 : i32
      %parallel_loop3A_412 = arith.constant 0 : i32
      %parallel_loop3A_413 = arith.index_cast %parallel_loop3A_412 : i32 to index
      %parallel_loop3A_414 = arith.index_cast %parallel_loop3A_132 : i32 to index
      %parallel_loop3A_415 = arith.index_cast %parallel_loop3A_411 : i32 to index
      %parallel_loop3A_416 = arith.constant 64 : index
      %parallel_loop3A_417 = tpu.vector_load %arg6[%parallel_loop3A_413, %parallel_loop3A_414, %parallel_loop3A_415, %parallel_loop3A_416] {strides = array<i32>} : memref<2x8x16x128xf32, #tpu.memory_space<vmem>>, vector<16xf32>,
      tpu.vector_store %arg6[%parallel_loop3A_413, %parallel_loop3A_414, %parallel_loop3A_415, %parallel_loop3A_416], %parallel_loop3A_407 {strides = array<i32>} : memref<2x8x16x128xf32, #tpu.memory_space<vmem>>, vector<16xf32>,
      %parallel_loop3A_418 = arith.constant 12 : i32
      %parallel_loop3A_419 = vector.broadcast %parallel_loop3A_418 : i32 to vector<16xi32>
      %parallel_loop3A_420 = arith.addi %parallel_loop3A_389, %parallel_loop3A_419 : vector<16xi32>
      %parallel_loop3A_421 = tpu.vector_load_idx %arg7[%parallel_loop3A_420] : memref<32xf32, #tpu.memory_space<vmem>>[vector<16xi32>], vector<16xf32>,
      %parallel_loop3A_422 = arith.constant 4 : i32
      %parallel_loop3A_423 = arith.muli %parallel_loop3A_135, %parallel_loop3A_422 : i32
      %parallel_loop3A_424 = arith.constant 2 : i32
      %parallel_loop3A_425 = arith.addi %parallel_loop3A_423, %parallel_loop3A_424 : i32
      %parallel_loop3A_426 = arith.constant 0 : i32
      %parallel_loop3A_427 = arith.index_cast %parallel_loop3A_426 : i32 to index
      %parallel_loop3A_428 = arith.index_cast %parallel_loop3A_132 : i32 to index
      %parallel_loop3A_429 = arith.index_cast %parallel_loop3A_425 : i32 to index
      %parallel_loop3A_430 = arith.constant 64 : index
      %parallel_loop3A_431 = tpu.vector_load %arg6[%parallel_loop3A_427, %parallel_loop3A_428, %parallel_loop3A_429, %parallel_loop3A_430] {strides = array<i32>} : memref<2x8x16x128xf32, #tpu.memory_space<vmem>>, vector<16xf32>,
      tpu.vector_store %arg6[%parallel_loop3A_427, %parallel_loop3A_428, %parallel_loop3A_429, %parallel_loop3A_430], %parallel_loop3A_421 {strides = array<i32>} : memref<2x8x16x128xf32, #tpu.memory_space<vmem>>, vector<16xf32>,
      %parallel_loop3A_432 = arith.constant 18 : i32
      %parallel_loop3A_433 = vector.broadcast %parallel_loop3A_432 : i32 to vector<16xi32>
      %parallel_loop3A_434 = arith.addi %parallel_loop3A_389, %parallel_loop3A_433 : vector<16xi32>
      %parallel_loop3A_435 = tpu.vector_load_idx %arg7[%parallel_loop3A_434] : memref<32xf32, #tpu.memory_space<vmem>>[vector<16xi32>], vector<16xf32>,
      %parallel_loop3A_436 = arith.constant 4 : i32
      %parallel_loop3A_437 = arith.muli %parallel_loop3A_135, %parallel_loop3A_436 : i32
      %parallel_loop3A_438 = arith.constant 3 : i32
      %parallel_loop3A_439 = arith.addi %parallel_loop3A_437, %parallel_loop3A_438 : i32
      %parallel_loop3A_440 = arith.constant 0 : i32
      %parallel_loop3A_441 = arith.index_cast %parallel_loop3A_440 : i32 to index
      %parallel_loop3A_442 = arith.index_cast %parallel_loop3A_132 : i32 to index
      %parallel_loop3A_443 = arith.index_cast %parallel_loop3A_439 : i32 to index
      %parallel_loop3A_444 = arith.constant 64 : index
      %parallel_loop3A_445 = tpu.vector_load %arg6[%parallel_loop3A_441, %parallel_loop3A_442, %parallel_loop3A_443, %parallel_loop3A_444] {strides = array<i32>} : memref<2x8x16x128xf32, #tpu.memory_space<vmem>>, vector<16xf32>,
      tpu.vector_store %arg6[%parallel_loop3A_441, %parallel_loop3A_442, %parallel_loop3A_443, %parallel_loop3A_444], %parallel_loop3A_435 {strides = array<i32>} : memref<2x8x16x128xf32, #tpu.memory_space<vmem>>, vector<16xf32>,
      %parallel_loop3A_446 = arith.constant 0 : i32
      %parallel_loop3A_447 = arith.index_cast %parallel_loop3A_446 : i32 to index
      %parallel_loop3A_448 = arith.index_cast %parallel_loop3A_135 : i32 to index
      %parallel_loop3A_449 = arith.index_cast %parallel_loop3A_132 : i32 to index
      %parallel_loop3A_450 = arith.constant 80 : index
      %parallel_loop3A_451 = tpu.vector_load %arg5[%parallel_loop3A_447, %parallel_loop3A_448, %parallel_loop3A_449, %parallel_loop3A_450] {strides = array<i32>} : memref<2x4x8x128xi32, #tpu.memory_space<vmem>>, vector<16xi32>,
      %parallel_loop3A_452 = arith.constant 0 : i32
      %parallel_loop3A_453 = vector.broadcast %parallel_loop3A_452 : i32 to vector<16xi32>
      %parallel_loop3A_454 = arith.addi %parallel_loop3A_451, %parallel_loop3A_453 : vector<16xi32>
      %parallel_loop3A_455 = tpu.vector_load_idx %arg7[%parallel_loop3A_454] : memref<32xf32, #tpu.memory_space<vmem>>[vector<16xi32>], vector<16xf32>,
      %parallel_loop3A_456 = arith.constant 4 : i32
      %parallel_loop3A_457 = arith.muli %parallel_loop3A_135, %parallel_loop3A_456 : i32
      %parallel_loop3A_458 = arith.constant 0 : i32
      %parallel_loop3A_459 = arith.addi %parallel_loop3A_457, %parallel_loop3A_458 : i32
      %parallel_loop3A_460 = arith.constant 0 : i32
      %parallel_loop3A_461 = arith.index_cast %parallel_loop3A_460 : i32 to index
      %parallel_loop3A_462 = arith.index_cast %parallel_loop3A_132 : i32 to index
      %parallel_loop3A_463 = arith.index_cast %parallel_loop3A_459 : i32 to index
      %parallel_loop3A_464 = arith.constant 80 : index
      %parallel_loop3A_465 = tpu.vector_load %arg6[%parallel_loop3A_461, %parallel_loop3A_462, %parallel_loop3A_463, %parallel_loop3A_464] {strides = array<i32>} : memref<2x8x16x128xf32, #tpu.memory_space<vmem>>, vector<16xf32>,
      tpu.vector_store %arg6[%parallel_loop3A_461, %parallel_loop3A_462, %parallel_loop3A_463, %parallel_loop3A_464], %parallel_loop3A_455 {strides = array<i32>} : memref<2x8x16x128xf32, #tpu.memory_space<vmem>>, vector<16xf32>,
      %parallel_loop3A_466 = arith.constant 6 : i32
      %parallel_loop3A_467 = vector.broadcast %parallel_loop3A_466 : i32 to vector<16xi32>
      %parallel_loop3A_468 = arith.addi %parallel_loop3A_451, %parallel_loop3A_467 : vector<16xi32>
      %parallel_loop3A_469 = tpu.vector_load_idx %arg7[%parallel_loop3A_468] : memref<32xf32, #tpu.memory_space<vmem>>[vector<16xi32>], vector<16xf32>,
      %parallel_loop3A_470 = arith.constant 4 : i32
      %parallel_loop3A_471 = arith.muli %parallel_loop3A_135, %parallel_loop3A_470 : i32
      %parallel_loop3A_472 = arith.constant 1 : i32
      %parallel_loop3A_473 = arith.addi %parallel_loop3A_471, %parallel_loop3A_472 : i32
      %parallel_loop3A_474 = arith.constant 0 : i32
      %parallel_loop3A_475 = arith.index_cast %parallel_loop3A_474 : i32 to index
      %parallel_loop3A_476 = arith.index_cast %parallel_loop3A_132 : i32 to index
      %parallel_loop3A_477 = arith.index_cast %parallel_loop3A_473 : i32 to index
      %parallel_loop3A_478 = arith.constant 80 : index
      %parallel_loop3A_479 = tpu.vector_load %arg6[%parallel_loop3A_475, %parallel_loop3A_476, %parallel_loop3A_477, %parallel_loop3A_478] {strides = array<i32>} : memref<2x8x16x128xf32, #tpu.memory_space<vmem>>, vector<16xf32>,
      tpu.vector_store %arg6[%parallel_loop3A_475, %parallel_loop3A_476, %parallel_loop3A_477, %parallel_loop3A_478], %parallel_loop3A_469 {strides = array<i32>} : memref<2x8x16x128xf32, #tpu.memory_space<vmem>>, vector<16xf32>,
      %parallel_loop3A_480 = arith.constant 12 : i32
      %parallel_loop3A_481 = vector.broadcast %parallel_loop3A_480 : i32 to vector<16xi32>
      %parallel_loop3A_482 = arith.addi %parallel_loop3A_451, %parallel_loop3A_481 : vector<16xi32>
      %parallel_loop3A_483 = tpu.vector_load_idx %arg7[%parallel_loop3A_482] : memref<32xf32, #tpu.memory_space<vmem>>[vector<16xi32>], vector<16xf32>,
      %parallel_loop3A_484 = arith.constant 4 : i32
      %parallel_loop3A_485 = arith.muli %parallel_loop3A_135, %parallel_loop3A_484 : i32
      %parallel_loop3A_486 = arith.constant 2 : i32
      %parallel_loop3A_487 = arith.addi %parallel_loop3A_485, %parallel_loop3A_486 : i32
      %parallel_loop3A_488 = arith.constant 0 : i32
      %parallel_loop3A_489 = arith.index_cast %parallel_loop3A_488 : i32 to index
      %parallel_loop3A_490 = arith.index_cast %parallel_loop3A_132 : i32 to index
      %parallel_loop3A_491 = arith.index_cast %parallel_loop3A_487 : i32 to index
      %parallel_loop3A_492 = arith.constant 80 : index
      %parallel_loop3A_493 = tpu.vector_load %arg6[%parallel_loop3A_489, %parallel_loop3A_490, %parallel_loop3A_491, %parallel_loop3A_492] {strides = array<i32>} : memref<2x8x16x128xf32, #tpu.memory_space<vmem>>, vector<16xf32>,
      tpu.vector_store %arg6[%parallel_loop3A_489, %parallel_loop3A_490, %parallel_loop3A_491, %parallel_loop3A_492], %parallel_loop3A_483 {strides = array<i32>} : memref<2x8x16x128xf32, #tpu.memory_space<vmem>>, vector<16xf32>,
      %parallel_loop3A_494 = arith.constant 18 : i32
      %parallel_loop3A_495 = vector.broadcast %parallel_loop3A_494 : i32 to vector<16xi32>
      %parallel_loop3A_496 = arith.addi %parallel_loop3A_451, %parallel_loop3A_495 : vector<16xi32>
      %parallel_loop3A_497 = tpu.vector_load_idx %arg7[%parallel_loop3A_496] : memref<32xf32, #tpu.memory_space<vmem>>[vector<16xi32>], vector<16xf32>,
      %parallel_loop3A_498 = arith.constant 4 : i32
      %parallel_loop3A_499 = arith.muli %parallel_loop3A_135, %parallel_loop3A_498 : i32
      %parallel_loop3A_500 = arith.constant 3 : i32
      %parallel_loop3A_501 = arith.addi %parallel_loop3A_499, %parallel_loop3A_500 : i32
      %parallel_loop3A_502 = arith.constant 0 : i32
      %parallel_loop3A_503 = arith.index_cast %parallel_loop3A_502 : i32 to index
      %parallel_loop3A_504 = arith.index_cast %parallel_loop3A_132 : i32 to index
      %parallel_loop3A_505 = arith.index_cast %parallel_loop3A_501 : i32 to index
      %parallel_loop3A_506 = arith.constant 80 : index
      %parallel_loop3A_507 = tpu.vector_load %arg6[%parallel_loop3A_503, %parallel_loop3A_504, %parallel_loop3A_505, %parallel_loop3A_506] {strides = array<i32>} : memref<2x8x16x128xf32, #tpu.memory_space<vmem>>, vector<16xf32>,
      tpu.vector_store %arg6[%parallel_loop3A_503, %parallel_loop3A_504, %parallel_loop3A_505, %parallel_loop3A_506], %parallel_loop3A_497 {strides = array<i32>} : memref<2x8x16x128xf32, #tpu.memory_space<vmem>>, vector<16xf32>,
      %parallel_loop3A_508 = arith.constant 0 : i32
      %parallel_loop3A_509 = arith.index_cast %parallel_loop3A_508 : i32 to index
      %parallel_loop3A_510 = arith.index_cast %parallel_loop3A_135 : i32 to index
      %parallel_loop3A_511 = arith.index_cast %parallel_loop3A_132 : i32 to index
      %parallel_loop3A_512 = arith.constant 96 : index
      %parallel_loop3A_513 = tpu.vector_load %arg5[%parallel_loop3A_509, %parallel_loop3A_510, %parallel_loop3A_511, %parallel_loop3A_512] {strides = array<i32>} : memref<2x4x8x128xi32, #tpu.memory_space<vmem>>, vector<16xi32>,
      %parallel_loop3A_514 = arith.constant 0 : i32
      %parallel_loop3A_515 = vector.broadcast %parallel_loop3A_514 : i32 to vector<16xi32>
      %parallel_loop3A_516 = arith.addi %parallel_loop3A_513, %parallel_loop3A_515 : vector<16xi32>
      %parallel_loop3A_517 = tpu.vector_load_idx %arg7[%parallel_loop3A_516] : memref<32xf32, #tpu.memory_space<vmem>>[vector<16xi32>], vector<16xf32>,
      %parallel_loop3A_518 = arith.constant 4 : i32
      %parallel_loop3A_519 = arith.muli %parallel_loop3A_135, %parallel_loop3A_518 : i32
      %parallel_loop3A_520 = arith.constant 0 : i32
      %parallel_loop3A_521 = arith.addi %parallel_loop3A_519, %parallel_loop3A_520 : i32
      %parallel_loop3A_522 = arith.constant 0 : i32
      %parallel_loop3A_523 = arith.index_cast %parallel_loop3A_522 : i32 to index
      %parallel_loop3A_524 = arith.index_cast %parallel_loop3A_132 : i32 to index
      %parallel_loop3A_525 = arith.index_cast %parallel_loop3A_521 : i32 to index
      %parallel_loop3A_526 = arith.constant 96 : index
      %parallel_loop3A_527 = tpu.vector_load %arg6[%parallel_loop3A_523, %parallel_loop3A_524, %parallel_loop3A_525, %parallel_loop3A_526] {strides = array<i32>} : memref<2x8x16x128xf32, #tpu.memory_space<vmem>>, vector<16xf32>,
      tpu.vector_store %arg6[%parallel_loop3A_523, %parallel_loop3A_524, %parallel_loop3A_525, %parallel_loop3A_526], %parallel_loop3A_517 {strides = array<i32>} : memref<2x8x16x128xf32, #tpu.memory_space<vmem>>, vector<16xf32>,
      %parallel_loop3A_528 = arith.constant 6 : i32
      %parallel_loop3A_529 = vector.broadcast %parallel_loop3A_528 : i32 to vector<16xi32>
      %parallel_loop3A_530 = arith.addi %parallel_loop3A_513, %parallel_loop3A_529 : vector<16xi32>
      %parallel_loop3A_531 = tpu.vector_load_idx %arg7[%parallel_loop3A_530] : memref<32xf32, #tpu.memory_space<vmem>>[vector<16xi32>], vector<16xf32>,
      %parallel_loop3A_532 = arith.constant 4 : i32
      %parallel_loop3A_533 = arith.muli %parallel_loop3A_135, %parallel_loop3A_532 : i32
      %parallel_loop3A_534 = arith.constant 1 : i32
      %parallel_loop3A_535 = arith.addi %parallel_loop3A_533, %parallel_loop3A_534 : i32
      %parallel_loop3A_536 = arith.constant 0 : i32
      %parallel_loop3A_537 = arith.index_cast %parallel_loop3A_536 : i32 to index
      %parallel_loop3A_538 = arith.index_cast %parallel_loop3A_132 : i32 to index
      %parallel_loop3A_539 = arith.index_cast %parallel_loop3A_535 : i32 to index
      %parallel_loop3A_540 = arith.constant 96 : index
      %parallel_loop3A_541 = tpu.vector_load %arg6[%parallel_loop3A_537, %parallel_loop3A_538, %parallel_loop3A_539, %parallel_loop3A_540] {strides = array<i32>} : memref<2x8x16x128xf32, #tpu.memory_space<vmem>>, vector<16xf32>,
      tpu.vector_store %arg6[%parallel_loop3A_537, %parallel_loop3A_538, %parallel_loop3A_539, %parallel_loop3A_540], %parallel_loop3A_531 {strides = array<i32>} : memref<2x8x16x128xf32, #tpu.memory_space<vmem>>, vector<16xf32>,
      %parallel_loop3A_542 = arith.constant 12 : i32
      %parallel_loop3A_543 = vector.broadcast %parallel_loop3A_542 : i32 to vector<16xi32>
      %parallel_loop3A_544 = arith.addi %parallel_loop3A_513, %parallel_loop3A_543 : vector<16xi32>
      %parallel_loop3A_545 = tpu.vector_load_idx %arg7[%parallel_loop3A_544] : memref<32xf32, #tpu.memory_space<vmem>>[vector<16xi32>], vector<16xf32>,
      %parallel_loop3A_546 = arith.constant 4 : i32
      %parallel_loop3A_547 = arith.muli %parallel_loop3A_135, %parallel_loop3A_546 : i32
      %parallel_loop3A_548 = arith.constant 2 : i32
      %parallel_loop3A_549 = arith.addi %parallel_loop3A_547, %parallel_loop3A_548 : i32
      %parallel_loop3A_550 = arith.constant 0 : i32
      %parallel_loop3A_551 = arith.index_cast %parallel_loop3A_550 : i32 to index
      %parallel_loop3A_552 = arith.index_cast %parallel_loop3A_132 : i32 to index
      %parallel_loop3A_553 = arith.index_cast %parallel_loop3A_549 : i32 to index
      %parallel_loop3A_554 = arith.constant 96 : index
      %parallel_loop3A_555 = tpu.vector_load %arg6[%parallel_loop3A_551, %parallel_loop3A_552, %parallel_loop3A_553, %parallel_loop3A_554] {strides = array<i32>} : memref<2x8x16x128xf32, #tpu.memory_space<vmem>>, vector<16xf32>,
      tpu.vector_store %arg6[%parallel_loop3A_551, %parallel_loop3A_552, %parallel_loop3A_553, %parallel_loop3A_554], %parallel_loop3A_545 {strides = array<i32>} : memref<2x8x16x128xf32, #tpu.memory_space<vmem>>, vector<16xf32>,
      %parallel_loop3A_556 = arith.constant 18 : i32
      %parallel_loop3A_557 = vector.broadcast %parallel_loop3A_556 : i32 to vector<16xi32>
      %parallel_loop3A_558 = arith.addi %parallel_loop3A_513, %parallel_loop3A_557 : vector<16xi32>
      %parallel_loop3A_559 = tpu.vector_load_idx %arg7[%parallel_loop3A_558] : memref<32xf32, #tpu.memory_space<vmem>>[vector<16xi32>], vector<16xf32>,
      %parallel_loop3A_560 = arith.constant 4 : i32
      %parallel_loop3A_561 = arith.muli %parallel_loop3A_135, %parallel_loop3A_560 : i32
      %parallel_loop3A_562 = arith.constant 3 : i32
      %parallel_loop3A_563 = arith.addi %parallel_loop3A_561, %parallel_loop3A_562 : i32
      %parallel_loop3A_564 = arith.constant 0 : i32
      %parallel_loop3A_565 = arith.index_cast %parallel_loop3A_564 : i32 to index
      %parallel_loop3A_566 = arith.index_cast %parallel_loop3A_132 : i32 to index
      %parallel_loop3A_567 = arith.index_cast %parallel_loop3A_563 : i32 to index
      %parallel_loop3A_568 = arith.constant 96 : index
      %parallel_loop3A_569 = tpu.vector_load %arg6[%parallel_loop3A_565, %parallel_loop3A_566, %parallel_loop3A_567, %parallel_loop3A_568] {strides = array<i32>} : memref<2x8x16x128xf32, #tpu.memory_space<vmem>>, vector<16xf32>,
      tpu.vector_store %arg6[%parallel_loop3A_565, %parallel_loop3A_566, %parallel_loop3A_567, %parallel_loop3A_568], %parallel_loop3A_559 {strides = array<i32>} : memref<2x8x16x128xf32, #tpu.memory_space<vmem>>, vector<16xf32>,
      %parallel_loop3A_570 = arith.constant 0 : i32
      %parallel_loop3A_571 = arith.index_cast %parallel_loop3A_570 : i32 to index
      %parallel_loop3A_572 = arith.index_cast %parallel_loop3A_135 : i32 to index
      %parallel_loop3A_573 = arith.index_cast %parallel_loop3A_132 : i32 to index
      %parallel_loop3A_574 = arith.constant 112 : index
      %parallel_loop3A_575 = tpu.vector_load %arg5[%parallel_loop3A_571, %parallel_loop3A_572, %parallel_loop3A_573, %parallel_loop3A_574] {strides = array<i32>} : memref<2x4x8x128xi32, #tpu.memory_space<vmem>>, vector<16xi32>,
      %parallel_loop3A_576 = arith.constant 0 : i32
      %parallel_loop3A_577 = vector.broadcast %parallel_loop3A_576 : i32 to vector<16xi32>
      %parallel_loop3A_578 = arith.addi %parallel_loop3A_575, %parallel_loop3A_577 : vector<16xi32>
      %parallel_loop3A_579 = tpu.vector_load_idx %arg7[%parallel_loop3A_578] : memref<32xf32, #tpu.memory_space<vmem>>[vector<16xi32>], vector<16xf32>,
      %parallel_loop3A_580 = arith.constant 4 : i32
      %parallel_loop3A_581 = arith.muli %parallel_loop3A_135, %parallel_loop3A_580 : i32
      %parallel_loop3A_582 = arith.constant 0 : i32
      %parallel_loop3A_583 = arith.addi %parallel_loop3A_581, %parallel_loop3A_582 : i32
      %parallel_loop3A_584 = arith.constant 0 : i32
      %parallel_loop3A_585 = arith.index_cast %parallel_loop3A_584 : i32 to index
      %parallel_loop3A_586 = arith.index_cast %parallel_loop3A_132 : i32 to index
      %parallel_loop3A_587 = arith.index_cast %parallel_loop3A_583 : i32 to index
      %parallel_loop3A_588 = arith.constant 112 : index
      %parallel_loop3A_589 = tpu.vector_load %arg6[%parallel_loop3A_585, %parallel_loop3A_586, %parallel_loop3A_587, %parallel_loop3A_588] {strides = array<i32>} : memref<2x8x16x128xf32, #tpu.memory_space<vmem>>, vector<16xf32>,
      tpu.vector_store %arg6[%parallel_loop3A_585, %parallel_loop3A_586, %parallel_loop3A_587, %parallel_loop3A_588], %parallel_loop3A_579 {strides = array<i32>} : memref<2x8x16x128xf32, #tpu.memory_space<vmem>>, vector<16xf32>,
      %parallel_loop3A_590 = arith.constant 6 : i32
      %parallel_loop3A_591 = vector.broadcast %parallel_loop3A_590 : i32 to vector<16xi32>
      %parallel_loop3A_592 = arith.addi %parallel_loop3A_575, %parallel_loop3A_591 : vector<16xi32>
      %parallel_loop3A_593 = tpu.vector_load_idx %arg7[%parallel_loop3A_592] : memref<32xf32, #tpu.memory_space<vmem>>[vector<16xi32>], vector<16xf32>,
      %parallel_loop3A_594 = arith.constant 4 : i32
      %parallel_loop3A_595 = arith.muli %parallel_loop3A_135, %parallel_loop3A_594 : i32
      %parallel_loop3A_596 = arith.constant 1 : i32
      %parallel_loop3A_597 = arith.addi %parallel_loop3A_595, %parallel_loop3A_596 : i32
      %parallel_loop3A_598 = arith.constant 0 : i32
      %parallel_loop3A_599 = arith.index_cast %parallel_loop3A_598 : i32 to index
      %parallel_loop3A_600 = arith.index_cast %parallel_loop3A_132 : i32 to index
      %parallel_loop3A_601 = arith.index_cast %parallel_loop3A_597 : i32 to index
      %parallel_loop3A_602 = arith.constant 112 : index
      %parallel_loop3A_603 = tpu.vector_load %arg6[%parallel_loop3A_599, %parallel_loop3A_600, %parallel_loop3A_601, %parallel_loop3A_602] {strides = array<i32>} : memref<2x8x16x128xf32, #tpu.memory_space<vmem>>, vector<16xf32>,
      tpu.vector_store %arg6[%parallel_loop3A_599, %parallel_loop3A_600, %parallel_loop3A_601, %parallel_loop3A_602], %parallel_loop3A_593 {strides = array<i32>} : memref<2x8x16x128xf32, #tpu.memory_space<vmem>>, vector<16xf32>,
      %parallel_loop3A_604 = arith.constant 12 : i32
      %parallel_loop3A_605 = vector.broadcast %parallel_loop3A_604 : i32 to vector<16xi32>
      %parallel_loop3A_606 = arith.addi %parallel_loop3A_575, %parallel_loop3A_605 : vector<16xi32>
      %parallel_loop3A_607 = tpu.vector_load_idx %arg7[%parallel_loop3A_606] : memref<32xf32, #tpu.memory_space<vmem>>[vector<16xi32>], vector<16xf32>,
      %parallel_loop3A_608 = arith.constant 4 : i32
      %parallel_loop3A_609 = arith.muli %parallel_loop3A_135, %parallel_loop3A_608 : i32
      %parallel_loop3A_610 = arith.constant 2 : i32
      %parallel_loop3A_611 = arith.addi %parallel_loop3A_609, %parallel_loop3A_610 : i32
      %parallel_loop3A_612 = arith.constant 0 : i32
      %parallel_loop3A_613 = arith.index_cast %parallel_loop3A_612 : i32 to index
      %parallel_loop3A_614 = arith.index_cast %parallel_loop3A_132 : i32 to index
      %parallel_loop3A_615 = arith.index_cast %parallel_loop3A_611 : i32 to index
      %parallel_loop3A_616 = arith.constant 112 : index
      %parallel_loop3A_617 = tpu.vector_load %arg6[%parallel_loop3A_613, %parallel_loop3A_614, %parallel_loop3A_615, %parallel_loop3A_616] {strides = array<i32>} : memref<2x8x16x128xf32, #tpu.memory_space<vmem>>, vector<16xf32>,
      tpu.vector_store %arg6[%parallel_loop3A_613, %parallel_loop3A_614, %parallel_loop3A_615, %parallel_loop3A_616], %parallel_loop3A_607 {strides = array<i32>} : memref<2x8x16x128xf32, #tpu.memory_space<vmem>>, vector<16xf32>,
      %parallel_loop3A_618 = arith.constant 18 : i32
      %parallel_loop3A_619 = vector.broadcast %parallel_loop3A_618 : i32 to vector<16xi32>
      %parallel_loop3A_620 = arith.addi %parallel_loop3A_575, %parallel_loop3A_619 : vector<16xi32>
      %parallel_loop3A_621 = tpu.vector_load_idx %arg7[%parallel_loop3A_620] : memref<32xf32, #tpu.memory_space<vmem>>[vector<16xi32>], vector<16xf32>,
      %parallel_loop3A_622 = arith.constant 4 : i32
      %parallel_loop3A_623 = arith.muli %parallel_loop3A_135, %parallel_loop3A_622 : i32
      %parallel_loop3A_624 = arith.constant 3 : i32
      %parallel_loop3A_625 = arith.addi %parallel_loop3A_623, %parallel_loop3A_624 : i32
      %parallel_loop3A_626 = arith.constant 0 : i32
      %parallel_loop3A_627 = arith.index_cast %parallel_loop3A_626 : i32 to index
      %parallel_loop3A_628 = arith.index_cast %parallel_loop3A_132 : i32 to index
      %parallel_loop3A_629 = arith.index_cast %parallel_loop3A_625 : i32 to index
      %parallel_loop3A_630 = arith.constant 112 : index
      %parallel_loop3A_631 = tpu.vector_load %arg6[%parallel_loop3A_627, %parallel_loop3A_628, %parallel_loop3A_629, %parallel_loop3A_630] {strides = array<i32>} : memref<2x8x16x128xf32, #tpu.memory_space<vmem>>, vector<16xf32>,
      tpu.vector_store %arg6[%parallel_loop3A_627, %parallel_loop3A_628, %parallel_loop3A_629, %parallel_loop3A_630], %parallel_loop3A_621 {strides = array<i32>} : memref<2x8x16x128xf32, #tpu.memory_space<vmem>>, vector<16xf32>,
    } {sc.loop_unroll_factor = 4 : i64, sc.parallel_access}
    %mul3A_51 = arith.constant 4 : i32
    %mul3A_52 = arith.muli %mul3A_2, %mul3A_51 : i32
    %dma_start3A_53 = arith.constant 0 : i32
    %dma_start3A_54 = arith.constant 0 : i32
    %dma_start3A_55 = arith.constant 0 : i32
    %dma_start3A_56 = arith.constant 0 : i32
    %dma_start3A_57 = tpu.memref_slice %arg6[%dma_start3A_53, %dma_start3A_54, %dma_start3A_55, %dma_start3A_56] : memref<2x8x16x128xf32, #tpu.memory_space<vmem>> -> memref<1x8x16x128xf32, #tpu.memory_space<vmem>>
    %dma_start3A_58 = tpu.memref_squeeze %dma_start3A_57 : memref<1x8x16x128xf32, #tpu.memory_space<vmem>> -> memref<8x16x128xf32, #tpu.memory_space<vmem>>
    %dma_start3A_59 = arith.constant 192 : i32
    %dma_start3A_60 = arith.constant 0 : i32
    %dma_start3A_61 = tpu.memref_slice %arg4[%dma_start3A_59, %mul3A_52, %dma_start3A_60] : memref<200x512x128xf32, #tpu.memory_space<hbm>> -> memref<8x16x128xf32, #tpu.memory_space<hbm>>
    %dma_start3A_62 = arith.constant 192 : i32
    %dma_start3A_63 = arith.constant 0 : i32
    %dma_start3A_64 = tpu.memref_slice %arg4[%dma_start3A_62, %mul3A_52, %dma_start3A_63] : memref<200x512x128xf32, #tpu.memory_space<hbm>> -> memref<8x16x128xf32, #tpu.memory_space<hbm>>
    %dma_start3A_65 = arith.constant 0 : i32
    %dma_start3A_66 = arith.constant 0 : i32
    %dma_start3A_67 = arith.constant 0 : i32
    %dma_start3A_68 = tpu.memref_slice %arg6[%dma_start3A_53, %dma_start3A_65, %dma_start3A_66, %dma_start3A_67] : memref<2x8x16x128xf32, #tpu.memory_space<vmem>> -> memref<1x8x16x128xf32, #tpu.memory_space<vmem>>
    %dma_start3A_69 = tpu.memref_squeeze %dma_start3A_68 : memref<1x8x16x128xf32, #tpu.memory_space<vmem>> -> memref<8x16x128xf32, #tpu.memory_space<vmem>>
    tpu.enqueue_dma source(%dma_start3A_69 : memref<8x16x128xf32, #tpu.memory_space<vmem>>) target(%dma_start3A_64 : memref<8x16x128xf32, #tpu.memory_space<hbm>>) target_semaphore(%arg10 : memref<!tpu.dma_semaphore, #tpu.memory_space<semaphore_mem>>)
    %mul3A_70 = arith.constant 4 : i32
    %mul3A_71 = arith.muli %mul3A_2, %mul3A_70 : i32
    %dma_wait3A_72 = arith.constant 0 : i32
    %dma_wait3A_73 = arith.constant 0 : i32
    %dma_wait3A_74 = arith.constant 0 : i32
    %dma_wait3A_75 = arith.constant 0 : i32
    %dma_wait3A_76 = tpu.memref_slice %arg6[%dma_wait3A_72, %dma_wait3A_73, %dma_wait3A_74, %dma_wait3A_75] : memref<2x8x16x128xf32, #tpu.memory_space<vmem>> -> memref<1x8x16x128xf32, #tpu.memory_space<vmem>>
    %dma_wait3A_77 = tpu.memref_squeeze %dma_wait3A_76 : memref<1x8x16x128xf32, #tpu.memory_space<vmem>> -> memref<8x16x128xf32, #tpu.memory_space<vmem>>
    %dma_wait3A_78 = arith.constant 192 : i32
    %dma_wait3A_79 = arith.constant 0 : i32
    %dma_wait3A_80 = tpu.memref_slice %arg4[%dma_wait3A_78, %mul3A_71, %dma_wait3A_79] : memref<200x512x128xf32, #tpu.memory_space<hbm>> -> memref<8x16x128xf32, #tpu.memory_space<hbm>>
    %dma_wait3A_81 = arith.constant 192 : i32
    %dma_wait3A_82 = arith.constant 0 : i32
    %dma_wait3A_83 = tpu.memref_slice %arg4[%dma_wait3A_81, %mul3A_71, %dma_wait3A_82] : memref<200x512x128xf32, #tpu.memory_space<hbm>> -> memref<8x16x128xf32, #tpu.memory_space<hbm>>
    %dma_wait3A_84 = arith.constant 0 : i32
    %dma_wait3A_85 = arith.constant 0 : i32
    %dma_wait3A_86 = arith.constant 0 : i32
    %dma_wait3A_87 = tpu.memref_slice %arg6[%dma_wait3A_72, %dma_wait3A_84, %dma_wait3A_85, %dma_wait3A_86] : memref<2x8x16x128xf32, #tpu.memory_space<vmem>> -> memref<1x8x16x128xf32, #tpu.memory_space<vmem>>
    %dma_wait3A_88 = tpu.memref_squeeze %dma_wait3A_87 : memref<1x8x16x128xf32, #tpu.memory_space<vmem>> -> memref<8x16x128xf32, #tpu.memory_space<vmem>>
    tpu.wait_dma2 semaphore(%arg10 : memref<!tpu.dma_semaphore, #tpu.memory_space<semaphore_mem>>) src(%dma_wait3A_88 : memref<8x16x128xf32, #tpu.memory_space<vmem>>) dst(%dma_wait3A_83 : memref<8x16x128xf32, #tpu.memory_space<hbm>>)
    %mul3A_89 = arith.constant 4 : i32
    %mul3A_90 = arith.muli %mul3A_2, %mul3A_89 : i32
    %dma_wait3A_91 = arith.constant 1 : i32
    %dma_wait3A_92 = arith.constant 0 : i32
    %dma_wait3A_93 = arith.constant 0 : i32
    %dma_wait3A_94 = arith.constant 0 : i32
    %dma_wait3A_95 = tpu.memref_slice %arg6[%dma_wait3A_91, %dma_wait3A_92, %dma_wait3A_93, %dma_wait3A_94] : memref<2x8x16x128xf32, #tpu.memory_space<vmem>> -> memref<1x8x16x128xf32, #tpu.memory_space<vmem>>
    %dma_wait3A_96 = tpu.memref_squeeze %dma_wait3A_95 : memref<1x8x16x128xf32, #tpu.memory_space<vmem>> -> memref<8x16x128xf32, #tpu.memory_space<vmem>>
    %dma_wait3A_97 = arith.constant 184 : i32
    %dma_wait3A_98 = arith.constant 0 : i32
    %dma_wait3A_99 = tpu.memref_slice %arg4[%dma_wait3A_97, %mul3A_90, %dma_wait3A_98] : memref<200x512x128xf32, #tpu.memory_space<hbm>> -> memref<8x16x128xf32, #tpu.memory_space<hbm>>
    %dma_wait3A_100 = arith.constant 184 : i32
    %dma_wait3A_101 = arith.constant 0 : i32
    %dma_wait3A_102 = tpu.memref_slice %arg4[%dma_wait3A_100, %mul3A_90, %dma_wait3A_101] : memref<200x512x128xf32, #tpu.memory_space<hbm>> -> memref<8x16x128xf32, #tpu.memory_space<hbm>>
    %dma_wait3A_103 = arith.constant 0 : i32
    %dma_wait3A_104 = arith.constant 0 : i32
    %dma_wait3A_105 = arith.constant 0 : i32
    %dma_wait3A_106 = tpu.memref_slice %arg6[%dma_wait3A_91, %dma_wait3A_103, %dma_wait3A_104, %dma_wait3A_105] : memref<2x8x16x128xf32, #tpu.memory_space<vmem>> -> memref<1x8x16x128xf32, #tpu.memory_space<vmem>>
    %dma_wait3A_107 = tpu.memref_squeeze %dma_wait3A_106 : memref<1x8x16x128xf32, #tpu.memory_space<vmem>> -> memref<8x16x128xf32, #tpu.memory_space<vmem>>
    tpu.wait_dma2 semaphore(%arg11 : memref<!tpu.dma_semaphore, #tpu.memory_space<semaphore_mem>>) src(%dma_wait3A_107 : memref<8x16x128xf32, #tpu.memory_space<vmem>>) dst(%dma_wait3A_102 : memref<8x16x128xf32, #tpu.memory_space<hbm>>)
    return
  }
}

</mosaic_0001>

<sc_bundles>
// kernel: kernel.3.cloned.1.call-start
scs
__scs_entry_jumppad:
0x0: {  	(pc) =	sbr.rel $0x88, $3  }
0x1: {  	(tag) =	ssettag $0x0;
	lr =	simm.s32 $0x1  }
0x2: {  	[smem:$0x3F9F] =	sst lr;
	_ =	strace $0xD0000000  }
0x3: {  	_ = 	snop  }
0x4: {  	_ = 	snop  }
0x5: {  	_ = 	snop  }
0x6: {  	_ = 	snop  }
0x7: {  	_ = 	snop  }
__scs_overlays_trampoline_lowered:
0x8: {  	[smem:$0x3FAE] =	sst s0  }
0x9: {  	[smem:$0x3FAF] =	sst s1  }
0xa: {  	[smem:$0x3FB0] =	sst s2  }
0xb: {  	[smem:$0x3FB1] =	sst s3  }
0xc: {  	[smem:$0x3FB2] =	sst s4  }
0xd: {  	[smem:$0x3FB3] =	sst s5  }
0xe: {  	[smem:$0x3FB4] =	sst s6  }
0xf: {  	[smem:$0x3FB5] =	sst s7  }
0x10: {  	[smem:$0x3FB6] =	sst s8  }
0x11: {  	[smem:$0x3FB7] =	sst s9;
	s0 =	simm.s32 @!p0 $0x0  }
0x12: {  	s1 =	sld [smem:$0x3F9D];
	s0 =	simm.s32 @p0 $0x1  }
0x13: {  	[smem:$0x3FB8] =	sst s0;
	s0 =	simm.s32 @!p1 $0x0  }
0x14: {  	s2 =	sld [smem:$0x3F9C];
	s0 =	simm.s32 @p1 $0x1  }
0x15: {  	[smem:$0x3FB9] =	sst s0;
	s0 =	simm.s32 @!p2 $0x0  }
0x16: {  	s3 =	sld [smem:$0x3FDB];
	s0 =	simm.s32 @p2 $0x1  }
0x17: {  	s4 =	simm.s32 $0x1BF5;
	[smem:$0x3FBB] =	sst s0  }
0x18: {  	s0 =	sld [smem:$0x3F9E];
	_ =	swait.ge [sflag:s4], $0x0  }
0x19: {  	s7 =	sld [smem:$0x3F9F]  }
0x1a: {  	s8 =	sadd.s32 $0xFFFFE003, lr  }
0x1b: {  	s9 =	sadd.s32 $0xFFFFFEF7, lr;
	s5 =	simm.s32 $0xFFFFFFFF;
	p2 =	slt.u32 s8, $0xFFFFF086  }
0x1c: {  	p1 =	slt.u32 s9, $0xF7A;
	s5 =	simm.s32 @!p2 $0x0  }
0x1d: {  	s5 =	simm.s32 @p1 $0x1;
	p0 =	seq.s32 s7, s2  }
0x1e: {  	s7 =	smul.u32 @!p0 $0xF7A, s2;
	p2 =	seq.s32 @!p0 s5, $0x0  }
0x1f: {  	s9 =	smul.u32 $0xF7A, s1;
	s8 =	simm.s32 @!p0 $0x1BF5;
	p2 =	por !p2, p0  }
0x20: {  	[sflag:s8] =	ssyncset.s32 @!p0 $0xFFFFF086;
	s6 =	sadd.s32 @!p0 s3, s7;
	s7 =	simm.s32 @!p0 $0x108  }
0x21: {  	s3 =	sadd.s32 s3, s9;
	s6 =	sadd.s32 @!p0 $0x88, s6;
	s7 =	simm.s32 @p2 $0x1082  }
0x22: {  	[simem:s7], [sflag:s8] =	dma.local @!p0 [hbm:s6], $0xF7A  }
0x23: {  	s9 =	sor.u32 $0xD0000000, s2;
	s6 =	simm.s32 $0x108;
	_ =	swait.ge @!p0 [sflag:s8], $0x0  }
0x24: {  	s3 =	sadd.s32 $0x88, s3;
	s6 =	simm.s32 @!p1 $0x1082;
	[sflag:s4] =	ssyncset.s32 $0xFFFFF086  }
0x25: {  	[simem:s6], [sflag:s4] =	dma.local [hbm:s3], $0xF7A  }
0x26: {  	[smem:$0x3F9F] =	sst s1;
	(tag) =	ssettag s2;
	_ =	strace s9  }
0x27: {  	s1 =	sld [smem:$0x3FAF]  }
0x28: {  	s2 =	sld [smem:$0x3FB0]  }
0x29: {  	s4 =	sld [smem:$0x3FB2]  }
0x2a: {  	p0 =	seq.s32 s5, $0x0;
	s5 =	sld [smem:$0x3FB3]  }
0x2b: {  	s6 =	sld [smem:$0x3FB4]  }
0x2c: {  	s7 =	sld [smem:$0x3FB5]  }
0x2d: {  	s3 =	simm.s32 $0x108;
	s8 =	sld [smem:$0x3FB6]  }
0x2e: {  	s3 =	simm.s32 @!p0 $0x1082;
	s9 =	sld [smem:$0x3FB7]  }
0x2f: {  	lr =	sadd.s32 s0, s3;
	s0 =	sld [smem:$0x3FAE]  }
0x30: {  	s3 =	sld [smem:$0x3FB1]  }
0x31: {  	[smem:$0x3FBA] =	sst s10  }
0x32: {  	s10 =	sld [smem:$0x3FB8];
	_ =	sdelay $0x3  }
0x33: {  	p0 =	seq.s32 s10, $0x1;
	s10 =	sld [smem:$0x3FBA];
	_ =	sdelay $0x3  }
0x34: {  	[smem:$0x3FBA] =	sst s10  }
0x35: {  	s10 =	sld [smem:$0x3FB9];
	_ =	sdelay $0x3  }
0x36: {  	p1 =	seq.s32 s10, $0x1;
	s10 =	sld [smem:$0x3FBA];
	_ =	sdelay $0x3  }
0x37: {  	[smem:$0x3FBA] =	sst s10  }
0x38: {  	s10 =	sld [smem:$0x3FBB]  }
0x39: {  	_ = 	snop;
	(pc) =	sbr.ind lr, $3  }
0x3a: {  	_ = 	snop  }
0x3b: {  	_ = 	snop  }
0x3c: {  	p2 =	seq.s32 s10, $0x1;
	s10 =	sld [smem:$0x3FBA]  }
0x3d: {  	_ =	shalt  }
0x3e: {  	_ =	shalt  }
0x3f: {  	_ =	shalt  }
0x40: {  	_ =	shalt  }
0x41: {  	_ =	shalt  }
0x42: {  	_ =	shalt  }
0x43: {  	_ =	shalt  }
0x44: {  	_ =	shalt  }
0x45: {  	_ =	shalt  }
0x46: {  	_ =	shalt  }
0x47: {  	_ =	shalt  }
0x48: {  	_ =	shalt  }
0x49: {  	_ =	shalt  }
0x4a: {  	_ =	shalt  }
0x4b: {  	_ =	shalt  }
0x4c: {  	_ =	shalt  }
0x4d: {  	_ =	shalt  }
0x4e: {  	_ =	shalt  }
0x4f: {  	_ =	shalt  }
0x50: {  	_ =	shalt  }
0x51: {  	_ =	shalt  }
0x52: {  	_ =	shalt  }
0x53: {  	_ =	shalt  }
0x54: {  	_ =	shalt  }
0x55: {  	_ =	shalt  }
0x56: {  	_ =	shalt  }
0x57: {  	_ =	shalt  }
0x58: {  	_ =	shalt  }
0x59: {  	_ =	shalt  }
0x5a: {  	_ =	shalt  }
0x5b: {  	_ =	shalt  }
0x5c: {  	_ =	shalt  }
0x5d: {  	_ =	shalt  }
0x5e: {  	_ =	shalt  }
0x5f: {  	_ =	shalt  }
0x60: {  	_ =	shalt  }
0x61: {  	_ =	shalt  }
0x62: {  	_ =	shalt  }
0x63: {  	_ =	shalt  }
0x64: {  	_ =	shalt  }
0x65: {  	_ =	shalt  }
0x66: {  	_ =	shalt  }
0x67: {  	_ =	shalt  }
0x68: {  	_ =	shalt  }
0x69: {  	_ =	shalt  }
0x6a: {  	_ =	shalt  }
0x6b: {  	_ =	shalt  }
0x6c: {  	_ =	shalt  }
0x6d: {  	_ =	shalt  }
0x6e: {  	_ =	shalt  }
0x6f: {  	_ =	shalt  }
0x70: {  	_ =	shalt  }
0x71: {  	_ =	shalt  }
0x72: {  	_ =	shalt  }
0x73: {  	_ =	shalt  }
0x74: {  	_ =	shalt  }
0x75: {  	_ =	shalt  }
0x76: {  	_ =	shalt  }
0x77: {  	_ =	shalt  }
0x78: {  	_ =	shalt  }
0x79: {  	_ =	shalt  }
0x7a: {  	_ =	shalt  }
0x7b: {  	_ =	shalt  }
0x7c: {  	_ =	shalt  }
0x7d: {  	_ =	shalt  }
0x7e: {  	_ =	shalt  }
0x7f: {  	_ =	shalt  }
0x80: {  	_ =	shalt  }
0x81: {  	_ =	shalt  }
0x82: {  	_ =	shalt  }
0x83: {  	_ =	shalt  }
0x84: {  	_ =	shalt  }
0x85: {  	_ =	shalt  }
0x86: {  	_ =	shalt  }
0x87: {  	_ =	shalt  }
.Lfunc_end0:
.L_simem_size_0:
called_computation_lowered:
.L_overlay_start_0:
0x88: {  	s2 =	sld [smem:$0x3FD9]  }
0x89: {  	s3 =	sld [smem:$0x3FFE];
	_ =	sdelay $0x1  }
0x8a: {  	s1 =	srdreg.scid  }
0x8b: {  	s0 =	sand.u32 $0x1, s1  }
0x8c: {  	s17 =	sshll.u32 s0, $0xA;
	s2 =	sadd.s32 s3, s2  }
0x8d: {  	s2 =	sadd.s32 s2, s17  }
0x8e: {  	[smem:$0x3FC6] =	sst s2  }
0x8f: {  	_ = 	snop  }
0x90: {  	s2 =	sld [smem:$0x3FC9]  }
0x91: {  	s18 =	sld [smem:$0x3FD0];
	(tm) =	ssettm $0x1  }
0x92: {  	s4 =	sld [smem:$0x3FFB];
	_ =	sdelay $0x3  }
0x93: {  	_ =	strace s4  }
0x94: {  	s4 =	sld [smem:$0x3FFC];
	_ =	sdelay $0x3  }
0x95: {  	_ =	strace s4  }
0x96: {  	s4 =	sld [smem:$0x3FFD];
	_ =	sdelay $0x3  }
0x97: {  	_ =	strace s4  }
0x98: {  	_ =	strace $0x8FFFFFFF  }
0x99: {  	s19 =	sld [smem:$0x3FDB];
	_ =	sdelay $0x1  }
0x9a: {  	s5 =	simm.s32 $_scs_section_size  }
0x9b: {  	s6 =	simm.s32 $_size__tile_overlayer_lowered;
	s7 =	simm.s32 $_tile_overlayer_lowered  }
0x9c: {  	s22 =	simm.s32 $0x1BFF;
	s21 =	sshll.u32 s7, $0x1;
	s4 =	sadd.s32 s5, s19  }
0x9d: {  	s8 =	simm.s32 $0x0;
	s20 =	sshll.u32 s6, $0x1;
	s6 =	sadd.s32 s21, s4  }
0x9e: {  	[timem:s8], [sflag:s22] =	dma.local [hbm:s6], s20  }
0x9f: {  	_ =	swait.ge [sflag:s22], s20  }
0xa0: {  	s5 =	ssub.s32 $0x0, s20;
	[sflag:s22] =	ssyncset.done $0x0  }
0xa1: {  	[sflag:s22] =	ssyncadd.s32 s5;
	_ =	sdelay $0x1  }
0xa2: {  	s23 =	simm.s32 $0x1B8B  }
0xa3: {  	_ =	swait.ge [sflag:s23], $0x1  }
0xa4: {  	[sflag:s23] =	ssyncset.done $0x0  }
0xa5: {  	s25 =	simm.s32 $0x1B8E;
	s24 =	sld [smem:$0x3FFE];
	[sflag:s23] =	ssyncadd.s32 $0xFFFFFFFF  }
0xa6: {  	s26 =	simm.s32 $execute0_lowered;
	[smem:$0x3FD2] =	sst s25  }
0xa7: {  	s6 =	sshll.u32 s26, $0x1;
	_ =	strace $0x80000046;
	[dreg:$0x1] =	wrdreg $0xFFFFFFFF  }
0xa8: {  	s28 =	simm.s32 $_size_execute0_lowered;
	s4 =	sadd.s32 s4, s6;
	[dreg:$0x0] =	wrdreg $0x0  }
0xa9: {  	s6 =	sshll.u32 s28, $0x1;
	[dreg:$0x2] =	wrdreg s4  }
0xaa: {  	[dreg:$0x3] =	wrdreg s6  }
0xab: {  	[dreg:$0x4] =	wrdreg $0xC0  }
0xac: {  	_ =	task [dreg:s8], $0x5FFFF  }
0xad: {  	[dreg:$0x1] =	wrdreg $0xFFFFFFFF  }
0xae: {  	[dreg:$0x0] =	wrdreg $0x60  }
0xaf: {  	[dreg:$0x2] =	wrdreg s2  }
0xb0: {  	[dreg:$0x3] =	wrdreg s24  }
0xb1: {  	[dreg:$0x4] =	wrdreg s18  }
0xb2: {  	[dreg:$0x5] =	wrdreg $0x9  }
0xb3: {  	_ =	task.clear_ibuf [dreg:s8], $0x6FFFF;
	_ =	strace $0x90000046  }
0xb4: {  	s29 =	simm.s32 $0x9;
	_ =	strace $0x80000048  }
0xb5: {  	_ =	swait.ge [sflag:s29], $0x1  }
0xb6: {  	[sflag:s29] =	ssyncadd.s32 $0xFFFFFFFF  }
0xb7: {  	_ =	strace $0x90000048  }
0xb8: {  	_ =	sfence  }
0xb9: {  	s30 =	sld [smem:$0x0];
	_ =	sdelay $0x2  }
0xba: {  	s31 =	sshll.u32 s1, $0xD;
	s1 =	sshrl.u32 s1, $0x2  }
0xbb: {  	s3 =	sand.u32 $0x4000, s31;
	s1 =	sadd.s32 s1, s30  }
0xbc: {  	s0 =	sor.u32 s3, s0;
	s1 =	sshll.u32 s1, $0x11  }
0xbd: {  	s0 =	sor.u32 s1, s0  }
0xbe: {  	s0 =	sadd.s32 $0x8F2B, s0  }
0xbf: {  	[sflag:s0] =	ssyncadd.remote.s32 $0x1  }
0xc0: {  	_ =	sfence.sel $0xFFFF  }
0xc1: {  	[dreg:$0x0] =	wrdreg $0xFFFFFFFF;
	(pc) =	sbr.abs _section_cstart, $3  }
0xc2: {  	[dreg:$0x1] =	wrdreg $0xFFFFFFFF  }
0xc3: {  	_ =	task.clear_ibuf [dreg:s8], $0x2FFFF;
	_ =	strace $0x9FFFFFFF  }
0xc4: {  	(tm) =	ssettm $0x7FFFFFFF  }
0xc5: {  	_ =	shalt  }
tec
execute0_lowered:
.L_overlay_start_1:
0x0: {  	(tag) =	ssettag $0x1  }
0x1: {  	s1 =	rddreg [dreg:$0x0]  }
0x2: {  	s0 =	rddreg [dreg:$0x1]  }
0x3: {  	s2 =	rddreg [dreg:$0x2]  }
0x4: {  	s3 =	srdreg.scid;
	s4 =	simm.s32 $0x0;
	s12 =	simm.s32 $0xA000  }
0x5: {  	s13 =	simm.s32 $0x5;
	s14 =	simm.s32 $0x1000;
	s15 =	simm.s32 $0x1  }
0x6: {  	s16 =	simm.s32 $0x800;
	s17 =	simm.s32 $0x10000;
	s18 =	simm.s32 $0x2000  }
0x7: {  	s19 =	simm.s32 $0x2;
	s20 =	simm.s32 $0x6000;
	s21 =	simm.s32 $0x3  }
0x8: {  	s22 =	simm.s32 $0x4;
	s23 =	simm.s32 $0x0;
	s6 =	sand.u32 $0x1, s3  }
0x9: {  	[smem:$0x7FF] =	sst s4;
	s3 =	stileid.u32;
	s7 =	ssub.s32 $0x2, s6  }
0xa: {  	s5 =	sadd.s32 $0x400, s0;
	s9 =	sshll.u32 s3, $0x1;
	s8 =	sshrl.u32 s7, $0x1  }
0xb: {  	_ =	strace $0x80000047;
	s9 =	sor.u32 s6, s9;
	s30 =	ssub.s32 s7, s8  }
0xc: {  	s6 =	sshll.u32 s9, $0xC;
	s31 =	sshll.u32 s9, $0x9;
	s10 =	sshll.u32 s9, $0x8  }
0xd: {  	s9 =	sshll.u32 s9, $0xB;
	s7 =	sadd.s32 s1, s31;
	s10 =	sadd.s32 s10, s2  }
0xe: {  	s8 =	sor.u32 $0x40000, s6;
	s11 =	smax.u32 s30, $0x1;
	s10 =	sadd.s32 $0x180000, s10  }
.LBB2_1:
0xf: {  	[tilespmem:s12], [sflag:$0x5] =	stream.linear.gather [hbm4b:s5+s4], $0x80, $0x38;
	[tilespmem:$0xA080] =	vst v63  }
0x10: {  	_ =	swait.ge [sflag:s13], $0x80  }
0x11: {  	[sflag:s13] =	ssyncset.done $0x0  }
0x12: {  	s24 =	simm.s32 $0x0;
	[sflag:s13] =	ssyncadd.s32 $0xFFFFFF80  }
0x13: {  	[tilespmem:s4], [sflag:$0x1] =	stream.linear.gather [hbm4b:s7+s4], $0x1000, $0x38;
	[tilespmem:$0xA080] =	vst v63  }
.LBB2_2:
0x14: {  	s25 =	sshllo.u32 s24, $0x1  }
0x15: {  	s0 =	sshll.u32 s25, $0x11  }
0x16: {  	s0 =	sor.u32 s6, s0  }
0x17: {  	s0 =	sshrl.u32 s0, $0x3  }
0x18: {  	s0 =	sadd.s32 s1, s0  }
0x19: {  	[tilespmem:s14], [sflag:$0x2] =	stream.linear.gather [hbm4b:s0+s4], $0x1000, $0x38;
	[tilespmem:$0xA080] =	vst v63  }
0x1a: {  	_ =	swait.ge [sflag:s15], $0x1000  }
0x1b: {  	p0 =	seq.s32 s24, $0x0;
	[sflag:s15] =	ssyncset.done $0x0  }
0x1c: {  	s0 =	simm.s32 @!p0 $0x3;
	[sflag:s15] =	ssyncadd.s32 $0xFFFFF000  }
0x1d: {  	_ =	swait.ge @!p0 [sflag:s0], $0x4000  }
0x1e: {  	[sflag:s0] =	ssyncset.done @!p0 $0x0  }
0x1f: {  	[sflag:s0] =	ssyncadd.s32 @!p0 $0xFFFFC000;
	s0 =	simm.s32 $0x800  }
0x20: {  	v0 =	vld [tilespmem:s0+$0x400];
	_ =	sdelay $0x2  }
0x21: {  	v1 =	vld [tilespmem:s0+$0xFFFFFC00]  }
0x22: {  	v3 =	vld [tilespmem:s0+$0xFFFFF800]  }
0x23: {  	v2 =	vld [tilespmem:s0+$0x0];
	_ =	sdelay $0x2  }
0x24: {  	v4 =	vld.idx.msk [tilespmem:v0+s12+$0x0], $0xffff  }
0x25: {  	v5 =	vadd.s32 $0x6, v0;
	_ =	sdelay $0x1  }
0x26: {  	v6 =	vld.idx.msk [tilespmem:v1+s12+$0x0], $0xffff  }
0x27: {  	s26 =	simm.s32 $0x2400;
	v7 =	vadd.s32 $0x6, v1;
	v10 =	vld.idx.msk [tilespmem:v3+s12+$0x0], $0xffff  }
0x28: {  	v8 =	vld.idx.msk [tilespmem:v2+s12+$0x0], $0xffff;
	[tilespmem:s26+$0x200] =	vst v4;
	v4 =	vadd.s32 $0x6, v3  }
0x29: {  	v9 =	vadd.s32 $0x6, v2;
	v5 =	vld.idx.msk [tilespmem:v5+s12+$0x0], $0xffff  }
0x2a: {  	v11 =	vadd.s32 $0xC, v0  }
0x2b: {  	[tilespmem:s26+$0xFFFFFE00] =	vst v6  }
0x2c: {  	[tilespmem:s26+$0xFFFFFC00] =	vst v10;
	v6 =	vld.idx.msk [tilespmem:v7+s12+$0x0], $0xffff  }
0x2d: {  	[tilespmem:s26+$0x0] =	vst v8;
	v7 =	vadd.s32 $0xC, v1;
	v4 =	vld.idx.msk [tilespmem:v4+s12+$0x0], $0xffff  }
0x2e: {  	v8 =	vld.idx.msk [tilespmem:v9+s12+$0x0], $0xffff;
	[tilespmem:s26+$0x280] =	vst v5;
	v5 =	vadd.s32 $0xC, v3  }
0x2f: {  	v9 =	vadd.s32 $0xC, v2;
	v10 =	vld.idx.msk [tilespmem:v11+s12+$0x0], $0xffff  }
0x30: {  	v0 =	vadd.s32 $0x12, v0  }
0x31: {  	[tilespmem:s26+$0xFFFFFE80] =	vst v6  }
0x32: {  	v6 =	vld.idx.msk [tilespmem:v7+s12+$0x0], $0xffff;
	[tilespmem:s26+$0xFFFFFC80] =	vst v4  }
0x33: {  	v1 =	vadd.s32 $0x12, v1;
	[tilespmem:s26+$0x80] =	vst v8;
	v5 =	vld.idx.msk [tilespmem:v5+s12+$0x0], $0xffff  }
0x34: {  	v3 =	vadd.s32 $0x12, v3;
	v4 =	vld.idx.msk [tilespmem:v9+s12+$0x0], $0xffff;
	[tilespmem:s26+$0x300] =	vst v10  }
0x35: {  	v2 =	vadd.s32 $0x12, v2;
	v0 =	vld.idx.msk [tilespmem:v0+s12+$0x0], $0xffff;
	_ =	sdelay $0x1  }
0x36: {  	[tilespmem:s26+$0xFFFFFF00] =	vst v6  }
0x37: {  	v1 =	vld.idx.msk [tilespmem:v1+s12+$0x0], $0xffff;
	[tilespmem:s26+$0xFFFFFD00] =	vst v5  }
0x38: {  	[tilespmem:s26+$0x100] =	vst v4;
	v3 =	vld.idx.msk [tilespmem:v3+s12+$0x0], $0xffff  }
0x39: {  	v2 =	vld.idx.msk [tilespmem:v2+s12+$0x0], $0xffff;
	[tilespmem:s26+$0x380] =	vst v0  }
0x3a: {  	v0 =	vld [tilespmem:s0+$0x410];
	_ =	sdelay $0x1  }
0x3b: {  	[tilespmem:s26+$0xFFFFFF80] =	vst v1  }
0x3c: {  	v1 =	vld [tilespmem:s0+$0xFFFFFC10];
	[tilespmem:s26+$0xFFFFFD80] =	vst v3  }
0x3d: {  	[tilespmem:s26+$0x180] =	vst v2;
	v3 =	vld [tilespmem:s0+$0xFFFFF810]  }
0x3e: {  	v2 =	vld [tilespmem:s0+$0x10];
	_ =	sdelay $0x2  }
0x3f: {  	v4 =	vld.idx.msk [tilespmem:v0+s12+$0x0], $0xffff  }
0x40: {  	v5 =	vadd.s32 $0x6, v0;
	_ =	sdelay $0x1  }
0x41: {  	v6 =	vld.idx.msk [tilespmem:v1+s12+$0x0], $0xffff  }
0x42: {  	v7 =	vadd.s32 $0x6, v1;
	v10 =	vld.idx.msk [tilespmem:v3+s12+$0x0], $0xffff  }
0x43: {  	v8 =	vld.idx.msk [tilespmem:v2+s12+$0x0], $0xffff;
	[tilespmem:s26+$0x210] =	vst v4;
	v4 =	vadd.s32 $0x6, v3  }
0x44: {  	v9 =	vadd.s32 $0x6, v2;
	v5 =	vld.idx.msk [tilespmem:v5+s12+$0x0], $0xffff  }
0x45: {  	v11 =	vadd.s32 $0xC, v0  }
0x46: {  	[tilespmem:s26+$0xFFFFFE10] =	vst v6  }
0x47: {  	v6 =	vld.idx.msk [tilespmem:v7+s12+$0x0], $0xffff;
	[tilespmem:s26+$0xFFFFFC10] =	vst v10  }
0x48: {  	v7 =	vadd.s32 $0xC, v1;
	[tilespmem:s26+$0x10] =	vst v8;
	v4 =	vld.idx.msk [tilespmem:v4+s12+$0x0], $0xffff  }
0x49: {  	v8 =	vld.idx.msk [tilespmem:v9+s12+$0x0], $0xffff;
	[tilespmem:s26+$0x290] =	vst v5;
	v5 =	vadd.s32 $0xC, v3  }
0x4a: {  	v9 =	vadd.s32 $0xC, v2;
	v10 =	vld.idx.msk [tilespmem:v11+s12+$0x0], $0xffff  }
0x4b: {  	v0 =	vadd.s32 $0x12, v0  }
0x4c: {  	[tilespmem:s26+$0xFFFFFE90] =	vst v6  }
0x4d: {  	v6 =	vld.idx.msk [tilespmem:v7+s12+$0x0], $0xffff;
	[tilespmem:s26+$0xFFFFFC90] =	vst v4  }
0x4e: {  	v1 =	vadd.s32 $0x12, v1;
	[tilespmem:s26+$0x90] =	vst v8;
	v5 =	vld.idx.msk [tilespmem:v5+s12+$0x0], $0xffff  }
0x4f: {  	v3 =	vadd.s32 $0x12, v3;
	v4 =	vld.idx.msk [tilespmem:v9+s12+$0x0], $0xffff;
	[tilespmem:s26+$0x310] =	vst v10  }
0x50: {  	v2 =	vadd.s32 $0x12, v2;
	v0 =	vld.idx.msk [tilespmem:v0+s12+$0x0], $0xffff;
	_ =	sdelay $0x1  }
0x51: {  	[tilespmem:s26+$0xFFFFFF10] =	vst v6  }
0x52: {  	v1 =	vld.idx.msk [tilespmem:v1+s12+$0x0], $0xffff;
	[tilespmem:s26+$0xFFFFFD10] =	vst v5  }
0x53: {  	[tilespmem:s26+$0x110] =	vst v4;
	v3 =	vld.idx.msk [tilespmem:v3+s12+$0x0], $0xffff  }
0x54: {  	v2 =	vld.idx.msk [tilespmem:v2+s12+$0x0], $0xffff;
	[tilespmem:s26+$0x390] =	vst v0  }
0x55: {  	v0 =	vld [tilespmem:s0+$0x420];
	_ =	sdelay $0x1  }
0x56: {  	[tilespmem:s26+$0xFFFFFF90] =	vst v1  }
0x57: {  	v1 =	vld [tilespmem:s0+$0xFFFFFC20];
	[tilespmem:s26+$0xFFFFFD90] =	vst v3  }
0x58: {  	[tilespmem:s26+$0x190] =	vst v2;
	v3 =	vld [tilespmem:s0+$0xFFFFF820]  }
0x59: {  	v2 =	vld [tilespmem:s0+$0x20];
	_ =	sdelay $0x2  }
0x5a: {  	v4 =	vld.idx.msk [tilespmem:v0+s12+$0x0], $0xffff  }
0x5b: {  	v5 =	vadd.s32 $0x6, v0;
	_ =	sdelay $0x1  }
0x5c: {  	v6 =	vld.idx.msk [tilespmem:v1+s12+$0x0], $0xffff  }
0x5d: {  	v7 =	vadd.s32 $0x6, v1;
	v10 =	vld.idx.msk [tilespmem:v3+s12+$0x0], $0xffff  }
0x5e: {  	v8 =	vld.idx.msk [tilespmem:v2+s12+$0x0], $0xffff;
	[tilespmem:s26+$0x220] =	vst v4;
	v4 =	vadd.s32 $0x6, v3  }
0x5f: {  	v9 =	vadd.s32 $0x6, v2;
	v5 =	vld.idx.msk [tilespmem:v5+s12+$0x0], $0xffff  }
0x60: {  	v11 =	vadd.s32 $0xC, v0  }
0x61: {  	[tilespmem:s26+$0xFFFFFE20] =	vst v6  }
0x62: {  	v6 =	vld.idx.msk [tilespmem:v7+s12+$0x0], $0xffff;
	[tilespmem:s26+$0xFFFFFC20] =	vst v10  }
0x63: {  	v7 =	vadd.s32 $0xC, v1;
	[tilespmem:s26+$0x20] =	vst v8;
	v4 =	vld.idx.msk [tilespmem:v4+s12+$0x0], $0xffff  }
0x64: {  	v8 =	vld.idx.msk [tilespmem:v9+s12+$0x0], $0xffff;
	[tilespmem:s26+$0x2A0] =	vst v5;
	v5 =	vadd.s32 $0xC, v3  }
0x65: {  	v9 =	vadd.s32 $0xC, v2;
	v10 =	vld.idx.msk [tilespmem:v11+s12+$0x0], $0xffff  }
0x66: {  	v0 =	vadd.s32 $0x12, v0  }
0x67: {  	[tilespmem:s26+$0xFFFFFEA0] =	vst v6  }
0x68: {  	v6 =	vld.idx.msk [tilespmem:v7+s12+$0x0], $0xffff;
	[tilespmem:s26+$0xFFFFFCA0] =	vst v4  }
0x69: {  	v1 =	vadd.s32 $0x12, v1;
	[tilespmem:s26+$0xA0] =	vst v8;
	v5 =	vld.idx.msk [tilespmem:v5+s12+$0x0], $0xffff  }
0x6a: {  	v3 =	vadd.s32 $0x12, v3;
	v4 =	vld.idx.msk [tilespmem:v9+s12+$0x0], $0xffff;
	[tilespmem:s26+$0x320] =	vst v10  }
0x6b: {  	v2 =	vadd.s32 $0x12, v2;
	v0 =	vld.idx.msk [tilespmem:v0+s12+$0x0], $0xffff;
	_ =	sdelay $0x1  }
0x6c: {  	[tilespmem:s26+$0xFFFFFF20] =	vst v6  }
0x6d: {  	v1 =	vld.idx.msk [tilespmem:v1+s12+$0x0], $0xffff;
	[tilespmem:s26+$0xFFFFFD20] =	vst v5  }
0x6e: {  	[tilespmem:s26+$0x120] =	vst v4;
	v3 =	vld.idx.msk [tilespmem:v3+s12+$0x0], $0xffff  }
0x6f: {  	v2 =	vld.idx.msk [tilespmem:v2+s12+$0x0], $0xffff;
	[tilespmem:s26+$0x3A0] =	vst v0  }
0x70: {  	v0 =	vld [tilespmem:s0+$0x430];
	_ =	sdelay $0x1  }
0x71: {  	[tilespmem:s26+$0xFFFFFFA0] =	vst v1  }
0x72: {  	v1 =	vld [tilespmem:s0+$0xFFFFFC30];
	[tilespmem:s26+$0xFFFFFDA0] =	vst v3  }
0x73: {  	[tilespmem:s26+$0x1A0] =	vst v2;
	v3 =	vld [tilespmem:s0+$0xFFFFF830]  }
0x74: {  	v2 =	vld [tilespmem:s0+$0x30];
	_ =	sdelay $0x2  }
0x75: {  	v4 =	vld.idx.msk [tilespmem:v0+s12+$0x0], $0xffff  }
0x76: {  	v5 =	vadd.s32 $0x6, v0;
	_ =	sdelay $0x1  }
0x77: {  	v6 =	vld.idx.msk [tilespmem:v1+s12+$0x0], $0xffff  }
0x78: {  	v7 =	vadd.s32 $0x6, v1;
	v10 =	vld.idx.msk [tilespmem:v3+s12+$0x0], $0xffff  }
0x79: {  	v8 =	vld.idx.msk [tilespmem:v2+s12+$0x0], $0xffff;
	[tilespmem:s26+$0x230] =	vst v4;
	v4 =	vadd.s32 $0x6, v3  }
0x7a: {  	v9 =	vadd.s32 $0x6, v2;
	v5 =	vld.idx.msk [tilespmem:v5+s12+$0x0], $0xffff  }
0x7b: {  	v11 =	vadd.s32 $0xC, v0  }
0x7c: {  	[tilespmem:s26+$0xFFFFFE30] =	vst v6  }
0x7d: {  	v6 =	vld.idx.msk [tilespmem:v7+s12+$0x0], $0xffff;
	[tilespmem:s26+$0xFFFFFC30] =	vst v10  }
0x7e: {  	v7 =	vadd.s32 $0xC, v1;
	[tilespmem:s26+$0x30] =	vst v8;
	v4 =	vld.idx.msk [tilespmem:v4+s12+$0x0], $0xffff  }
0x7f: {  	v8 =	vld.idx.msk [tilespmem:v9+s12+$0x0], $0xffff;
	[tilespmem:s26+$0x2B0] =	vst v5;
	v5 =	vadd.s32 $0xC, v3  }
0x80: {  	v9 =	vadd.s32 $0xC, v2;
	v10 =	vld.idx.msk [tilespmem:v11+s12+$0x0], $0xffff  }
0x81: {  	v0 =	vadd.s32 $0x12, v0  }
0x82: {  	[tilespmem:s26+$0xFFFFFEB0] =	vst v6  }
0x83: {  	v6 =	vld.idx.msk [tilespmem:v7+s12+$0x0], $0xffff;
	[tilespmem:s26+$0xFFFFFCB0] =	vst v4  }
0x84: {  	v1 =	vadd.s32 $0x12, v1;
	[tilespmem:s26+$0xB0] =	vst v8;
	v5 =	vld.idx.msk [tilespmem:v5+s12+$0x0], $0xffff  }
0x85: {  	v3 =	vadd.s32 $0x12, v3;
	v4 =	vld.idx.msk [tilespmem:v9+s12+$0x0], $0xffff;
	[tilespmem:s26+$0x330] =	vst v10  }
0x86: {  	v2 =	vadd.s32 $0x12, v2;
	v0 =	vld.idx.msk [tilespmem:v0+s12+$0x0], $0xffff;
	_ =	sdelay $0x1  }
0x87: {  	[tilespmem:s26+$0xFFFFFF30] =	vst v6  }
0x88: {  	v1 =	vld.idx.msk [tilespmem:v1+s12+$0x0], $0xffff;
	[tilespmem:s26+$0xFFFFFD30] =	vst v5  }
0x89: {  	[tilespmem:s26+$0x130] =	vst v4;
	v3 =	vld.idx.msk [tilespmem:v3+s12+$0x0], $0xffff  }
0x8a: {  	v2 =	vld.idx.msk [tilespmem:v2+s12+$0x0], $0xffff;
	[tilespmem:s26+$0x3B0] =	vst v0  }
0x8b: {  	v0 =	vld [tilespmem:s0+$0x440];
	_ =	sdelay $0x2  }
0x8c: {  	[tilespmem:s26+$0xFFFFFDB0] =	vst v3  }
0x8d: {  	[tilespmem:s26+$0xFFFFFFB0] =	vst v1;
	v3 =	vld [tilespmem:s0+$0xFFFFF840]  }
0x8e: {  	v1 =	vld [tilespmem:s0+$0xFFFFFC40];
	[tilespmem:s26+$0x1B0] =	vst v2  }
0x8f: {  	s28 =	simm.s32 $0x880;
	v2 =	vld [tilespmem:s0+$0x40]  }
0x90: {  	v11 =	vld [tilespmem:s28+$0xFFFFFC00]  }
0x91: {  	v4 =	vld.idx.msk [tilespmem:v0+s12+$0x0], $0xffff;
	_ =	sdelay $0x1  }
0x92: {  	v14 =	vld [tilespmem:s28+$0x0];
	v5 =	vadd.s32 $0x6, v0  }
0x93: {  	v10 =	vld [tilespmem:s28+$0x400]  }
0x94: {  	v8 =	vld.idx.msk [tilespmem:v3+s12+$0x0], $0xffff  }
0x95: {  	v6 =	vld.idx.msk [tilespmem:v1+s12+$0x0], $0xffff;
	[tilespmem:s26+$0x240] =	vst v4;
	v4 =	vadd.s32 $0x6, v3  }
0x96: {  	v9 =	vadd.s32 $0x6, v1;
	v7 =	vld.idx.msk [tilespmem:v2+s12+$0x0], $0xffff  }
0x97: {  	v13 =	vadd.s32 $0x6, v2;
	v5 =	vld.idx.msk [tilespmem:v5+s12+$0x0], $0xffff  }
0x98: {  	v15 =	vld.idx.msk [tilespmem:v11+s12+$0x0], $0xffff;
	v12 =	vadd.s32 $0xC, v0  }
0x99: {  	[tilespmem:s26+$0xFFFFFC40] =	vst v8;
	v8 =	vld [tilespmem:s28+$0xFFFFF800]  }
0x9a: {  	[tilespmem:s26+$0xFFFFFE40] =	vst v6;
	v4 =	vld.idx.msk [tilespmem:v4+s12+$0x0], $0xffff  }
0x9b: {  	v6 =	vld.idx.msk [tilespmem:v9+s12+$0x0], $0xffff;
	[tilespmem:s26+$0x40] =	vst v7;
	v7 =	vadd.s32 $0xC, v3  }
0x9c: {  	v9 =	vld.idx.msk [tilespmem:v13+s12+$0x0], $0xffff;
	[tilespmem:s26+$0x2C0] =	vst v5  }
0x9d: {  	v18 =	vadd.s32 $0x6, v11;
	v5 =	vld.idx.msk [tilespmem:v12+s12+$0x0], $0xffff  }
0x9e: {  	v13 =	vadd.s32 $0xC, v1;
	v12 =	vld.idx.msk [tilespmem:v10+s12+$0x0], $0xffff  }
0x9f: {  	s29 =	simm.s32 $0x2C00;
	v16 =	vld.idx.msk [tilespmem:v14+s12+$0x0], $0xffff;
	v0 =	vadd.s32 $0x12, v0;
	[tilespmem:s26+$0xFFFFFCC0] =	vst v4  }
0xa0: {  	v17 =	vadd.s32 $0x6, v10;
	[tilespmem:s29+$0xFFFFFE00] =	vst v15;
	v7 =	vld.idx.msk [tilespmem:v7+s12+$0x0], $0xffff  }
0xa1: {  	v19 =	vadd.s32 $0x6, v14;
	[tilespmem:s26+$0xFFFFFEC0] =	vst v6;
	v4 =	vld.idx.msk [tilespmem:v8+s12+$0x0], $0xffff  }
0xa2: {  	v15 =	vld.idx.msk [tilespmem:v18+s12+$0x0], $0xffff;
	v3 =	vadd.s32 $0x12, v3;
	[tilespmem:s26+$0x340] =	vst v5  }
0xa3: {  	v5 =	vadd.s32 $0x6, v8;
	[tilespmem:s29+$0x200] =	vst v12;
	v12 =	vld.idx.msk [tilespmem:v13+s12+$0x0], $0xffff  }
0xa4: {  	[tilespmem:s29+$0x0] =	vst v16;
	v1 =	vadd.s32 $0x12, v1;
	v0 =	vld.idx.msk [tilespmem:v0+s12+$0x0], $0xffff  }
0xa5: {  	v13 =	vld.idx.msk [tilespmem:v17+s12+$0x0], $0xffff;
	[tilespmem:s26+$0xFFFFFD40] =	vst v7  }
0xa6: {  	v6 =	vadd.s32 $0xC, v2;
	[tilespmem:s29+$0xFFFFFC00] =	vst v4;
	v4 =	vld.idx.msk [tilespmem:v19+s12+$0x0], $0xffff  }
0xa7: {  	[tilespmem:s26+$0xC0] =	vst v9;
	v17 =	vadd.s32 $0xC, v11;
	v3 =	vld.idx.msk [tilespmem:v3+s12+$0x0], $0xffff  }
0xa8: {  	v16 =	vadd.s32 $0xC, v10;
	[tilespmem:s26+$0xFFFFFF40] =	vst v12;
	v5 =	vld.idx.msk [tilespmem:v5+s12+$0x0], $0xffff  }
0xa9: {  	v9 =	vadd.s32 $0xC, v14;
	[tilespmem:s26+$0x3C0] =	vst v0;
	v1 =	vld.idx.msk [tilespmem:v1+s12+$0x0], $0xffff  }
0xaa: {  	[tilespmem:s29+$0xFFFFFE80] =	vst v15;
	v7 =	vld [tilespmem:s0+$0x450]  }
0xab: {  	v6 =	vld.idx.msk [tilespmem:v6+s12+$0x0], $0xffff;
	v0 =	vadd.s32 $0xC, v8;
	[tilespmem:s29+$0x280] =	vst v13  }
0xac: {  	v2 =	vadd.s32 $0x12, v2;
	v15 =	vld.idx.msk [tilespmem:v17+s12+$0x0], $0xffff;
	[tilespmem:s29+$0x80] =	vst v4  }
0xad: {  	v13 =	vld.idx.msk [tilespmem:v16+s12+$0x0], $0xffff;
	[tilespmem:s26+$0xFFFFFDC0] =	vst v3  }
0xae: {  	[tilespmem:s29+$0xFFFFFC80] =	vst v5;
	v4 =	vld.idx.msk [tilespmem:v9+s12+$0x0], $0xffff;
	v5 =	vadd.s32 $0x12, v10  }
0xaf: {  	v9 =	vadd.s32 $0x12, v11;
	[tilespmem:s26+$0xFFFFFFC0] =	vst v1;
	v1 =	vld [tilespmem:s0+$0xFFFFF850]  }
0xb0: {  	[tilespmem:s26+$0x140] =	vst v6;
	v10 =	vadd.s32 $0x12, v14;
	v0 =	vld.idx.msk [tilespmem:v0+s12+$0x0], $0xffff  }
0xb1: {  	v6 =	vadd.s32 $0x12, v8;
	v2 =	vld.idx.msk [tilespmem:v2+s12+$0x0], $0xffff  }
0xb2: {  	[tilespmem:s29+$0x300] =	vst v13;
	v8 =	vld.idx.msk [tilespmem:v7+s12+$0x0], $0xffff  }
0xb3: {  	[tilespmem:s29+$0xFFFFFF00] =	vst v15;
	v5 =	vld.idx.msk [tilespmem:v5+s12+$0x0], $0xffff  }
0xb4: {  	v9 =	vld.idx.msk [tilespmem:v9+s12+$0x0], $0xffff;
	[tilespmem:s29+$0x100] =	vst v4;
	v4 =	vadd.s32 $0x6, v7  }
0xb5: {  	[tilespmem:s29+$0xFFFFFD00] =	vst v0;
	v0 =	vld.idx.msk [tilespmem:v10+s12+$0x0], $0xffff  }
0xb6: {  	v3 =	vld.idx.msk [tilespmem:v6+s12+$0x0], $0xffff  }
0xb7: {  	[tilespmem:s26+$0x1C0] =	vst v2;
	v6 =	vld [tilespmem:s0+$0xFFFFFC50]  }
0xb8: {  	v10 =	vld.idx.msk [tilespmem:v1+s12+$0x0], $0xffff;
	[tilespmem:s26+$0x250] =	vst v8  }
0xb9: {  	[tilespmem:s29+$0x380] =	vst v5;
	v4 =	vld.idx.msk [tilespmem:v4+s12+$0x0], $0xffff  }
0xba: {  	[tilespmem:s29+$0xFFFFFF80] =	vst v9;
	v9 =	vld [tilespmem:s0+$0x50]  }
0xbb: {  	v5 =	vld [tilespmem:s28+$0x410]  }
0xbc: {  	v8 =	vld [tilespmem:s28+$0xFFFFFC10];
	[tilespmem:s29+$0x180] =	vst v0;
	v0 =	vadd.s32 $0xC, v7  }
0xbd: {  	[tilespmem:s29+$0xFFFFFD80] =	vst v3;
	v3 =	vld [tilespmem:s28+$0x10]  }
0xbe: {  	v2 =	vld [tilespmem:s28+$0xFFFFF810];
	_ =	sdelay $0x1  }
0xbf: {  	[tilespmem:s26+$0x2D0] =	vst v4;
	v4 =	vld.idx.msk [tilespmem:v6+s12+$0x0], $0xffff  }
0xc0: {  	v0 =	vld.idx.msk [tilespmem:v0+s12+$0x0], $0xffff  }
0xc1: {  	[tilespmem:s26+$0xFFFFFC50] =	vst v10;
	v10 =	vadd.s32 $0x6, v6;
	v19 =	vld.idx.msk [tilespmem:v9+s12+$0x0], $0xffff  }
0xc2: {  	v7 =	vadd.s32 $0x12, v7;
	v11 =	vld.idx.msk [tilespmem:v5+s12+$0x0], $0xffff  }
0xc3: {  	v12 =	vadd.s32 $0x6, v1;
	v13 =	vld.idx.msk [tilespmem:v8+s12+$0x0], $0xffff  }
0xc4: {  	v15 =	vadd.s32 $0x6, v5;
	v14 =	vld.idx.msk [tilespmem:v3+s12+$0x0], $0xffff  }
0xc5: {  	v16 =	vadd.s32 $0x6, v8;
	[tilespmem:s26+$0xFFFFFE50] =	vst v4;
	v17 =	vld.idx.msk [tilespmem:v2+s12+$0x0], $0xffff  }
0xc6: {  	v18 =	vadd.s32 $0x6, v3;
	[tilespmem:s26+$0x350] =	vst v0;
	v10 =	vld.idx.msk [tilespmem:v10+s12+$0x0], $0xffff  }
0xc7: {  	v0 =	vadd.s32 $0x6, v2;
	v7 =	vld.idx.msk [tilespmem:v7+s12+$0x0], $0xffff;
	[tilespmem:s26+$0x50] =	vst v19  }
0xc8: {  	[tilespmem:s29+$0x210] =	vst v11;
	v11 =	vld.idx.msk [tilespmem:v12+s12+$0x0], $0xffff  }
0xc9: {  	[tilespmem:s29+$0xFFFFFE10] =	vst v13;
	v13 =	vadd.s32 $0x6, v9;
	v12 =	vld.idx.msk [tilespmem:v15+s12+$0x0], $0xffff  }
0xca: {  	v15 =	vld.idx.msk [tilespmem:v16+s12+$0x0], $0xffff;
	[tilespmem:s29+$0x10] =	vst v14;
	v16 =	vadd.s32 $0xC, v5  }
0xcb: {  	[tilespmem:s29+$0xFFFFFC10] =	vst v17;
	v14 =	vld.idx.msk [tilespmem:v18+s12+$0x0], $0xffff;
	v17 =	vadd.s32 $0xC, v8  }
0xcc: {  	v4 =	vadd.s32 $0xC, v3;
	v0 =	vld.idx.msk [tilespmem:v0+s12+$0x0], $0xffff;
	[tilespmem:s26+$0x3D0] =	vst v7  }
0xcd: {  	v19 =	vadd.s32 $0xC, v1;
	v18 =	vld [tilespmem:s0+$0x460];
	[tilespmem:s26+$0xFFFFFCD0] =	vst v11  }
0xce: {  	v7 =	vadd.s32 $0xC, v2;
	[tilespmem:s29+$0x290] =	vst v12;
	v12 =	vld.idx.msk [tilespmem:v13+s12+$0x0], $0xffff  }
0xcf: {  	v13 =	vadd.s32 $0xC, v6;
	[tilespmem:s29+$0xFFFFFE90] =	vst v15;
	v15 =	vld.idx.msk [tilespmem:v16+s12+$0x0], $0xffff  }
0xd0: {  	v16 =	vld.idx.msk [tilespmem:v17+s12+$0x0], $0xffff;
	[tilespmem:s29+$0x90] =	vst v14  }
0xd1: {  	[tilespmem:s29+$0xFFFFFC90] =	vst v0;
	v0 =	vld.idx.msk [tilespmem:v4+s12+$0x0], $0xffff;
	v4 =	vadd.s32 $0x12, v5  }
0xd2: {  	v5 =	vadd.s32 $0x12, v8;
	v8 =	vld.idx.msk [tilespmem:v19+s12+$0x0], $0xffff  }
0xd3: {  	v3 =	vadd.s32 $0x12, v3;
	[tilespmem:s26+$0xFFFFFED0] =	vst v10;
	v7 =	vld.idx.msk [tilespmem:v7+s12+$0x0], $0xffff  }
0xd4: {  	v11 =	vadd.s32 $0xC, v9;
	v10 =	vld.idx.msk [tilespmem:v13+s12+$0x0], $0xffff;
	[tilespmem:s26+$0xD0] =	vst v12  }
0xd5: {  	v1 =	vadd.s32 $0x12, v1;
	[tilespmem:s29+$0x310] =	vst v15;
	v13 =	vld.idx.msk [tilespmem:v18+s12+$0x0], $0xffff  }
0xd6: {  	v2 =	vadd.s32 $0x12, v2;
	[tilespmem:s29+$0xFFFFFF10] =	vst v16;
	v4 =	vld.idx.msk [tilespmem:v4+s12+$0x0], $0xffff  }
0xd7: {  	v6 =	vadd.s32 $0x12, v6;
	v5 =	vld.idx.msk [tilespmem:v5+s12+$0x0], $0xffff;
	[tilespmem:s29+$0x110] =	vst v0  }
0xd8: {  	v0 =	vadd.s32 $0x6, v18;
	[tilespmem:s26+$0xFFFFFD50] =	vst v8;
	v3 =	vld.idx.msk [tilespmem:v3+s12+$0x0], $0xffff  }
0xd9: {  	[tilespmem:s29+$0xFFFFFD10] =	vst v7;
	v7 =	vld.idx.msk [tilespmem:v11+s12+$0x0], $0xffff  }
0xda: {  	v1 =	vld.idx.msk [tilespmem:v1+s12+$0x0], $0xffff  }
0xdb: {  	v2 =	vld.idx.msk [tilespmem:v2+s12+$0x0], $0xffff;
	[tilespmem:s26+$0xFFFFFF50] =	vst v10  }
0xdc: {  	[tilespmem:s26+$0x260] =	vst v13;
	v6 =	vld.idx.msk [tilespmem:v6+s12+$0x0], $0xffff  }
0xdd: {  	[tilespmem:s29+$0x390] =	vst v4;
	v0 =	vld.idx.msk [tilespmem:v0+s12+$0x0], $0xffff  }
0xde: {  	v4 =	vadd.s32 $0x12, v9;
	[tilespmem:s29+$0xFFFFFF90] =	vst v5;
	v5 =	vld [tilespmem:s28+$0x420]  }
0xdf: {  	v8 =	vld [tilespmem:s28+$0xFFFFFC20];
	[tilespmem:s29+$0x190] =	vst v3;
	v3 =	vadd.s32 $0xC, v18  }
0xe0: {  	[tilespmem:s29+$0xFFFFFD90] =	vst v2;
	v2 =	vld [tilespmem:s28+$0x20]  }
0xe1: {  	[tilespmem:s26+$0xFFFFFDD0] =	vst v1;
	v9 =	vld [tilespmem:s28+$0xFFFFF820]  }
0xe2: {  	[tilespmem:s26+$0x150] =	vst v7;
	v1 =	vld [tilespmem:s0+$0xFFFFF860]  }
0xe3: {  	v4 =	vld.idx.msk [tilespmem:v4+s12+$0x0], $0xffff;
	[tilespmem:s26+$0x2E0] =	vst v0  }
0xe4: {  	[tilespmem:s26+$0xFFFFFFD0] =	vst v6;
	v0 =	vld.idx.msk [tilespmem:v3+s12+$0x0], $0xffff  }
0xe5: {  	v7 =	vadd.s32 $0x12, v18;
	v15 =	vld [tilespmem:s0+$0xFFFFFC60]  }
0xe6: {  	v3 =	vld.idx.msk [tilespmem:v5+s12+$0x0], $0xffff  }
0xe7: {  	v12 =	vadd.s32 $0x6, v5;
	v10 =	vld.idx.msk [tilespmem:v8+s12+$0x0], $0xffff  }
0xe8: {  	v13 =	vadd.s32 $0x6, v8;
	v11 =	vld.idx.msk [tilespmem:v2+s12+$0x0], $0xffff  }
0xe9: {  	v14 =	vadd.s32 $0x6, v2;
	v6 =	vld.idx.msk [tilespmem:v9+s12+$0x0], $0xffff;
	[tilespmem:s26+$0x360] =	vst v0  }
0xea: {  	[tilespmem:s26+$0x1D0] =	vst v4;
	v4 =	vld.idx.msk [tilespmem:v7+s12+$0x0], $0xffff  }
0xeb: {  	v0 =	vadd.s32 $0x6, v9;
	[tilespmem:s29+$0x220] =	vst v3;
	v3 =	vld [tilespmem:s0+$0x60]  }
0xec: {  	[tilespmem:s29+$0xFFFFFE20] =	vst v10;
	v7 =	vld.idx.msk [tilespmem:v12+s12+$0x0], $0xffff  }
0xed: {  	v10 =	vld.idx.msk [tilespmem:v13+s12+$0x0], $0xffff;
	[tilespmem:s29+$0x20] =	vst v11  }
0xee: {  	v11 =	vadd.s32 $0xC, v5;
	[tilespmem:s29+$0xFFFFFC20] =	vst v6;
	v6 =	vld.idx.msk [tilespmem:v14+s12+$0x0], $0xffff  }
0xef: {  	v12 =	vadd.s32 $0xC, v8;
	v14 =	vld.idx.msk [tilespmem:v1+s12+$0x0], $0xffff  }
0xf0: {  	v13 =	vadd.s32 $0xC, v2;
	v0 =	vld.idx.msk [tilespmem:v0+s12+$0x0], $0xffff;
	[tilespmem:s26+$0x3E0] =	vst v4  }
0xf1: {  	v16 =	vld [tilespmem:s0+$0x470]  }
0xf2: {  	v4 =	vadd.s32 $0xC, v9;
	[tilespmem:s29+$0x2A0] =	vst v7;
	v7 =	vld.idx.msk [tilespmem:v15+s12+$0x0], $0xffff  }
0xf3: {  	v17 =	vadd.s32 $0x6, v1;
	[tilespmem:s29+$0xFFFFFEA0] =	vst v10;
	v10 =	vld.idx.msk [tilespmem:v11+s12+$0x0], $0xffff  }
0xf4: {  	v11 =	vld.idx.msk [tilespmem:v12+s12+$0x0], $0xffff;
	[tilespmem:s29+$0xA0] =	vst v6  }
0xf5: {  	v5 =	vadd.s32 $0x12, v5;
	[tilespmem:s29+$0xFFFFFCA0] =	vst v0;
	v0 =	vld.idx.msk [tilespmem:v13+s12+$0x0], $0xffff  }
0xf6: {  	v6 =	vadd.s32 $0x12, v8;
	v8 =	vld.idx.msk [tilespmem:v3+s12+$0x0], $0xffff  }
0xf7: {  	v2 =	vadd.s32 $0x12, v2;
	[tilespmem:s26+$0xFFFFFC60] =	vst v14;
	v4 =	vld.idx.msk [tilespmem:v4+s12+$0x0], $0xffff  }
0xf8: {  	v9 =	vadd.s32 $0x12, v9;
	v12 =	vld.idx.msk [tilespmem:v17+s12+$0x0], $0xffff  }
0xf9: {  	v13 =	vadd.s32 $0x6, v15;
	[tilespmem:s29+$0x320] =	vst v10;
	v10 =	vld.idx.msk [tilespmem:v16+s12+$0x0], $0xffff  }
0xfa: {  	v14 =	vadd.s32 $0x6, v3;
	[tilespmem:s29+$0xFFFFFF20] =	vst v11;
	v5 =	vld.idx.msk [tilespmem:v5+s12+$0x0], $0xffff  }
0xfb: {  	v6 =	vld.idx.msk [tilespmem:v6+s12+$0x0], $0xffff;
	[tilespmem:s29+$0x120] =	vst v0  }
0xfc: {  	[tilespmem:s29+$0xFFFFFD20] =	vst v4;
	v0 =	vld.idx.msk [tilespmem:v2+s12+$0x0], $0xffff  }
0xfd: {  	[tilespmem:s26+$0xFFFFFE60] =	vst v7;
	v2 =	vld.idx.msk [tilespmem:v9+s12+$0x0], $0xffff  }
0xfe: {  	[tilespmem:s26+$0x60] =	vst v8;
	v4 =	vld.idx.msk [tilespmem:v13+s12+$0x0], $0xffff  }
0xff: {  	v7 =	vadd.s32 $0x6, v16;
	v8 =	vld.idx.msk [tilespmem:v14+s12+$0x0], $0xffff;
	[tilespmem:s29+$0x3A0] =	vst v5  }
0x100: {  	v5 =	vadd.s32 $0xC, v1;
	[tilespmem:s29+$0xFFFFFFA0] =	vst v6;
	v6 =	vld [tilespmem:s28+$0x430]  }
0x101: {  	v9 =	vadd.s32 $0xC, v15;
	v11 =	vld [tilespmem:s28+$0xFFFFFC30];
	[tilespmem:s29+$0x1A0] =	vst v0  }
0x102: {  	v0 =	vadd.s32 $0xC, v3;
	[tilespmem:s29+$0xFFFFFDA0] =	vst v2;
	v2 =	vld [tilespmem:s28+$0x30]  }
0x103: {  	[tilespmem:s26+$0x270] =	vst v10;
	v10 =	vld [tilespmem:s28+$0xFFFFF830]  }
0x104: {  	[tilespmem:s26+$0xFFFFFCE0] =	vst v12;
	v7 =	vld.idx.msk [tilespmem:v7+s12+$0x0], $0xffff  }
0x105: {  	[tilespmem:s26+$0xFFFFFEE0] =	vst v4;
	v4 =	vld.idx.msk [tilespmem:v5+s12+$0x0], $0xffff  }
0x106: {  	[tilespmem:s26+$0xE0] =	vst v8;
	v5 =	vld.idx.msk [tilespmem:v9+s12+$0x0], $0xffff  }
0x107: {  	v1 =	vadd.s32 $0x12, v1;
	v0 =	vld.idx.msk [tilespmem:v0+s12+$0x0], $0xffff  }
0x108: {  	v8 =	vadd.s32 $0x12, v15;
	v9 =	vld.idx.msk [tilespmem:v6+s12+$0x0], $0xffff  }
0x109: {  	v13 =	vadd.s32 $0x6, v6;
	v12 =	vld.idx.msk [tilespmem:v11+s12+$0x0], $0xffff  }
0x10a: {  	v14 =	vadd.s32 $0x6, v11;
	v15 =	vld.idx.msk [tilespmem:v2+s12+$0x0], $0xffff;
	[tilespmem:s26+$0xFFFFFD60] =	vst v4  }
0x10b: {  	v17 =	vadd.s32 $0x6, v2;
	[tilespmem:s26+$0xFFFFFF60] =	vst v5;
	v4 =	vld.idx.msk [tilespmem:v10+s12+$0x0], $0xffff  }
0x10c: {  	v3 =	vadd.s32 $0x12, v3;
	v1 =	vld.idx.msk [tilespmem:v1+s12+$0x0], $0xffff;
	[tilespmem:s26+$0x160] =	vst v0  }
0x10d: {  	v18 =	vadd.s32 $0x6, v10;
	v5 =	vld.idx.msk [tilespmem:v8+s12+$0x0], $0xffff;
	[tilespmem:s29+$0x230] =	vst v9  }
0x10e: {  	[tilespmem:s29+$0xFFFFFE30] =	vst v12;
	v8 =	vld.idx.msk [tilespmem:v13+s12+$0x0], $0xffff  }
0x10f: {  	v9 =	vld.idx.msk [tilespmem:v14+s12+$0x0], $0xffff;
	[tilespmem:s29+$0x30] =	vst v15  }
0x110: {  	v12 =	vadd.s32 $0xC, v6;
	[tilespmem:s29+$0xFFFFFC30] =	vst v4;
	v4 =	vld.idx.msk [tilespmem:v17+s12+$0x0], $0xffff  }
0x111: {  	v13 =	vadd.s32 $0xC, v11;
	[tilespmem:s26+$0xFFFFFDE0] =	vst v1;
	v1 =	vld.idx.msk [tilespmem:v3+s12+$0x0], $0xffff  }
0x112: {  	v14 =	vadd.s32 $0xC, v2;
	[tilespmem:s26+$0xFFFFFFE0] =	vst v5;
	v0 =	vld.idx.msk [tilespmem:v18+s12+$0x0], $0xffff  }
0x113: {  	v15 =	vld [tilespmem:s0+$0xFFFFF870];
	[tilespmem:s29+$0x2B0] =	vst v8  }
0x114: {  	v3 =	vadd.s32 $0xC, v10;
	v5 =	vld [tilespmem:s0+$0xFFFFFC70];
	[tilespmem:s29+$0xFFFFFEB0] =	vst v9  }
0x115: {  	v8 =	vadd.s32 $0xC, v16;
	v9 =	vld.idx.msk [tilespmem:v12+s12+$0x0], $0xffff;
	[tilespmem:s29+$0xB0] =	vst v4  }
0x116: {  	v12 =	vld.idx.msk [tilespmem:v13+s12+$0x0], $0xffff;
	[tilespmem:s26+$0x1E0] =	vst v1  }
0x117: {  	v4 =	vadd.s32 $0x12, v6;
	[tilespmem:s29+$0xFFFFFCB0] =	vst v0;
	v0 =	vld.idx.msk [tilespmem:v14+s12+$0x0], $0xffff  }
0x118: {  	v6 =	vadd.s32 $0x12, v11;
	v1 =	vadd.s32 $0x12, v2;
	v2 =	vld [tilespmem:s0+$0x70]  }
0x119: {  	[tilespmem:s26+$0x2F0] =	vst v7;
	v3 =	vld.idx.msk [tilespmem:v3+s12+$0x0], $0xffff  }
0x11a: {  	v7 =	vld.idx.msk [tilespmem:v8+s12+$0x0], $0xffff  }
0x11b: {  	v8 =	vadd.s32 $0x12, v10;
	[tilespmem:s29+$0x330] =	vst v9;
	v9 =	vld.idx.msk [tilespmem:v15+s12+$0x0], $0xffff  }
0x11c: {  	[tilespmem:s29+$0xFFFFFF30] =	vst v12;
	v4 =	vld.idx.msk [tilespmem:v4+s12+$0x0], $0xffff  }
0x11d: {  	v10 =	vadd.s32 $0x6, v15;
	v6 =	vld.idx.msk [tilespmem:v6+s12+$0x0], $0xffff;
	[tilespmem:s29+$0x130] =	vst v0  }
0x11e: {  	v0 =	vld.idx.msk [tilespmem:v1+s12+$0x0], $0xffff  }
0x11f: {  	[tilespmem:s29+$0xFFFFFD30] =	vst v3;
	v3 =	vld.idx.msk [tilespmem:v5+s12+$0x0], $0xffff  }
0x120: {  	v1 =	vld.idx.msk [tilespmem:v8+s12+$0x0], $0xffff  }
0x121: {  	v11 =	vadd.s32 $0x6, v5;
	v8 =	vld.idx.msk [tilespmem:v2+s12+$0x0], $0xffff;
	[tilespmem:s26+$0xFFFFFC70] =	vst v9  }
0x122: {  	[tilespmem:s29+$0x3B0] =	vst v4;
	v10 =	vld.idx.msk [tilespmem:v10+s12+$0x0], $0xffff  }
0x123: {  	v9 =	vadd.s32 $0x12, v16;
	[tilespmem:s29+$0xFFFFFFB0] =	vst v6;
	v4 =	vld [tilespmem:s28+$0x440]  }
0x124: {  	v6 =	vadd.s32 $0x6, v2;
	v12 =	vld [tilespmem:s28+$0xFFFFFC40];
	[tilespmem:s29+$0x1B0] =	vst v0  }
0x125: {  	v0 =	vadd.s32 $0xC, v15;
	[tilespmem:s26+$0xFFFFFE70] =	vst v3;
	v17 =	vld [tilespmem:s28+$0x40]  }
0x126: {  	v3 =	vld.idx.msk [tilespmem:v11+s12+$0x0], $0xffff;
	[tilespmem:s29+$0xFFFFFDB0] =	vst v1  }
0x127: {  	[tilespmem:s26+$0x370] =	vst v7;
	v18 =	vld [tilespmem:s28+$0xFFFFF840]  }
0x128: {  	[tilespmem:s26+$0x70] =	vst v8;
	v1 =	vld.idx.msk [tilespmem:v9+s12+$0x0], $0xffff  }
0x129: {  	v7 =	vadd.s32 $0xC, v5;
	[tilespmem:s26+$0xFFFFFCF0] =	vst v10;
	v6 =	vld.idx.msk [tilespmem:v6+s12+$0x0], $0xffff  }
0x12a: {  	v8 =	vld.idx.msk [tilespmem:v0+s12+$0x0], $0xffff  }
0x12b: {  	v9 =	vadd.s32 $0xC, v2;
	v11 =	vld.idx.msk [tilespmem:v4+s12+$0x0], $0xffff  }
0x12c: {  	v15 =	vadd.s32 $0x12, v15;
	v19 =	vld.idx.msk [tilespmem:v12+s12+$0x0], $0xffff  }
0x12d: {  	v20 =	vadd.s32 $0x6, v4;
	[tilespmem:s26+$0xFFFFFEF0] =	vst v3;
	v14 =	vld.idx.msk [tilespmem:v17+s12+$0x0], $0xffff  }
0x12e: {  	[tilespmem:s26+$0xF0] =	vst v6;
	v6 =	vld.idx.msk [tilespmem:v7+s12+$0x0], $0xffff  }
0x12f: {  	v0 =	vadd.s32 $0x12, v5;
	v13 =	vadd.s32 $0x6, v12;
	[tilespmem:s26+$0x3F0] =	vst v1;
	v16 =	vld.idx.msk [tilespmem:v18+s12+$0x0], $0xffff  }
0x130: {  	v10 =	vadd.s32 $0xC, v12;
	v5 =	vadd.s32 $0xC, v17;
	v3 =	vadd.s32 $0x12, v17;
	[tilespmem:s26+$0xFFFFFD70] =	vst v8;
	v7 =	vld.idx.msk [tilespmem:v9+s12+$0x0], $0xffff  }
0x131: {  	v1 =	vadd.s32 $0x12, v2;
	v2 =	vadd.s32 $0x12, v12;
	v12 =	vadd.s32 $0x6, v17;
	v8 =	vld.idx.msk [tilespmem:v15+s12+$0x0], $0xffff;
	[tilespmem:s29+$0x240] =	vst v11  }
0x132: {  	s31 =	simm.s32 $0x4;
	s30 =	simm.s32 $0x2C00;
	s0 =	simm.s32 $0x900;
	v9 =	vadd.s32 $0x12, v18;
	v15 =	vadd.s32 $0x6, v18;
	v11 =	vadd.s32 $0xC, v18;
	[tilespmem:s29+$0xFFFFFE40] =	vst v19;
	v17 =	vld.idx.msk [tilespmem:v20+s12+$0x0], $0xffff  }
.LBB2_3:
0x133: {  	v18 =	vld [tilespmem:s0+$0x400];
	s31 =	sadd.s32 $0x4, s31;
	[tilespmem:s29+$0x40] =	vst v14  }
0x134: {  	v14 =	vld [tilespmem:s0+$0xFFFFFC00];
	p1 =	slt.u32 s31, $0x1C;
	[tilespmem:s29+$0xFFFFFC40] =	vst v16;
	v16 =	vadd.s32 $0xC, v4  }
0x135: {  	v19 =	vld [tilespmem:s0+$0x0];
	[tilespmem:s26+$0xFFFFFF70] =	vst v6  }
0x136: {  	v6 =	vld [tilespmem:s0+$0xFFFFF800];
	[tilespmem:s26+$0x170] =	vst v7  }
0x137: {  	v7 =	vld.idx.msk [tilespmem:v15+s12+$0x0], $0xffff;
	[tilespmem:s26+$0xFFFFFDF0] =	vst v8  }
0x138: {  	v8 =	vld.idx.msk [tilespmem:v13+s12+$0x0], $0xffff;
	[tilespmem:s29+$0x2C0] =	vst v17  }
0x139: {  	v13 =	vadd.s32 $0x6, v14;
	v15 =	vadd.s32 $0xC, v14;
	v17 =	vadd.s32 $0x12, v14;
	v16 =	vld.idx.msk [tilespmem:v16+s12+$0x0], $0xffff  }
0x13a: {  	v20 =	vadd.s32 $0x6, v19;
	v21 =	vadd.s32 $0xC, v19;
	v22 =	vadd.s32 $0x12, v19;
	v12 =	vld.idx.msk [tilespmem:v12+s12+$0x0], $0xffff  }
0x13b: {  	v4 =	vadd.s32 $0x12, v4;
	v23 =	vadd.s32 $0x6, v6;
	v24 =	vadd.s32 $0xC, v6;
	v25 =	vld.idx.msk [tilespmem:v18+s12+$0x0], $0xffff  }
0x13c: {  	v26 =	vadd.s32 $0x12, v6;
	v14 =	vld.idx.msk [tilespmem:v14+s12+$0x0], $0xffff  }
0x13d: {  	v27 =	vadd.s32 $0x6, v18;
	v19 =	vld.idx.msk [tilespmem:v19+s12+$0x0], $0xffff;
	[tilespmem:s29+$0xFFFFFCC0] =	vst v7  }
0x13e: {  	v6 =	vld.idx.msk [tilespmem:v6+s12+$0x0], $0xffff;
	[tilespmem:s29+$0xFFFFFEC0] =	vst v8  }
0x13f: {  	v7 =	vld.idx.msk [tilespmem:v11+s12+$0x0], $0xffff;
	[tilespmem:s29+$0x340] =	vst v16  }
0x140: {  	s29 =	sadd.s32 $0x800, s29;
	[tilespmem:s30+$0xC0] =	vst v12;
	v4 =	vld.idx.msk [tilespmem:v4+s12+$0x0], $0xffff  }
0x141: {  	[tilespmem:s29+$0x200] =	vst v25;
	v8 =	vld.idx.msk [tilespmem:v10+s12+$0x0], $0xffff  }
0x142: {  	[tilespmem:s29+$0xFFFFFE00] =	vst v14;
	v10 =	vld.idx.msk [tilespmem:v27+s12+$0x0], $0xffff  }
0x143: {  	v11 =	vld.idx.msk [tilespmem:v13+s12+$0x0], $0xffff;
	[tilespmem:s29+$0x0] =	vst v19  }
0x144: {  	v12 =	vadd.s32 $0xC, v18;
	[tilespmem:s29+$0xFFFFFC00] =	vst v6;
	v6 =	vld.idx.msk [tilespmem:v20+s12+$0x0], $0xffff  }
0x145: {  	v13 =	vld.idx.msk [tilespmem:v23+s12+$0x0], $0xffff;
	[tilespmem:s30+$0xFFFFFD40] =	vst v7  }
0x146: {  	v5 =	vld.idx.msk [tilespmem:v5+s12+$0x0], $0xffff;
	[tilespmem:s30+$0x3C0] =	vst v4  }
0x147: {  	[tilespmem:s30+$0xFFFFFF40] =	vst v8;
	v4 =	vld [tilespmem:s28+$0x450]  }
0x148: {  	[tilespmem:s29+$0x280] =	vst v10;
	v7 =	vld.idx.msk [tilespmem:v9+s12+$0x0], $0xffff  }
0x149: {  	[tilespmem:s29+$0xFFFFFE80] =	vst v11;
	v8 =	vld.idx.msk [tilespmem:v12+s12+$0x0], $0xffff  }
0x14a: {  	v9 =	vld.idx.msk [tilespmem:v15+s12+$0x0], $0xffff;
	[tilespmem:s29+$0x80] =	vst v6  }
0x14b: {  	v10 =	vadd.s32 $0x12, v18;
	[tilespmem:s29+$0xFFFFFC80] =	vst v13;
	v6 =	vld.idx.msk [tilespmem:v21+s12+$0x0], $0xffff  }
0x14c: {  	v11 =	vld.idx.msk [tilespmem:v24+s12+$0x0], $0xffff;
	[tilespmem:s30+$0x140] =	vst v5  }
0x14d: {  	v2 =	vld.idx.msk [tilespmem:v2+s12+$0x0], $0xffff  }
0x14e: {  	[tilespmem:s30+$0xFFFFFDC0] =	vst v7;
	v3 =	vld.idx.msk [tilespmem:v3+s12+$0x0], $0xffff  }
0x14f: {  	[tilespmem:s29+$0x300] =	vst v8;
	v5 =	vld.idx.msk [tilespmem:v4+s12+$0x0], $0xffff  }
0x150: {  	[tilespmem:s29+$0xFFFFFF00] =	vst v9;
	v7 =	vld.idx.msk [tilespmem:v10+s12+$0x0], $0xffff  }
0x151: {  	v8 =	vld.idx.msk [tilespmem:v17+s12+$0x0], $0xffff;
	[tilespmem:s29+$0x100] =	vst v6;
	v6 =	vadd.s32 $0x6, v4  }
0x152: {  	[tilespmem:s29+$0xFFFFFD00] =	vst v11;
	v9 =	vld.idx.msk [tilespmem:v22+s12+$0x0], $0xffff  }
0x153: {  	v10 =	vld.idx.msk [tilespmem:v26+s12+$0x0], $0xffff;
	[tilespmem:s30+$0xFFFFFFC0] =	vst v2  }
0x154: {  	v2 =	vld [tilespmem:s28+$0xFFFFF850];
	[tilespmem:s30+$0x1C0] =	vst v3  }
0x155: {  	v3 =	vld [tilespmem:s28+$0xFFFFFC50];
	[tilespmem:s30+$0x250] =	vst v5  }
0x156: {  	[tilespmem:s29+$0x380] =	vst v7;
	v5 =	vld.idx.msk [tilespmem:v6+s12+$0x0], $0xffff  }
0x157: {  	[tilespmem:s29+$0xFFFFFF80] =	vst v8;
	v6 =	vld [tilespmem:s0+$0x410]  }
0x158: {  	v8 =	vadd.s32 $0xC, v4;
	v7 =	vld [tilespmem:s0+$0xFFFFFC10];
	[tilespmem:s29+$0x180] =	vst v9  }
0x159: {  	[tilespmem:s29+$0xFFFFFD80] =	vst v10;
	v9 =	vld [tilespmem:s0+$0x10];
	v10 =	vadd.s32 $0x6, v2;
	v11 =	vadd.s32 $0xC, v2;
	v12 =	vadd.s32 $0x12, v2  }
0x15a: {  	v13 =	vld [tilespmem:s0+$0xFFFFF810];
	v14 =	vadd.s32 $0x6, v3;
	v15 =	vadd.s32 $0xC, v3;
	v16 =	vadd.s32 $0x12, v3  }
0x15b: {  	v17 =	vld [tilespmem:s28+$0x50]  }
0x15c: {  	v2 =	vld.idx.msk [tilespmem:v2+s12+$0x0], $0xffff;
	[tilespmem:s30+$0x2D0] =	vst v5  }
0x15d: {  	v5 =	vadd.s32 $0x6, v7;
	v18 =	vadd.s32 $0xC, v7;
	v19 =	vadd.s32 $0x12, v7;
	v8 =	vld.idx.msk [tilespmem:v8+s12+$0x0], $0xffff  }
0x15e: {  	v20 =	vadd.s32 $0x6, v9;
	v21 =	vadd.s32 $0xC, v9;
	v22 =	vadd.s32 $0x12, v9;
	v3 =	vld.idx.msk [tilespmem:v3+s12+$0x0], $0xffff  }
0x15f: {  	v4 =	vadd.s32 $0x12, v4;
	v23 =	vadd.s32 $0x6, v13;
	v24 =	vadd.s32 $0xC, v13;
	v25 =	vld.idx.msk [tilespmem:v6+s12+$0x0], $0xffff  }
0x160: {  	v26 =	vadd.s32 $0x12, v13;
	v7 =	vld.idx.msk [tilespmem:v7+s12+$0x0], $0xffff;
	v27 =	vadd.s32 $0x6, v17;
	v28 =	vadd.s32 $0xC, v17  }
0x161: {  	v29 =	vadd.s32 $0x6, v6;
	v30 =	vadd.s32 $0x12, v17;
	v9 =	vld.idx.msk [tilespmem:v9+s12+$0x0], $0xffff  }
0x162: {  	v13 =	vld.idx.msk [tilespmem:v13+s12+$0x0], $0xffff;
	[tilespmem:s30+$0xFFFFFC50] =	vst v2  }
0x163: {  	v2 =	vld.idx.msk [tilespmem:v17+s12+$0x0], $0xffff;
	[tilespmem:s30+$0x350] =	vst v8  }
0x164: {  	[tilespmem:s30+$0xFFFFFE50] =	vst v3;
	v3 =	vld.idx.msk [tilespmem:v4+s12+$0x0], $0xffff  }
0x165: {  	[tilespmem:s29+$0x210] =	vst v25;
	v4 =	vld.idx.msk [tilespmem:v10+s12+$0x0], $0xffff  }
0x166: {  	[tilespmem:s29+$0xFFFFFE10] =	vst v7;
	v7 =	vld.idx.msk [tilespmem:v29+s12+$0x0], $0xffff  }
0x167: {  	v5 =	vld.idx.msk [tilespmem:v5+s12+$0x0], $0xffff;
	[tilespmem:s29+$0x10] =	vst v9  }
0x168: {  	v9 =	vadd.s32 $0xC, v6;
	[tilespmem:s29+$0xFFFFFC10] =	vst v13;
	v8 =	vld.idx.msk [tilespmem:v20+s12+$0x0], $0xffff  }
0x169: {  	v10 =	vld.idx.msk [tilespmem:v23+s12+$0x0], $0xffff;
	[tilespmem:s30+$0x50] =	vst v2  }
0x16a: {  	v2 =	vld.idx.msk [tilespmem:v14+s12+$0x0], $0xffff;
	[tilespmem:s30+$0x3D0] =	vst v3  }
0x16b: {  	[tilespmem:s30+$0xFFFFFCD0] =	vst v4;
	v3 =	vld [tilespmem:s28+$0x460]  }
0x16c: {  	[tilespmem:s29+$0x290] =	vst v7;
	v4 =	vld.idx.msk [tilespmem:v27+s12+$0x0], $0xffff  }
0x16d: {  	[tilespmem:s29+$0xFFFFFE90] =	vst v5;
	v5 =	vld.idx.msk [tilespmem:v9+s12+$0x0], $0xffff  }
0x16e: {  	v7 =	vld.idx.msk [tilespmem:v18+s12+$0x0], $0xffff;
	[tilespmem:s29+$0x90] =	vst v8  }
0x16f: {  	v6 =	vadd.s32 $0x12, v6;
	[tilespmem:s29+$0xFFFFFC90] =	vst v10;
	v8 =	vld.idx.msk [tilespmem:v21+s12+$0x0], $0xffff  }
0x170: {  	v9 =	vld.idx.msk [tilespmem:v24+s12+$0x0], $0xffff;
	[tilespmem:s30+$0xFFFFFED0] =	vst v2  }
0x171: {  	v2 =	vld.idx.msk [tilespmem:v11+s12+$0x0], $0xffff  }
0x172: {  	v10 =	vld.idx.msk [tilespmem:v15+s12+$0x0], $0xffff;
	[tilespmem:s30+$0xD0] =	vst v4  }
0x173: {  	[tilespmem:s29+$0x310] =	vst v5;
	v4 =	vld.idx.msk [tilespmem:v3+s12+$0x0], $0xffff  }
0x174: {  	[tilespmem:s29+$0xFFFFFF10] =	vst v7;
	v5 =	vld.idx.msk [tilespmem:v6+s12+$0x0], $0xffff  }
0x175: {  	v7 =	vadd.s32 $0x6, v3;
	v6 =	vld.idx.msk [tilespmem:v19+s12+$0x0], $0xffff;
	[tilespmem:s29+$0x110] =	vst v8  }
0x176: {  	[tilespmem:s29+$0xFFFFFD10] =	vst v9;
	v8 =	vld.idx.msk [tilespmem:v22+s12+$0x0], $0xffff  }
0x177: {  	v9 =	vld.idx.msk [tilespmem:v26+s12+$0x0], $0xffff;
	[tilespmem:s30+$0xFFFFFD50] =	vst v2  }
0x178: {  	[tilespmem:s30+$0xFFFFFF50] =	vst v10;
	v2 =	vld.idx.msk [tilespmem:v28+s12+$0x0], $0xffff  }
0x179: {  	v10 =	vld.idx.msk [tilespmem:v12+s12+$0x0], $0xffff;
	[tilespmem:s30+$0x260] =	vst v4  }
0x17a: {  	[tilespmem:s29+$0x390] =	vst v5;
	v4 =	vld.idx.msk [tilespmem:v7+s12+$0x0], $0xffff  }
0x17b: {  	[tilespmem:s29+$0xFFFFFF90] =	vst v6;
	v5 =	vld [tilespmem:s0+$0x420]  }
0x17c: {  	v7 =	vadd.s32 $0xC, v3;
	v6 =	vld [tilespmem:s0+$0xFFFFFC20];
	[tilespmem:s29+$0x190] =	vst v8  }
0x17d: {  	[tilespmem:s29+$0xFFFFFD90] =	vst v9;
	v8 =	vld [tilespmem:s0+$0x20]  }
0x17e: {  	v9 =	vld [tilespmem:s0+$0xFFFFF820];
	[tilespmem:s30+$0x150] =	vst v2  }
0x17f: {  	[tilespmem:s30+$0xFFFFFDD0] =	vst v10;
	v2 =	vld.idx.msk [tilespmem:v16+s12+$0x0], $0xffff  }
0x180: {  	v10 =	vld.idx.msk [tilespmem:v30+s12+$0x0], $0xffff;
	[tilespmem:s30+$0x2E0] =	vst v4  }
0x181: {  	v4 =	vadd.s32 $0x6, v6;
	v11 =	vadd.s32 $0xC, v6;
	v12 =	vadd.s32 $0x12, v6;
	v7 =	vld.idx.msk [tilespmem:v7+s12+$0x0], $0xffff  }
0x182: {  	v13 =	vadd.s32 $0x6, v8;
	v14 =	vadd.s32 $0xC, v8;
	v15 =	vadd.s32 $0x12, v8;
	v16 =	vld [tilespmem:s28+$0xFFFFF860]  }
0x183: {  	v3 =	vadd.s32 $0x12, v3;
	v17 =	vadd.s32 $0x6, v9;
	v18 =	vadd.s32 $0xC, v9;
	v19 =	vld.idx.msk [tilespmem:v5+s12+$0x0], $0xffff  }
0x184: {  	v20 =	vadd.s32 $0x12, v9;
	v6 =	vld.idx.msk [tilespmem:v6+s12+$0x0], $0xffff  }
0x185: {  	v21 =	vadd.s32 $0x6, v5;
	v8 =	vld.idx.msk [tilespmem:v8+s12+$0x0], $0xffff;
	[tilespmem:s30+$0xFFFFFFD0] =	vst v2  }
0x186: {  	v2 =	vld.idx.msk [tilespmem:v9+s12+$0x0], $0xffff;
	[tilespmem:s30+$0x1D0] =	vst v10  }
0x187: {  	v9 =	vadd.s32 $0x6, v16;
	v10 =	vadd.s32 $0xC, v16;
	v22 =	vadd.s32 $0x12, v16;
	v23 =	vld [tilespmem:s28+$0xFFFFFC60];
	[tilespmem:s30+$0x360] =	vst v7  }
0x188: {  	v3 =	vld.idx.msk [tilespmem:v3+s12+$0x0], $0xffff  }
0x189: {  	[tilespmem:s29+$0x220] =	vst v19;
	v7 =	vld [tilespmem:s28+$0x60]  }
0x18a: {  	[tilespmem:s29+$0xFFFFFE20] =	vst v6;
	v6 =	vld.idx.msk [tilespmem:v21+s12+$0x0], $0xffff  }
0x18b: {  	v4 =	vld.idx.msk [tilespmem:v4+s12+$0x0], $0xffff;
	[tilespmem:s29+$0x20] =	vst v8  }
0x18c: {  	v8 =	vadd.s32 $0xC, v5;
	[tilespmem:s29+$0xFFFFFC20] =	vst v2;
	v2 =	vld.idx.msk [tilespmem:v13+s12+$0x0], $0xffff;
	v13 =	vadd.s32 $0x6, v23;
	v19 =	vadd.s32 $0xC, v23  }
0x18d: {  	v21 =	vadd.s32 $0x12, v23;
	v17 =	vld.idx.msk [tilespmem:v17+s12+$0x0], $0xffff  }
0x18e: {  	v16 =	vld.idx.msk [tilespmem:v16+s12+$0x0], $0xffff;
	v24 =	vadd.s32 $0x6, v7;
	v25 =	vadd.s32 $0xC, v7;
	v26 =	vadd.s32 $0x12, v7;
	[tilespmem:s30+$0x3E0] =	vst v3  }
0x18f: {  	v3 =	vld [tilespmem:s28+$0x470]  }
0x190: {  	[tilespmem:s29+$0x2A0] =	vst v6;
	v6 =	vld.idx.msk [tilespmem:v23+s12+$0x0], $0xffff  }
0x191: {  	[tilespmem:s29+$0xFFFFFEA0] =	vst v4;
	v4 =	vld.idx.msk [tilespmem:v8+s12+$0x0], $0xffff  }
0x192: {  	v8 =	vld.idx.msk [tilespmem:v11+s12+$0x0], $0xffff;
	[tilespmem:s29+$0xA0] =	vst v2  }
0x193: {  	v5 =	vadd.s32 $0x12, v5;
	[tilespmem:s29+$0xFFFFFCA0] =	vst v17;
	v2 =	vld.idx.msk [tilespmem:v14+s12+$0x0], $0xffff  }
0x194: {  	v11 =	vld.idx.msk [tilespmem:v18+s12+$0x0], $0xffff;
	[tilespmem:s30+$0xFFFFFC60] =	vst v16  }
0x195: {  	v7 =	vld.idx.msk [tilespmem:v7+s12+$0x0], $0xffff  }
0x196: {  	v9 =	vld.idx.msk [tilespmem:v9+s12+$0x0], $0xffff;
	[tilespmem:s30+$0xFFFFFE60] =	vst v6  }
0x197: {  	[tilespmem:s29+$0x320] =	vst v4;
	v4 =	vld.idx.msk [tilespmem:v3+s12+$0x0], $0xffff  }
0x198: {  	[tilespmem:s29+$0xFFFFFF20] =	vst v8;
	v5 =	vld.idx.msk [tilespmem:v5+s12+$0x0], $0xffff  }
0x199: {  	v6 =	vld.idx.msk [tilespmem:v12+s12+$0x0], $0xffff;
	[tilespmem:s29+$0x120] =	vst v2;
	v2 =	vadd.s32 $0x6, v3  }
0x19a: {  	[tilespmem:s29+$0xFFFFFD20] =	vst v11;
	v8 =	vld.idx.msk [tilespmem:v15+s12+$0x0], $0xffff  }
0x19b: {  	v11 =	vld.idx.msk [tilespmem:v20+s12+$0x0], $0xffff;
	[tilespmem:s30+$0x60] =	vst v7  }
0x19c: {  	[tilespmem:s30+$0xFFFFFCE0] =	vst v9;
	v7 =	vld.idx.msk [tilespmem:v13+s12+$0x0], $0xffff  }
0x19d: {  	v9 =	vld.idx.msk [tilespmem:v24+s12+$0x0], $0xffff;
	[tilespmem:s30+$0x270] =	vst v4  }
0x19e: {  	[tilespmem:s29+$0x3A0] =	vst v5;
	v2 =	vld.idx.msk [tilespmem:v2+s12+$0x0], $0xffff  }
0x19f: {  	[tilespmem:s29+$0xFFFFFFA0] =	vst v6;
	v4 =	vld [tilespmem:s0+$0x430]  }
0x1a0: {  	v6 =	vadd.s32 $0xC, v3;
	v5 =	vld [tilespmem:s0+$0xFFFFFC30];
	[tilespmem:s29+$0x1A0] =	vst v8  }
0x1a1: {  	[tilespmem:s29+$0xFFFFFDA0] =	vst v11;
	v8 =	vld [tilespmem:s0+$0x30]  }
0x1a2: {  	v11 =	vld [tilespmem:s0+$0xFFFFF830];
	[tilespmem:s30+$0xFFFFFEE0] =	vst v7  }
0x1a3: {  	v7 =	vld.idx.msk [tilespmem:v10+s12+$0x0], $0xffff;
	[tilespmem:s30+$0xE0] =	vst v9  }
0x1a4: {  	v9 =	vld.idx.msk [tilespmem:v19+s12+$0x0], $0xffff;
	[tilespmem:s30+$0x2F0] =	vst v2  }
0x1a5: {  	v2 =	vadd.s32 $0x6, v5;
	v10 =	vadd.s32 $0xC, v5;
	v12 =	vadd.s32 $0x12, v5;
	v6 =	vld.idx.msk [tilespmem:v6+s12+$0x0], $0xffff  }
0x1a6: {  	v13 =	vadd.s32 $0x6, v8;
	v14 =	vadd.s32 $0xC, v8;
	v15 =	vadd.s32 $0x12, v8;
	v16 =	vld.idx.msk [tilespmem:v25+s12+$0x0], $0xffff  }
0x1a7: {  	v3 =	vadd.s32 $0x12, v3;
	v17 =	vadd.s32 $0x6, v11;
	v18 =	vadd.s32 $0xC, v11;
	v19 =	vld.idx.msk [tilespmem:v4+s12+$0x0], $0xffff  }
0x1a8: {  	v20 =	vadd.s32 $0x12, v11;
	v5 =	vld.idx.msk [tilespmem:v5+s12+$0x0], $0xffff  }
0x1a9: {  	v23 =	vadd.s32 $0x6, v4;
	v8 =	vld.idx.msk [tilespmem:v8+s12+$0x0], $0xffff;
	[tilespmem:s30+$0xFFFFFD60] =	vst v7  }
0x1aa: {  	v7 =	vld.idx.msk [tilespmem:v11+s12+$0x0], $0xffff;
	[tilespmem:s30+$0xFFFFFF60] =	vst v9  }
0x1ab: {  	v9 =	vld.idx.msk [tilespmem:v22+s12+$0x0], $0xffff;
	[tilespmem:s30+$0x370] =	vst v6  }
0x1ac: {  	[tilespmem:s30+$0x160] =	vst v16;
	v3 =	vld.idx.msk [tilespmem:v3+s12+$0x0], $0xffff  }
0x1ad: {  	[tilespmem:s29+$0x230] =	vst v19;
	v6 =	vld.idx.msk [tilespmem:v21+s12+$0x0], $0xffff  }
0x1ae: {  	[tilespmem:s29+$0xFFFFFE30] =	vst v5;
	v5 =	vld.idx.msk [tilespmem:v23+s12+$0x0], $0xffff  }
0x1af: {  	v2 =	vld.idx.msk [tilespmem:v2+s12+$0x0], $0xffff;
	[tilespmem:s29+$0x30] =	vst v8  }
0x1b0: {  	v8 =	vadd.s32 $0xC, v4;
	[tilespmem:s29+$0xFFFFFC30] =	vst v7;
	v7 =	vld.idx.msk [tilespmem:v13+s12+$0x0], $0xffff  }
0x1b1: {  	v11 =	vld.idx.msk [tilespmem:v17+s12+$0x0], $0xffff;
	[tilespmem:s30+$0xFFFFFDE0] =	vst v9  }
0x1b2: {  	v9 =	vld.idx.msk [tilespmem:v26+s12+$0x0], $0xffff;
	[tilespmem:s30+$0x3F0] =	vst v3  }
0x1b3: {  	v3 =	vld [tilespmem:s28+$0xFFFFF870];
	[tilespmem:s30+$0xFFFFFFE0] =	vst v6  }
0x1b4: {  	[tilespmem:s29+$0x2B0] =	vst v5;
	v5 =	vld [tilespmem:s28+$0xFFFFFC70]  }
0x1b5: {  	[tilespmem:s29+$0xFFFFFEB0] =	vst v2;
	v2 =	vld.idx.msk [tilespmem:v8+s12+$0x0], $0xffff  }
0x1b6: {  	v6 =	vld.idx.msk [tilespmem:v10+s12+$0x0], $0xffff;
	[tilespmem:s29+$0xB0] =	vst v7  }
0x1b7: {  	v4 =	vadd.s32 $0x12, v4;
	[tilespmem:s29+$0xFFFFFCB0] =	vst v11;
	v7 =	vld.idx.msk [tilespmem:v14+s12+$0x0], $0xffff  }
0x1b8: {  	v8 =	vld.idx.msk [tilespmem:v18+s12+$0x0], $0xffff;
	v10 =	vadd.s32 $0x6, v3;
	v11 =	vadd.s32 $0xC, v3;
	v17 =	vadd.s32 $0x12, v3;
	[tilespmem:s30+$0x1E0] =	vst v9  }
0x1b9: {  	v9 =	vadd.s32 $0x6, v5;
	v18 =	vadd.s32 $0xC, v5;
	v13 =	vadd.s32 $0x12, v5;
	v14 =	vld [tilespmem:s28+$0x70];
	s28 =	smov.u32 s0  }
0x1ba: {  	v16 =	vld.idx.msk [tilespmem:v0+s12+$0x0], $0xffff;
	v0 =	vmov v13  }
0x1bb: {  	[tilespmem:s29+$0x330] =	vst v2;
	v2 =	vld.idx.msk [tilespmem:v3+s12+$0x0], $0xffff  }
0x1bc: {  	[tilespmem:s29+$0xFFFFFF30] =	vst v6;
	v3 =	vld.idx.msk [tilespmem:v4+s12+$0x0], $0xffff  }
0x1bd: {  	v4 =	vld.idx.msk [tilespmem:v12+s12+$0x0], $0xffff;
	[tilespmem:s29+$0x130] =	vst v7  }
0x1be: {  	[tilespmem:s29+$0xFFFFFD30] =	vst v8;
	v6 =	vld.idx.msk [tilespmem:v15+s12+$0x0], $0xffff;
	v7 =	vadd.s32 $0x6, v14;
	v8 =	vadd.s32 $0xC, v14;
	v15 =	vadd.s32 $0x12, v14  }
0x1bf: {  	v12 =	vld.idx.msk [tilespmem:v20+s12+$0x0], $0xffff  }
0x1c0: {  	v5 =	vld.idx.msk [tilespmem:v5+s12+$0x0], $0xffff;
	[tilespmem:s26+$0xFFFFFFF0] =	vst v16  }
0x1c1: {  	[tilespmem:s30+$0xFFFFFC70] =	vst v2;
	v2 =	vld.idx.msk [tilespmem:v14+s12+$0x0], $0xffff  }
0x1c2: {  	[tilespmem:s29+$0x3B0] =	vst v3;
	v3 =	vld.idx.msk [tilespmem:v10+s12+$0x0], $0xffff  }
0x1c3: {  	[tilespmem:s29+$0xFFFFFFB0] =	vst v4;
	v4 =	vld [tilespmem:s0+$0x440]  }
0x1c4: {  	v14 =	vld [tilespmem:s0+$0xFFFFFC40];
	[tilespmem:s29+$0x1B0] =	vst v6  }
0x1c5: {  	[tilespmem:s29+$0xFFFFFDB0] =	vst v12;
	v6 =	vld [tilespmem:s0+$0x40]  }
0x1c6: {  	v16 =	vld [tilespmem:s0+$0xFFFFF840];
	[tilespmem:s30+$0xFFFFFE70] =	vst v5  }
0x1c7: {  	v19 =	vld.idx.msk [tilespmem:v9+s12+$0x0], $0xffff;
	[tilespmem:s30+$0x70] =	vst v2  }
0x1c8: {  	[tilespmem:s30+$0xFFFFFCF0] =	vst v3;
	v7 =	vld.idx.msk [tilespmem:v7+s12+$0x0], $0xffff  }
0x1c9: {  	v13 =	vadd.s32 $0x6, v14;
	v10 =	vadd.s32 $0xC, v14;
	v2 =	vadd.s32 $0x12, v14;
	v20 =	vld.idx.msk [tilespmem:v11+s12+$0x0], $0xffff  }
0x1ca: {  	v12 =	vadd.s32 $0x6, v6;
	v5 =	vadd.s32 $0xC, v6;
	v3 =	vadd.s32 $0x12, v6;
	v21 =	vld.idx.msk [tilespmem:v1+s12+$0x0], $0xffff;
	v1 =	vmovc v15  }
0x1cb: {  	v15 =	vadd.s32 $0x6, v16;
	v11 =	vadd.s32 $0xC, v16;
	v9 =	vadd.s32 $0x12, v16;
	v22 =	vld.idx.msk [tilespmem:v4+s12+$0x0], $0xffff  }
0x1cc: {  	v23 =	vld.idx.msk [tilespmem:v14+s12+$0x0], $0xffff  }
0x1cd: {  	v24 =	vadd.s32 $0x6, v4;
	v14 =	vld.idx.msk [tilespmem:v6+s12+$0x0], $0xffff;
	[tilespmem:s30+$0xFFFFFEF0] =	vst v19  }
.Ltmp0:
0x1ce: {  	v16 =	vld.idx.msk [tilespmem:v16+s12+$0x0], $0xffff;
	[tilespmem:s30+$0xF0] =	vst v7;
	(pc) =	sbr.rel @p1 .LBB2_3-.Ltmp0, $4  }
0x1cf: {  	[tilespmem:s30+$0xFFFFFD70] =	vst v20;
	v6 =	vld.idx.msk [tilespmem:v18+s12+$0x0], $0xffff  }
0x1d0: {  	v7 =	vld.idx.msk [tilespmem:v8+s12+$0x0], $0xffff;
	[tilespmem:s26+$0x1F0] =	vst v21;
	s26 =	smov.u32 s30;
	s30 =	smov.u32 s29  }
0x1d1: {  	[tilespmem:s29+$0x240] =	vst v22;
	v8 =	vld.idx.msk [tilespmem:v17+s12+$0x0], $0xffff  }
0x1d2: {  	s0 =	sadd.s32 $0x80, s0;
	[tilespmem:s29+$0xFFFFFE40] =	vst v23;
	v17 =	vld.idx.msk [tilespmem:v24+s12+$0x0], $0xffff  }
0x1d3: {  	v18 =	vadd.s32 $0xC, v4;
	_ =	sdelay $0x3  }
0x1d4: {  	[tilespmem:s29+$0x2C0] =	vst v17  }
0x1d5: {  	v17 =	vld.idx.msk [tilespmem:v18+s12+$0x0], $0xffff  }
0x1d6: {  	v4 =	vadd.s32 $0x12, v4;
	_ =	sdelay $0x3  }
0x1d7: {  	[tilespmem:s29+$0x340] =	vst v17  }
0x1d8: {  	v4 =	vld.idx.msk [tilespmem:v4+s12+$0x0], $0xffff;
	_ =	sdelay $0x3  }
0x1d9: {  	[tilespmem:s29+$0x40] =	vst v14;
	v13 =	vld.idx.msk [tilespmem:v13+s12+$0x0], $0xffff  }
0x1da: {  	v12 =	vld.idx.msk [tilespmem:v12+s12+$0x0], $0xffff;
	[tilespmem:s30+$0x3C0] =	vst v4  }
0x1db: {  	[tilespmem:s29+$0xFFFFFC40] =	vst v16;
	v4 =	vld [tilespmem:s28+$0x450]  }
0x1dc: {  	v15 =	vld.idx.msk [tilespmem:v15+s12+$0x0], $0xffff;
	_ =	sdelay $0x2  }
0x1dd: {  	[tilespmem:s29+$0xFFFFFEC0] =	vst v13  }
0x1de: {  	[tilespmem:s30+$0xC0] =	vst v12;
	v10 =	vld.idx.msk [tilespmem:v10+s12+$0x0], $0xffff  }
0x1df: {  	[tilespmem:s29+$0xFFFFFCC0] =	vst v15;
	v5 =	vld.idx.msk [tilespmem:v5+s12+$0x0], $0xffff  }
0x1e0: {  	v11 =	vld.idx.msk [tilespmem:v11+s12+$0x0], $0xffff  }
0x1e1: {  	v13 =	vld.idx.msk [tilespmem:v4+s12+$0x0], $0xffff  }
0x1e2: {  	v12 =	vadd.s32 $0x6, v4  }
0x1e3: {  	[tilespmem:s30+$0xFFFFFF40] =	vst v10  }
0x1e4: {  	[tilespmem:s30+$0x140] =	vst v5;
	v2 =	vld.idx.msk [tilespmem:v2+s12+$0x0], $0xffff  }
0x1e5: {  	[tilespmem:s30+$0xFFFFFD40] =	vst v11;
	v3 =	vld.idx.msk [tilespmem:v3+s12+$0x0], $0xffff  }
0x1e6: {  	v9 =	vld.idx.msk [tilespmem:v9+s12+$0x0], $0xffff;
	[tilespmem:s30+$0x250] =	vst v13  }
0x1e7: {  	v10 =	vld.idx.msk [tilespmem:v12+s12+$0x0], $0xffff  }
0x1e8: {  	v5 =	vadd.s32 $0xC, v4  }
0x1e9: {  	[tilespmem:s30+$0xFFFFFFC0] =	vst v2  }
0x1ea: {  	[tilespmem:s30+$0x1C0] =	vst v3;
	v3 =	vld [tilespmem:s28+$0xFFFFFC50]  }
0x1eb: {  	[tilespmem:s30+$0xFFFFFDC0] =	vst v9  }
0x1ec: {  	v9 =	vld [tilespmem:s28+$0xFFFFF850];
	[tilespmem:s30+$0x2D0] =	vst v10  }
0x1ed: {  	v2 =	vld.idx.msk [tilespmem:v5+s12+$0x0], $0xffff  }
0x1ee: {  	v4 =	vadd.s32 $0x12, v4;
	v5 =	vld [tilespmem:s28+$0x50];
	_ =	sdelay $0x3  }
0x1ef: {  	v11 =	vld.idx.msk [tilespmem:v3+s12+$0x0], $0xffff;
	[tilespmem:s30+$0x350] =	vst v2  }
0x1f0: {  	v12 =	vadd.s32 $0x6, v3;
	v2 =	vld.idx.msk [tilespmem:v4+s12+$0x0], $0xffff  }
0x1f1: {  	v4 =	vld.idx.msk [tilespmem:v9+s12+$0x0], $0xffff  }
0x1f2: {  	v10 =	vadd.s32 $0x6, v9  }
0x1f3: {  	v13 =	vld.idx.msk [tilespmem:v5+s12+$0x0], $0xffff  }
0x1f4: {  	[tilespmem:s30+$0xFFFFFE50] =	vst v11;
	v14 =	vadd.s32 $0x6, v5  }
0x1f5: {  	v11 =	vld.idx.msk [tilespmem:v12+s12+$0x0], $0xffff;
	[tilespmem:s30+$0x3D0] =	vst v2  }
0x1f6: {  	[tilespmem:s30+$0xFFFFFC50] =	vst v4;
	v2 =	vld [tilespmem:s28+$0x460]  }
0x1f7: {  	v12 =	vadd.s32 $0xC, v3;
	v4 =	vld.idx.msk [tilespmem:v10+s12+$0x0], $0xffff  }
0x1f8: {  	v10 =	vadd.s32 $0xC, v9;
	[tilespmem:s30+$0x50] =	vst v13  }
0x1f9: {  	v13 =	vld.idx.msk [tilespmem:v14+s12+$0x0], $0xffff  }
0x1fa: {  	v14 =	vadd.s32 $0xC, v5  }
0x1fb: {  	[tilespmem:s30+$0xFFFFFED0] =	vst v11  }
0x1fc: {  	v11 =	vld.idx.msk [tilespmem:v12+s12+$0x0], $0xffff;
	[tilespmem:s30+$0xFFFFFCD0] =	vst v4  }
0x1fd: {  	v3 =	vadd.s32 $0x12, v3;
	v4 =	vld.idx.msk [tilespmem:v10+s12+$0x0], $0xffff  }
0x1fe: {  	v9 =	vadd.s32 $0x12, v9;
	[tilespmem:s30+$0xD0] =	vst v13;
	v10 =	vld.idx.msk [tilespmem:v2+s12+$0x0], $0xffff  }
0x1ff: {  	v12 =	vadd.s32 $0x6, v2;
	v13 =	vld.idx.msk [tilespmem:v14+s12+$0x0], $0xffff  }
0x200: {  	v5 =	vadd.s32 $0x12, v5  }
0x201: {  	[tilespmem:s30+$0xFFFFFF50] =	vst v11  }
0x202: {  	v3 =	vld.idx.msk [tilespmem:v3+s12+$0x0], $0xffff;
	[tilespmem:s30+$0xFFFFFD50] =	vst v4  }
0x203: {  	v4 =	vld.idx.msk [tilespmem:v9+s12+$0x0], $0xffff;
	[tilespmem:s30+$0x260] =	vst v10  }
0x204: {  	[tilespmem:s30+$0x150] =	vst v13;
	v9 =	vld.idx.msk [tilespmem:v12+s12+$0x0], $0xffff  }
0x205: {  	v10 =	vadd.s32 $0xC, v2;
	v5 =	vld.idx.msk [tilespmem:v5+s12+$0x0], $0xffff;
	_ =	sdelay $0x1  }
0x206: {  	[tilespmem:s30+$0xFFFFFFD0] =	vst v3  }
0x207: {  	v3 =	vld [tilespmem:s28+$0xFFFFFC60];
	[tilespmem:s30+$0xFFFFFDD0] =	vst v4  }
0x208: {  	v4 =	vld [tilespmem:s28+$0xFFFFF860];
	[tilespmem:s30+$0x2E0] =	vst v9  }
0x209: {  	[tilespmem:s30+$0x1D0] =	vst v5;
	v9 =	vld.idx.msk [tilespmem:v10+s12+$0x0], $0xffff  }
0x20a: {  	v2 =	vadd.s32 $0x12, v2;
	v5 =	vld [tilespmem:s28+$0x60];
	_ =	sdelay $0x3  }
0x20b: {  	[tilespmem:s30+$0x360] =	vst v9  }
0x20c: {  	v2 =	vld.idx.msk [tilespmem:v2+s12+$0x0], $0xffff  }
0x20d: {  	v9 =	vld.idx.msk [tilespmem:v4+s12+$0x0], $0xffff  }
0x20e: {  	[tilespmem:s26+$0xFFFFFF70] =	vst v6;
	v6 =	vld.idx.msk [tilespmem:v3+s12+$0x0], $0xffff;
	v10 =	vadd.s32 $0x6, v4  }
0x20f: {  	[tilespmem:s26+$0x170] =	vst v7;
	v7 =	vadd.s32 $0x6, v3;
	v11 =	vld.idx.msk [tilespmem:v5+s12+$0x0], $0xffff  }
0x210: {  	[tilespmem:s26+$0xFFFFFDF0] =	vst v8;
	v12 =	vadd.s32 $0x6, v5  }
0x211: {  	[tilespmem:s30+$0x3E0] =	vst v2  }
0x212: {  	[tilespmem:s30+$0xFFFFFC60] =	vst v9;
	v2 =	vld [tilespmem:s28+$0x470]  }
0x213: {  	v8 =	vld.idx.msk [tilespmem:v10+s12+$0x0], $0xffff;
	[tilespmem:s30+$0xFFFFFE60] =	vst v6  }
0x214: {  	v6 =	vadd.s32 $0xC, v4;
	[tilespmem:s30+$0x60] =	vst v11;
	v7 =	vld.idx.msk [tilespmem:v7+s12+$0x0], $0xffff  }
0x215: {  	v9 =	vadd.s32 $0xC, v3;
	v10 =	vld.idx.msk [tilespmem:v12+s12+$0x0], $0xffff  }
0x216: {  	v11 =	vadd.s32 $0xC, v5;
	_ =	sdelay $0x1  }
0x217: {  	[tilespmem:s30+$0xFFFFFCE0] =	vst v8  }
0x218: {  	[tilespmem:s30+$0xFFFFFEE0] =	vst v7;
	v6 =	vld.idx.msk [tilespmem:v6+s12+$0x0], $0xffff  }
0x219: {  	v4 =	vadd.s32 $0x12, v4;
	[tilespmem:s30+$0xE0] =	vst v10;
	v7 =	vld.idx.msk [tilespmem:v9+s12+$0x0], $0xffff  }
0x21a: {  	v3 =	vadd.s32 $0x12, v3;
	v8 =	vld.idx.msk [tilespmem:v11+s12+$0x0], $0xffff  }
0x21b: {  	v5 =	vadd.s32 $0x12, v5;
	_ =	sdelay $0x1  }
0x21c: {  	[tilespmem:s30+$0xFFFFFD60] =	vst v6  }
0x21d: {  	[tilespmem:s30+$0xFFFFFF60] =	vst v7;
	v4 =	vld.idx.msk [tilespmem:v4+s12+$0x0], $0xffff  }
0x21e: {  	[tilespmem:s30+$0x160] =	vst v8;
	v3 =	vld.idx.msk [tilespmem:v3+s12+$0x0], $0xffff  }
0x21f: {  	v5 =	vld.idx.msk [tilespmem:v5+s12+$0x0], $0xffff;
	_ =	sdelay $0x2  }
0x220: {  	[tilespmem:s30+$0xFFFFFDE0] =	vst v4  }
0x221: {  	v4 =	vld [tilespmem:s28+$0xFFFFF870];
	[tilespmem:s30+$0xFFFFFFE0] =	vst v3  }
0x222: {  	v3 =	vld [tilespmem:s28+$0xFFFFFC70];
	[tilespmem:s30+$0x1E0] =	vst v5  }
0x223: {  	v5 =	vld [tilespmem:s28+$0x70];
	_ =	sdelay $0x2  }
0x224: {  	v6 =	vld.idx.msk [tilespmem:v2+s12+$0x0], $0xffff  }
0x225: {  	v7 =	vadd.s32 $0x6, v2;
	_ =	sdelay $0x1  }
0x226: {  	v8 =	vld.idx.msk [tilespmem:v4+s12+$0x0], $0xffff  }
0x227: {  	v9 =	vadd.s32 $0x6, v4;
	v10 =	vld.idx.msk [tilespmem:v3+s12+$0x0], $0xffff  }
0x228: {  	[tilespmem:s30+$0x270] =	vst v6;
	v6 =	vadd.s32 $0x6, v3;
	v11 =	vld.idx.msk [tilespmem:v5+s12+$0x0], $0xffff  }
0x229: {  	v7 =	vld.idx.msk [tilespmem:v7+s12+$0x0], $0xffff;
	v12 =	vadd.s32 $0x6, v5  }
0x22a: {  	v13 =	vadd.s32 $0xC, v2  }
0x22b: {  	[tilespmem:s30+$0xFFFFFC70] =	vst v8  }
0x22c: {  	v8 =	vld.idx.msk [tilespmem:v9+s12+$0x0], $0xffff;
	[tilespmem:s30+$0xFFFFFE70] =	vst v10  }
0x22d: {  	v9 =	vadd.s32 $0xC, v4;
	v6 =	vld.idx.msk [tilespmem:v6+s12+$0x0], $0xffff;
	[tilespmem:s30+$0x70] =	vst v11  }
0x22e: {  	[tilespmem:s30+$0x2F0] =	vst v7;
	v7 =	vadd.s32 $0xC, v3;
	v10 =	vld.idx.msk [tilespmem:v12+s12+$0x0], $0xffff  }
0x22f: {  	v11 =	vld.idx.msk [tilespmem:v13+s12+$0x0], $0xffff;
	v12 =	vadd.s32 $0xC, v5  }
0x230: {  	v2 =	vadd.s32 $0x12, v2  }
0x231: {  	[tilespmem:s30+$0xFFFFFCF0] =	vst v8  }
0x232: {  	v8 =	vld.idx.msk [tilespmem:v9+s12+$0x0], $0xffff;
	[tilespmem:s30+$0xFFFFFEF0] =	vst v6  }
0x233: {  	v4 =	vadd.s32 $0x12, v4;
	[tilespmem:s30+$0xF0] =	vst v10;
	v6 =	vld.idx.msk [tilespmem:v7+s12+$0x0], $0xffff  }
0x234: {  	v3 =	vadd.s32 $0x12, v3;
	[tilespmem:s30+$0x370] =	vst v11;
	v7 =	vld.idx.msk [tilespmem:v12+s12+$0x0], $0xffff  }
0x235: {  	v5 =	vadd.s32 $0x12, v5;
	v2 =	vld.idx.msk [tilespmem:v2+s12+$0x0], $0xffff  }
0x236: {  	v0 =	vld.idx.msk [tilespmem:v0+s12+$0x0], $0xffff  }
0x237: {  	v1 =	vld.idx.msk [tilespmem:v1+s12+$0x0], $0xffff;
	[tilespmem:s30+$0xFFFFFD70] =	vst v8  }
0x238: {  	v4 =	vld.idx.msk [tilespmem:v4+s12+$0x0], $0xffff;
	[tilespmem:s30+$0xFFFFFF70] =	vst v6  }
0x239: {  	[tilespmem:s30+$0x170] =	vst v7;
	v3 =	vld.idx.msk [tilespmem:v3+s12+$0x0], $0xffff  }
0x23a: {  	[tilespmem:s30+$0x3F0] =	vst v2;
	v2 =	vld.idx.msk [tilespmem:v5+s12+$0x0], $0xffff  }
0x23b: {  	[tilespmem:s26+$0xFFFFFFF0] =	vst v0  }
0x23c: {  	s0 =	sshll.u32 s24, $0x14;
	[tilespmem:s26+$0x1F0] =	vst v1  }
0x23d: {  	s0 =	sor.u32 s9, s0;
	[tilespmem:s30+$0xFFFFFDF0] =	vst v4  }
0x23e: {  	s0 =	sshrl.u32 s0, $0x3;
	[tilespmem:s30+$0xFFFFFFF0] =	vst v3  }
0x23f: {  	s0 =	sadd.s32 s2, s0;
	s26 =	sshll.u32 s24, $0x12;
	[tilespmem:s30+$0x1F0] =	vst v2  }
0x240: {  	[hbm4b:s0+s16] =	stream.strided.scatter [tilespmem:s18], [sflag:$0x3], $0x4000, s17, s16, $0x38;
	[tilespmem:$0xA080] =	vst v63  }
0x241: {  	s0 =	sadd.s32 s8, s26  }
0x242: {  	s0 =	sshrl.u32 s0, $0x3  }
0x243: {  	s0 =	sadd.s32 s1, s0  }
0x244: {  	[tilespmem:s4], [sflag:$0x1] =	stream.linear.gather [hbm4b:s0+s4], $0x1000, $0x38;
	[tilespmem:$0xA080] =	vst v63  }
0x245: {  	_ =	swait.ge [sflag:s19], $0x1000  }
0x246: {  	[sflag:s19] =	ssyncset.done $0x0  }
0x247: {  	s0 =	simm.s32 @!p0 $0x4;
	[sflag:s19] =	ssyncadd.s32 $0xFFFFF000  }
0x248: {  	_ =	swait.ge @!p0 [sflag:s0], $0x4000  }
0x249: {  	[sflag:s0] =	ssyncset.done @!p0 $0x0  }
0x24a: {  	[sflag:s0] =	ssyncadd.s32 @!p0 $0xFFFFC000;
	s0 =	simm.s32 $0x1C70  }
0x24b: {  	v0 =	vld [tilespmem:s0+$0xFFFFFF90];
	_ =	sdelay $0x2  }
0x24c: {  	v1 =	vld [tilespmem:s0+$0xFFFFF790]  }
0x24d: {  	v3 =	vld [tilespmem:s0+$0xFFFFF390]  }
0x24e: {  	v2 =	vld [tilespmem:s0+$0xFFFFFB90];
	_ =	sdelay $0x2  }
0x24f: {  	v4 =	vld.idx.msk [tilespmem:v0+s12+$0x0], $0xffff  }
0x250: {  	v5 =	vadd.s32 $0x6, v0;
	_ =	sdelay $0x1  }
0x251: {  	v6 =	vld.idx.msk [tilespmem:v1+s12+$0x0], $0xffff  }
0x252: {  	s26 =	simm.s32 $0x6000;
	v7 =	vadd.s32 $0x6, v1;
	v10 =	vld.idx.msk [tilespmem:v3+s12+$0x0], $0xffff  }
0x253: {  	v8 =	vld.idx.msk [tilespmem:v2+s12+$0x0], $0xffff;
	[tilespmem:s26+$0x600] =	vst v4;
	v4 =	vadd.s32 $0x6, v3  }
0x254: {  	v9 =	vadd.s32 $0x6, v2;
	v5 =	vld.idx.msk [tilespmem:v5+s12+$0x0], $0xffff  }
0x255: {  	v11 =	vadd.s32 $0xC, v0  }
0x256: {  	[tilespmem:s26+$0x200] =	vst v6  }
0x257: {  	[tilespmem:s26+$0x0] =	vst v10;
	v6 =	vld.idx.msk [tilespmem:v7+s12+$0x0], $0xffff  }
0x258: {  	[tilespmem:s26+$0x400] =	vst v8;
	v7 =	vadd.s32 $0xC, v1;
	v4 =	vld.idx.msk [tilespmem:v4+s12+$0x0], $0xffff  }
0x259: {  	v8 =	vld.idx.msk [tilespmem:v9+s12+$0x0], $0xffff;
	[tilespmem:s26+$0x680] =	vst v5;
	v5 =	vadd.s32 $0xC, v3  }
0x25a: {  	v9 =	vadd.s32 $0xC, v2;
	v10 =	vld.idx.msk [tilespmem:v11+s12+$0x0], $0xffff  }
0x25b: {  	v0 =	vadd.s32 $0x12, v0  }
0x25c: {  	[tilespmem:s26+$0x280] =	vst v6  }
0x25d: {  	v6 =	vld.idx.msk [tilespmem:v7+s12+$0x0], $0xffff;
	[tilespmem:s26+$0x80] =	vst v4  }
0x25e: {  	v1 =	vadd.s32 $0x12, v1;
	[tilespmem:s26+$0x480] =	vst v8;
	v5 =	vld.idx.msk [tilespmem:v5+s12+$0x0], $0xffff  }
0x25f: {  	v3 =	vadd.s32 $0x12, v3;
	v4 =	vld.idx.msk [tilespmem:v9+s12+$0x0], $0xffff;
	[tilespmem:s26+$0x700] =	vst v10  }
0x260: {  	v2 =	vadd.s32 $0x12, v2;
	v0 =	vld.idx.msk [tilespmem:v0+s12+$0x0], $0xffff;
	_ =	sdelay $0x1  }
0x261: {  	[tilespmem:s26+$0x300] =	vst v6  }
0x262: {  	v1 =	vld.idx.msk [tilespmem:v1+s12+$0x0], $0xffff;
	[tilespmem:s26+$0x100] =	vst v5  }
0x263: {  	[tilespmem:s26+$0x500] =	vst v4;
	v3 =	vld.idx.msk [tilespmem:v3+s12+$0x0], $0xffff  }
0x264: {  	v2 =	vld.idx.msk [tilespmem:v2+s12+$0x0], $0xffff;
	[tilespmem:s26+$0x780] =	vst v0  }
0x265: {  	v0 =	vld [tilespmem:s0+$0xFFFFFFA0];
	_ =	sdelay $0x1  }
0x266: {  	[tilespmem:s26+$0x380] =	vst v1  }
0x267: {  	v1 =	vld [tilespmem:s0+$0xFFFFF7A0];
	[tilespmem:s26+$0x180] =	vst v3  }
0x268: {  	[tilespmem:s26+$0x580] =	vst v2;
	v3 =	vld [tilespmem:s0+$0xFFFFF3A0]  }
0x269: {  	v2 =	vld [tilespmem:s0+$0xFFFFFBA0];
	_ =	sdelay $0x2  }
0x26a: {  	v4 =	vld.idx.msk [tilespmem:v0+s12+$0x0], $0xffff  }
0x26b: {  	v5 =	vadd.s32 $0x6, v0;
	_ =	sdelay $0x1  }
0x26c: {  	v6 =	vld.idx.msk [tilespmem:v1+s12+$0x0], $0xffff  }
0x26d: {  	v7 =	vadd.s32 $0x6, v1;
	v10 =	vld.idx.msk [tilespmem:v3+s12+$0x0], $0xffff  }
0x26e: {  	v8 =	vld.idx.msk [tilespmem:v2+s12+$0x0], $0xffff;
	[tilespmem:s26+$0x610] =	vst v4;
	v4 =	vadd.s32 $0x6, v3  }
0x26f: {  	v9 =	vadd.s32 $0x6, v2;
	v5 =	vld.idx.msk [tilespmem:v5+s12+$0x0], $0xffff  }
0x270: {  	v11 =	vadd.s32 $0xC, v0  }
0x271: {  	[tilespmem:s26+$0x210] =	vst v6  }
0x272: {  	v6 =	vld.idx.msk [tilespmem:v7+s12+$0x0], $0xffff;
	[tilespmem:s26+$0x10] =	vst v10  }
0x273: {  	v7 =	vadd.s32 $0xC, v1;
	[tilespmem:s26+$0x410] =	vst v8;
	v4 =	vld.idx.msk [tilespmem:v4+s12+$0x0], $0xffff  }
0x274: {  	v8 =	vld.idx.msk [tilespmem:v9+s12+$0x0], $0xffff;
	[tilespmem:s26+$0x690] =	vst v5;
	v5 =	vadd.s32 $0xC, v3  }
0x275: {  	v9 =	vadd.s32 $0xC, v2;
	v10 =	vld.idx.msk [tilespmem:v11+s12+$0x0], $0xffff  }
0x276: {  	v0 =	vadd.s32 $0x12, v0  }
0x277: {  	[tilespmem:s26+$0x290] =	vst v6  }
0x278: {  	v6 =	vld.idx.msk [tilespmem:v7+s12+$0x0], $0xffff;
	[tilespmem:s26+$0x90] =	vst v4  }
0x279: {  	v1 =	vadd.s32 $0x12, v1;
	[tilespmem:s26+$0x490] =	vst v8;
	v5 =	vld.idx.msk [tilespmem:v5+s12+$0x0], $0xffff  }
0x27a: {  	v3 =	vadd.s32 $0x12, v3;
	v4 =	vld.idx.msk [tilespmem:v9+s12+$0x0], $0xffff;
	[tilespmem:s26+$0x710] =	vst v10  }
0x27b: {  	v2 =	vadd.s32 $0x12, v2;
	v0 =	vld.idx.msk [tilespmem:v0+s12+$0x0], $0xffff;
	_ =	sdelay $0x1  }
0x27c: {  	[tilespmem:s26+$0x310] =	vst v6  }
0x27d: {  	v1 =	vld.idx.msk [tilespmem:v1+s12+$0x0], $0xffff;
	[tilespmem:s26+$0x110] =	vst v5  }
0x27e: {  	[tilespmem:s26+$0x510] =	vst v4;
	v3 =	vld.idx.msk [tilespmem:v3+s12+$0x0], $0xffff  }
0x27f: {  	v2 =	vld.idx.msk [tilespmem:v2+s12+$0x0], $0xffff;
	[tilespmem:s26+$0x790] =	vst v0  }
0x280: {  	v0 =	vld [tilespmem:s0+$0xFFFFFFB0];
	_ =	sdelay $0x1  }
0x281: {  	[tilespmem:s26+$0x390] =	vst v1  }
0x282: {  	v1 =	vld [tilespmem:s0+$0xFFFFF7B0];
	[tilespmem:s26+$0x190] =	vst v3  }
0x283: {  	[tilespmem:s26+$0x590] =	vst v2;
	v3 =	vld [tilespmem:s0+$0xFFFFF3B0]  }
0x284: {  	v2 =	vld [tilespmem:s0+$0xFFFFFBB0];
	_ =	sdelay $0x2  }
0x285: {  	v4 =	vld.idx.msk [tilespmem:v0+s12+$0x0], $0xffff  }
0x286: {  	v5 =	vadd.s32 $0x6, v0;
	_ =	sdelay $0x1  }
0x287: {  	v6 =	vld.idx.msk [tilespmem:v1+s12+$0x0], $0xffff  }
0x288: {  	v7 =	vadd.s32 $0x6, v1;
	v10 =	vld.idx.msk [tilespmem:v3+s12+$0x0], $0xffff  }
0x289: {  	v8 =	vld.idx.msk [tilespmem:v2+s12+$0x0], $0xffff;
	[tilespmem:s26+$0x620] =	vst v4;
	v4 =	vadd.s32 $0x6, v3  }
0x28a: {  	v9 =	vadd.s32 $0x6, v2;
	v5 =	vld.idx.msk [tilespmem:v5+s12+$0x0], $0xffff  }
0x28b: {  	v11 =	vadd.s32 $0xC, v0  }
0x28c: {  	[tilespmem:s26+$0x220] =	vst v6  }
0x28d: {  	v6 =	vld.idx.msk [tilespmem:v7+s12+$0x0], $0xffff;
	[tilespmem:s26+$0x20] =	vst v10  }
0x28e: {  	v7 =	vadd.s32 $0xC, v1;
	[tilespmem:s26+$0x420] =	vst v8;
	v4 =	vld.idx.msk [tilespmem:v4+s12+$0x0], $0xffff  }
0x28f: {  	v8 =	vld.idx.msk [tilespmem:v9+s12+$0x0], $0xffff;
	[tilespmem:s26+$0x6A0] =	vst v5;
	v5 =	vadd.s32 $0xC, v3  }
0x290: {  	v9 =	vadd.s32 $0xC, v2;
	v10 =	vld.idx.msk [tilespmem:v11+s12+$0x0], $0xffff  }
0x291: {  	v0 =	vadd.s32 $0x12, v0  }
0x292: {  	[tilespmem:s26+$0x2A0] =	vst v6  }
0x293: {  	v6 =	vld.idx.msk [tilespmem:v7+s12+$0x0], $0xffff;
	[tilespmem:s26+$0xA0] =	vst v4  }
0x294: {  	v1 =	vadd.s32 $0x12, v1;
	[tilespmem:s26+$0x4A0] =	vst v8;
	v5 =	vld.idx.msk [tilespmem:v5+s12+$0x0], $0xffff  }
0x295: {  	v3 =	vadd.s32 $0x12, v3;
	v4 =	vld.idx.msk [tilespmem:v9+s12+$0x0], $0xffff;
	[tilespmem:s26+$0x720] =	vst v10  }
0x296: {  	v2 =	vadd.s32 $0x12, v2;
	v0 =	vld.idx.msk [tilespmem:v0+s12+$0x0], $0xffff;
	_ =	sdelay $0x1  }
0x297: {  	[tilespmem:s26+$0x320] =	vst v6  }
0x298: {  	v1 =	vld.idx.msk [tilespmem:v1+s12+$0x0], $0xffff;
	[tilespmem:s26+$0x120] =	vst v5  }
0x299: {  	[tilespmem:s26+$0x520] =	vst v4;
	v3 =	vld.idx.msk [tilespmem:v3+s12+$0x0], $0xffff  }
0x29a: {  	v2 =	vld.idx.msk [tilespmem:v2+s12+$0x0], $0xffff;
	[tilespmem:s26+$0x7A0] =	vst v0  }
0x29b: {  	v0 =	vld [tilespmem:s0+$0xFFFFFFC0];
	_ =	sdelay $0x1  }
0x29c: {  	[tilespmem:s26+$0x3A0] =	vst v1  }
0x29d: {  	v1 =	vld [tilespmem:s0+$0xFFFFF7C0];
	[tilespmem:s26+$0x1A0] =	vst v3  }
0x29e: {  	[tilespmem:s26+$0x5A0] =	vst v2;
	v3 =	vld [tilespmem:s0+$0xFFFFF3C0]  }
0x29f: {  	v2 =	vld [tilespmem:s0+$0xFFFFFBC0];
	_ =	sdelay $0x2  }
0x2a0: {  	v4 =	vld.idx.msk [tilespmem:v0+s12+$0x0], $0xffff  }
0x2a1: {  	v5 =	vadd.s32 $0x6, v0;
	_ =	sdelay $0x1  }
0x2a2: {  	v6 =	vld.idx.msk [tilespmem:v1+s12+$0x0], $0xffff  }
0x2a3: {  	v7 =	vadd.s32 $0x6, v1;
	v10 =	vld.idx.msk [tilespmem:v3+s12+$0x0], $0xffff  }
0x2a4: {  	v8 =	vld.idx.msk [tilespmem:v2+s12+$0x0], $0xffff;
	[tilespmem:s26+$0x630] =	vst v4;
	v4 =	vadd.s32 $0x6, v3  }
0x2a5: {  	v9 =	vadd.s32 $0x6, v2;
	v5 =	vld.idx.msk [tilespmem:v5+s12+$0x0], $0xffff  }
0x2a6: {  	v11 =	vadd.s32 $0xC, v0  }
0x2a7: {  	[tilespmem:s26+$0x230] =	vst v6  }
0x2a8: {  	v6 =	vld.idx.msk [tilespmem:v7+s12+$0x0], $0xffff;
	[tilespmem:s26+$0x30] =	vst v10  }
0x2a9: {  	v7 =	vadd.s32 $0xC, v1;
	[tilespmem:s26+$0x430] =	vst v8;
	v4 =	vld.idx.msk [tilespmem:v4+s12+$0x0], $0xffff  }
0x2aa: {  	v8 =	vld.idx.msk [tilespmem:v9+s12+$0x0], $0xffff;
	[tilespmem:s26+$0x6B0] =	vst v5;
	v5 =	vadd.s32 $0xC, v3  }
0x2ab: {  	v9 =	vadd.s32 $0xC, v2;
	v10 =	vld.idx.msk [tilespmem:v11+s12+$0x0], $0xffff  }
0x2ac: {  	v0 =	vadd.s32 $0x12, v0  }
0x2ad: {  	[tilespmem:s26+$0x2B0] =	vst v6  }
0x2ae: {  	v6 =	vld.idx.msk [tilespmem:v7+s12+$0x0], $0xffff;
	[tilespmem:s26+$0xB0] =	vst v4  }
0x2af: {  	v1 =	vadd.s32 $0x12, v1;
	[tilespmem:s26+$0x4B0] =	vst v8;
	v5 =	vld.idx.msk [tilespmem:v5+s12+$0x0], $0xffff  }
0x2b0: {  	v3 =	vadd.s32 $0x12, v3;
	v4 =	vld.idx.msk [tilespmem:v9+s12+$0x0], $0xffff;
	[tilespmem:s26+$0x730] =	vst v10  }
0x2b1: {  	v2 =	vadd.s32 $0x12, v2;
	v0 =	vld.idx.msk [tilespmem:v0+s12+$0x0], $0xffff;
	_ =	sdelay $0x1  }
0x2b2: {  	[tilespmem:s26+$0x330] =	vst v6  }
0x2b3: {  	v1 =	vld.idx.msk [tilespmem:v1+s12+$0x0], $0xffff;
	[tilespmem:s26+$0x130] =	vst v5  }
0x2b4: {  	[tilespmem:s26+$0x530] =	vst v4;
	v3 =	vld.idx.msk [tilespmem:v3+s12+$0x0], $0xffff  }
0x2b5: {  	v2 =	vld.idx.msk [tilespmem:v2+s12+$0x0], $0xffff;
	[tilespmem:s26+$0x7B0] =	vst v0  }
0x2b6: {  	v0 =	vld [tilespmem:s0+$0xFFFFFFD0];
	_ =	sdelay $0x2  }
0x2b7: {  	[tilespmem:s26+$0x1B0] =	vst v3  }
0x2b8: {  	[tilespmem:s26+$0x3B0] =	vst v1;
	v3 =	vld [tilespmem:s0+$0xFFFFF3D0]  }
0x2b9: {  	v1 =	vld [tilespmem:s0+$0xFFFFF7D0];
	[tilespmem:s26+$0x5B0] =	vst v2  }
0x2ba: {  	s28 =	simm.s32 $0x1CF0;
	v2 =	vld [tilespmem:s0+$0xFFFFFBD0]  }
0x2bb: {  	v11 =	vld [tilespmem:s28+$0xFFFFF790]  }
0x2bc: {  	v4 =	vld.idx.msk [tilespmem:v0+s12+$0x0], $0xffff;
	_ =	sdelay $0x1  }
0x2bd: {  	v14 =	vld [tilespmem:s28+$0xFFFFFB90];
	v5 =	vadd.s32 $0x6, v0  }
0x2be: {  	v10 =	vld [tilespmem:s28+$0xFFFFFF90]  }
0x2bf: {  	v8 =	vld.idx.msk [tilespmem:v3+s12+$0x0], $0xffff  }
0x2c0: {  	v6 =	vld.idx.msk [tilespmem:v1+s12+$0x0], $0xffff;
	[tilespmem:s26+$0x640] =	vst v4;
	v4 =	vadd.s32 $0x6, v3  }
0x2c1: {  	v9 =	vadd.s32 $0x6, v1;
	v7 =	vld.idx.msk [tilespmem:v2+s12+$0x0], $0xffff  }
0x2c2: {  	v13 =	vadd.s32 $0x6, v2;
	v5 =	vld.idx.msk [tilespmem:v5+s12+$0x0], $0xffff  }
0x2c3: {  	v15 =	vld.idx.msk [tilespmem:v11+s12+$0x0], $0xffff;
	v12 =	vadd.s32 $0xC, v0  }
0x2c4: {  	[tilespmem:s26+$0x40] =	vst v8;
	v8 =	vld [tilespmem:s28+$0xFFFFF390]  }
0x2c5: {  	[tilespmem:s26+$0x240] =	vst v6;
	v4 =	vld.idx.msk [tilespmem:v4+s12+$0x0], $0xffff  }
0x2c6: {  	v6 =	vld.idx.msk [tilespmem:v9+s12+$0x0], $0xffff;
	[tilespmem:s26+$0x440] =	vst v7;
	v7 =	vadd.s32 $0xC, v3  }
0x2c7: {  	v9 =	vld.idx.msk [tilespmem:v13+s12+$0x0], $0xffff;
	[tilespmem:s26+$0x6C0] =	vst v5  }
0x2c8: {  	v18 =	vadd.s32 $0x6, v11;
	v5 =	vld.idx.msk [tilespmem:v12+s12+$0x0], $0xffff  }
0x2c9: {  	v13 =	vadd.s32 $0xC, v1;
	v12 =	vld.idx.msk [tilespmem:v10+s12+$0x0], $0xffff  }
0x2ca: {  	s29 =	simm.s32 $0x6800;
	v16 =	vld.idx.msk [tilespmem:v14+s12+$0x0], $0xffff;
	v0 =	vadd.s32 $0x12, v0;
	[tilespmem:s26+$0xC0] =	vst v4  }
0x2cb: {  	v17 =	vadd.s32 $0x6, v10;
	[tilespmem:s29+$0x200] =	vst v15;
	v7 =	vld.idx.msk [tilespmem:v7+s12+$0x0], $0xffff  }
0x2cc: {  	v19 =	vadd.s32 $0x6, v14;
	[tilespmem:s26+$0x2C0] =	vst v6;
	v4 =	vld.idx.msk [tilespmem:v8+s12+$0x0], $0xffff  }
0x2cd: {  	v15 =	vld.idx.msk [tilespmem:v18+s12+$0x0], $0xffff;
	v3 =	vadd.s32 $0x12, v3;
	[tilespmem:s26+$0x740] =	vst v5  }
0x2ce: {  	v5 =	vadd.s32 $0x6, v8;
	[tilespmem:s29+$0x600] =	vst v12;
	v12 =	vld.idx.msk [tilespmem:v13+s12+$0x0], $0xffff  }
0x2cf: {  	[tilespmem:s29+$0x400] =	vst v16;
	v1 =	vadd.s32 $0x12, v1;
	v0 =	vld.idx.msk [tilespmem:v0+s12+$0x0], $0xffff  }
0x2d0: {  	v13 =	vld.idx.msk [tilespmem:v17+s12+$0x0], $0xffff;
	[tilespmem:s26+$0x140] =	vst v7  }
0x2d1: {  	v6 =	vadd.s32 $0xC, v2;
	[tilespmem:s29+$0x0] =	vst v4;
	v4 =	vld.idx.msk [tilespmem:v19+s12+$0x0], $0xffff  }
0x2d2: {  	[tilespmem:s26+$0x4C0] =	vst v9;
	v17 =	vadd.s32 $0xC, v11;
	v3 =	vld.idx.msk [tilespmem:v3+s12+$0x0], $0xffff  }
0x2d3: {  	v16 =	vadd.s32 $0xC, v10;
	[tilespmem:s26+$0x340] =	vst v12;
	v5 =	vld.idx.msk [tilespmem:v5+s12+$0x0], $0xffff  }
0x2d4: {  	v9 =	vadd.s32 $0xC, v14;
	[tilespmem:s26+$0x7C0] =	vst v0;
	v1 =	vld.idx.msk [tilespmem:v1+s12+$0x0], $0xffff  }
0x2d5: {  	[tilespmem:s29+$0x280] =	vst v15;
	v7 =	vld [tilespmem:s0+$0xFFFFFFE0]  }
0x2d6: {  	v6 =	vld.idx.msk [tilespmem:v6+s12+$0x0], $0xffff;
	v0 =	vadd.s32 $0xC, v8;
	[tilespmem:s29+$0x680] =	vst v13  }
0x2d7: {  	v2 =	vadd.s32 $0x12, v2;
	v15 =	vld.idx.msk [tilespmem:v17+s12+$0x0], $0xffff;
	[tilespmem:s29+$0x480] =	vst v4  }
0x2d8: {  	v13 =	vld.idx.msk [tilespmem:v16+s12+$0x0], $0xffff;
	[tilespmem:s26+$0x1C0] =	vst v3  }
0x2d9: {  	[tilespmem:s29+$0x80] =	vst v5;
	v4 =	vld.idx.msk [tilespmem:v9+s12+$0x0], $0xffff;
	v5 =	vadd.s32 $0x12, v10  }
0x2da: {  	v9 =	vadd.s32 $0x12, v11;
	[tilespmem:s26+$0x3C0] =	vst v1;
	v1 =	vld [tilespmem:s0+$0xFFFFF3E0]  }
0x2db: {  	[tilespmem:s26+$0x540] =	vst v6;
	v10 =	vadd.s32 $0x12, v14;
	v0 =	vld.idx.msk [tilespmem:v0+s12+$0x0], $0xffff  }
0x2dc: {  	v6 =	vadd.s32 $0x12, v8;
	v2 =	vld.idx.msk [tilespmem:v2+s12+$0x0], $0xffff  }
0x2dd: {  	[tilespmem:s29+$0x700] =	vst v13;
	v8 =	vld.idx.msk [tilespmem:v7+s12+$0x0], $0xffff  }
0x2de: {  	[tilespmem:s29+$0x300] =	vst v15;
	v5 =	vld.idx.msk [tilespmem:v5+s12+$0x0], $0xffff  }
0x2df: {  	v9 =	vld.idx.msk [tilespmem:v9+s12+$0x0], $0xffff;
	[tilespmem:s29+$0x500] =	vst v4;
	v4 =	vadd.s32 $0x6, v7  }
0x2e0: {  	[tilespmem:s29+$0x100] =	vst v0;
	v0 =	vld.idx.msk [tilespmem:v10+s12+$0x0], $0xffff  }
0x2e1: {  	v3 =	vld.idx.msk [tilespmem:v6+s12+$0x0], $0xffff  }
0x2e2: {  	[tilespmem:s26+$0x5C0] =	vst v2;
	v6 =	vld [tilespmem:s0+$0xFFFFF7E0]  }
0x2e3: {  	v10 =	vld.idx.msk [tilespmem:v1+s12+$0x0], $0xffff;
	[tilespmem:s26+$0x650] =	vst v8  }
0x2e4: {  	[tilespmem:s29+$0x780] =	vst v5;
	v4 =	vld.idx.msk [tilespmem:v4+s12+$0x0], $0xffff  }
0x2e5: {  	[tilespmem:s29+$0x380] =	vst v9;
	v9 =	vld [tilespmem:s0+$0xFFFFFBE0]  }
0x2e6: {  	v5 =	vld [tilespmem:s28+$0xFFFFFFA0]  }
0x2e7: {  	v8 =	vld [tilespmem:s28+$0xFFFFF7A0];
	[tilespmem:s29+$0x580] =	vst v0;
	v0 =	vadd.s32 $0xC, v7  }
0x2e8: {  	[tilespmem:s29+$0x180] =	vst v3;
	v3 =	vld [tilespmem:s28+$0xFFFFFBA0]  }
0x2e9: {  	v2 =	vld [tilespmem:s28+$0xFFFFF3A0];
	_ =	sdelay $0x1  }
0x2ea: {  	[tilespmem:s26+$0x6D0] =	vst v4;
	v4 =	vld.idx.msk [tilespmem:v6+s12+$0x0], $0xffff  }
0x2eb: {  	v0 =	vld.idx.msk [tilespmem:v0+s12+$0x0], $0xffff  }
0x2ec: {  	[tilespmem:s26+$0x50] =	vst v10;
	v10 =	vadd.s32 $0x6, v6;
	v19 =	vld.idx.msk [tilespmem:v9+s12+$0x0], $0xffff  }
0x2ed: {  	v7 =	vadd.s32 $0x12, v7;
	v11 =	vld.idx.msk [tilespmem:v5+s12+$0x0], $0xffff  }
0x2ee: {  	v12 =	vadd.s32 $0x6, v1;
	v13 =	vld.idx.msk [tilespmem:v8+s12+$0x0], $0xffff  }
0x2ef: {  	v15 =	vadd.s32 $0x6, v5;
	v14 =	vld.idx.msk [tilespmem:v3+s12+$0x0], $0xffff  }
0x2f0: {  	v16 =	vadd.s32 $0x6, v8;
	[tilespmem:s26+$0x250] =	vst v4;
	v17 =	vld.idx.msk [tilespmem:v2+s12+$0x0], $0xffff  }
0x2f1: {  	v18 =	vadd.s32 $0x6, v3;
	[tilespmem:s26+$0x750] =	vst v0;
	v10 =	vld.idx.msk [tilespmem:v10+s12+$0x0], $0xffff  }
0x2f2: {  	v0 =	vadd.s32 $0x6, v2;
	v7 =	vld.idx.msk [tilespmem:v7+s12+$0x0], $0xffff;
	[tilespmem:s26+$0x450] =	vst v19  }
0x2f3: {  	[tilespmem:s29+$0x610] =	vst v11;
	v11 =	vld.idx.msk [tilespmem:v12+s12+$0x0], $0xffff  }
0x2f4: {  	[tilespmem:s29+$0x210] =	vst v13;
	v13 =	vadd.s32 $0x6, v9;
	v12 =	vld.idx.msk [tilespmem:v15+s12+$0x0], $0xffff  }
0x2f5: {  	v15 =	vld.idx.msk [tilespmem:v16+s12+$0x0], $0xffff;
	[tilespmem:s29+$0x410] =	vst v14;
	v16 =	vadd.s32 $0xC, v5  }
0x2f6: {  	[tilespmem:s29+$0x10] =	vst v17;
	v14 =	vld.idx.msk [tilespmem:v18+s12+$0x0], $0xffff;
	v17 =	vadd.s32 $0xC, v8  }
0x2f7: {  	v4 =	vadd.s32 $0xC, v3;
	v0 =	vld.idx.msk [tilespmem:v0+s12+$0x0], $0xffff;
	[tilespmem:s26+$0x7D0] =	vst v7  }
0x2f8: {  	v19 =	vadd.s32 $0xC, v1;
	v18 =	vld [tilespmem:s0+$0xFFFFFFF0];
	[tilespmem:s26+$0xD0] =	vst v11  }
0x2f9: {  	v7 =	vadd.s32 $0xC, v2;
	[tilespmem:s29+$0x690] =	vst v12;
	v12 =	vld.idx.msk [tilespmem:v13+s12+$0x0], $0xffff  }
0x2fa: {  	v13 =	vadd.s32 $0xC, v6;
	[tilespmem:s29+$0x290] =	vst v15;
	v15 =	vld.idx.msk [tilespmem:v16+s12+$0x0], $0xffff  }
0x2fb: {  	v16 =	vld.idx.msk [tilespmem:v17+s12+$0x0], $0xffff;
	[tilespmem:s29+$0x490] =	vst v14  }
0x2fc: {  	[tilespmem:s29+$0x90] =	vst v0;
	v0 =	vld.idx.msk [tilespmem:v4+s12+$0x0], $0xffff;
	v4 =	vadd.s32 $0x12, v5  }
0x2fd: {  	v5 =	vadd.s32 $0x12, v8;
	v8 =	vld.idx.msk [tilespmem:v19+s12+$0x0], $0xffff  }
0x2fe: {  	v3 =	vadd.s32 $0x12, v3;
	[tilespmem:s26+$0x2D0] =	vst v10;
	v7 =	vld.idx.msk [tilespmem:v7+s12+$0x0], $0xffff  }
0x2ff: {  	v11 =	vadd.s32 $0xC, v9;
	v10 =	vld.idx.msk [tilespmem:v13+s12+$0x0], $0xffff;
	[tilespmem:s26+$0x4D0] =	vst v12  }
0x300: {  	v1 =	vadd.s32 $0x12, v1;
	[tilespmem:s29+$0x710] =	vst v15;
	v13 =	vld.idx.msk [tilespmem:v18+s12+$0x0], $0xffff  }
0x301: {  	v2 =	vadd.s32 $0x12, v2;
	[tilespmem:s29+$0x310] =	vst v16;
	v4 =	vld.idx.msk [tilespmem:v4+s12+$0x0], $0xffff  }
0x302: {  	v6 =	vadd.s32 $0x12, v6;
	v5 =	vld.idx.msk [tilespmem:v5+s12+$0x0], $0xffff;
	[tilespmem:s29+$0x510] =	vst v0  }
0x303: {  	v0 =	vadd.s32 $0x6, v18;
	[tilespmem:s26+$0x150] =	vst v8;
	v3 =	vld.idx.msk [tilespmem:v3+s12+$0x0], $0xffff  }
0x304: {  	[tilespmem:s29+$0x110] =	vst v7;
	v7 =	vld.idx.msk [tilespmem:v11+s12+$0x0], $0xffff  }
0x305: {  	v1 =	vld.idx.msk [tilespmem:v1+s12+$0x0], $0xffff  }
0x306: {  	v2 =	vld.idx.msk [tilespmem:v2+s12+$0x0], $0xffff;
	[tilespmem:s26+$0x350] =	vst v10  }
0x307: {  	[tilespmem:s26+$0x660] =	vst v13;
	v6 =	vld.idx.msk [tilespmem:v6+s12+$0x0], $0xffff  }
0x308: {  	[tilespmem:s29+$0x790] =	vst v4;
	v0 =	vld.idx.msk [tilespmem:v0+s12+$0x0], $0xffff  }
0x309: {  	v4 =	vadd.s32 $0x12, v9;
	[tilespmem:s29+$0x390] =	vst v5;
	v5 =	vld [tilespmem:s28+$0xFFFFFFB0]  }
0x30a: {  	v8 =	vld [tilespmem:s28+$0xFFFFF7B0];
	[tilespmem:s29+$0x590] =	vst v3;
	v3 =	vadd.s32 $0xC, v18  }
0x30b: {  	[tilespmem:s29+$0x190] =	vst v2;
	v2 =	vld [tilespmem:s28+$0xFFFFFBB0]  }
0x30c: {  	[tilespmem:s26+$0x1D0] =	vst v1;
	v9 =	vld [tilespmem:s28+$0xFFFFF3B0]  }
0x30d: {  	[tilespmem:s26+$0x550] =	vst v7;
	v1 =	vld [tilespmem:s0+$0xFFFFF3F0]  }
0x30e: {  	v4 =	vld.idx.msk [tilespmem:v4+s12+$0x0], $0xffff;
	[tilespmem:s26+$0x6E0] =	vst v0  }
0x30f: {  	[tilespmem:s26+$0x3D0] =	vst v6;
	v0 =	vld.idx.msk [tilespmem:v3+s12+$0x0], $0xffff  }
0x310: {  	v7 =	vadd.s32 $0x12, v18;
	v15 =	vld [tilespmem:s0+$0xFFFFF7F0]  }
0x311: {  	v3 =	vld.idx.msk [tilespmem:v5+s12+$0x0], $0xffff  }
0x312: {  	v12 =	vadd.s32 $0x6, v5;
	v10 =	vld.idx.msk [tilespmem:v8+s12+$0x0], $0xffff  }
0x313: {  	v13 =	vadd.s32 $0x6, v8;
	v11 =	vld.idx.msk [tilespmem:v2+s12+$0x0], $0xffff  }
0x314: {  	v14 =	vadd.s32 $0x6, v2;
	v6 =	vld.idx.msk [tilespmem:v9+s12+$0x0], $0xffff;
	[tilespmem:s26+$0x760] =	vst v0  }
0x315: {  	[tilespmem:s26+$0x5D0] =	vst v4;
	v4 =	vld.idx.msk [tilespmem:v7+s12+$0x0], $0xffff  }
0x316: {  	v0 =	vadd.s32 $0x6, v9;
	[tilespmem:s29+$0x620] =	vst v3;
	v3 =	vld [tilespmem:s0+$0xFFFFFBF0]  }
0x317: {  	[tilespmem:s29+$0x220] =	vst v10;
	v7 =	vld.idx.msk [tilespmem:v12+s12+$0x0], $0xffff  }
0x318: {  	v10 =	vld.idx.msk [tilespmem:v13+s12+$0x0], $0xffff;
	[tilespmem:s29+$0x420] =	vst v11  }
0x319: {  	v11 =	vadd.s32 $0xC, v5;
	[tilespmem:s29+$0x20] =	vst v6;
	v6 =	vld.idx.msk [tilespmem:v14+s12+$0x0], $0xffff  }
0x31a: {  	v12 =	vadd.s32 $0xC, v8;
	v14 =	vld.idx.msk [tilespmem:v1+s12+$0x0], $0xffff  }
0x31b: {  	v13 =	vadd.s32 $0xC, v2;
	v0 =	vld.idx.msk [tilespmem:v0+s12+$0x0], $0xffff;
	[tilespmem:s26+$0x7E0] =	vst v4  }
0x31c: {  	v16 =	vld [tilespmem:s0+$0x0]  }
0x31d: {  	v4 =	vadd.s32 $0xC, v9;
	[tilespmem:s29+$0x6A0] =	vst v7;
	v7 =	vld.idx.msk [tilespmem:v15+s12+$0x0], $0xffff  }
0x31e: {  	v17 =	vadd.s32 $0x6, v1;
	[tilespmem:s29+$0x2A0] =	vst v10;
	v10 =	vld.idx.msk [tilespmem:v11+s12+$0x0], $0xffff  }
0x31f: {  	v11 =	vld.idx.msk [tilespmem:v12+s12+$0x0], $0xffff;
	[tilespmem:s29+$0x4A0] =	vst v6  }
0x320: {  	v5 =	vadd.s32 $0x12, v5;
	[tilespmem:s29+$0xA0] =	vst v0;
	v0 =	vld.idx.msk [tilespmem:v13+s12+$0x0], $0xffff  }
0x321: {  	v6 =	vadd.s32 $0x12, v8;
	v8 =	vld.idx.msk [tilespmem:v3+s12+$0x0], $0xffff  }
0x322: {  	v2 =	vadd.s32 $0x12, v2;
	[tilespmem:s26+$0x60] =	vst v14;
	v4 =	vld.idx.msk [tilespmem:v4+s12+$0x0], $0xffff  }
0x323: {  	v9 =	vadd.s32 $0x12, v9;
	v12 =	vld.idx.msk [tilespmem:v17+s12+$0x0], $0xffff  }
0x324: {  	v13 =	vadd.s32 $0x6, v15;
	[tilespmem:s29+$0x720] =	vst v10;
	v10 =	vld.idx.msk [tilespmem:v16+s12+$0x0], $0xffff  }
0x325: {  	v14 =	vadd.s32 $0x6, v3;
	[tilespmem:s29+$0x320] =	vst v11;
	v5 =	vld.idx.msk [tilespmem:v5+s12+$0x0], $0xffff  }
0x326: {  	v6 =	vld.idx.msk [tilespmem:v6+s12+$0x0], $0xffff;
	[tilespmem:s29+$0x520] =	vst v0  }
0x327: {  	[tilespmem:s29+$0x120] =	vst v4;
	v0 =	vld.idx.msk [tilespmem:v2+s12+$0x0], $0xffff  }
0x328: {  	[tilespmem:s26+$0x260] =	vst v7;
	v2 =	vld.idx.msk [tilespmem:v9+s12+$0x0], $0xffff  }
0x329: {  	[tilespmem:s26+$0x460] =	vst v8;
	v4 =	vld.idx.msk [tilespmem:v13+s12+$0x0], $0xffff  }
0x32a: {  	v7 =	vadd.s32 $0x6, v16;
	v8 =	vld.idx.msk [tilespmem:v14+s12+$0x0], $0xffff;
	[tilespmem:s29+$0x7A0] =	vst v5  }
0x32b: {  	v5 =	vadd.s32 $0xC, v1;
	[tilespmem:s29+$0x3A0] =	vst v6;
	v6 =	vld [tilespmem:s28+$0xFFFFFFC0]  }
0x32c: {  	v9 =	vadd.s32 $0xC, v15;
	v11 =	vld [tilespmem:s28+$0xFFFFF7C0];
	[tilespmem:s29+$0x5A0] =	vst v0  }
0x32d: {  	v0 =	vadd.s32 $0xC, v3;
	[tilespmem:s29+$0x1A0] =	vst v2;
	v2 =	vld [tilespmem:s28+$0xFFFFFBC0]  }
0x32e: {  	[tilespmem:s26+$0x670] =	vst v10;
	v10 =	vld [tilespmem:s28+$0xFFFFF3C0]  }
0x32f: {  	[tilespmem:s26+$0xE0] =	vst v12;
	v7 =	vld.idx.msk [tilespmem:v7+s12+$0x0], $0xffff  }
0x330: {  	[tilespmem:s26+$0x2E0] =	vst v4;
	v4 =	vld.idx.msk [tilespmem:v5+s12+$0x0], $0xffff  }
0x331: {  	[tilespmem:s26+$0x4E0] =	vst v8;
	v5 =	vld.idx.msk [tilespmem:v9+s12+$0x0], $0xffff  }
0x332: {  	v1 =	vadd.s32 $0x12, v1;
	v0 =	vld.idx.msk [tilespmem:v0+s12+$0x0], $0xffff  }
0x333: {  	v8 =	vadd.s32 $0x12, v15;
	v9 =	vld.idx.msk [tilespmem:v6+s12+$0x0], $0xffff  }
0x334: {  	v13 =	vadd.s32 $0x6, v6;
	v12 =	vld.idx.msk [tilespmem:v11+s12+$0x0], $0xffff  }
0x335: {  	v14 =	vadd.s32 $0x6, v11;
	v15 =	vld.idx.msk [tilespmem:v2+s12+$0x0], $0xffff;
	[tilespmem:s26+$0x160] =	vst v4  }
0x336: {  	v17 =	vadd.s32 $0x6, v2;
	[tilespmem:s26+$0x360] =	vst v5;
	v4 =	vld.idx.msk [tilespmem:v10+s12+$0x0], $0xffff  }
0x337: {  	v3 =	vadd.s32 $0x12, v3;
	v1 =	vld.idx.msk [tilespmem:v1+s12+$0x0], $0xffff;
	[tilespmem:s26+$0x560] =	vst v0  }
0x338: {  	v18 =	vadd.s32 $0x6, v10;
	v5 =	vld.idx.msk [tilespmem:v8+s12+$0x0], $0xffff;
	[tilespmem:s29+$0x630] =	vst v9  }
0x339: {  	[tilespmem:s29+$0x230] =	vst v12;
	v8 =	vld.idx.msk [tilespmem:v13+s12+$0x0], $0xffff  }
0x33a: {  	v9 =	vld.idx.msk [tilespmem:v14+s12+$0x0], $0xffff;
	[tilespmem:s29+$0x430] =	vst v15  }
0x33b: {  	v12 =	vadd.s32 $0xC, v6;
	[tilespmem:s29+$0x30] =	vst v4;
	v4 =	vld.idx.msk [tilespmem:v17+s12+$0x0], $0xffff  }
0x33c: {  	v13 =	vadd.s32 $0xC, v11;
	[tilespmem:s26+$0x1E0] =	vst v1;
	v1 =	vld.idx.msk [tilespmem:v3+s12+$0x0], $0xffff  }
0x33d: {  	v14 =	vadd.s32 $0xC, v2;
	[tilespmem:s26+$0x3E0] =	vst v5;
	v0 =	vld.idx.msk [tilespmem:v18+s12+$0x0], $0xffff  }
0x33e: {  	v15 =	vld [tilespmem:s0+$0xFFFFF400];
	[tilespmem:s29+$0x6B0] =	vst v8  }
0x33f: {  	v3 =	vadd.s32 $0xC, v10;
	v5 =	vld [tilespmem:s0+$0xFFFFF800];
	[tilespmem:s29+$0x2B0] =	vst v9  }
0x340: {  	v8 =	vadd.s32 $0xC, v16;
	v9 =	vld.idx.msk [tilespmem:v12+s12+$0x0], $0xffff;
	[tilespmem:s29+$0x4B0] =	vst v4  }
0x341: {  	v12 =	vld.idx.msk [tilespmem:v13+s12+$0x0], $0xffff;
	[tilespmem:s26+$0x5E0] =	vst v1  }
0x342: {  	v4 =	vadd.s32 $0x12, v6;
	[tilespmem:s29+$0xB0] =	vst v0;
	v0 =	vld.idx.msk [tilespmem:v14+s12+$0x0], $0xffff  }
0x343: {  	v6 =	vadd.s32 $0x12, v11;
	v1 =	vadd.s32 $0x12, v2;
	v2 =	vld [tilespmem:s0+$0xFFFFFC00]  }
0x344: {  	[tilespmem:s26+$0x6F0] =	vst v7;
	v3 =	vld.idx.msk [tilespmem:v3+s12+$0x0], $0xffff  }
0x345: {  	v8 =	vld.idx.msk [tilespmem:v8+s12+$0x0], $0xffff  }
0x346: {  	v7 =	vadd.s32 $0x12, v10;
	[tilespmem:s29+$0x730] =	vst v9;
	v9 =	vld.idx.msk [tilespmem:v15+s12+$0x0], $0xffff  }
0x347: {  	[tilespmem:s29+$0x330] =	vst v12;
	v4 =	vld.idx.msk [tilespmem:v4+s12+$0x0], $0xffff  }
0x348: {  	v10 =	vadd.s32 $0x6, v15;
	v6 =	vld.idx.msk [tilespmem:v6+s12+$0x0], $0xffff;
	[tilespmem:s29+$0x530] =	vst v0  }
0x349: {  	v0 =	vld.idx.msk [tilespmem:v1+s12+$0x0], $0xffff  }
0x34a: {  	[tilespmem:s29+$0x130] =	vst v3;
	v3 =	vld.idx.msk [tilespmem:v5+s12+$0x0], $0xffff  }
0x34b: {  	v1 =	vld.idx.msk [tilespmem:v7+s12+$0x0], $0xffff  }
0x34c: {  	[tilespmem:s26+$0x70] =	vst v9;
	v9 =	vld.idx.msk [tilespmem:v2+s12+$0x0], $0xffff  }
0x34d: {  	v11 =	vadd.s32 $0x12, v16;
	[tilespmem:s29+$0x7B0] =	vst v4;
	v4 =	vld.idx.msk [tilespmem:v10+s12+$0x0], $0xffff  }
0x34e: {  	v10 =	vadd.s32 $0x6, v5;
	[tilespmem:s29+$0x3B0] =	vst v6;
	v7 =	vld [tilespmem:s28+$0xFFFFFFD0]  }
0x34f: {  	v6 =	vadd.s32 $0x6, v2;
	v12 =	vld [tilespmem:s28+$0xFFFFF7D0];
	[tilespmem:s29+$0x5B0] =	vst v0  }
0x350: {  	v0 =	vadd.s32 $0xC, v15;
	[tilespmem:s29+$0x1B0] =	vst v1;
	v17 =	vld [tilespmem:s28+$0xFFFFFBD0]  }
0x351: {  	[tilespmem:s26+$0x770] =	vst v8;
	v18 =	vld [tilespmem:s28+$0xFFFFF3D0]  }
0x352: {  	[tilespmem:s26+$0x270] =	vst v3;
	v1 =	vld.idx.msk [tilespmem:v11+s12+$0x0], $0xffff  }
0x353: {  	[tilespmem:s26+$0x470] =	vst v9;
	v3 =	vld.idx.msk [tilespmem:v10+s12+$0x0], $0xffff  }
0x354: {  	[tilespmem:s26+$0xF0] =	vst v4;
	v4 =	vld.idx.msk [tilespmem:v6+s12+$0x0], $0xffff  }
0x355: {  	v6 =	vadd.s32 $0xC, v5;
	v8 =	vld.idx.msk [tilespmem:v0+s12+$0x0], $0xffff  }
0x356: {  	v9 =	vadd.s32 $0xC, v2;
	v11 =	vld.idx.msk [tilespmem:v7+s12+$0x0], $0xffff  }
0x357: {  	v15 =	vadd.s32 $0x12, v15;
	v19 =	vld.idx.msk [tilespmem:v12+s12+$0x0], $0xffff  }
0x358: {  	v20 =	vadd.s32 $0x6, v7;
	[tilespmem:s26+$0x7F0] =	vst v1;
	v14 =	vld.idx.msk [tilespmem:v17+s12+$0x0], $0xffff  }
0x359: {  	[tilespmem:s26+$0x2F0] =	vst v3;
	v16 =	vld.idx.msk [tilespmem:v18+s12+$0x0], $0xffff  }
0x35a: {  	v0 =	vadd.s32 $0x12, v5;
	v13 =	vadd.s32 $0x6, v12;
	[tilespmem:s26+$0x4F0] =	vst v4;
	v4 =	vld.idx.msk [tilespmem:v6+s12+$0x0], $0xffff  }
0x35b: {  	v10 =	vadd.s32 $0xC, v12;
	v5 =	vadd.s32 $0x12, v12;
	v1 =	vadd.s32 $0x12, v2;
	[tilespmem:s26+$0x170] =	vst v8;
	v2 =	vld.idx.msk [tilespmem:v9+s12+$0x0], $0xffff  }
0x35c: {  	v12 =	vadd.s32 $0x6, v17;
	v8 =	vadd.s32 $0xC, v17;
	v6 =	vadd.s32 $0x12, v17;
	v3 =	vld.idx.msk [tilespmem:v15+s12+$0x0], $0xffff;
	[tilespmem:s29+$0x640] =	vst v11  }
0x35d: {  	s31 =	simm.s32 $0x4;
	s30 =	simm.s32 $0x6800;
	s0 =	simm.s32 $0x1D70;
	v9 =	vadd.s32 $0x12, v18;
	v15 =	vadd.s32 $0x6, v18;
	v11 =	vadd.s32 $0xC, v18;
	[tilespmem:s29+$0x240] =	vst v19;
	v17 =	vld.idx.msk [tilespmem:v20+s12+$0x0], $0xffff  }
.LBB2_5:
0x35e: {  	v18 =	vld [tilespmem:s0+$0xFFFFFF90];
	s31 =	sadd.s32 $0x4, s31;
	[tilespmem:s29+$0x440] =	vst v14  }
0x35f: {  	v14 =	vld [tilespmem:s0+$0xFFFFF790];
	p0 =	slt.u32 s31, $0x1C;
	[tilespmem:s29+$0x40] =	vst v16;
	v16 =	vadd.s32 $0xC, v7  }
0x360: {  	v19 =	vld [tilespmem:s0+$0xFFFFFB90];
	[tilespmem:s26+$0x370] =	vst v4  }
0x361: {  	v4 =	vld [tilespmem:s0+$0xFFFFF390];
	[tilespmem:s26+$0x570] =	vst v2  }
0x362: {  	v2 =	vld.idx.msk [tilespmem:v15+s12+$0x0], $0xffff;
	[tilespmem:s26+$0x1F0] =	vst v3  }
0x363: {  	v3 =	vld.idx.msk [tilespmem:v13+s12+$0x0], $0xffff;
	[tilespmem:s29+$0x6C0] =	vst v17  }
0x364: {  	v13 =	vadd.s32 $0x6, v14;
	v15 =	vadd.s32 $0xC, v14;
	v17 =	vadd.s32 $0x12, v14;
	v16 =	vld.idx.msk [tilespmem:v16+s12+$0x0], $0xffff  }
0x365: {  	v20 =	vadd.s32 $0x6, v19;
	v21 =	vadd.s32 $0xC, v19;
	v22 =	vadd.s32 $0x12, v19;
	v12 =	vld.idx.msk [tilespmem:v12+s12+$0x0], $0xffff  }
0x366: {  	v7 =	vadd.s32 $0x12, v7;
	v23 =	vadd.s32 $0x6, v4;
	v24 =	vadd.s32 $0xC, v4;
	v25 =	vld.idx.msk [tilespmem:v18+s12+$0x0], $0xffff  }
0x367: {  	v26 =	vadd.s32 $0x12, v4;
	v14 =	vld.idx.msk [tilespmem:v14+s12+$0x0], $0xffff  }
0x368: {  	v27 =	vadd.s32 $0x6, v18;
	v19 =	vld.idx.msk [tilespmem:v19+s12+$0x0], $0xffff;
	[tilespmem:s29+$0xC0] =	vst v2  }
0x369: {  	v2 =	vld.idx.msk [tilespmem:v4+s12+$0x0], $0xffff;
	[tilespmem:s29+$0x2C0] =	vst v3  }
0x36a: {  	v3 =	vld.idx.msk [tilespmem:v11+s12+$0x0], $0xffff;
	[tilespmem:s29+$0x740] =	vst v16  }
0x36b: {  	s29 =	sadd.s32 $0x800, s29;
	[tilespmem:s30+$0x4C0] =	vst v12;
	v4 =	vld.idx.msk [tilespmem:v7+s12+$0x0], $0xffff  }
0x36c: {  	[tilespmem:s29+$0x600] =	vst v25;
	v7 =	vld.idx.msk [tilespmem:v10+s12+$0x0], $0xffff  }
0x36d: {  	[tilespmem:s29+$0x200] =	vst v14;
	v10 =	vld.idx.msk [tilespmem:v27+s12+$0x0], $0xffff  }
0x36e: {  	v11 =	vld.idx.msk [tilespmem:v13+s12+$0x0], $0xffff;
	[tilespmem:s29+$0x400] =	vst v19  }
0x36f: {  	v12 =	vadd.s32 $0xC, v18;
	[tilespmem:s29+$0x0] =	vst v2;
	v2 =	vld.idx.msk [tilespmem:v20+s12+$0x0], $0xffff  }
0x370: {  	v13 =	vld.idx.msk [tilespmem:v23+s12+$0x0], $0xffff;
	[tilespmem:s30+$0x140] =	vst v3  }
0x371: {  	v3 =	vld.idx.msk [tilespmem:v8+s12+$0x0], $0xffff;
	[tilespmem:s30+$0x7C0] =	vst v4  }
0x372: {  	[tilespmem:s30+$0x340] =	vst v7;
	v4 =	vld [tilespmem:s28+$0xFFFFFFE0]  }
0x373: {  	[tilespmem:s29+$0x680] =	vst v10;
	v7 =	vld.idx.msk [tilespmem:v9+s12+$0x0], $0xffff  }
0x374: {  	[tilespmem:s29+$0x280] =	vst v11;
	v8 =	vld.idx.msk [tilespmem:v12+s12+$0x0], $0xffff  }
0x375: {  	v9 =	vld.idx.msk [tilespmem:v15+s12+$0x0], $0xffff;
	[tilespmem:s29+$0x480] =	vst v2  }
0x376: {  	v10 =	vadd.s32 $0x12, v18;
	[tilespmem:s29+$0x80] =	vst v13;
	v2 =	vld.idx.msk [tilespmem:v21+s12+$0x0], $0xffff  }
0x377: {  	v11 =	vld.idx.msk [tilespmem:v24+s12+$0x0], $0xffff;
	[tilespmem:s30+$0x540] =	vst v3  }
0x378: {  	v3 =	vld.idx.msk [tilespmem:v5+s12+$0x0], $0xffff  }
0x379: {  	[tilespmem:s30+$0x1C0] =	vst v7;
	v5 =	vld.idx.msk [tilespmem:v6+s12+$0x0], $0xffff  }
0x37a: {  	[tilespmem:s29+$0x700] =	vst v8;
	v6 =	vld.idx.msk [tilespmem:v4+s12+$0x0], $0xffff  }
0x37b: {  	[tilespmem:s29+$0x300] =	vst v9;
	v7 =	vld.idx.msk [tilespmem:v10+s12+$0x0], $0xffff  }
0x37c: {  	v8 =	vld.idx.msk [tilespmem:v17+s12+$0x0], $0xffff;
	[tilespmem:s29+$0x500] =	vst v2;
	v2 =	vadd.s32 $0x6, v4  }
0x37d: {  	[tilespmem:s29+$0x100] =	vst v11;
	v9 =	vld.idx.msk [tilespmem:v22+s12+$0x0], $0xffff  }
0x37e: {  	v10 =	vld.idx.msk [tilespmem:v26+s12+$0x0], $0xffff;
	[tilespmem:s30+$0x3C0] =	vst v3  }
0x37f: {  	v3 =	vld [tilespmem:s28+$0xFFFFF3E0];
	[tilespmem:s30+$0x5C0] =	vst v5  }
0x380: {  	v5 =	vld [tilespmem:s28+$0xFFFFF7E0];
	[tilespmem:s30+$0x650] =	vst v6  }
0x381: {  	[tilespmem:s29+$0x780] =	vst v7;
	v2 =	vld.idx.msk [tilespmem:v2+s12+$0x0], $0xffff  }
0x382: {  	[tilespmem:s29+$0x380] =	vst v8;
	v6 =	vld [tilespmem:s0+$0xFFFFFFA0]  }
0x383: {  	v8 =	vadd.s32 $0xC, v4;
	v7 =	vld [tilespmem:s0+$0xFFFFF7A0];
	[tilespmem:s29+$0x580] =	vst v9  }
0x384: {  	[tilespmem:s29+$0x180] =	vst v10;
	v9 =	vld [tilespmem:s0+$0xFFFFFBA0];
	v10 =	vadd.s32 $0x6, v3;
	v11 =	vadd.s32 $0xC, v3;
	v12 =	vadd.s32 $0x12, v3  }
0x385: {  	v13 =	vld [tilespmem:s0+$0xFFFFF3A0];
	v14 =	vadd.s32 $0x6, v5;
	v15 =	vadd.s32 $0xC, v5;
	v16 =	vadd.s32 $0x12, v5  }
0x386: {  	v17 =	vld [tilespmem:s28+$0xFFFFFBE0]  }
0x387: {  	v3 =	vld.idx.msk [tilespmem:v3+s12+$0x0], $0xffff;
	[tilespmem:s30+$0x6D0] =	vst v2  }
0x388: {  	v2 =	vadd.s32 $0x6, v7;
	v18 =	vadd.s32 $0xC, v7;
	v19 =	vadd.s32 $0x12, v7;
	v8 =	vld.idx.msk [tilespmem:v8+s12+$0x0], $0xffff  }
0x389: {  	v20 =	vadd.s32 $0x6, v9;
	v21 =	vadd.s32 $0xC, v9;
	v22 =	vadd.s32 $0x12, v9;
	v5 =	vld.idx.msk [tilespmem:v5+s12+$0x0], $0xffff  }
0x38a: {  	v4 =	vadd.s32 $0x12, v4;
	v23 =	vadd.s32 $0x6, v13;
	v24 =	vadd.s32 $0xC, v13;
	v25 =	vld.idx.msk [tilespmem:v6+s12+$0x0], $0xffff  }
0x38b: {  	v26 =	vadd.s32 $0x12, v13;
	v7 =	vld.idx.msk [tilespmem:v7+s12+$0x0], $0xffff;
	v27 =	vadd.s32 $0x6, v17;
	v28 =	vadd.s32 $0xC, v17  }
0x38c: {  	v29 =	vadd.s32 $0x6, v6;
	v30 =	vadd.s32 $0x12, v17;
	v9 =	vld.idx.msk [tilespmem:v9+s12+$0x0], $0xffff  }
0x38d: {  	v13 =	vld.idx.msk [tilespmem:v13+s12+$0x0], $0xffff;
	[tilespmem:s30+$0x50] =	vst v3  }
0x38e: {  	v3 =	vld.idx.msk [tilespmem:v17+s12+$0x0], $0xffff;
	[tilespmem:s30+$0x750] =	vst v8  }
0x38f: {  	[tilespmem:s30+$0x250] =	vst v5;
	v4 =	vld.idx.msk [tilespmem:v4+s12+$0x0], $0xffff  }
0x390: {  	[tilespmem:s29+$0x610] =	vst v25;
	v5 =	vld.idx.msk [tilespmem:v10+s12+$0x0], $0xffff  }
0x391: {  	[tilespmem:s29+$0x210] =	vst v7;
	v7 =	vld.idx.msk [tilespmem:v29+s12+$0x0], $0xffff  }
0x392: {  	v2 =	vld.idx.msk [tilespmem:v2+s12+$0x0], $0xffff;
	[tilespmem:s29+$0x410] =	vst v9  }
0x393: {  	v9 =	vadd.s32 $0xC, v6;
	[tilespmem:s29+$0x10] =	vst v13;
	v8 =	vld.idx.msk [tilespmem:v20+s12+$0x0], $0xffff  }
0x394: {  	v10 =	vld.idx.msk [tilespmem:v23+s12+$0x0], $0xffff;
	[tilespmem:s30+$0x450] =	vst v3  }
0x395: {  	v3 =	vld.idx.msk [tilespmem:v14+s12+$0x0], $0xffff;
	[tilespmem:s30+$0x7D0] =	vst v4  }
0x396: {  	[tilespmem:s30+$0xD0] =	vst v5;
	v4 =	vld [tilespmem:s28+$0xFFFFFFF0]  }
0x397: {  	[tilespmem:s29+$0x690] =	vst v7;
	v5 =	vld.idx.msk [tilespmem:v27+s12+$0x0], $0xffff  }
0x398: {  	[tilespmem:s29+$0x290] =	vst v2;
	v2 =	vld.idx.msk [tilespmem:v9+s12+$0x0], $0xffff  }
0x399: {  	v7 =	vld.idx.msk [tilespmem:v18+s12+$0x0], $0xffff;
	[tilespmem:s29+$0x490] =	vst v8  }
0x39a: {  	v6 =	vadd.s32 $0x12, v6;
	[tilespmem:s29+$0x90] =	vst v10;
	v8 =	vld.idx.msk [tilespmem:v21+s12+$0x0], $0xffff  }
0x39b: {  	v9 =	vld.idx.msk [tilespmem:v24+s12+$0x0], $0xffff;
	[tilespmem:s30+$0x2D0] =	vst v3  }
0x39c: {  	v3 =	vld.idx.msk [tilespmem:v11+s12+$0x0], $0xffff  }
0x39d: {  	v10 =	vld.idx.msk [tilespmem:v15+s12+$0x0], $0xffff;
	[tilespmem:s30+$0x4D0] =	vst v5  }
0x39e: {  	[tilespmem:s29+$0x710] =	vst v2;
	v2 =	vld.idx.msk [tilespmem:v4+s12+$0x0], $0xffff  }
0x39f: {  	[tilespmem:s29+$0x310] =	vst v7;
	v5 =	vld.idx.msk [tilespmem:v6+s12+$0x0], $0xffff  }
0x3a0: {  	v7 =	vadd.s32 $0x6, v4;
	v6 =	vld.idx.msk [tilespmem:v19+s12+$0x0], $0xffff;
	[tilespmem:s29+$0x510] =	vst v8  }
0x3a1: {  	[tilespmem:s29+$0x110] =	vst v9;
	v8 =	vld.idx.msk [tilespmem:v22+s12+$0x0], $0xffff  }
0x3a2: {  	v9 =	vld.idx.msk [tilespmem:v26+s12+$0x0], $0xffff;
	[tilespmem:s30+$0x150] =	vst v3  }
0x3a3: {  	[tilespmem:s30+$0x350] =	vst v10;
	v3 =	vld.idx.msk [tilespmem:v28+s12+$0x0], $0xffff  }
0x3a4: {  	v10 =	vld.idx.msk [tilespmem:v12+s12+$0x0], $0xffff;
	[tilespmem:s30+$0x660] =	vst v2  }
0x3a5: {  	[tilespmem:s29+$0x790] =	vst v5;
	v2 =	vld.idx.msk [tilespmem:v7+s12+$0x0], $0xffff  }
0x3a6: {  	[tilespmem:s29+$0x390] =	vst v6;
	v5 =	vld [tilespmem:s0+$0xFFFFFFB0]  }
0x3a7: {  	v7 =	vadd.s32 $0xC, v4;
	v6 =	vld [tilespmem:s0+$0xFFFFF7B0];
	[tilespmem:s29+$0x590] =	vst v8  }
0x3a8: {  	[tilespmem:s29+$0x190] =	vst v9;
	v8 =	vld [tilespmem:s0+$0xFFFFFBB0]  }
0x3a9: {  	v9 =	vld [tilespmem:s0+$0xFFFFF3B0];
	[tilespmem:s30+$0x550] =	vst v3  }
0x3aa: {  	[tilespmem:s30+$0x1D0] =	vst v10;
	v3 =	vld.idx.msk [tilespmem:v16+s12+$0x0], $0xffff  }
0x3ab: {  	v10 =	vld.idx.msk [tilespmem:v30+s12+$0x0], $0xffff;
	[tilespmem:s30+$0x6E0] =	vst v2  }
0x3ac: {  	v2 =	vadd.s32 $0x6, v6;
	v11 =	vadd.s32 $0xC, v6;
	v12 =	vadd.s32 $0x12, v6;
	v7 =	vld.idx.msk [tilespmem:v7+s12+$0x0], $0xffff  }
0x3ad: {  	v13 =	vadd.s32 $0x6, v8;
	v14 =	vadd.s32 $0xC, v8;
	v15 =	vadd.s32 $0x12, v8;
	v16 =	vld [tilespmem:s28+$0xFFFFF3F0]  }
0x3ae: {  	v4 =	vadd.s32 $0x12, v4;
	v17 =	vadd.s32 $0x6, v9;
	v18 =	vadd.s32 $0xC, v9;
	v19 =	vld.idx.msk [tilespmem:v5+s12+$0x0], $0xffff  }
0x3af: {  	v20 =	vadd.s32 $0x12, v9;
	v6 =	vld.idx.msk [tilespmem:v6+s12+$0x0], $0xffff  }
0x3b0: {  	v21 =	vadd.s32 $0x6, v5;
	v8 =	vld.idx.msk [tilespmem:v8+s12+$0x0], $0xffff;
	[tilespmem:s30+$0x3D0] =	vst v3  }
0x3b1: {  	v3 =	vld.idx.msk [tilespmem:v9+s12+$0x0], $0xffff;
	[tilespmem:s30+$0x5D0] =	vst v10  }
0x3b2: {  	v9 =	vadd.s32 $0x6, v16;
	v10 =	vadd.s32 $0xC, v16;
	v22 =	vadd.s32 $0x12, v16;
	v23 =	vld [tilespmem:s28+$0xFFFFF7F0];
	[tilespmem:s30+$0x760] =	vst v7  }
0x3b3: {  	v4 =	vld.idx.msk [tilespmem:v4+s12+$0x0], $0xffff  }
0x3b4: {  	[tilespmem:s29+$0x620] =	vst v19;
	v7 =	vld [tilespmem:s28+$0xFFFFFBF0]  }
0x3b5: {  	[tilespmem:s29+$0x220] =	vst v6;
	v6 =	vld.idx.msk [tilespmem:v21+s12+$0x0], $0xffff  }
0x3b6: {  	v2 =	vld.idx.msk [tilespmem:v2+s12+$0x0], $0xffff;
	[tilespmem:s29+$0x420] =	vst v8  }
0x3b7: {  	v8 =	vadd.s32 $0xC, v5;
	[tilespmem:s29+$0x20] =	vst v3;
	v3 =	vld.idx.msk [tilespmem:v13+s12+$0x0], $0xffff;
	v13 =	vadd.s32 $0x6, v23;
	v19 =	vadd.s32 $0xC, v23  }
0x3b8: {  	v21 =	vadd.s32 $0x12, v23;
	v17 =	vld.idx.msk [tilespmem:v17+s12+$0x0], $0xffff  }
0x3b9: {  	v16 =	vld.idx.msk [tilespmem:v16+s12+$0x0], $0xffff;
	v24 =	vadd.s32 $0x6, v7;
	v25 =	vadd.s32 $0xC, v7;
	v26 =	vadd.s32 $0x12, v7;
	[tilespmem:s30+$0x7E0] =	vst v4  }
0x3ba: {  	v4 =	vld [tilespmem:s28+$0x0]  }
0x3bb: {  	[tilespmem:s29+$0x6A0] =	vst v6;
	v6 =	vld.idx.msk [tilespmem:v23+s12+$0x0], $0xffff  }
0x3bc: {  	[tilespmem:s29+$0x2A0] =	vst v2;
	v2 =	vld.idx.msk [tilespmem:v8+s12+$0x0], $0xffff  }
0x3bd: {  	v8 =	vld.idx.msk [tilespmem:v11+s12+$0x0], $0xffff;
	[tilespmem:s29+$0x4A0] =	vst v3  }
0x3be: {  	v5 =	vadd.s32 $0x12, v5;
	[tilespmem:s29+$0xA0] =	vst v17;
	v3 =	vld.idx.msk [tilespmem:v14+s12+$0x0], $0xffff  }
0x3bf: {  	v11 =	vld.idx.msk [tilespmem:v18+s12+$0x0], $0xffff;
	[tilespmem:s30+$0x60] =	vst v16  }
0x3c0: {  	v7 =	vld.idx.msk [tilespmem:v7+s12+$0x0], $0xffff  }
0x3c1: {  	v9 =	vld.idx.msk [tilespmem:v9+s12+$0x0], $0xffff;
	[tilespmem:s30+$0x260] =	vst v6  }
0x3c2: {  	[tilespmem:s29+$0x720] =	vst v2;
	v2 =	vld.idx.msk [tilespmem:v4+s12+$0x0], $0xffff  }
0x3c3: {  	[tilespmem:s29+$0x320] =	vst v8;
	v5 =	vld.idx.msk [tilespmem:v5+s12+$0x0], $0xffff  }
0x3c4: {  	v6 =	vld.idx.msk [tilespmem:v12+s12+$0x0], $0xffff;
	[tilespmem:s29+$0x520] =	vst v3;
	v3 =	vadd.s32 $0x6, v4  }
0x3c5: {  	[tilespmem:s29+$0x120] =	vst v11;
	v8 =	vld.idx.msk [tilespmem:v15+s12+$0x0], $0xffff  }
0x3c6: {  	v11 =	vld.idx.msk [tilespmem:v20+s12+$0x0], $0xffff;
	[tilespmem:s30+$0x460] =	vst v7  }
0x3c7: {  	[tilespmem:s30+$0xE0] =	vst v9;
	v7 =	vld.idx.msk [tilespmem:v13+s12+$0x0], $0xffff  }
0x3c8: {  	v9 =	vld.idx.msk [tilespmem:v24+s12+$0x0], $0xffff;
	[tilespmem:s30+$0x670] =	vst v2  }
0x3c9: {  	[tilespmem:s29+$0x7A0] =	vst v5;
	v2 =	vld.idx.msk [tilespmem:v3+s12+$0x0], $0xffff  }
0x3ca: {  	[tilespmem:s29+$0x3A0] =	vst v6;
	v3 =	vld [tilespmem:s0+$0xFFFFFFC0]  }
0x3cb: {  	v6 =	vadd.s32 $0xC, v4;
	v5 =	vld [tilespmem:s0+$0xFFFFF7C0];
	[tilespmem:s29+$0x5A0] =	vst v8  }
0x3cc: {  	[tilespmem:s29+$0x1A0] =	vst v11;
	v8 =	vld [tilespmem:s0+$0xFFFFFBC0]  }
0x3cd: {  	v11 =	vld [tilespmem:s0+$0xFFFFF3C0];
	[tilespmem:s30+$0x2E0] =	vst v7  }
0x3ce: {  	v7 =	vld.idx.msk [tilespmem:v10+s12+$0x0], $0xffff;
	[tilespmem:s30+$0x4E0] =	vst v9  }
0x3cf: {  	v9 =	vld.idx.msk [tilespmem:v19+s12+$0x0], $0xffff;
	[tilespmem:s30+$0x6F0] =	vst v2  }
0x3d0: {  	v2 =	vadd.s32 $0x6, v5;
	v10 =	vadd.s32 $0xC, v5;
	v12 =	vadd.s32 $0x12, v5;
	v6 =	vld.idx.msk [tilespmem:v6+s12+$0x0], $0xffff  }
0x3d1: {  	v13 =	vadd.s32 $0x6, v8;
	v14 =	vadd.s32 $0xC, v8;
	v15 =	vadd.s32 $0x12, v8;
	v16 =	vld.idx.msk [tilespmem:v25+s12+$0x0], $0xffff  }
0x3d2: {  	v4 =	vadd.s32 $0x12, v4;
	v17 =	vadd.s32 $0x6, v11;
	v18 =	vadd.s32 $0xC, v11;
	v19 =	vld.idx.msk [tilespmem:v3+s12+$0x0], $0xffff  }
0x3d3: {  	v20 =	vadd.s32 $0x12, v11;
	v5 =	vld.idx.msk [tilespmem:v5+s12+$0x0], $0xffff  }
0x3d4: {  	v23 =	vadd.s32 $0x6, v3;
	v8 =	vld.idx.msk [tilespmem:v8+s12+$0x0], $0xffff;
	[tilespmem:s30+$0x160] =	vst v7  }
0x3d5: {  	v7 =	vld.idx.msk [tilespmem:v11+s12+$0x0], $0xffff;
	[tilespmem:s30+$0x360] =	vst v9  }
0x3d6: {  	v9 =	vld.idx.msk [tilespmem:v22+s12+$0x0], $0xffff;
	[tilespmem:s30+$0x770] =	vst v6  }
0x3d7: {  	[tilespmem:s30+$0x560] =	vst v16;
	v4 =	vld.idx.msk [tilespmem:v4+s12+$0x0], $0xffff  }
0x3d8: {  	[tilespmem:s29+$0x630] =	vst v19;
	v6 =	vld.idx.msk [tilespmem:v21+s12+$0x0], $0xffff  }
0x3d9: {  	[tilespmem:s29+$0x230] =	vst v5;
	v5 =	vld.idx.msk [tilespmem:v23+s12+$0x0], $0xffff  }
0x3da: {  	v2 =	vld.idx.msk [tilespmem:v2+s12+$0x0], $0xffff;
	[tilespmem:s29+$0x430] =	vst v8  }
0x3db: {  	v8 =	vadd.s32 $0xC, v3;
	[tilespmem:s29+$0x30] =	vst v7;
	v7 =	vld.idx.msk [tilespmem:v13+s12+$0x0], $0xffff  }
0x3dc: {  	v11 =	vld.idx.msk [tilespmem:v17+s12+$0x0], $0xffff;
	[tilespmem:s30+$0x1E0] =	vst v9  }
0x3dd: {  	v9 =	vld.idx.msk [tilespmem:v26+s12+$0x0], $0xffff;
	[tilespmem:s30+$0x7F0] =	vst v4  }
0x3de: {  	v4 =	vld [tilespmem:s28+$0xFFFFF400];
	[tilespmem:s30+$0x3E0] =	vst v6  }
0x3df: {  	[tilespmem:s29+$0x6B0] =	vst v5;
	v5 =	vld [tilespmem:s28+$0xFFFFF800]  }
0x3e0: {  	[tilespmem:s29+$0x2B0] =	vst v2;
	v2 =	vld.idx.msk [tilespmem:v8+s12+$0x0], $0xffff  }
0x3e1: {  	v6 =	vld.idx.msk [tilespmem:v10+s12+$0x0], $0xffff;
	[tilespmem:s29+$0x4B0] =	vst v7  }
0x3e2: {  	v3 =	vadd.s32 $0x12, v3;
	[tilespmem:s29+$0xB0] =	vst v11;
	v7 =	vld.idx.msk [tilespmem:v14+s12+$0x0], $0xffff  }
0x3e3: {  	v8 =	vld.idx.msk [tilespmem:v18+s12+$0x0], $0xffff;
	v10 =	vadd.s32 $0x6, v4;
	v11 =	vadd.s32 $0xC, v4;
	v17 =	vadd.s32 $0x12, v4;
	[tilespmem:s30+$0x5E0] =	vst v9  }
0x3e4: {  	v9 =	vadd.s32 $0x6, v5;
	v18 =	vadd.s32 $0xC, v5;
	v13 =	vadd.s32 $0x12, v5;
	v14 =	vld [tilespmem:s28+$0xFFFFFC00];
	s28 =	smov.u32 s0  }
0x3e5: {  	v16 =	vld.idx.msk [tilespmem:v0+s12+$0x0], $0xffff;
	v0 =	vmov v13  }
0x3e6: {  	[tilespmem:s29+$0x730] =	vst v2;
	v2 =	vld.idx.msk [tilespmem:v4+s12+$0x0], $0xffff  }
0x3e7: {  	[tilespmem:s29+$0x330] =	vst v6;
	v3 =	vld.idx.msk [tilespmem:v3+s12+$0x0], $0xffff  }
0x3e8: {  	v4 =	vld.idx.msk [tilespmem:v12+s12+$0x0], $0xffff;
	[tilespmem:s29+$0x530] =	vst v7  }
0x3e9: {  	[tilespmem:s29+$0x130] =	vst v8;
	v6 =	vld.idx.msk [tilespmem:v15+s12+$0x0], $0xffff;
	v8 =	vadd.s32 $0x6, v14;
	v19 =	vadd.s32 $0xC, v14;
	v15 =	vadd.s32 $0x12, v14  }
0x3ea: {  	v12 =	vld.idx.msk [tilespmem:v20+s12+$0x0], $0xffff  }
0x3eb: {  	v5 =	vld.idx.msk [tilespmem:v5+s12+$0x0], $0xffff;
	[tilespmem:s26+$0x3F0] =	vst v16  }
0x3ec: {  	[tilespmem:s30+$0x70] =	vst v2;
	v2 =	vld.idx.msk [tilespmem:v14+s12+$0x0], $0xffff  }
0x3ed: {  	[tilespmem:s29+$0x7B0] =	vst v3;
	v3 =	vld.idx.msk [tilespmem:v10+s12+$0x0], $0xffff  }
0x3ee: {  	[tilespmem:s29+$0x3B0] =	vst v4;
	v7 =	vld [tilespmem:s0+$0xFFFFFFD0]  }
0x3ef: {  	v4 =	vld [tilespmem:s0+$0xFFFFF7D0];
	[tilespmem:s29+$0x5B0] =	vst v6  }
0x3f0: {  	[tilespmem:s29+$0x1B0] =	vst v12;
	v14 =	vld [tilespmem:s0+$0xFFFFFBD0]  }
0x3f1: {  	v16 =	vld [tilespmem:s0+$0xFFFFF3D0];
	[tilespmem:s30+$0x270] =	vst v5  }
0x3f2: {  	v20 =	vld.idx.msk [tilespmem:v9+s12+$0x0], $0xffff;
	[tilespmem:s30+$0x470] =	vst v2  }
0x3f3: {  	[tilespmem:s30+$0xF0] =	vst v3;
	v2 =	vld.idx.msk [tilespmem:v8+s12+$0x0], $0xffff  }
0x3f4: {  	v13 =	vadd.s32 $0x6, v4;
	v10 =	vadd.s32 $0xC, v4;
	v5 =	vadd.s32 $0x12, v4;
	v3 =	vld.idx.msk [tilespmem:v11+s12+$0x0], $0xffff  }
0x3f5: {  	v12 =	vadd.s32 $0x6, v14;
	v8 =	vadd.s32 $0xC, v14;
	v6 =	vadd.s32 $0x12, v14;
	v21 =	vld.idx.msk [tilespmem:v1+s12+$0x0], $0xffff;
	v1 =	vmovc v15  }
0x3f6: {  	v15 =	vadd.s32 $0x6, v16;
	v11 =	vadd.s32 $0xC, v16;
	v9 =	vadd.s32 $0x12, v16;
	v22 =	vld.idx.msk [tilespmem:v7+s12+$0x0], $0xffff  }
0x3f7: {  	v23 =	vld.idx.msk [tilespmem:v4+s12+$0x0], $0xffff  }
0x3f8: {  	v24 =	vadd.s32 $0x6, v7;
	v14 =	vld.idx.msk [tilespmem:v14+s12+$0x0], $0xffff;
	[tilespmem:s30+$0x2F0] =	vst v20  }
.Ltmp1:
0x3f9: {  	v16 =	vld.idx.msk [tilespmem:v16+s12+$0x0], $0xffff;
	[tilespmem:s30+$0x4F0] =	vst v2;
	(pc) =	sbr.rel @p0 .LBB2_5-.Ltmp1, $4  }
0x3fa: {  	[tilespmem:s30+$0x170] =	vst v3;
	v4 =	vld.idx.msk [tilespmem:v18+s12+$0x0], $0xffff  }
0x3fb: {  	v2 =	vld.idx.msk [tilespmem:v19+s12+$0x0], $0xffff;
	[tilespmem:s26+$0x5F0] =	vst v21;
	s26 =	smov.u32 s30;
	s30 =	smov.u32 s29  }
0x3fc: {  	[tilespmem:s29+$0x640] =	vst v22;
	v3 =	vld.idx.msk [tilespmem:v17+s12+$0x0], $0xffff  }
0x3fd: {  	s0 =	sadd.s32 $0x80, s0;
	[tilespmem:s29+$0x240] =	vst v23;
	v17 =	vld.idx.msk [tilespmem:v24+s12+$0x0], $0xffff  }
0x3fe: {  	_ =	sdelay $0x3  }
0x3ff: {  	v18 =	vadd.s32 $0xC, v7;
	[tilespmem:s29+$0x40] =	vst v16;
	v13 =	vld.idx.msk [tilespmem:v13+s12+$0x0], $0xffff  }
0x400: {  	[tilespmem:s29+$0x440] =	vst v14;
	v15 =	vld.idx.msk [tilespmem:v15+s12+$0x0], $0xffff  }
0x401: {  	v12 =	vld.idx.msk [tilespmem:v12+s12+$0x0], $0xffff;
	_ =	sdelay $0x1  }
0x402: {  	[tilespmem:s29+$0x6C0] =	vst v17  }
0x403: {  	v52 =	vld.idx.msk [tilespmem:v18+s12+$0x0], $0xffff;
	[tilespmem:s29+$0x2C0] =	vst v13  }
0x404: {  	v53 =	vadd.s32 $0x12, v7;
	[tilespmem:s29+$0xC0] =	vst v15;
	v10 =	vld.idx.msk [tilespmem:v10+s12+$0x0], $0xffff  }
0x405: {  	[tilespmem:s30+$0x4C0] =	vst v12;
	v11 =	vld.idx.msk [tilespmem:v11+s12+$0x0], $0xffff  }
0x406: {  	v8 =	vld.idx.msk [tilespmem:v8+s12+$0x0], $0xffff;
	_ =	sdelay $0x1  }
0x407: {  	[tilespmem:s29+$0x740] =	vst v52  }
0x408: {  	v7 =	vld.idx.msk [tilespmem:v53+s12+$0x0], $0xffff;
	[tilespmem:s30+$0x340] =	vst v10  }
0x409: {  	[tilespmem:s30+$0x140] =	vst v11;
	v5 =	vld.idx.msk [tilespmem:v5+s12+$0x0], $0xffff  }
0x40a: {  	[tilespmem:s30+$0x540] =	vst v8;
	v9 =	vld.idx.msk [tilespmem:v9+s12+$0x0], $0xffff  }
0x40b: {  	v6 =	vld.idx.msk [tilespmem:v6+s12+$0x0], $0xffff;
	_ =	sdelay $0x1  }
0x40c: {  	[tilespmem:s30+$0x7C0] =	vst v7  }
0x40d: {  	v7 =	vld [tilespmem:s28+$0xFFFFFFE0];
	[tilespmem:s30+$0x3C0] =	vst v5  }
0x40e: {  	[tilespmem:s30+$0x1C0] =	vst v9;
	v55 =	vld [tilespmem:s28+$0xFFFFF7E0]  }
0x40f: {  	[tilespmem:s30+$0x5C0] =	vst v6;
	v54 =	vld [tilespmem:s28+$0xFFFFF3E0]  }
0x410: {  	v8 =	vld [tilespmem:s28+$0xFFFFFBE0];
	_ =	sdelay $0x4  }
0x411: {  	v56 =	vld.idx.msk [tilespmem:v7+s12+$0x0], $0xffff  }
0x412: {  	v57 =	vadd.s32 $0x6, v7;
	v13 =	vld.idx.msk [tilespmem:v55+s12+$0x0], $0xffff  }
0x413: {  	v59 =	vadd.s32 $0x6, v55;
	v11 =	vld.idx.msk [tilespmem:v54+s12+$0x0], $0xffff  }
0x414: {  	v58 =	vadd.s32 $0x6, v54;
	v60 =	vld.idx.msk [tilespmem:v8+s12+$0x0], $0xffff  }
0x415: {  	v61 =	vadd.s32 $0x6, v8  }
0x416: {  	[tilespmem:s30+$0x650] =	vst v56  }
0x417: {  	v10 =	vld.idx.msk [tilespmem:v57+s12+$0x0], $0xffff;
	[tilespmem:s30+$0x250] =	vst v13  }
0x418: {  	v62 =	vadd.s32 $0xC, v7;
	[tilespmem:s30+$0x50] =	vst v11;
	v9 =	vld.idx.msk [tilespmem:v59+s12+$0x0], $0xffff  }
0x419: {  	v18 =	vadd.s32 $0xC, v55;
	[tilespmem:s30+$0x450] =	vst v60;
	v11 =	vld.idx.msk [tilespmem:v58+s12+$0x0], $0xffff  }
0x41a: {  	v63 =	vadd.s32 $0xC, v54;
	v19 =	vld.idx.msk [tilespmem:v61+s12+$0x0], $0xffff  }
0x41b: {  	v21 =	vadd.s32 $0xC, v8  }
0x41c: {  	[tilespmem:s30+$0x6D0] =	vst v10  }
0x41d: {  	v20 =	vld.idx.msk [tilespmem:v62+s12+$0x0], $0xffff;
	[tilespmem:s30+$0x2D0] =	vst v9  }
0x41e: {  	v7 =	vadd.s32 $0x12, v7;
	[tilespmem:s30+$0xD0] =	vst v11;
	v23 =	vld.idx.msk [tilespmem:v18+s12+$0x0], $0xffff  }
0x41f: {  	v6 =	vadd.s32 $0x12, v55;
	[tilespmem:s30+$0x4D0] =	vst v19;
	v22 =	vld.idx.msk [tilespmem:v63+s12+$0x0], $0xffff  }
0x420: {  	v5 =	vadd.s32 $0x12, v54;
	v10 =	vld.idx.msk [tilespmem:v21+s12+$0x0], $0xffff  }
0x421: {  	v8 =	vadd.s32 $0x12, v8  }
0x422: {  	[tilespmem:s30+$0x750] =	vst v20  }
0x423: {  	v7 =	vld.idx.msk [tilespmem:v7+s12+$0x0], $0xffff;
	[tilespmem:s30+$0x350] =	vst v23  }
0x424: {  	[tilespmem:s30+$0x150] =	vst v22;
	v6 =	vld.idx.msk [tilespmem:v6+s12+$0x0], $0xffff  }
0x425: {  	[tilespmem:s30+$0x550] =	vst v10;
	v5 =	vld.idx.msk [tilespmem:v5+s12+$0x0], $0xffff  }
0x426: {  	v24 =	vld.idx.msk [tilespmem:v8+s12+$0x0], $0xffff;
	_ =	sdelay $0x1  }
0x427: {  	[tilespmem:s30+$0x7D0] =	vst v7  }
0x428: {  	v25 =	vld [tilespmem:s28+$0xFFFFFFF0];
	[tilespmem:s30+$0x3D0] =	vst v6  }
0x429: {  	[tilespmem:s30+$0x1D0] =	vst v5;
	v6 =	vld [tilespmem:s28+$0xFFFFF7F0]  }
0x42a: {  	[tilespmem:s30+$0x5D0] =	vst v24;
	v5 =	vld [tilespmem:s28+$0xFFFFF3F0]  }
0x42b: {  	v7 =	vld [tilespmem:s28+$0xFFFFFBF0];
	_ =	sdelay $0x4  }
0x42c: {  	v26 =	vld.idx.msk [tilespmem:v25+s12+$0x0], $0xffff  }
0x42d: {  	v27 =	vadd.s32 $0x6, v25;
	v30 =	vld.idx.msk [tilespmem:v6+s12+$0x0], $0xffff  }
0x42e: {  	v31 =	vadd.s32 $0x6, v6;
	v28 =	vld.idx.msk [tilespmem:v5+s12+$0x0], $0xffff  }
0x42f: {  	v29 =	vadd.s32 $0x6, v5;
	v32 =	vld.idx.msk [tilespmem:v7+s12+$0x0], $0xffff  }
0x430: {  	v33 =	vadd.s32 $0x6, v7  }
0x431: {  	[tilespmem:s30+$0x660] =	vst v26  }
0x432: {  	v10 =	vld.idx.msk [tilespmem:v27+s12+$0x0], $0xffff;
	[tilespmem:s30+$0x260] =	vst v30  }
0x433: {  	v34 =	vadd.s32 $0xC, v25;
	[tilespmem:s30+$0x60] =	vst v28;
	v9 =	vld.idx.msk [tilespmem:v31+s12+$0x0], $0xffff  }
0x434: {  	v36 =	vadd.s32 $0xC, v6;
	[tilespmem:s30+$0x460] =	vst v32;
	v11 =	vld.idx.msk [tilespmem:v29+s12+$0x0], $0xffff  }
0x435: {  	v35 =	vadd.s32 $0xC, v5;
	v37 =	vld.idx.msk [tilespmem:v33+s12+$0x0], $0xffff  }
0x436: {  	v39 =	vadd.s32 $0xC, v7  }
0x437: {  	[tilespmem:s30+$0x6E0] =	vst v10  }
0x438: {  	v38 =	vld.idx.msk [tilespmem:v34+s12+$0x0], $0xffff;
	[tilespmem:s30+$0x2E0] =	vst v9  }
0x439: {  	v8 =	vadd.s32 $0x12, v25;
	[tilespmem:s30+$0xE0] =	vst v11;
	v10 =	vld.idx.msk [tilespmem:v36+s12+$0x0], $0xffff  }
0x43a: {  	v6 =	vadd.s32 $0x12, v6;
	[tilespmem:s30+$0x4E0] =	vst v37;
	v40 =	vld.idx.msk [tilespmem:v35+s12+$0x0], $0xffff  }
0x43b: {  	v5 =	vadd.s32 $0x12, v5;
	v41 =	vld.idx.msk [tilespmem:v39+s12+$0x0], $0xffff  }
0x43c: {  	v7 =	vadd.s32 $0x12, v7  }
0x43d: {  	[tilespmem:s30+$0x760] =	vst v38  }
0x43e: {  	v8 =	vld.idx.msk [tilespmem:v8+s12+$0x0], $0xffff;
	[tilespmem:s30+$0x360] =	vst v10  }
0x43f: {  	[tilespmem:s30+$0x160] =	vst v40;
	v6 =	vld.idx.msk [tilespmem:v6+s12+$0x0], $0xffff  }
0x440: {  	[tilespmem:s30+$0x560] =	vst v41;
	v5 =	vld.idx.msk [tilespmem:v5+s12+$0x0], $0xffff  }
0x441: {  	v7 =	vld.idx.msk [tilespmem:v7+s12+$0x0], $0xffff;
	_ =	sdelay $0x1  }
0x442: {  	[tilespmem:s30+$0x7E0] =	vst v8  }
0x443: {  	v8 =	vld [tilespmem:s28+$0x0];
	[tilespmem:s30+$0x3E0] =	vst v6  }
0x444: {  	[tilespmem:s30+$0x1E0] =	vst v5;
	v6 =	vld [tilespmem:s28+$0xFFFFF800]  }
0x445: {  	[tilespmem:s30+$0x5E0] =	vst v7;
	v5 =	vld [tilespmem:s28+$0xFFFFF400]  }
0x446: {  	v7 =	vld [tilespmem:s28+$0xFFFFFC00];
	_ =	sdelay $0x4  }
0x447: {  	v42 =	vld.idx.msk [tilespmem:v8+s12+$0x0], $0xffff  }
0x448: {  	v43 =	vadd.s32 $0x6, v8;
	v46 =	vld.idx.msk [tilespmem:v6+s12+$0x0], $0xffff  }
0x449: {  	v47 =	vadd.s32 $0x6, v6;
	v44 =	vld.idx.msk [tilespmem:v5+s12+$0x0], $0xffff  }
0x44a: {  	v45 =	vadd.s32 $0x6, v5;
	v48 =	vld.idx.msk [tilespmem:v7+s12+$0x0], $0xffff  }
0x44b: {  	v49 =	vadd.s32 $0x6, v7  }
0x44c: {  	[tilespmem:s30+$0x670] =	vst v42  }
0x44d: {  	v10 =	vld.idx.msk [tilespmem:v43+s12+$0x0], $0xffff;
	[tilespmem:s30+$0x270] =	vst v46  }
0x44e: {  	v50 =	vadd.s32 $0xC, v8;
	[tilespmem:s30+$0x70] =	vst v44;
	v9 =	vld.idx.msk [tilespmem:v47+s12+$0x0], $0xffff  }
0x44f: {  	v52 =	vadd.s32 $0xC, v6;
	[tilespmem:s30+$0x470] =	vst v48;
	v11 =	vld.idx.msk [tilespmem:v45+s12+$0x0], $0xffff  }
0x450: {  	v51 =	vadd.s32 $0xC, v5;
	v53 =	vld.idx.msk [tilespmem:v49+s12+$0x0], $0xffff  }
0x451: {  	[tilespmem:s26+$0x370] =	vst v4;
	v55 =	vadd.s32 $0xC, v7  }
0x452: {  	[tilespmem:s30+$0x6F0] =	vst v10  }
0x453: {  	v54 =	vld.idx.msk [tilespmem:v50+s12+$0x0], $0xffff;
	[tilespmem:s30+$0x2F0] =	vst v9  }
0x454: {  	v56 =	vadd.s32 $0x12, v8;
	[tilespmem:s30+$0xF0] =	vst v11;
	v9 =	vld.idx.msk [tilespmem:v52+s12+$0x0], $0xffff  }
0x455: {  	v6 =	vadd.s32 $0x12, v6;
	[tilespmem:s30+$0x4F0] =	vst v53;
	v57 =	vld.idx.msk [tilespmem:v51+s12+$0x0], $0xffff  }
0x456: {  	[tilespmem:s26+$0x570] =	vst v2;
	v5 =	vadd.s32 $0x12, v5;
	v58 =	vld.idx.msk [tilespmem:v55+s12+$0x0], $0xffff  }
0x457: {  	v0 =	vld.idx.msk [tilespmem:v0+s12+$0x0], $0xffff;
	[tilespmem:s26+$0x1F0] =	vst v3;
	v60 =	vadd.s32 $0x12, v7  }
0x458: {  	v1 =	vld.idx.msk [tilespmem:v1+s12+$0x0], $0xffff;
	[tilespmem:s30+$0x770] =	vst v54  }
0x459: {  	v59 =	vld.idx.msk [tilespmem:v56+s12+$0x0], $0xffff;
	[tilespmem:s30+$0x370] =	vst v9  }
0x45a: {  	[tilespmem:s30+$0x170] =	vst v57;
	v62 =	vld.idx.msk [tilespmem:v6+s12+$0x0], $0xffff  }
0x45b: {  	[tilespmem:s30+$0x570] =	vst v58;
	v61 =	vld.idx.msk [tilespmem:v5+s12+$0x0], $0xffff  }
0x45c: {  	s24 =	sadd.s32 $0x1, s24;
	[tilespmem:s26+$0x3F0] =	vst v0;
	v63 =	vld.idx.msk [tilespmem:v60+s12+$0x0], $0xffff  }
0x45d: {  	p0 =	sne.s32 s24, $0xC;
	[tilespmem:s26+$0x5F0] =	vst v1  }
.Ltmp2:
0x45e: {  	s0 =	sshll.u32 s25, $0x13;
	[tilespmem:s30+$0x7F0] =	vst v59;
	(pc) =	sbr.rel @p0 .LBB2_2-.Ltmp2, $4  }
0x45f: {  	s0 =	sor.u32 s9, s0;
	[tilespmem:s30+$0x3F0] =	vst v62  }
0x460: {  	s0 =	sshrl.u32 s0, $0x3;
	[tilespmem:s30+$0x1F0] =	vst v61  }
0x461: {  	s0 =	sadd.s32 s2, s0;
	[tilespmem:s30+$0x5F0] =	vst v63  }
0x462: {  	[hbm4b:s0+s16] =	stream.strided.scatter [tilespmem:s20], [sflag:$0x4], $0x4000, s17, s16, $0x38;
	[tilespmem:$0xA080] =	vst v63  }
0x463: {  	_ =	swait.ge [sflag:s15], $0x1000  }
0x464: {  	[sflag:s15] =	ssyncset.done $0x0  }
0x465: {  	[sflag:s15] =	ssyncadd.s32 $0xFFFFF000  }
0x466: {  	_ =	swait.ge [sflag:s21], $0x4000  }
0x467: {  	[sflag:s21] =	ssyncset.done $0x0  }
0x468: {  	s0 =	simm.s32 $0x800;
	[sflag:s21] =	ssyncadd.s32 $0xFFFFC000  }
0x469: {  	v0 =	vld [tilespmem:s0+$0x400];
	_ =	sdelay $0x2  }
0x46a: {  	v1 =	vld [tilespmem:s0+$0xFFFFFC00]  }
0x46b: {  	v3 =	vld [tilespmem:s0+$0xFFFFF800]  }
0x46c: {  	v2 =	vld [tilespmem:s0+$0x0];
	_ =	sdelay $0x2  }
0x46d: {  	v4 =	vld.idx.msk [tilespmem:v0+s12+$0x0], $0xffff  }
0x46e: {  	v5 =	vadd.s32 $0x6, v0;
	_ =	sdelay $0x1  }
0x46f: {  	v6 =	vld.idx.msk [tilespmem:v1+s12+$0x0], $0xffff  }
0x470: {  	s24 =	simm.s32 $0x2400;
	v7 =	vadd.s32 $0x6, v1;
	v10 =	vld.idx.msk [tilespmem:v3+s12+$0x0], $0xffff  }
0x471: {  	v8 =	vld.idx.msk [tilespmem:v2+s12+$0x0], $0xffff;
	[tilespmem:s24+$0x200] =	vst v4;
	v4 =	vadd.s32 $0x6, v3  }
0x472: {  	v9 =	vadd.s32 $0x6, v2;
	v5 =	vld.idx.msk [tilespmem:v5+s12+$0x0], $0xffff  }
0x473: {  	v11 =	vadd.s32 $0xC, v0  }
0x474: {  	[tilespmem:s24+$0xFFFFFE00] =	vst v6  }
0x475: {  	[tilespmem:s24+$0xFFFFFC00] =	vst v10;
	v6 =	vld.idx.msk [tilespmem:v7+s12+$0x0], $0xffff  }
0x476: {  	[tilespmem:s24+$0x0] =	vst v8;
	v7 =	vadd.s32 $0xC, v1;
	v4 =	vld.idx.msk [tilespmem:v4+s12+$0x0], $0xffff  }
0x477: {  	v8 =	vld.idx.msk [tilespmem:v9+s12+$0x0], $0xffff;
	[tilespmem:s24+$0x280] =	vst v5;
	v5 =	vadd.s32 $0xC, v3  }
0x478: {  	v9 =	vadd.s32 $0xC, v2;
	v10 =	vld.idx.msk [tilespmem:v11+s12+$0x0], $0xffff  }
0x479: {  	v0 =	vadd.s32 $0x12, v0  }
0x47a: {  	[tilespmem:s24+$0xFFFFFE80] =	vst v6  }
0x47b: {  	v6 =	vld.idx.msk [tilespmem:v7+s12+$0x0], $0xffff;
	[tilespmem:s24+$0xFFFFFC80] =	vst v4  }
0x47c: {  	v1 =	vadd.s32 $0x12, v1;
	[tilespmem:s24+$0x80] =	vst v8;
	v5 =	vld.idx.msk [tilespmem:v5+s12+$0x0], $0xffff  }
0x47d: {  	v3 =	vadd.s32 $0x12, v3;
	v4 =	vld.idx.msk [tilespmem:v9+s12+$0x0], $0xffff;
	[tilespmem:s24+$0x300] =	vst v10  }
0x47e: {  	v2 =	vadd.s32 $0x12, v2;
	v0 =	vld.idx.msk [tilespmem:v0+s12+$0x0], $0xffff;
	_ =	sdelay $0x1  }
0x47f: {  	[tilespmem:s24+$0xFFFFFF00] =	vst v6  }
0x480: {  	v1 =	vld.idx.msk [tilespmem:v1+s12+$0x0], $0xffff;
	[tilespmem:s24+$0xFFFFFD00] =	vst v5  }
0x481: {  	[tilespmem:s24+$0x100] =	vst v4;
	v3 =	vld.idx.msk [tilespmem:v3+s12+$0x0], $0xffff  }
0x482: {  	v2 =	vld.idx.msk [tilespmem:v2+s12+$0x0], $0xffff;
	[tilespmem:s24+$0x380] =	vst v0  }
0x483: {  	v0 =	vld [tilespmem:s0+$0x410];
	_ =	sdelay $0x1  }
0x484: {  	[tilespmem:s24+$0xFFFFFF80] =	vst v1  }
0x485: {  	v1 =	vld [tilespmem:s0+$0xFFFFFC10];
	[tilespmem:s24+$0xFFFFFD80] =	vst v3  }
0x486: {  	[tilespmem:s24+$0x180] =	vst v2;
	v3 =	vld [tilespmem:s0+$0xFFFFF810]  }
0x487: {  	v2 =	vld [tilespmem:s0+$0x10];
	_ =	sdelay $0x2  }
0x488: {  	v4 =	vld.idx.msk [tilespmem:v0+s12+$0x0], $0xffff  }
0x489: {  	v5 =	vadd.s32 $0x6, v0;
	_ =	sdelay $0x1  }
0x48a: {  	v6 =	vld.idx.msk [tilespmem:v1+s12+$0x0], $0xffff  }
0x48b: {  	v7 =	vadd.s32 $0x6, v1;
	v10 =	vld.idx.msk [tilespmem:v3+s12+$0x0], $0xffff  }
0x48c: {  	v8 =	vld.idx.msk [tilespmem:v2+s12+$0x0], $0xffff;
	[tilespmem:s24+$0x210] =	vst v4;
	v4 =	vadd.s32 $0x6, v3  }
0x48d: {  	v9 =	vadd.s32 $0x6, v2;
	v5 =	vld.idx.msk [tilespmem:v5+s12+$0x0], $0xffff  }
0x48e: {  	v11 =	vadd.s32 $0xC, v0  }
0x48f: {  	[tilespmem:s24+$0xFFFFFE10] =	vst v6  }
0x490: {  	v6 =	vld.idx.msk [tilespmem:v7+s12+$0x0], $0xffff;
	[tilespmem:s24+$0xFFFFFC10] =	vst v10  }
0x491: {  	v7 =	vadd.s32 $0xC, v1;
	[tilespmem:s24+$0x10] =	vst v8;
	v4 =	vld.idx.msk [tilespmem:v4+s12+$0x0], $0xffff  }
0x492: {  	v8 =	vld.idx.msk [tilespmem:v9+s12+$0x0], $0xffff;
	[tilespmem:s24+$0x290] =	vst v5;
	v5 =	vadd.s32 $0xC, v3  }
0x493: {  	v9 =	vadd.s32 $0xC, v2;
	v10 =	vld.idx.msk [tilespmem:v11+s12+$0x0], $0xffff  }
0x494: {  	v0 =	vadd.s32 $0x12, v0  }
0x495: {  	[tilespmem:s24+$0xFFFFFE90] =	vst v6  }
0x496: {  	v6 =	vld.idx.msk [tilespmem:v7+s12+$0x0], $0xffff;
	[tilespmem:s24+$0xFFFFFC90] =	vst v4  }
0x497: {  	v1 =	vadd.s32 $0x12, v1;
	[tilespmem:s24+$0x90] =	vst v8;
	v5 =	vld.idx.msk [tilespmem:v5+s12+$0x0], $0xffff  }
0x498: {  	v3 =	vadd.s32 $0x12, v3;
	v4 =	vld.idx.msk [tilespmem:v9+s12+$0x0], $0xffff;
	[tilespmem:s24+$0x310] =	vst v10  }
0x499: {  	v2 =	vadd.s32 $0x12, v2;
	v0 =	vld.idx.msk [tilespmem:v0+s12+$0x0], $0xffff;
	_ =	sdelay $0x1  }
0x49a: {  	[tilespmem:s24+$0xFFFFFF10] =	vst v6  }
0x49b: {  	v1 =	vld.idx.msk [tilespmem:v1+s12+$0x0], $0xffff;
	[tilespmem:s24+$0xFFFFFD10] =	vst v5  }
0x49c: {  	[tilespmem:s24+$0x110] =	vst v4;
	v3 =	vld.idx.msk [tilespmem:v3+s12+$0x0], $0xffff  }
0x49d: {  	v2 =	vld.idx.msk [tilespmem:v2+s12+$0x0], $0xffff;
	[tilespmem:s24+$0x390] =	vst v0  }
0x49e: {  	v0 =	vld [tilespmem:s0+$0x420];
	_ =	sdelay $0x1  }
0x49f: {  	[tilespmem:s24+$0xFFFFFF90] =	vst v1  }
0x4a0: {  	v1 =	vld [tilespmem:s0+$0xFFFFFC20];
	[tilespmem:s24+$0xFFFFFD90] =	vst v3  }
0x4a1: {  	[tilespmem:s24+$0x190] =	vst v2;
	v3 =	vld [tilespmem:s0+$0xFFFFF820]  }
0x4a2: {  	v2 =	vld [tilespmem:s0+$0x20];
	_ =	sdelay $0x2  }
0x4a3: {  	v4 =	vld.idx.msk [tilespmem:v0+s12+$0x0], $0xffff  }
0x4a4: {  	v5 =	vadd.s32 $0x6, v0;
	_ =	sdelay $0x1  }
0x4a5: {  	v6 =	vld.idx.msk [tilespmem:v1+s12+$0x0], $0xffff  }
0x4a6: {  	v7 =	vadd.s32 $0x6, v1;
	v10 =	vld.idx.msk [tilespmem:v3+s12+$0x0], $0xffff  }
0x4a7: {  	v8 =	vld.idx.msk [tilespmem:v2+s12+$0x0], $0xffff;
	[tilespmem:s24+$0x220] =	vst v4;
	v4 =	vadd.s32 $0x6, v3  }
0x4a8: {  	v9 =	vadd.s32 $0x6, v2;
	v5 =	vld.idx.msk [tilespmem:v5+s12+$0x0], $0xffff  }
0x4a9: {  	v11 =	vadd.s32 $0xC, v0  }
0x4aa: {  	[tilespmem:s24+$0xFFFFFE20] =	vst v6  }
0x4ab: {  	v6 =	vld.idx.msk [tilespmem:v7+s12+$0x0], $0xffff;
	[tilespmem:s24+$0xFFFFFC20] =	vst v10  }
0x4ac: {  	v7 =	vadd.s32 $0xC, v1;
	[tilespmem:s24+$0x20] =	vst v8;
	v4 =	vld.idx.msk [tilespmem:v4+s12+$0x0], $0xffff  }
0x4ad: {  	v8 =	vld.idx.msk [tilespmem:v9+s12+$0x0], $0xffff;
	[tilespmem:s24+$0x2A0] =	vst v5;
	v5 =	vadd.s32 $0xC, v3  }
0x4ae: {  	v9 =	vadd.s32 $0xC, v2;
	v10 =	vld.idx.msk [tilespmem:v11+s12+$0x0], $0xffff  }
0x4af: {  	v0 =	vadd.s32 $0x12, v0  }
0x4b0: {  	[tilespmem:s24+$0xFFFFFEA0] =	vst v6  }
0x4b1: {  	v6 =	vld.idx.msk [tilespmem:v7+s12+$0x0], $0xffff;
	[tilespmem:s24+$0xFFFFFCA0] =	vst v4  }
0x4b2: {  	v1 =	vadd.s32 $0x12, v1;
	[tilespmem:s24+$0xA0] =	vst v8;
	v5 =	vld.idx.msk [tilespmem:v5+s12+$0x0], $0xffff  }
0x4b3: {  	v3 =	vadd.s32 $0x12, v3;
	v4 =	vld.idx.msk [tilespmem:v9+s12+$0x0], $0xffff;
	[tilespmem:s24+$0x320] =	vst v10  }
0x4b4: {  	v2 =	vadd.s32 $0x12, v2;
	v0 =	vld.idx.msk [tilespmem:v0+s12+$0x0], $0xffff;
	_ =	sdelay $0x1  }
0x4b5: {  	[tilespmem:s24+$0xFFFFFF20] =	vst v6  }
0x4b6: {  	v1 =	vld.idx.msk [tilespmem:v1+s12+$0x0], $0xffff;
	[tilespmem:s24+$0xFFFFFD20] =	vst v5  }
0x4b7: {  	[tilespmem:s24+$0x120] =	vst v4;
	v3 =	vld.idx.msk [tilespmem:v3+s12+$0x0], $0xffff  }
0x4b8: {  	v2 =	vld.idx.msk [tilespmem:v2+s12+$0x0], $0xffff;
	[tilespmem:s24+$0x3A0] =	vst v0  }
0x4b9: {  	v0 =	vld [tilespmem:s0+$0x430];
	_ =	sdelay $0x1  }
0x4ba: {  	[tilespmem:s24+$0xFFFFFFA0] =	vst v1  }
0x4bb: {  	v1 =	vld [tilespmem:s0+$0xFFFFFC30];
	[tilespmem:s24+$0xFFFFFDA0] =	vst v3  }
0x4bc: {  	[tilespmem:s24+$0x1A0] =	vst v2;
	v3 =	vld [tilespmem:s0+$0xFFFFF830]  }
0x4bd: {  	v2 =	vld [tilespmem:s0+$0x30];
	_ =	sdelay $0x2  }
0x4be: {  	v4 =	vld.idx.msk [tilespmem:v0+s12+$0x0], $0xffff  }
0x4bf: {  	v5 =	vadd.s32 $0x6, v0;
	_ =	sdelay $0x1  }
0x4c0: {  	v6 =	vld.idx.msk [tilespmem:v1+s12+$0x0], $0xffff  }
0x4c1: {  	v7 =	vadd.s32 $0x6, v1;
	v10 =	vld.idx.msk [tilespmem:v3+s12+$0x0], $0xffff  }
0x4c2: {  	v8 =	vld.idx.msk [tilespmem:v2+s12+$0x0], $0xffff;
	[tilespmem:s24+$0x230] =	vst v4;
	v4 =	vadd.s32 $0x6, v3  }
0x4c3: {  	v9 =	vadd.s32 $0x6, v2;
	v5 =	vld.idx.msk [tilespmem:v5+s12+$0x0], $0xffff  }
0x4c4: {  	v11 =	vadd.s32 $0xC, v0  }
0x4c5: {  	[tilespmem:s24+$0xFFFFFE30] =	vst v6  }
0x4c6: {  	v6 =	vld.idx.msk [tilespmem:v7+s12+$0x0], $0xffff;
	[tilespmem:s24+$0xFFFFFC30] =	vst v10  }
0x4c7: {  	v7 =	vadd.s32 $0xC, v1;
	[tilespmem:s24+$0x30] =	vst v8;
	v4 =	vld.idx.msk [tilespmem:v4+s12+$0x0], $0xffff  }
0x4c8: {  	v8 =	vld.idx.msk [tilespmem:v9+s12+$0x0], $0xffff;
	[tilespmem:s24+$0x2B0] =	vst v5;
	v5 =	vadd.s32 $0xC, v3  }
0x4c9: {  	v9 =	vadd.s32 $0xC, v2;
	v10 =	vld.idx.msk [tilespmem:v11+s12+$0x0], $0xffff  }
0x4ca: {  	v0 =	vadd.s32 $0x12, v0  }
0x4cb: {  	[tilespmem:s24+$0xFFFFFEB0] =	vst v6  }
0x4cc: {  	v6 =	vld.idx.msk [tilespmem:v7+s12+$0x0], $0xffff;
	[tilespmem:s24+$0xFFFFFCB0] =	vst v4  }
0x4cd: {  	v1 =	vadd.s32 $0x12, v1;
	[tilespmem:s24+$0xB0] =	vst v8;
	v5 =	vld.idx.msk [tilespmem:v5+s12+$0x0], $0xffff  }
0x4ce: {  	v3 =	vadd.s32 $0x12, v3;
	v4 =	vld.idx.msk [tilespmem:v9+s12+$0x0], $0xffff;
	[tilespmem:s24+$0x330] =	vst v10  }
0x4cf: {  	v2 =	vadd.s32 $0x12, v2;
	v0 =	vld.idx.msk [tilespmem:v0+s12+$0x0], $0xffff;
	_ =	sdelay $0x1  }
0x4d0: {  	[tilespmem:s24+$0xFFFFFF30] =	vst v6  }
0x4d1: {  	v1 =	vld.idx.msk [tilespmem:v1+s12+$0x0], $0xffff;
	[tilespmem:s24+$0xFFFFFD30] =	vst v5  }
0x4d2: {  	[tilespmem:s24+$0x130] =	vst v4;
	v3 =	vld.idx.msk [tilespmem:v3+s12+$0x0], $0xffff  }
0x4d3: {  	v2 =	vld.idx.msk [tilespmem:v2+s12+$0x0], $0xffff;
	[tilespmem:s24+$0x3B0] =	vst v0  }
0x4d4: {  	v0 =	vld [tilespmem:s0+$0x440];
	_ =	sdelay $0x2  }
0x4d5: {  	[tilespmem:s24+$0xFFFFFDB0] =	vst v3  }
0x4d6: {  	[tilespmem:s24+$0xFFFFFFB0] =	vst v1;
	v3 =	vld [tilespmem:s0+$0xFFFFF840]  }
0x4d7: {  	v1 =	vld [tilespmem:s0+$0xFFFFFC40];
	[tilespmem:s24+$0x1B0] =	vst v2  }
0x4d8: {  	s25 =	simm.s32 $0x880;
	v2 =	vld [tilespmem:s0+$0x40]  }
0x4d9: {  	v11 =	vld [tilespmem:s25+$0xFFFFFC00]  }
0x4da: {  	v4 =	vld.idx.msk [tilespmem:v0+s12+$0x0], $0xffff;
	_ =	sdelay $0x1  }
0x4db: {  	v14 =	vld [tilespmem:s25+$0x0];
	v5 =	vadd.s32 $0x6, v0  }
0x4dc: {  	v10 =	vld [tilespmem:s25+$0x400]  }
0x4dd: {  	v8 =	vld.idx.msk [tilespmem:v3+s12+$0x0], $0xffff  }
0x4de: {  	v6 =	vld.idx.msk [tilespmem:v1+s12+$0x0], $0xffff;
	[tilespmem:s24+$0x240] =	vst v4;
	v4 =	vadd.s32 $0x6, v3  }
0x4df: {  	v9 =	vadd.s32 $0x6, v1;
	v7 =	vld.idx.msk [tilespmem:v2+s12+$0x0], $0xffff  }
0x4e0: {  	v13 =	vadd.s32 $0x6, v2;
	v5 =	vld.idx.msk [tilespmem:v5+s12+$0x0], $0xffff  }
0x4e1: {  	v15 =	vld.idx.msk [tilespmem:v11+s12+$0x0], $0xffff;
	v12 =	vadd.s32 $0xC, v0  }
0x4e2: {  	[tilespmem:s24+$0xFFFFFC40] =	vst v8;
	v8 =	vld [tilespmem:s25+$0xFFFFF800]  }
0x4e3: {  	[tilespmem:s24+$0xFFFFFE40] =	vst v6;
	v4 =	vld.idx.msk [tilespmem:v4+s12+$0x0], $0xffff  }
0x4e4: {  	v6 =	vld.idx.msk [tilespmem:v9+s12+$0x0], $0xffff;
	[tilespmem:s24+$0x40] =	vst v7;
	v7 =	vadd.s32 $0xC, v3  }
0x4e5: {  	v9 =	vld.idx.msk [tilespmem:v13+s12+$0x0], $0xffff;
	[tilespmem:s24+$0x2C0] =	vst v5  }
0x4e6: {  	v18 =	vadd.s32 $0x6, v11;
	v5 =	vld.idx.msk [tilespmem:v12+s12+$0x0], $0xffff  }
0x4e7: {  	v13 =	vadd.s32 $0xC, v1;
	v12 =	vld.idx.msk [tilespmem:v10+s12+$0x0], $0xffff  }
0x4e8: {  	s26 =	simm.s32 $0x2C00;
	v16 =	vld.idx.msk [tilespmem:v14+s12+$0x0], $0xffff;
	v0 =	vadd.s32 $0x12, v0;
	[tilespmem:s24+$0xFFFFFCC0] =	vst v4  }
0x4e9: {  	v17 =	vadd.s32 $0x6, v10;
	[tilespmem:s26+$0xFFFFFE00] =	vst v15;
	v7 =	vld.idx.msk [tilespmem:v7+s12+$0x0], $0xffff  }
0x4ea: {  	v19 =	vadd.s32 $0x6, v14;
	[tilespmem:s24+$0xFFFFFEC0] =	vst v6;
	v4 =	vld.idx.msk [tilespmem:v8+s12+$0x0], $0xffff  }
0x4eb: {  	v15 =	vld.idx.msk [tilespmem:v18+s12+$0x0], $0xffff;
	v3 =	vadd.s32 $0x12, v3;
	[tilespmem:s24+$0x340] =	vst v5  }
0x4ec: {  	v5 =	vadd.s32 $0x6, v8;
	[tilespmem:s26+$0x200] =	vst v12;
	v12 =	vld.idx.msk [tilespmem:v13+s12+$0x0], $0xffff  }
0x4ed: {  	[tilespmem:s26+$0x0] =	vst v16;
	v1 =	vadd.s32 $0x12, v1;
	v0 =	vld.idx.msk [tilespmem:v0+s12+$0x0], $0xffff  }
0x4ee: {  	v13 =	vld.idx.msk [tilespmem:v17+s12+$0x0], $0xffff;
	[tilespmem:s24+$0xFFFFFD40] =	vst v7  }
0x4ef: {  	v6 =	vadd.s32 $0xC, v2;
	[tilespmem:s26+$0xFFFFFC00] =	vst v4;
	v4 =	vld.idx.msk [tilespmem:v19+s12+$0x0], $0xffff  }
0x4f0: {  	[tilespmem:s24+$0xC0] =	vst v9;
	v17 =	vadd.s32 $0xC, v11;
	v3 =	vld.idx.msk [tilespmem:v3+s12+$0x0], $0xffff  }
0x4f1: {  	v16 =	vadd.s32 $0xC, v10;
	[tilespmem:s24+$0xFFFFFF40] =	vst v12;
	v5 =	vld.idx.msk [tilespmem:v5+s12+$0x0], $0xffff  }
0x4f2: {  	v9 =	vadd.s32 $0xC, v14;
	[tilespmem:s24+$0x3C0] =	vst v0;
	v1 =	vld.idx.msk [tilespmem:v1+s12+$0x0], $0xffff  }
0x4f3: {  	[tilespmem:s26+$0xFFFFFE80] =	vst v15;
	v7 =	vld [tilespmem:s0+$0x450]  }
0x4f4: {  	v6 =	vld.idx.msk [tilespmem:v6+s12+$0x0], $0xffff;
	v0 =	vadd.s32 $0xC, v8;
	[tilespmem:s26+$0x280] =	vst v13  }
0x4f5: {  	v2 =	vadd.s32 $0x12, v2;
	v15 =	vld.idx.msk [tilespmem:v17+s12+$0x0], $0xffff;
	[tilespmem:s26+$0x80] =	vst v4  }
0x4f6: {  	v13 =	vld.idx.msk [tilespmem:v16+s12+$0x0], $0xffff;
	[tilespmem:s24+$0xFFFFFDC0] =	vst v3  }
0x4f7: {  	[tilespmem:s26+$0xFFFFFC80] =	vst v5;
	v4 =	vld.idx.msk [tilespmem:v9+s12+$0x0], $0xffff;
	v5 =	vadd.s32 $0x12, v10  }
0x4f8: {  	v9 =	vadd.s32 $0x12, v11;
	[tilespmem:s24+$0xFFFFFFC0] =	vst v1;
	v1 =	vld [tilespmem:s0+$0xFFFFF850]  }
0x4f9: {  	[tilespmem:s24+$0x140] =	vst v6;
	v10 =	vadd.s32 $0x12, v14;
	v0 =	vld.idx.msk [tilespmem:v0+s12+$0x0], $0xffff  }
0x4fa: {  	v6 =	vadd.s32 $0x12, v8;
	v2 =	vld.idx.msk [tilespmem:v2+s12+$0x0], $0xffff  }
0x4fb: {  	[tilespmem:s26+$0x300] =	vst v13;
	v8 =	vld.idx.msk [tilespmem:v7+s12+$0x0], $0xffff  }
0x4fc: {  	[tilespmem:s26+$0xFFFFFF00] =	vst v15;
	v5 =	vld.idx.msk [tilespmem:v5+s12+$0x0], $0xffff  }
0x4fd: {  	v9 =	vld.idx.msk [tilespmem:v9+s12+$0x0], $0xffff;
	[tilespmem:s26+$0x100] =	vst v4;
	v4 =	vadd.s32 $0x6, v7  }
0x4fe: {  	[tilespmem:s26+$0xFFFFFD00] =	vst v0;
	v0 =	vld.idx.msk [tilespmem:v10+s12+$0x0], $0xffff  }
0x4ff: {  	v3 =	vld.idx.msk [tilespmem:v6+s12+$0x0], $0xffff  }
0x500: {  	[tilespmem:s24+$0x1C0] =	vst v2;
	v6 =	vld [tilespmem:s0+$0xFFFFFC50]  }
0x501: {  	v10 =	vld.idx.msk [tilespmem:v1+s12+$0x0], $0xffff;
	[tilespmem:s24+$0x250] =	vst v8  }
0x502: {  	[tilespmem:s26+$0x380] =	vst v5;
	v4 =	vld.idx.msk [tilespmem:v4+s12+$0x0], $0xffff  }
0x503: {  	[tilespmem:s26+$0xFFFFFF80] =	vst v9;
	v9 =	vld [tilespmem:s0+$0x50]  }
0x504: {  	v5 =	vld [tilespmem:s25+$0x410]  }
0x505: {  	v8 =	vld [tilespmem:s25+$0xFFFFFC10];
	[tilespmem:s26+$0x180] =	vst v0;
	v0 =	vadd.s32 $0xC, v7  }
0x506: {  	[tilespmem:s26+$0xFFFFFD80] =	vst v3;
	v3 =	vld [tilespmem:s25+$0x10]  }
0x507: {  	v2 =	vld [tilespmem:s25+$0xFFFFF810];
	_ =	sdelay $0x1  }
0x508: {  	[tilespmem:s24+$0x2D0] =	vst v4;
	v4 =	vld.idx.msk [tilespmem:v6+s12+$0x0], $0xffff  }
0x509: {  	v0 =	vld.idx.msk [tilespmem:v0+s12+$0x0], $0xffff  }
0x50a: {  	[tilespmem:s24+$0xFFFFFC50] =	vst v10;
	v10 =	vadd.s32 $0x6, v6;
	v19 =	vld.idx.msk [tilespmem:v9+s12+$0x0], $0xffff  }
0x50b: {  	v7 =	vadd.s32 $0x12, v7;
	v11 =	vld.idx.msk [tilespmem:v5+s12+$0x0], $0xffff  }
0x50c: {  	v12 =	vadd.s32 $0x6, v1;
	v13 =	vld.idx.msk [tilespmem:v8+s12+$0x0], $0xffff  }
0x50d: {  	v15 =	vadd.s32 $0x6, v5;
	v14 =	vld.idx.msk [tilespmem:v3+s12+$0x0], $0xffff  }
0x50e: {  	v16 =	vadd.s32 $0x6, v8;
	[tilespmem:s24+$0xFFFFFE50] =	vst v4;
	v17 =	vld.idx.msk [tilespmem:v2+s12+$0x0], $0xffff  }
0x50f: {  	v18 =	vadd.s32 $0x6, v3;
	[tilespmem:s24+$0x350] =	vst v0;
	v10 =	vld.idx.msk [tilespmem:v10+s12+$0x0], $0xffff  }
0x510: {  	v0 =	vadd.s32 $0x6, v2;
	v7 =	vld.idx.msk [tilespmem:v7+s12+$0x0], $0xffff;
	[tilespmem:s24+$0x50] =	vst v19  }
0x511: {  	[tilespmem:s26+$0x210] =	vst v11;
	v11 =	vld.idx.msk [tilespmem:v12+s12+$0x0], $0xffff  }
0x512: {  	[tilespmem:s26+$0xFFFFFE10] =	vst v13;
	v13 =	vadd.s32 $0x6, v9;
	v12 =	vld.idx.msk [tilespmem:v15+s12+$0x0], $0xffff  }
0x513: {  	v15 =	vld.idx.msk [tilespmem:v16+s12+$0x0], $0xffff;
	[tilespmem:s26+$0x10] =	vst v14;
	v16 =	vadd.s32 $0xC, v5  }
0x514: {  	[tilespmem:s26+$0xFFFFFC10] =	vst v17;
	v14 =	vld.idx.msk [tilespmem:v18+s12+$0x0], $0xffff;
	v17 =	vadd.s32 $0xC, v8  }
0x515: {  	v4 =	vadd.s32 $0xC, v3;
	v0 =	vld.idx.msk [tilespmem:v0+s12+$0x0], $0xffff;
	[tilespmem:s24+$0x3D0] =	vst v7  }
0x516: {  	v19 =	vadd.s32 $0xC, v1;
	v18 =	vld [tilespmem:s0+$0x460];
	[tilespmem:s24+$0xFFFFFCD0] =	vst v11  }
0x517: {  	v7 =	vadd.s32 $0xC, v2;
	[tilespmem:s26+$0x290] =	vst v12;
	v12 =	vld.idx.msk [tilespmem:v13+s12+$0x0], $0xffff  }
0x518: {  	v13 =	vadd.s32 $0xC, v6;
	[tilespmem:s26+$0xFFFFFE90] =	vst v15;
	v15 =	vld.idx.msk [tilespmem:v16+s12+$0x0], $0xffff  }
0x519: {  	v16 =	vld.idx.msk [tilespmem:v17+s12+$0x0], $0xffff;
	[tilespmem:s26+$0x90] =	vst v14  }
0x51a: {  	[tilespmem:s26+$0xFFFFFC90] =	vst v0;
	v0 =	vld.idx.msk [tilespmem:v4+s12+$0x0], $0xffff;
	v4 =	vadd.s32 $0x12, v5  }
0x51b: {  	v5 =	vadd.s32 $0x12, v8;
	v8 =	vld.idx.msk [tilespmem:v19+s12+$0x0], $0xffff  }
0x51c: {  	v3 =	vadd.s32 $0x12, v3;
	[tilespmem:s24+$0xFFFFFED0] =	vst v10;
	v7 =	vld.idx.msk [tilespmem:v7+s12+$0x0], $0xffff  }
0x51d: {  	v11 =	vadd.s32 $0xC, v9;
	v10 =	vld.idx.msk [tilespmem:v13+s12+$0x0], $0xffff;
	[tilespmem:s24+$0xD0] =	vst v12  }
0x51e: {  	v1 =	vadd.s32 $0x12, v1;
	[tilespmem:s26+$0x310] =	vst v15;
	v13 =	vld.idx.msk [tilespmem:v18+s12+$0x0], $0xffff  }
0x51f: {  	v2 =	vadd.s32 $0x12, v2;
	[tilespmem:s26+$0xFFFFFF10] =	vst v16;
	v4 =	vld.idx.msk [tilespmem:v4+s12+$0x0], $0xffff  }
0x520: {  	v6 =	vadd.s32 $0x12, v6;
	v5 =	vld.idx.msk [tilespmem:v5+s12+$0x0], $0xffff;
	[tilespmem:s26+$0x110] =	vst v0  }
0x521: {  	v0 =	vadd.s32 $0x6, v18;
	[tilespmem:s24+$0xFFFFFD50] =	vst v8;
	v3 =	vld.idx.msk [tilespmem:v3+s12+$0x0], $0xffff  }
0x522: {  	[tilespmem:s26+$0xFFFFFD10] =	vst v7;
	v7 =	vld.idx.msk [tilespmem:v11+s12+$0x0], $0xffff  }
0x523: {  	v1 =	vld.idx.msk [tilespmem:v1+s12+$0x0], $0xffff  }
0x524: {  	v2 =	vld.idx.msk [tilespmem:v2+s12+$0x0], $0xffff;
	[tilespmem:s24+$0xFFFFFF50] =	vst v10  }
0x525: {  	[tilespmem:s24+$0x260] =	vst v13;
	v6 =	vld.idx.msk [tilespmem:v6+s12+$0x0], $0xffff  }
0x526: {  	[tilespmem:s26+$0x390] =	vst v4;
	v0 =	vld.idx.msk [tilespmem:v0+s12+$0x0], $0xffff  }
0x527: {  	v4 =	vadd.s32 $0x12, v9;
	[tilespmem:s26+$0xFFFFFF90] =	vst v5;
	v5 =	vld [tilespmem:s25+$0x420]  }
0x528: {  	v8 =	vld [tilespmem:s25+$0xFFFFFC20];
	[tilespmem:s26+$0x190] =	vst v3;
	v3 =	vadd.s32 $0xC, v18  }
0x529: {  	[tilespmem:s26+$0xFFFFFD90] =	vst v2;
	v2 =	vld [tilespmem:s25+$0x20]  }
0x52a: {  	[tilespmem:s24+$0xFFFFFDD0] =	vst v1;
	v9 =	vld [tilespmem:s25+$0xFFFFF820]  }
0x52b: {  	[tilespmem:s24+$0x150] =	vst v7;
	v1 =	vld [tilespmem:s0+$0xFFFFF860]  }
0x52c: {  	v4 =	vld.idx.msk [tilespmem:v4+s12+$0x0], $0xffff;
	[tilespmem:s24+$0x2E0] =	vst v0  }
0x52d: {  	[tilespmem:s24+$0xFFFFFFD0] =	vst v6;
	v0 =	vld.idx.msk [tilespmem:v3+s12+$0x0], $0xffff  }
0x52e: {  	v7 =	vadd.s32 $0x12, v18;
	v15 =	vld [tilespmem:s0+$0xFFFFFC60]  }
0x52f: {  	v3 =	vld.idx.msk [tilespmem:v5+s12+$0x0], $0xffff  }
0x530: {  	v12 =	vadd.s32 $0x6, v5;
	v10 =	vld.idx.msk [tilespmem:v8+s12+$0x0], $0xffff  }
0x531: {  	v13 =	vadd.s32 $0x6, v8;
	v11 =	vld.idx.msk [tilespmem:v2+s12+$0x0], $0xffff  }
0x532: {  	v14 =	vadd.s32 $0x6, v2;
	v6 =	vld.idx.msk [tilespmem:v9+s12+$0x0], $0xffff;
	[tilespmem:s24+$0x360] =	vst v0  }
0x533: {  	[tilespmem:s24+$0x1D0] =	vst v4;
	v4 =	vld.idx.msk [tilespmem:v7+s12+$0x0], $0xffff  }
0x534: {  	v0 =	vadd.s32 $0x6, v9;
	[tilespmem:s26+$0x220] =	vst v3;
	v3 =	vld [tilespmem:s0+$0x60]  }
0x535: {  	[tilespmem:s26+$0xFFFFFE20] =	vst v10;
	v7 =	vld.idx.msk [tilespmem:v12+s12+$0x0], $0xffff  }
0x536: {  	v10 =	vld.idx.msk [tilespmem:v13+s12+$0x0], $0xffff;
	[tilespmem:s26+$0x20] =	vst v11  }
0x537: {  	v11 =	vadd.s32 $0xC, v5;
	[tilespmem:s26+$0xFFFFFC20] =	vst v6;
	v6 =	vld.idx.msk [tilespmem:v14+s12+$0x0], $0xffff  }
0x538: {  	v12 =	vadd.s32 $0xC, v8;
	v14 =	vld.idx.msk [tilespmem:v1+s12+$0x0], $0xffff  }
0x539: {  	v13 =	vadd.s32 $0xC, v2;
	v0 =	vld.idx.msk [tilespmem:v0+s12+$0x0], $0xffff;
	[tilespmem:s24+$0x3E0] =	vst v4  }
0x53a: {  	v16 =	vld [tilespmem:s0+$0x470]  }
0x53b: {  	v4 =	vadd.s32 $0xC, v9;
	[tilespmem:s26+$0x2A0] =	vst v7;
	v7 =	vld.idx.msk [tilespmem:v15+s12+$0x0], $0xffff  }
0x53c: {  	v17 =	vadd.s32 $0x6, v1;
	[tilespmem:s26+$0xFFFFFEA0] =	vst v10;
	v10 =	vld.idx.msk [tilespmem:v11+s12+$0x0], $0xffff  }
0x53d: {  	v11 =	vld.idx.msk [tilespmem:v12+s12+$0x0], $0xffff;
	[tilespmem:s26+$0xA0] =	vst v6  }
0x53e: {  	v5 =	vadd.s32 $0x12, v5;
	[tilespmem:s26+$0xFFFFFCA0] =	vst v0;
	v0 =	vld.idx.msk [tilespmem:v13+s12+$0x0], $0xffff  }
0x53f: {  	v6 =	vadd.s32 $0x12, v8;
	v8 =	vld.idx.msk [tilespmem:v3+s12+$0x0], $0xffff  }
0x540: {  	v2 =	vadd.s32 $0x12, v2;
	[tilespmem:s24+$0xFFFFFC60] =	vst v14;
	v4 =	vld.idx.msk [tilespmem:v4+s12+$0x0], $0xffff  }
0x541: {  	v9 =	vadd.s32 $0x12, v9;
	v12 =	vld.idx.msk [tilespmem:v17+s12+$0x0], $0xffff  }
0x542: {  	v13 =	vadd.s32 $0x6, v15;
	[tilespmem:s26+$0x320] =	vst v10;
	v10 =	vld.idx.msk [tilespmem:v16+s12+$0x0], $0xffff  }
0x543: {  	v14 =	vadd.s32 $0x6, v3;
	[tilespmem:s26+$0xFFFFFF20] =	vst v11;
	v5 =	vld.idx.msk [tilespmem:v5+s12+$0x0], $0xffff  }
0x544: {  	v6 =	vld.idx.msk [tilespmem:v6+s12+$0x0], $0xffff;
	[tilespmem:s26+$0x120] =	vst v0  }
0x545: {  	[tilespmem:s26+$0xFFFFFD20] =	vst v4;
	v0 =	vld.idx.msk [tilespmem:v2+s12+$0x0], $0xffff  }
0x546: {  	[tilespmem:s24+$0xFFFFFE60] =	vst v7;
	v2 =	vld.idx.msk [tilespmem:v9+s12+$0x0], $0xffff  }
0x547: {  	[tilespmem:s24+$0x60] =	vst v8;
	v4 =	vld.idx.msk [tilespmem:v13+s12+$0x0], $0xffff  }
0x548: {  	v7 =	vadd.s32 $0x6, v16;
	v8 =	vld.idx.msk [tilespmem:v14+s12+$0x0], $0xffff;
	[tilespmem:s26+$0x3A0] =	vst v5  }
0x549: {  	v5 =	vadd.s32 $0xC, v1;
	[tilespmem:s26+$0xFFFFFFA0] =	vst v6;
	v6 =	vld [tilespmem:s25+$0x430]  }
0x54a: {  	v9 =	vadd.s32 $0xC, v15;
	v11 =	vld [tilespmem:s25+$0xFFFFFC30];
	[tilespmem:s26+$0x1A0] =	vst v0  }
0x54b: {  	v0 =	vadd.s32 $0xC, v3;
	[tilespmem:s26+$0xFFFFFDA0] =	vst v2;
	v2 =	vld [tilespmem:s25+$0x30]  }
0x54c: {  	[tilespmem:s24+$0x270] =	vst v10;
	v10 =	vld [tilespmem:s25+$0xFFFFF830]  }
0x54d: {  	[tilespmem:s24+$0xFFFFFCE0] =	vst v12;
	v7 =	vld.idx.msk [tilespmem:v7+s12+$0x0], $0xffff  }
0x54e: {  	[tilespmem:s24+$0xFFFFFEE0] =	vst v4;
	v4 =	vld.idx.msk [tilespmem:v5+s12+$0x0], $0xffff  }
0x54f: {  	[tilespmem:s24+$0xE0] =	vst v8;
	v5 =	vld.idx.msk [tilespmem:v9+s12+$0x0], $0xffff  }
0x550: {  	v1 =	vadd.s32 $0x12, v1;
	v0 =	vld.idx.msk [tilespmem:v0+s12+$0x0], $0xffff  }
0x551: {  	v8 =	vadd.s32 $0x12, v15;
	v9 =	vld.idx.msk [tilespmem:v6+s12+$0x0], $0xffff  }
0x552: {  	v13 =	vadd.s32 $0x6, v6;
	v12 =	vld.idx.msk [tilespmem:v11+s12+$0x0], $0xffff  }
0x553: {  	v14 =	vadd.s32 $0x6, v11;
	v15 =	vld.idx.msk [tilespmem:v2+s12+$0x0], $0xffff;
	[tilespmem:s24+$0xFFFFFD60] =	vst v4  }
0x554: {  	v17 =	vadd.s32 $0x6, v2;
	[tilespmem:s24+$0xFFFFFF60] =	vst v5;
	v4 =	vld.idx.msk [tilespmem:v10+s12+$0x0], $0xffff  }
0x555: {  	v3 =	vadd.s32 $0x12, v3;
	v1 =	vld.idx.msk [tilespmem:v1+s12+$0x0], $0xffff;
	[tilespmem:s24+$0x160] =	vst v0  }
0x556: {  	v18 =	vadd.s32 $0x6, v10;
	v5 =	vld.idx.msk [tilespmem:v8+s12+$0x0], $0xffff;
	[tilespmem:s26+$0x230] =	vst v9  }
0x557: {  	[tilespmem:s26+$0xFFFFFE30] =	vst v12;
	v8 =	vld.idx.msk [tilespmem:v13+s12+$0x0], $0xffff  }
0x558: {  	v9 =	vld.idx.msk [tilespmem:v14+s12+$0x0], $0xffff;
	[tilespmem:s26+$0x30] =	vst v15  }
0x559: {  	v12 =	vadd.s32 $0xC, v6;
	[tilespmem:s26+$0xFFFFFC30] =	vst v4;
	v4 =	vld.idx.msk [tilespmem:v17+s12+$0x0], $0xffff  }
0x55a: {  	v13 =	vadd.s32 $0xC, v11;
	[tilespmem:s24+$0xFFFFFDE0] =	vst v1;
	v1 =	vld.idx.msk [tilespmem:v3+s12+$0x0], $0xffff  }
0x55b: {  	v14 =	vadd.s32 $0xC, v2;
	[tilespmem:s24+$0xFFFFFFE0] =	vst v5;
	v0 =	vld.idx.msk [tilespmem:v18+s12+$0x0], $0xffff  }
0x55c: {  	v15 =	vld [tilespmem:s0+$0xFFFFF870];
	[tilespmem:s26+$0x2B0] =	vst v8  }
0x55d: {  	v3 =	vadd.s32 $0xC, v10;
	v5 =	vld [tilespmem:s0+$0xFFFFFC70];
	[tilespmem:s26+$0xFFFFFEB0] =	vst v9  }
0x55e: {  	v8 =	vadd.s32 $0xC, v16;
	v9 =	vld.idx.msk [tilespmem:v12+s12+$0x0], $0xffff;
	[tilespmem:s26+$0xB0] =	vst v4  }
0x55f: {  	v12 =	vld.idx.msk [tilespmem:v13+s12+$0x0], $0xffff;
	[tilespmem:s24+$0x1E0] =	vst v1  }
0x560: {  	v4 =	vadd.s32 $0x12, v6;
	[tilespmem:s26+$0xFFFFFCB0] =	vst v0;
	v0 =	vld.idx.msk [tilespmem:v14+s12+$0x0], $0xffff  }
0x561: {  	v6 =	vadd.s32 $0x12, v11;
	v1 =	vadd.s32 $0x12, v2;
	v2 =	vld [tilespmem:s0+$0x70]  }
0x562: {  	[tilespmem:s24+$0x2F0] =	vst v7;
	v3 =	vld.idx.msk [tilespmem:v3+s12+$0x0], $0xffff  }
0x563: {  	v8 =	vld.idx.msk [tilespmem:v8+s12+$0x0], $0xffff  }
0x564: {  	v7 =	vadd.s32 $0x12, v10;
	[tilespmem:s26+$0x330] =	vst v9;
	v9 =	vld.idx.msk [tilespmem:v15+s12+$0x0], $0xffff  }
0x565: {  	[tilespmem:s26+$0xFFFFFF30] =	vst v12;
	v4 =	vld.idx.msk [tilespmem:v4+s12+$0x0], $0xffff  }
0x566: {  	v10 =	vadd.s32 $0x6, v15;
	v6 =	vld.idx.msk [tilespmem:v6+s12+$0x0], $0xffff;
	[tilespmem:s26+$0x130] =	vst v0  }
0x567: {  	v0 =	vld.idx.msk [tilespmem:v1+s12+$0x0], $0xffff  }
0x568: {  	[tilespmem:s26+$0xFFFFFD30] =	vst v3;
	v3 =	vld.idx.msk [tilespmem:v5+s12+$0x0], $0xffff  }
0x569: {  	v1 =	vld.idx.msk [tilespmem:v7+s12+$0x0], $0xffff  }
0x56a: {  	[tilespmem:s24+$0xFFFFFC70] =	vst v9;
	v9 =	vld.idx.msk [tilespmem:v2+s12+$0x0], $0xffff  }
0x56b: {  	v11 =	vadd.s32 $0x12, v16;
	[tilespmem:s26+$0x3B0] =	vst v4;
	v4 =	vld.idx.msk [tilespmem:v10+s12+$0x0], $0xffff  }
0x56c: {  	v10 =	vadd.s32 $0x6, v5;
	[tilespmem:s26+$0xFFFFFFB0] =	vst v6;
	v7 =	vld [tilespmem:s25+$0x440]  }
0x56d: {  	v6 =	vadd.s32 $0x6, v2;
	v12 =	vld [tilespmem:s25+$0xFFFFFC40];
	[tilespmem:s26+$0x1B0] =	vst v0  }
0x56e: {  	v0 =	vadd.s32 $0xC, v15;
	[tilespmem:s26+$0xFFFFFDB0] =	vst v1;
	v17 =	vld [tilespmem:s25+$0x40]  }
0x56f: {  	[tilespmem:s24+$0x370] =	vst v8;
	v18 =	vld [tilespmem:s25+$0xFFFFF840]  }
0x570: {  	[tilespmem:s24+$0xFFFFFE70] =	vst v3;
	v1 =	vld.idx.msk [tilespmem:v11+s12+$0x0], $0xffff  }
0x571: {  	[tilespmem:s24+$0x70] =	vst v9;
	v3 =	vld.idx.msk [tilespmem:v10+s12+$0x0], $0xffff  }
0x572: {  	[tilespmem:s24+$0xFFFFFCF0] =	vst v4;
	v4 =	vld.idx.msk [tilespmem:v6+s12+$0x0], $0xffff  }
0x573: {  	v6 =	vadd.s32 $0xC, v5;
	v8 =	vld.idx.msk [tilespmem:v0+s12+$0x0], $0xffff  }
0x574: {  	v9 =	vadd.s32 $0xC, v2;
	v11 =	vld.idx.msk [tilespmem:v7+s12+$0x0], $0xffff  }
0x575: {  	v15 =	vadd.s32 $0x12, v15;
	v19 =	vld.idx.msk [tilespmem:v12+s12+$0x0], $0xffff  }
0x576: {  	v20 =	vadd.s32 $0x6, v7;
	[tilespmem:s24+$0x3F0] =	vst v1;
	v14 =	vld.idx.msk [tilespmem:v17+s12+$0x0], $0xffff  }
0x577: {  	[tilespmem:s24+$0xFFFFFEF0] =	vst v3;
	v16 =	vld.idx.msk [tilespmem:v18+s12+$0x0], $0xffff  }
0x578: {  	v0 =	vadd.s32 $0x12, v5;
	v13 =	vadd.s32 $0x6, v12;
	[tilespmem:s24+$0xF0] =	vst v4;
	v4 =	vld.idx.msk [tilespmem:v6+s12+$0x0], $0xffff  }
0x579: {  	v10 =	vadd.s32 $0xC, v12;
	v5 =	vadd.s32 $0x12, v12;
	v1 =	vadd.s32 $0x12, v2;
	[tilespmem:s24+$0xFFFFFD70] =	vst v8;
	v2 =	vld.idx.msk [tilespmem:v9+s12+$0x0], $0xffff  }
0x57a: {  	v12 =	vadd.s32 $0x6, v17;
	v8 =	vadd.s32 $0xC, v17;
	v6 =	vadd.s32 $0x12, v17;
	v3 =	vld.idx.msk [tilespmem:v15+s12+$0x0], $0xffff;
	[tilespmem:s26+$0x240] =	vst v11  }
0x57b: {  	s29 =	simm.s32 $0x4;
	s28 =	simm.s32 $0x2C00;
	s0 =	simm.s32 $0x900;
	v9 =	vadd.s32 $0x12, v18;
	v15 =	vadd.s32 $0x6, v18;
	v11 =	vadd.s32 $0xC, v18;
	[tilespmem:s26+$0xFFFFFE40] =	vst v19;
	v17 =	vld.idx.msk [tilespmem:v20+s12+$0x0], $0xffff  }
.LBB2_8:
0x57c: {  	v18 =	vld [tilespmem:s0+$0x400];
	s29 =	sadd.s32 $0x4, s29;
	[tilespmem:s26+$0x40] =	vst v14  }
0x57d: {  	v14 =	vld [tilespmem:s0+$0xFFFFFC00];
	p0 =	slt.u32 s29, $0x1C;
	[tilespmem:s26+$0xFFFFFC40] =	vst v16;
	v16 =	vadd.s32 $0xC, v7  }
0x57e: {  	v19 =	vld [tilespmem:s0+$0x0];
	[tilespmem:s24+$0xFFFFFF70] =	vst v4  }
0x57f: {  	v4 =	vld [tilespmem:s0+$0xFFFFF800];
	[tilespmem:s24+$0x170] =	vst v2  }
0x580: {  	v2 =	vld.idx.msk [tilespmem:v15+s12+$0x0], $0xffff;
	[tilespmem:s24+$0xFFFFFDF0] =	vst v3  }
0x581: {  	v3 =	vld.idx.msk [tilespmem:v13+s12+$0x0], $0xffff;
	[tilespmem:s26+$0x2C0] =	vst v17  }
0x582: {  	v13 =	vadd.s32 $0x6, v14;
	v15 =	vadd.s32 $0xC, v14;
	v17 =	vadd.s32 $0x12, v14;
	v16 =	vld.idx.msk [tilespmem:v16+s12+$0x0], $0xffff  }
0x583: {  	v20 =	vadd.s32 $0x6, v19;
	v21 =	vadd.s32 $0xC, v19;
	v22 =	vadd.s32 $0x12, v19;
	v12 =	vld.idx.msk [tilespmem:v12+s12+$0x0], $0xffff  }
0x584: {  	v7 =	vadd.s32 $0x12, v7;
	v23 =	vadd.s32 $0x6, v4;
	v24 =	vadd.s32 $0xC, v4;
	v25 =	vld.idx.msk [tilespmem:v18+s12+$0x0], $0xffff  }
0x585: {  	v26 =	vadd.s32 $0x12, v4;
	v14 =	vld.idx.msk [tilespmem:v14+s12+$0x0], $0xffff  }
0x586: {  	v27 =	vadd.s32 $0x6, v18;
	v19 =	vld.idx.msk [tilespmem:v19+s12+$0x0], $0xffff;
	[tilespmem:s26+$0xFFFFFCC0] =	vst v2  }
0x587: {  	v2 =	vld.idx.msk [tilespmem:v4+s12+$0x0], $0xffff;
	[tilespmem:s26+$0xFFFFFEC0] =	vst v3  }
0x588: {  	v3 =	vld.idx.msk [tilespmem:v11+s12+$0x0], $0xffff;
	[tilespmem:s26+$0x340] =	vst v16  }
0x589: {  	s26 =	sadd.s32 $0x800, s26;
	[tilespmem:s28+$0xC0] =	vst v12;
	v4 =	vld.idx.msk [tilespmem:v7+s12+$0x0], $0xffff  }
0x58a: {  	[tilespmem:s26+$0x200] =	vst v25;
	v7 =	vld.idx.msk [tilespmem:v10+s12+$0x0], $0xffff  }
0x58b: {  	[tilespmem:s26+$0xFFFFFE00] =	vst v14;
	v10 =	vld.idx.msk [tilespmem:v27+s12+$0x0], $0xffff  }
0x58c: {  	v11 =	vld.idx.msk [tilespmem:v13+s12+$0x0], $0xffff;
	[tilespmem:s26+$0x0] =	vst v19  }
0x58d: {  	v12 =	vadd.s32 $0xC, v18;
	[tilespmem:s26+$0xFFFFFC00] =	vst v2;
	v2 =	vld.idx.msk [tilespmem:v20+s12+$0x0], $0xffff  }
0x58e: {  	v13 =	vld.idx.msk [tilespmem:v23+s12+$0x0], $0xffff;
	[tilespmem:s28+$0xFFFFFD40] =	vst v3  }
0x58f: {  	v3 =	vld.idx.msk [tilespmem:v8+s12+$0x0], $0xffff;
	[tilespmem:s28+$0x3C0] =	vst v4  }
0x590: {  	[tilespmem:s28+$0xFFFFFF40] =	vst v7;
	v4 =	vld [tilespmem:s25+$0x450]  }
0x591: {  	[tilespmem:s26+$0x280] =	vst v10;
	v7 =	vld.idx.msk [tilespmem:v9+s12+$0x0], $0xffff  }
0x592: {  	[tilespmem:s26+$0xFFFFFE80] =	vst v11;
	v8 =	vld.idx.msk [tilespmem:v12+s12+$0x0], $0xffff  }
0x593: {  	v9 =	vld.idx.msk [tilespmem:v15+s12+$0x0], $0xffff;
	[tilespmem:s26+$0x80] =	vst v2  }
0x594: {  	v10 =	vadd.s32 $0x12, v18;
	[tilespmem:s26+$0xFFFFFC80] =	vst v13;
	v2 =	vld.idx.msk [tilespmem:v21+s12+$0x0], $0xffff  }
0x595: {  	v11 =	vld.idx.msk [tilespmem:v24+s12+$0x0], $0xffff;
	[tilespmem:s28+$0x140] =	vst v3  }
0x596: {  	v3 =	vld.idx.msk [tilespmem:v5+s12+$0x0], $0xffff  }
0x597: {  	[tilespmem:s28+$0xFFFFFDC0] =	vst v7;
	v5 =	vld.idx.msk [tilespmem:v6+s12+$0x0], $0xffff  }
0x598: {  	[tilespmem:s26+$0x300] =	vst v8;
	v6 =	vld.idx.msk [tilespmem:v4+s12+$0x0], $0xffff  }
0x599: {  	[tilespmem:s26+$0xFFFFFF00] =	vst v9;
	v7 =	vld.idx.msk [tilespmem:v10+s12+$0x0], $0xffff  }
0x59a: {  	v8 =	vld.idx.msk [tilespmem:v17+s12+$0x0], $0xffff;
	[tilespmem:s26+$0x100] =	vst v2;
	v2 =	vadd.s32 $0x6, v4  }
0x59b: {  	[tilespmem:s26+$0xFFFFFD00] =	vst v11;
	v9 =	vld.idx.msk [tilespmem:v22+s12+$0x0], $0xffff  }
0x59c: {  	v10 =	vld.idx.msk [tilespmem:v26+s12+$0x0], $0xffff;
	[tilespmem:s28+$0xFFFFFFC0] =	vst v3  }
0x59d: {  	v3 =	vld [tilespmem:s25+$0xFFFFF850];
	[tilespmem:s28+$0x1C0] =	vst v5  }
0x59e: {  	v5 =	vld [tilespmem:s25+$0xFFFFFC50];
	[tilespmem:s28+$0x250] =	vst v6  }
0x59f: {  	[tilespmem:s26+$0x380] =	vst v7;
	v2 =	vld.idx.msk [tilespmem:v2+s12+$0x0], $0xffff  }
0x5a0: {  	[tilespmem:s26+$0xFFFFFF80] =	vst v8;
	v6 =	vld [tilespmem:s0+$0x410]  }
0x5a1: {  	v8 =	vadd.s32 $0xC, v4;
	v7 =	vld [tilespmem:s0+$0xFFFFFC10];
	[tilespmem:s26+$0x180] =	vst v9  }
0x5a2: {  	[tilespmem:s26+$0xFFFFFD80] =	vst v10;
	v9 =	vld [tilespmem:s0+$0x10];
	v10 =	vadd.s32 $0x6, v3;
	v11 =	vadd.s32 $0xC, v3;
	v12 =	vadd.s32 $0x12, v3  }
0x5a3: {  	v13 =	vld [tilespmem:s0+$0xFFFFF810];
	v14 =	vadd.s32 $0x6, v5;
	v15 =	vadd.s32 $0xC, v5;
	v16 =	vadd.s32 $0x12, v5  }
0x5a4: {  	v17 =	vld [tilespmem:s25+$0x50]  }
0x5a5: {  	v3 =	vld.idx.msk [tilespmem:v3+s12+$0x0], $0xffff;
	[tilespmem:s28+$0x2D0] =	vst v2  }
0x5a6: {  	v2 =	vadd.s32 $0x6, v7;
	v18 =	vadd.s32 $0xC, v7;
	v19 =	vadd.s32 $0x12, v7;
	v8 =	vld.idx.msk [tilespmem:v8+s12+$0x0], $0xffff  }
0x5a7: {  	v20 =	vadd.s32 $0x6, v9;
	v21 =	vadd.s32 $0xC, v9;
	v22 =	vadd.s32 $0x12, v9;
	v5 =	vld.idx.msk [tilespmem:v5+s12+$0x0], $0xffff  }
0x5a8: {  	v4 =	vadd.s32 $0x12, v4;
	v23 =	vadd.s32 $0x6, v13;
	v24 =	vadd.s32 $0xC, v13;
	v25 =	vld.idx.msk [tilespmem:v6+s12+$0x0], $0xffff  }
0x5a9: {  	v26 =	vadd.s32 $0x12, v13;
	v7 =	vld.idx.msk [tilespmem:v7+s12+$0x0], $0xffff;
	v27 =	vadd.s32 $0x6, v17;
	v28 =	vadd.s32 $0xC, v17  }
0x5aa: {  	v29 =	vadd.s32 $0x6, v6;
	v30 =	vadd.s32 $0x12, v17;
	v9 =	vld.idx.msk [tilespmem:v9+s12+$0x0], $0xffff  }
0x5ab: {  	v13 =	vld.idx.msk [tilespmem:v13+s12+$0x0], $0xffff;
	[tilespmem:s28+$0xFFFFFC50] =	vst v3  }
0x5ac: {  	v3 =	vld.idx.msk [tilespmem:v17+s12+$0x0], $0xffff;
	[tilespmem:s28+$0x350] =	vst v8  }
0x5ad: {  	[tilespmem:s28+$0xFFFFFE50] =	vst v5;
	v4 =	vld.idx.msk [tilespmem:v4+s12+$0x0], $0xffff  }
0x5ae: {  	[tilespmem:s26+$0x210] =	vst v25;
	v5 =	vld.idx.msk [tilespmem:v10+s12+$0x0], $0xffff  }
0x5af: {  	[tilespmem:s26+$0xFFFFFE10] =	vst v7;
	v7 =	vld.idx.msk [tilespmem:v29+s12+$0x0], $0xffff  }
0x5b0: {  	v2 =	vld.idx.msk [tilespmem:v2+s12+$0x0], $0xffff;
	[tilespmem:s26+$0x10] =	vst v9  }
0x5b1: {  	v9 =	vadd.s32 $0xC, v6;
	[tilespmem:s26+$0xFFFFFC10] =	vst v13;
	v8 =	vld.idx.msk [tilespmem:v20+s12+$0x0], $0xffff  }
0x5b2: {  	v10 =	vld.idx.msk [tilespmem:v23+s12+$0x0], $0xffff;
	[tilespmem:s28+$0x50] =	vst v3  }
0x5b3: {  	v3 =	vld.idx.msk [tilespmem:v14+s12+$0x0], $0xffff;
	[tilespmem:s28+$0x3D0] =	vst v4  }
0x5b4: {  	[tilespmem:s28+$0xFFFFFCD0] =	vst v5;
	v4 =	vld [tilespmem:s25+$0x460]  }
0x5b5: {  	[tilespmem:s26+$0x290] =	vst v7;
	v5 =	vld.idx.msk [tilespmem:v27+s12+$0x0], $0xffff  }
0x5b6: {  	[tilespmem:s26+$0xFFFFFE90] =	vst v2;
	v2 =	vld.idx.msk [tilespmem:v9+s12+$0x0], $0xffff  }
0x5b7: {  	v7 =	vld.idx.msk [tilespmem:v18+s12+$0x0], $0xffff;
	[tilespmem:s26+$0x90] =	vst v8  }
0x5b8: {  	v6 =	vadd.s32 $0x12, v6;
	[tilespmem:s26+$0xFFFFFC90] =	vst v10;
	v8 =	vld.idx.msk [tilespmem:v21+s12+$0x0], $0xffff  }
0x5b9: {  	v9 =	vld.idx.msk [tilespmem:v24+s12+$0x0], $0xffff;
	[tilespmem:s28+$0xFFFFFED0] =	vst v3  }
0x5ba: {  	v3 =	vld.idx.msk [tilespmem:v11+s12+$0x0], $0xffff  }
0x5bb: {  	v10 =	vld.idx.msk [tilespmem:v15+s12+$0x0], $0xffff;
	[tilespmem:s28+$0xD0] =	vst v5  }
0x5bc: {  	[tilespmem:s26+$0x310] =	vst v2;
	v2 =	vld.idx.msk [tilespmem:v4+s12+$0x0], $0xffff  }
0x5bd: {  	[tilespmem:s26+$0xFFFFFF10] =	vst v7;
	v5 =	vld.idx.msk [tilespmem:v6+s12+$0x0], $0xffff  }
0x5be: {  	v7 =	vadd.s32 $0x6, v4;
	v6 =	vld.idx.msk [tilespmem:v19+s12+$0x0], $0xffff;
	[tilespmem:s26+$0x110] =	vst v8  }
0x5bf: {  	[tilespmem:s26+$0xFFFFFD10] =	vst v9;
	v8 =	vld.idx.msk [tilespmem:v22+s12+$0x0], $0xffff  }
0x5c0: {  	v9 =	vld.idx.msk [tilespmem:v26+s12+$0x0], $0xffff;
	[tilespmem:s28+$0xFFFFFD50] =	vst v3  }
0x5c1: {  	[tilespmem:s28+$0xFFFFFF50] =	vst v10;
	v3 =	vld.idx.msk [tilespmem:v28+s12+$0x0], $0xffff  }
0x5c2: {  	v10 =	vld.idx.msk [tilespmem:v12+s12+$0x0], $0xffff;
	[tilespmem:s28+$0x260] =	vst v2  }
0x5c3: {  	[tilespmem:s26+$0x390] =	vst v5;
	v2 =	vld.idx.msk [tilespmem:v7+s12+$0x0], $0xffff  }
0x5c4: {  	[tilespmem:s26+$0xFFFFFF90] =	vst v6;
	v5 =	vld [tilespmem:s0+$0x420]  }
0x5c5: {  	v7 =	vadd.s32 $0xC, v4;
	v6 =	vld [tilespmem:s0+$0xFFFFFC20];
	[tilespmem:s26+$0x190] =	vst v8  }
0x5c6: {  	[tilespmem:s26+$0xFFFFFD90] =	vst v9;
	v8 =	vld [tilespmem:s0+$0x20]  }
0x5c7: {  	v9 =	vld [tilespmem:s0+$0xFFFFF820];
	[tilespmem:s28+$0x150] =	vst v3  }
0x5c8: {  	[tilespmem:s28+$0xFFFFFDD0] =	vst v10;
	v3 =	vld.idx.msk [tilespmem:v16+s12+$0x0], $0xffff  }
0x5c9: {  	v10 =	vld.idx.msk [tilespmem:v30+s12+$0x0], $0xffff;
	[tilespmem:s28+$0x2E0] =	vst v2  }
0x5ca: {  	v2 =	vadd.s32 $0x6, v6;
	v11 =	vadd.s32 $0xC, v6;
	v12 =	vadd.s32 $0x12, v6;
	v7 =	vld.idx.msk [tilespmem:v7+s12+$0x0], $0xffff  }
0x5cb: {  	v13 =	vadd.s32 $0x6, v8;
	v14 =	vadd.s32 $0xC, v8;
	v15 =	vadd.s32 $0x12, v8;
	v16 =	vld [tilespmem:s25+$0xFFFFF860]  }
0x5cc: {  	v4 =	vadd.s32 $0x12, v4;
	v17 =	vadd.s32 $0x6, v9;
	v18 =	vadd.s32 $0xC, v9;
	v19 =	vld.idx.msk [tilespmem:v5+s12+$0x0], $0xffff  }
0x5cd: {  	v20 =	vadd.s32 $0x12, v9;
	v6 =	vld.idx.msk [tilespmem:v6+s12+$0x0], $0xffff  }
0x5ce: {  	v21 =	vadd.s32 $0x6, v5;
	v8 =	vld.idx.msk [tilespmem:v8+s12+$0x0], $0xffff;
	[tilespmem:s28+$0xFFFFFFD0] =	vst v3  }
0x5cf: {  	v3 =	vld.idx.msk [tilespmem:v9+s12+$0x0], $0xffff;
	[tilespmem:s28+$0x1D0] =	vst v10  }
0x5d0: {  	v9 =	vadd.s32 $0x6, v16;
	v10 =	vadd.s32 $0xC, v16;
	v22 =	vadd.s32 $0x12, v16;
	v23 =	vld [tilespmem:s25+$0xFFFFFC60];
	[tilespmem:s28+$0x360] =	vst v7  }
0x5d1: {  	v4 =	vld.idx.msk [tilespmem:v4+s12+$0x0], $0xffff  }
0x5d2: {  	[tilespmem:s26+$0x220] =	vst v19;
	v7 =	vld [tilespmem:s25+$0x60]  }
0x5d3: {  	[tilespmem:s26+$0xFFFFFE20] =	vst v6;
	v6 =	vld.idx.msk [tilespmem:v21+s12+$0x0], $0xffff  }
0x5d4: {  	v2 =	vld.idx.msk [tilespmem:v2+s12+$0x0], $0xffff;
	[tilespmem:s26+$0x20] =	vst v8  }
0x5d5: {  	v8 =	vadd.s32 $0xC, v5;
	[tilespmem:s26+$0xFFFFFC20] =	vst v3;
	v3 =	vld.idx.msk [tilespmem:v13+s12+$0x0], $0xffff;
	v13 =	vadd.s32 $0x6, v23;
	v19 =	vadd.s32 $0xC, v23  }
0x5d6: {  	v21 =	vadd.s32 $0x12, v23;
	v17 =	vld.idx.msk [tilespmem:v17+s12+$0x0], $0xffff  }
0x5d7: {  	v16 =	vld.idx.msk [tilespmem:v16+s12+$0x0], $0xffff;
	v24 =	vadd.s32 $0x6, v7;
	v25 =	vadd.s32 $0xC, v7;
	v26 =	vadd.s32 $0x12, v7;
	[tilespmem:s28+$0x3E0] =	vst v4  }
0x5d8: {  	v4 =	vld [tilespmem:s25+$0x470]  }
0x5d9: {  	[tilespmem:s26+$0x2A0] =	vst v6;
	v6 =	vld.idx.msk [tilespmem:v23+s12+$0x0], $0xffff  }
0x5da: {  	[tilespmem:s26+$0xFFFFFEA0] =	vst v2;
	v2 =	vld.idx.msk [tilespmem:v8+s12+$0x0], $0xffff  }
0x5db: {  	v8 =	vld.idx.msk [tilespmem:v11+s12+$0x0], $0xffff;
	[tilespmem:s26+$0xA0] =	vst v3  }
0x5dc: {  	v5 =	vadd.s32 $0x12, v5;
	[tilespmem:s26+$0xFFFFFCA0] =	vst v17;
	v3 =	vld.idx.msk [tilespmem:v14+s12+$0x0], $0xffff  }
0x5dd: {  	v11 =	vld.idx.msk [tilespmem:v18+s12+$0x0], $0xffff;
	[tilespmem:s28+$0xFFFFFC60] =	vst v16  }
0x5de: {  	v7 =	vld.idx.msk [tilespmem:v7+s12+$0x0], $0xffff  }
0x5df: {  	v9 =	vld.idx.msk [tilespmem:v9+s12+$0x0], $0xffff;
	[tilespmem:s28+$0xFFFFFE60] =	vst v6  }
0x5e0: {  	[tilespmem:s26+$0x320] =	vst v2;
	v2 =	vld.idx.msk [tilespmem:v4+s12+$0x0], $0xffff  }
0x5e1: {  	[tilespmem:s26+$0xFFFFFF20] =	vst v8;
	v5 =	vld.idx.msk [tilespmem:v5+s12+$0x0], $0xffff  }
0x5e2: {  	v6 =	vld.idx.msk [tilespmem:v12+s12+$0x0], $0xffff;
	[tilespmem:s26+$0x120] =	vst v3;
	v3 =	vadd.s32 $0x6, v4  }
0x5e3: {  	[tilespmem:s26+$0xFFFFFD20] =	vst v11;
	v8 =	vld.idx.msk [tilespmem:v15+s12+$0x0], $0xffff  }
0x5e4: {  	v11 =	vld.idx.msk [tilespmem:v20+s12+$0x0], $0xffff;
	[tilespmem:s28+$0x60] =	vst v7  }
0x5e5: {  	[tilespmem:s28+$0xFFFFFCE0] =	vst v9;
	v7 =	vld.idx.msk [tilespmem:v13+s12+$0x0], $0xffff  }
0x5e6: {  	v9 =	vld.idx.msk [tilespmem:v24+s12+$0x0], $0xffff;
	[tilespmem:s28+$0x270] =	vst v2  }
0x5e7: {  	[tilespmem:s26+$0x3A0] =	vst v5;
	v2 =	vld.idx.msk [tilespmem:v3+s12+$0x0], $0xffff  }
0x5e8: {  	[tilespmem:s26+$0xFFFFFFA0] =	vst v6;
	v3 =	vld [tilespmem:s0+$0x430]  }
0x5e9: {  	v6 =	vadd.s32 $0xC, v4;
	v5 =	vld [tilespmem:s0+$0xFFFFFC30];
	[tilespmem:s26+$0x1A0] =	vst v8  }
0x5ea: {  	[tilespmem:s26+$0xFFFFFDA0] =	vst v11;
	v8 =	vld [tilespmem:s0+$0x30]  }
0x5eb: {  	v11 =	vld [tilespmem:s0+$0xFFFFF830];
	[tilespmem:s28+$0xFFFFFEE0] =	vst v7  }
0x5ec: {  	v7 =	vld.idx.msk [tilespmem:v10+s12+$0x0], $0xffff;
	[tilespmem:s28+$0xE0] =	vst v9  }
0x5ed: {  	v9 =	vld.idx.msk [tilespmem:v19+s12+$0x0], $0xffff;
	[tilespmem:s28+$0x2F0] =	vst v2  }
0x5ee: {  	v2 =	vadd.s32 $0x6, v5;
	v10 =	vadd.s32 $0xC, v5;
	v12 =	vadd.s32 $0x12, v5;
	v6 =	vld.idx.msk [tilespmem:v6+s12+$0x0], $0xffff  }
0x5ef: {  	v13 =	vadd.s32 $0x6, v8;
	v14 =	vadd.s32 $0xC, v8;
	v15 =	vadd.s32 $0x12, v8;
	v16 =	vld.idx.msk [tilespmem:v25+s12+$0x0], $0xffff  }
0x5f0: {  	v4 =	vadd.s32 $0x12, v4;
	v17 =	vadd.s32 $0x6, v11;
	v18 =	vadd.s32 $0xC, v11;
	v19 =	vld.idx.msk [tilespmem:v3+s12+$0x0], $0xffff  }
0x5f1: {  	v20 =	vadd.s32 $0x12, v11;
	v5 =	vld.idx.msk [tilespmem:v5+s12+$0x0], $0xffff  }
0x5f2: {  	v23 =	vadd.s32 $0x6, v3;
	v8 =	vld.idx.msk [tilespmem:v8+s12+$0x0], $0xffff;
	[tilespmem:s28+$0xFFFFFD60] =	vst v7  }
0x5f3: {  	v7 =	vld.idx.msk [tilespmem:v11+s12+$0x0], $0xffff;
	[tilespmem:s28+$0xFFFFFF60] =	vst v9  }
0x5f4: {  	v9 =	vld.idx.msk [tilespmem:v22+s12+$0x0], $0xffff;
	[tilespmem:s28+$0x370] =	vst v6  }
0x5f5: {  	[tilespmem:s28+$0x160] =	vst v16;
	v4 =	vld.idx.msk [tilespmem:v4+s12+$0x0], $0xffff  }
0x5f6: {  	[tilespmem:s26+$0x230] =	vst v19;
	v6 =	vld.idx.msk [tilespmem:v21+s12+$0x0], $0xffff  }
0x5f7: {  	[tilespmem:s26+$0xFFFFFE30] =	vst v5;
	v5 =	vld.idx.msk [tilespmem:v23+s12+$0x0], $0xffff  }
0x5f8: {  	v2 =	vld.idx.msk [tilespmem:v2+s12+$0x0], $0xffff;
	[tilespmem:s26+$0x30] =	vst v8  }
0x5f9: {  	v8 =	vadd.s32 $0xC, v3;
	[tilespmem:s26+$0xFFFFFC30] =	vst v7;
	v7 =	vld.idx.msk [tilespmem:v13+s12+$0x0], $0xffff  }
0x5fa: {  	v11 =	vld.idx.msk [tilespmem:v17+s12+$0x0], $0xffff;
	[tilespmem:s28+$0xFFFFFDE0] =	vst v9  }
0x5fb: {  	v9 =	vld.idx.msk [tilespmem:v26+s12+$0x0], $0xffff;
	[tilespmem:s28+$0x3F0] =	vst v4  }
0x5fc: {  	v4 =	vld [tilespmem:s25+$0xFFFFF870];
	[tilespmem:s28+$0xFFFFFFE0] =	vst v6  }
0x5fd: {  	[tilespmem:s26+$0x2B0] =	vst v5;
	v5 =	vld [tilespmem:s25+$0xFFFFFC70]  }
0x5fe: {  	[tilespmem:s26+$0xFFFFFEB0] =	vst v2;
	v2 =	vld.idx.msk [tilespmem:v8+s12+$0x0], $0xffff  }
0x5ff: {  	v6 =	vld.idx.msk [tilespmem:v10+s12+$0x0], $0xffff;
	[tilespmem:s26+$0xB0] =	vst v7  }
0x600: {  	v3 =	vadd.s32 $0x12, v3;
	[tilespmem:s26+$0xFFFFFCB0] =	vst v11;
	v7 =	vld.idx.msk [tilespmem:v14+s12+$0x0], $0xffff  }
0x601: {  	v8 =	vld.idx.msk [tilespmem:v18+s12+$0x0], $0xffff;
	v10 =	vadd.s32 $0x6, v4;
	v11 =	vadd.s32 $0xC, v4;
	v17 =	vadd.s32 $0x12, v4;
	[tilespmem:s28+$0x1E0] =	vst v9  }
0x602: {  	v9 =	vadd.s32 $0x6, v5;
	v18 =	vadd.s32 $0xC, v5;
	v13 =	vadd.s32 $0x12, v5;
	v14 =	vld [tilespmem:s25+$0x70];
	s25 =	smov.u32 s0  }
0x603: {  	v16 =	vld.idx.msk [tilespmem:v0+s12+$0x0], $0xffff;
	v0 =	vmov v13  }
0x604: {  	[tilespmem:s26+$0x330] =	vst v2;
	v2 =	vld.idx.msk [tilespmem:v4+s12+$0x0], $0xffff  }
0x605: {  	[tilespmem:s26+$0xFFFFFF30] =	vst v6;
	v3 =	vld.idx.msk [tilespmem:v3+s12+$0x0], $0xffff  }
0x606: {  	v4 =	vld.idx.msk [tilespmem:v12+s12+$0x0], $0xffff;
	[tilespmem:s26+$0x130] =	vst v7  }
0x607: {  	[tilespmem:s26+$0xFFFFFD30] =	vst v8;
	v6 =	vld.idx.msk [tilespmem:v15+s12+$0x0], $0xffff;
	v8 =	vadd.s32 $0x6, v14;
	v19 =	vadd.s32 $0xC, v14;
	v15 =	vadd.s32 $0x12, v14  }
0x608: {  	v12 =	vld.idx.msk [tilespmem:v20+s12+$0x0], $0xffff  }
0x609: {  	v5 =	vld.idx.msk [tilespmem:v5+s12+$0x0], $0xffff;
	[tilespmem:s24+$0xFFFFFFF0] =	vst v16  }
0x60a: {  	[tilespmem:s28+$0xFFFFFC70] =	vst v2;
	v2 =	vld.idx.msk [tilespmem:v14+s12+$0x0], $0xffff  }
0x60b: {  	[tilespmem:s26+$0x3B0] =	vst v3;
	v3 =	vld.idx.msk [tilespmem:v10+s12+$0x0], $0xffff  }
0x60c: {  	[tilespmem:s26+$0xFFFFFFB0] =	vst v4;
	v7 =	vld [tilespmem:s0+$0x440]  }
0x60d: {  	v4 =	vld [tilespmem:s0+$0xFFFFFC40];
	[tilespmem:s26+$0x1B0] =	vst v6  }
0x60e: {  	[tilespmem:s26+$0xFFFFFDB0] =	vst v12;
	v14 =	vld [tilespmem:s0+$0x40]  }
0x60f: {  	v16 =	vld [tilespmem:s0+$0xFFFFF840];
	[tilespmem:s28+$0xFFFFFE70] =	vst v5  }
0x610: {  	v20 =	vld.idx.msk [tilespmem:v9+s12+$0x0], $0xffff;
	[tilespmem:s28+$0x70] =	vst v2  }
0x611: {  	[tilespmem:s28+$0xFFFFFCF0] =	vst v3;
	v2 =	vld.idx.msk [tilespmem:v8+s12+$0x0], $0xffff  }
0x612: {  	v13 =	vadd.s32 $0x6, v4;
	v10 =	vadd.s32 $0xC, v4;
	v5 =	vadd.s32 $0x12, v4;
	v3 =	vld.idx.msk [tilespmem:v11+s12+$0x0], $0xffff  }
0x613: {  	v12 =	vadd.s32 $0x6, v14;
	v8 =	vadd.s32 $0xC, v14;
	v6 =	vadd.s32 $0x12, v14;
	v21 =	vld.idx.msk [tilespmem:v1+s12+$0x0], $0xffff;
	v1 =	vmovc v15  }
0x614: {  	v15 =	vadd.s32 $0x6, v16;
	v11 =	vadd.s32 $0xC, v16;
	v9 =	vadd.s32 $0x12, v16;
	v22 =	vld.idx.msk [tilespmem:v7+s12+$0x0], $0xffff  }
0x615: {  	v23 =	vld.idx.msk [tilespmem:v4+s12+$0x0], $0xffff  }
0x616: {  	v24 =	vadd.s32 $0x6, v7;
	v14 =	vld.idx.msk [tilespmem:v14+s12+$0x0], $0xffff;
	[tilespmem:s28+$0xFFFFFEF0] =	vst v20  }
.Ltmp3:
0x617: {  	v16 =	vld.idx.msk [tilespmem:v16+s12+$0x0], $0xffff;
	[tilespmem:s28+$0xF0] =	vst v2;
	(pc) =	sbr.rel @p0 .LBB2_8-.Ltmp3, $4  }
0x618: {  	[tilespmem:s28+$0xFFFFFD70] =	vst v3;
	v4 =	vld.idx.msk [tilespmem:v18+s12+$0x0], $0xffff  }
0x619: {  	v2 =	vld.idx.msk [tilespmem:v19+s12+$0x0], $0xffff;
	[tilespmem:s24+$0x1F0] =	vst v21;
	s24 =	smov.u32 s28;
	s28 =	smov.u32 s26  }
0x61a: {  	[tilespmem:s26+$0x240] =	vst v22;
	v3 =	vld.idx.msk [tilespmem:v17+s12+$0x0], $0xffff  }
0x61b: {  	s0 =	sadd.s32 $0x80, s0;
	[tilespmem:s26+$0xFFFFFE40] =	vst v23;
	v17 =	vld.idx.msk [tilespmem:v24+s12+$0x0], $0xffff  }
0x61c: {  	_ =	sdelay $0x3  }
0x61d: {  	v18 =	vadd.s32 $0xC, v7;
	[tilespmem:s26+$0xFFFFFC40] =	vst v16;
	v13 =	vld.idx.msk [tilespmem:v13+s12+$0x0], $0xffff  }
0x61e: {  	[tilespmem:s26+$0x40] =	vst v14;
	v15 =	vld.idx.msk [tilespmem:v15+s12+$0x0], $0xffff  }
0x61f: {  	v12 =	vld.idx.msk [tilespmem:v12+s12+$0x0], $0xffff;
	_ =	sdelay $0x1  }
0x620: {  	[tilespmem:s26+$0x2C0] =	vst v17  }
0x621: {  	v52 =	vld.idx.msk [tilespmem:v18+s12+$0x0], $0xffff;
	[tilespmem:s26+$0xFFFFFEC0] =	vst v13  }
0x622: {  	v53 =	vadd.s32 $0x12, v7;
	[tilespmem:s26+$0xFFFFFCC0] =	vst v15;
	v10 =	vld.idx.msk [tilespmem:v10+s12+$0x0], $0xffff  }
0x623: {  	[tilespmem:s28+$0xC0] =	vst v12;
	v11 =	vld.idx.msk [tilespmem:v11+s12+$0x0], $0xffff  }
0x624: {  	v8 =	vld.idx.msk [tilespmem:v8+s12+$0x0], $0xffff;
	_ =	sdelay $0x1  }
0x625: {  	[tilespmem:s26+$0x340] =	vst v52  }
0x626: {  	v7 =	vld.idx.msk [tilespmem:v53+s12+$0x0], $0xffff;
	[tilespmem:s28+$0xFFFFFF40] =	vst v10  }
0x627: {  	[tilespmem:s28+$0xFFFFFD40] =	vst v11;
	v5 =	vld.idx.msk [tilespmem:v5+s12+$0x0], $0xffff  }
0x628: {  	[tilespmem:s28+$0x140] =	vst v8;
	v9 =	vld.idx.msk [tilespmem:v9+s12+$0x0], $0xffff  }
0x629: {  	v6 =	vld.idx.msk [tilespmem:v6+s12+$0x0], $0xffff;
	_ =	sdelay $0x1  }
0x62a: {  	[tilespmem:s28+$0x3C0] =	vst v7  }
0x62b: {  	v7 =	vld [tilespmem:s25+$0x450];
	[tilespmem:s28+$0xFFFFFFC0] =	vst v5  }
0x62c: {  	[tilespmem:s28+$0xFFFFFDC0] =	vst v9;
	v55 =	vld [tilespmem:s25+$0xFFFFFC50]  }
0x62d: {  	[tilespmem:s28+$0x1C0] =	vst v6;
	v54 =	vld [tilespmem:s25+$0xFFFFF850]  }
0x62e: {  	v8 =	vld [tilespmem:s25+$0x50];
	_ =	sdelay $0x4  }
0x62f: {  	v56 =	vld.idx.msk [tilespmem:v7+s12+$0x0], $0xffff  }
0x630: {  	v57 =	vadd.s32 $0x6, v7;
	v13 =	vld.idx.msk [tilespmem:v55+s12+$0x0], $0xffff  }
0x631: {  	v59 =	vadd.s32 $0x6, v55;
	v11 =	vld.idx.msk [tilespmem:v54+s12+$0x0], $0xffff  }
0x632: {  	v58 =	vadd.s32 $0x6, v54;
	v60 =	vld.idx.msk [tilespmem:v8+s12+$0x0], $0xffff  }
0x633: {  	v61 =	vadd.s32 $0x6, v8  }
0x634: {  	[tilespmem:s28+$0x250] =	vst v56  }
0x635: {  	v10 =	vld.idx.msk [tilespmem:v57+s12+$0x0], $0xffff;
	[tilespmem:s28+$0xFFFFFE50] =	vst v13  }
0x636: {  	v62 =	vadd.s32 $0xC, v7;
	[tilespmem:s28+$0xFFFFFC50] =	vst v11;
	v9 =	vld.idx.msk [tilespmem:v59+s12+$0x0], $0xffff  }
0x637: {  	v18 =	vadd.s32 $0xC, v55;
	[tilespmem:s28+$0x50] =	vst v60;
	v11 =	vld.idx.msk [tilespmem:v58+s12+$0x0], $0xffff  }
0x638: {  	v63 =	vadd.s32 $0xC, v54;
	v19 =	vld.idx.msk [tilespmem:v61+s12+$0x0], $0xffff  }
0x639: {  	v21 =	vadd.s32 $0xC, v8  }
0x63a: {  	[tilespmem:s28+$0x2D0] =	vst v10  }
0x63b: {  	v20 =	vld.idx.msk [tilespmem:v62+s12+$0x0], $0xffff;
	[tilespmem:s28+$0xFFFFFED0] =	vst v9  }
0x63c: {  	v7 =	vadd.s32 $0x12, v7;
	[tilespmem:s28+$0xFFFFFCD0] =	vst v11;
	v23 =	vld.idx.msk [tilespmem:v18+s12+$0x0], $0xffff  }
0x63d: {  	v6 =	vadd.s32 $0x12, v55;
	[tilespmem:s28+$0xD0] =	vst v19;
	v22 =	vld.idx.msk [tilespmem:v63+s12+$0x0], $0xffff  }
0x63e: {  	v5 =	vadd.s32 $0x12, v54;
	v10 =	vld.idx.msk [tilespmem:v21+s12+$0x0], $0xffff  }
0x63f: {  	v8 =	vadd.s32 $0x12, v8  }
0x640: {  	[tilespmem:s28+$0x350] =	vst v20  }
0x641: {  	v7 =	vld.idx.msk [tilespmem:v7+s12+$0x0], $0xffff;
	[tilespmem:s28+$0xFFFFFF50] =	vst v23  }
0x642: {  	[tilespmem:s28+$0xFFFFFD50] =	vst v22;
	v6 =	vld.idx.msk [tilespmem:v6+s12+$0x0], $0xffff  }
0x643: {  	[tilespmem:s28+$0x150] =	vst v10;
	v5 =	vld.idx.msk [tilespmem:v5+s12+$0x0], $0xffff  }
0x644: {  	v24 =	vld.idx.msk [tilespmem:v8+s12+$0x0], $0xffff;
	_ =	sdelay $0x1  }
0x645: {  	[tilespmem:s28+$0x3D0] =	vst v7  }
0x646: {  	v25 =	vld [tilespmem:s25+$0x460];
	[tilespmem:s28+$0xFFFFFFD0] =	vst v6  }
0x647: {  	[tilespmem:s28+$0xFFFFFDD0] =	vst v5;
	v6 =	vld [tilespmem:s25+$0xFFFFFC60]  }
0x648: {  	[tilespmem:s28+$0x1D0] =	vst v24;
	v5 =	vld [tilespmem:s25+$0xFFFFF860]  }
0x649: {  	v7 =	vld [tilespmem:s25+$0x60];
	_ =	sdelay $0x4  }
0x64a: {  	v26 =	vld.idx.msk [tilespmem:v25+s12+$0x0], $0xffff  }
0x64b: {  	v27 =	vadd.s32 $0x6, v25;
	v30 =	vld.idx.msk [tilespmem:v6+s12+$0x0], $0xffff  }
0x64c: {  	v31 =	vadd.s32 $0x6, v6;
	v28 =	vld.idx.msk [tilespmem:v5+s12+$0x0], $0xffff  }
0x64d: {  	v29 =	vadd.s32 $0x6, v5;
	v32 =	vld.idx.msk [tilespmem:v7+s12+$0x0], $0xffff  }
0x64e: {  	v33 =	vadd.s32 $0x6, v7  }
0x64f: {  	[tilespmem:s28+$0x260] =	vst v26  }
0x650: {  	v10 =	vld.idx.msk [tilespmem:v27+s12+$0x0], $0xffff;
	[tilespmem:s28+$0xFFFFFE60] =	vst v30  }
0x651: {  	v34 =	vadd.s32 $0xC, v25;
	[tilespmem:s28+$0xFFFFFC60] =	vst v28;
	v9 =	vld.idx.msk [tilespmem:v31+s12+$0x0], $0xffff  }
0x652: {  	v36 =	vadd.s32 $0xC, v6;
	[tilespmem:s28+$0x60] =	vst v32;
	v11 =	vld.idx.msk [tilespmem:v29+s12+$0x0], $0xffff  }
0x653: {  	v35 =	vadd.s32 $0xC, v5;
	v37 =	vld.idx.msk [tilespmem:v33+s12+$0x0], $0xffff  }
0x654: {  	v39 =	vadd.s32 $0xC, v7  }
0x655: {  	[tilespmem:s28+$0x2E0] =	vst v10  }
0x656: {  	v38 =	vld.idx.msk [tilespmem:v34+s12+$0x0], $0xffff;
	[tilespmem:s28+$0xFFFFFEE0] =	vst v9  }
0x657: {  	v8 =	vadd.s32 $0x12, v25;
	[tilespmem:s28+$0xFFFFFCE0] =	vst v11;
	v10 =	vld.idx.msk [tilespmem:v36+s12+$0x0], $0xffff  }
0x658: {  	v6 =	vadd.s32 $0x12, v6;
	[tilespmem:s28+$0xE0] =	vst v37;
	v40 =	vld.idx.msk [tilespmem:v35+s12+$0x0], $0xffff  }
0x659: {  	v5 =	vadd.s32 $0x12, v5;
	v41 =	vld.idx.msk [tilespmem:v39+s12+$0x0], $0xffff  }
0x65a: {  	v7 =	vadd.s32 $0x12, v7  }
0x65b: {  	[tilespmem:s28+$0x360] =	vst v38  }
0x65c: {  	v8 =	vld.idx.msk [tilespmem:v8+s12+$0x0], $0xffff;
	[tilespmem:s28+$0xFFFFFF60] =	vst v10  }
0x65d: {  	[tilespmem:s28+$0xFFFFFD60] =	vst v40;
	v6 =	vld.idx.msk [tilespmem:v6+s12+$0x0], $0xffff  }
0x65e: {  	[tilespmem:s28+$0x160] =	vst v41;
	v5 =	vld.idx.msk [tilespmem:v5+s12+$0x0], $0xffff  }
0x65f: {  	v7 =	vld.idx.msk [tilespmem:v7+s12+$0x0], $0xffff;
	_ =	sdelay $0x1  }
0x660: {  	[tilespmem:s28+$0x3E0] =	vst v8  }
0x661: {  	v8 =	vld [tilespmem:s25+$0x470];
	[tilespmem:s28+$0xFFFFFFE0] =	vst v6  }
0x662: {  	[tilespmem:s28+$0xFFFFFDE0] =	vst v5;
	v6 =	vld [tilespmem:s25+$0xFFFFFC70]  }
0x663: {  	[tilespmem:s28+$0x1E0] =	vst v7;
	v5 =	vld [tilespmem:s25+$0xFFFFF870]  }
0x664: {  	v7 =	vld [tilespmem:s25+$0x70];
	_ =	sdelay $0x4  }
0x665: {  	v42 =	vld.idx.msk [tilespmem:v8+s12+$0x0], $0xffff  }
0x666: {  	v43 =	vadd.s32 $0x6, v8;
	v46 =	vld.idx.msk [tilespmem:v6+s12+$0x0], $0xffff  }
0x667: {  	v47 =	vadd.s32 $0x6, v6;
	v44 =	vld.idx.msk [tilespmem:v5+s12+$0x0], $0xffff  }
0x668: {  	v45 =	vadd.s32 $0x6, v5;
	v48 =	vld.idx.msk [tilespmem:v7+s12+$0x0], $0xffff  }
0x669: {  	v49 =	vadd.s32 $0x6, v7  }
0x66a: {  	[tilespmem:s28+$0x270] =	vst v42  }
0x66b: {  	v10 =	vld.idx.msk [tilespmem:v43+s12+$0x0], $0xffff;
	[tilespmem:s28+$0xFFFFFE70] =	vst v46  }
0x66c: {  	v50 =	vadd.s32 $0xC, v8;
	[tilespmem:s28+$0xFFFFFC70] =	vst v44;
	v9 =	vld.idx.msk [tilespmem:v47+s12+$0x0], $0xffff  }
0x66d: {  	v52 =	vadd.s32 $0xC, v6;
	[tilespmem:s28+$0x70] =	vst v48;
	v11 =	vld.idx.msk [tilespmem:v45+s12+$0x0], $0xffff  }
0x66e: {  	v51 =	vadd.s32 $0xC, v5;
	v53 =	vld.idx.msk [tilespmem:v49+s12+$0x0], $0xffff  }
0x66f: {  	[tilespmem:s24+$0xFFFFFF70] =	vst v4;
	v55 =	vadd.s32 $0xC, v7  }
0x670: {  	[tilespmem:s28+$0x2F0] =	vst v10  }
0x671: {  	v54 =	vld.idx.msk [tilespmem:v50+s12+$0x0], $0xffff;
	[tilespmem:s28+$0xFFFFFEF0] =	vst v9  }
0x672: {  	v56 =	vadd.s32 $0x12, v8;
	[tilespmem:s28+$0xFFFFFCF0] =	vst v11;
	v9 =	vld.idx.msk [tilespmem:v52+s12+$0x0], $0xffff  }
0x673: {  	v6 =	vadd.s32 $0x12, v6;
	[tilespmem:s28+$0xF0] =	vst v53;
	v57 =	vld.idx.msk [tilespmem:v51+s12+$0x0], $0xffff  }
0x674: {  	[tilespmem:s24+$0x170] =	vst v2;
	v5 =	vadd.s32 $0x12, v5;
	v58 =	vld.idx.msk [tilespmem:v55+s12+$0x0], $0xffff  }
0x675: {  	v0 =	vld.idx.msk [tilespmem:v0+s12+$0x0], $0xffff;
	[tilespmem:s24+$0xFFFFFDF0] =	vst v3;
	v60 =	vadd.s32 $0x12, v7  }
0x676: {  	v1 =	vld.idx.msk [tilespmem:v1+s12+$0x0], $0xffff;
	[tilespmem:s28+$0x370] =	vst v54  }
0x677: {  	v59 =	vld.idx.msk [tilespmem:v56+s12+$0x0], $0xffff;
	[tilespmem:s28+$0xFFFFFF70] =	vst v9  }
0x678: {  	[tilespmem:s28+$0xFFFFFD70] =	vst v57;
	v62 =	vld.idx.msk [tilespmem:v6+s12+$0x0], $0xffff  }
0x679: {  	[tilespmem:s28+$0x170] =	vst v58;
	v61 =	vld.idx.msk [tilespmem:v5+s12+$0x0], $0xffff  }
0x67a: {  	[tilespmem:s24+$0xFFFFFFF0] =	vst v0;
	v63 =	vld.idx.msk [tilespmem:v60+s12+$0x0], $0xffff  }
0x67b: {  	[tilespmem:s24+$0x1F0] =	vst v1  }
0x67c: {  	[tilespmem:s28+$0x3F0] =	vst v59  }
0x67d: {  	[tilespmem:s28+$0xFFFFFFF0] =	vst v62  }
0x67e: {  	[tilespmem:s28+$0xFFFFFDF0] =	vst v61  }
0x67f: {  	s23 =	sadd.s32 $0x1, s23;
	[tilespmem:s28+$0x1F0] =	vst v63  }
0x680: {  	[hbm4b:s10+s16] =	stream.strided.scatter [tilespmem:s18], [sflag:$0x3], $0x4000, s17, s16, $0x38;
	[tilespmem:$0xA080] =	vst v63  }
0x681: {  	p0 =	sne.s32 s23, s11;
	_ =	swait.ge [sflag:s21], $0x4000  }
.Ltmp4:
0x682: {  	[sflag:s21] =	ssyncset.done $0x0;
	(pc) =	sbr.rel @p0 .LBB2_1-.Ltmp4, $4  }
0x683: {  	[sflag:s21] =	ssyncadd.s32 $0xFFFFC000  }
0x684: {  	_ =	swait.ge [sflag:s22], $0x4000  }
0x685: {  	[sflag:s22] =	ssyncset.done $0x0  }
0x686: {  	[sflag:s22] =	ssyncadd.s32 $0xFFFFC000  }
0x687: {  	_ =	sfence.sel $0x180000  }
0x688: {  	[bflag:$0x0] =	sbarrier.arrive $0xFFFF  }
0x689: {  	_ =	strace $0x90000047  }
0x68a: {  	[bflag:$0x2] =	sbarrier.arrive $0xFFFF  }
0x68b: {  	p0 =	sne.s32 s3, $0x0;
	s0 =	rddreg [dreg:$0x3]  }
0x68c: {  	s0 =	sadd.s32 @!p0 $0x100000, s0  }
0x68d: {  	[sflag:s0] =	ssyncadd.tile.s32 @!p0 $0x1;
	_ =	shalt  }
.Lfunc_end2:
_tile_overlayer_lowered:
.L_overlay_start_2:
0x68e: {  	(tag) =	ssettag $0x2  }
0x68f: {  	s0 =	rddreg [dreg:$0x0];
	s2 =	stileid.u32  }
0x690: {  	s1 =	rddreg [dreg:$0x1];
	p0 =	sne.s32 s2, $0x0  }
0x691: {  	s3 =	rddreg [dreg:$0x2];
	[bflag:$0x3] =	sbarrier.arrive $0xFFFF;
	s2 =	simm.s32 @!p0 $0x1C05  }
0x692: {  	[timem:s3], [sflag:s2] =	dma.local @!p0 [hbm:s0], s1  }
0x693: {  	s0 =	simm.s32 @!p0 $0x5  }
0x694: {  	_ =	swait.ge @!p0 [sflag:s0], s1  }
0x695: {  	s1 =	ssub.s32 @!p0 $0x0, s1;
	[sflag:s0] =	ssyncset.done @!p0 $0x0  }
0x696: {  	[sflag:s0] =	ssyncadd.s32 @!p0 s1  }
0x697: {  	[bflag:$0x3] =	sbarrier.arrive $0xFFFF  }
0x698: {  	_ =	shalt  }

</sc_bundles>
